<compile_context>
chip_gen: v7x
topology: tpu7x:2x2x1
jax: 0.10.2.dev20260603
libtpu: 0.0.44.dev20260713+nightly
codegen_flags: <defaults>
</compile_context>

<pallas_src>
import jax
import jax.numpy as jnp
from jax import lax
from jax.experimental import pallas as pl
from jax.experimental.pallas import tpu as pltpu
from jax.experimental.pallas import tpu_sc as plsc

f32 = jnp.float32
i32 = jnp.int32

D = 128
N_IND_P = 10240
N_ATT_P = 1024
EC = 64
FAM_CH = 320
ATT_CH = 12


def _sc_agg_body(table, fsrc, fdst, osrc, odst, rsrc, rdst, zrows, ones8,
                 out_fam, out_occ, out_res,
                 acc_fam, acc_occ, acc_res,
                 isrc_g, idst_g, icur_s, icur_d, vbuf, ones_v, sem):
    c = lax.axis_index("c")
    s = lax.axis_index("s")

    pltpu.sync_copy(zrows, acc_fam.at[pl.ds(s * 640, 640)])
    pltpu.sync_copy(zrows.at[pl.ds(0, 64)], acc_occ.at[pl.ds(s * 64, 64)])
    pltpu.sync_copy(zrows.at[pl.ds(0, 64)], acc_res.at[pl.ds(s * 64, 64)])
    pltpu.sync_copy(ones8, ones_v)
    plsc.subcore_barrier()

    def run_edges(src_hbm, dst_hbm, acc, nchunk, gsz):
        def outer(g, carry):
            pltpu.sync_copy(src_hbm.at[s, pl.ds(g * gsz, gsz)],
                            isrc_g.at[pl.ds(0, gsz)])
            pltpu.sync_copy(dst_hbm.at[s, pl.ds(g * gsz, gsz)],
                            idst_g.at[pl.ds(0, gsz)])

            def inner(jj, carry2):
                for l in range(EC // 16):
                    icur_s[pl.ds(l * 16, 16)] = isrc_g[jj, pl.ds(l * 16, 16)]
                    icur_d[pl.ds(l * 16, 16)] = idst_g[jj, pl.ds(l * 16, 16)]

                @pl.when(c == 0)
                def _():
                    pltpu.async_copy(table.at[icur_s], vbuf, sem).wait()
                    pltpu.sync_copy(vbuf, acc.at[icur_d], add=True)

                @pl.when(c == 1)
                def _():
                    pltpu.sync_copy(ones_v, acc.at[icur_d], add=True)

                return carry2

            lax.fori_loop(0, gsz, inner, 0)
            return carry

        lax.fori_loop(0, nchunk // gsz, outer, 0)

    run_edges(fsrc, fdst, acc_fam, FAM_CH, 4)
    run_edges(osrc, odst, acc_occ, ATT_CH, 4)
    run_edges(rsrc, rdst, acc_res, ATT_CH, 4)
    plsc.subcore_barrier()

    pltpu.sync_copy(acc_fam.at[pl.ds(s * 640, 640)],
                    out_fam.at[c, pl.ds(s * 640, 640)])
    pltpu.sync_copy(acc_occ.at[pl.ds(s * 64, 64)],
                    out_occ.at[c, pl.ds(s * 64, 64)])
    pltpu.sync_copy(acc_res.at[pl.ds(s * 64, 64)],
                    out_res.at[c, pl.ds(s * 64, 64)])


_sc_agg = pl.kernel(
    _sc_agg_body,
    out_type=(
        jax.ShapeDtypeStruct((2, N_IND_P, D), f32),
        jax.ShapeDtypeStruct((2, N_ATT_P, D), f32),
        jax.ShapeDtypeStruct((2, N_ATT_P, D), f32),
    ),
    mesh=plsc.VectorSubcoreMesh(core_axis_name="c", subcore_axis_name="s",
                                num_cores=2, num_subcores=16),
    scratch_types=[
        pltpu.VMEM_SHARED((N_IND_P, D), f32),
        pltpu.VMEM_SHARED((N_ATT_P, D), f32),
        pltpu.VMEM_SHARED((N_ATT_P, D), f32),
        pltpu.VMEM((4, EC), i32),
        pltpu.VMEM((4, EC), i32),
        pltpu.VMEM((EC,), i32),
        pltpu.VMEM((EC,), i32),
        pltpu.VMEM((EC, D), f32),
        pltpu.VMEM((EC, D), f32),
        pltpu.SemaphoreType.DMA,
    ],
)


def _mean(ref):
    return ref[0] * (1.0 / jnp.maximum(ref[1][:, 0:1], 1.0))


def _dot(a, b):
    return jax.lax.dot(a, b, preferred_element_type=f32)


def _tc1_body(fam, occ, res, xi, xo, xr,
              Wlm, blm, Wrm, Wlo, blo, Wro, Wlr, blr, Wrr,
              ind1_o, occ1_o, res1_o):
    ind1_o[...] = jnp.maximum(
        _dot(_mean(fam), Wlm[...]) + blm[...][None, :]
        + _dot(xi[...], Wrm[...]), 0.0)
    occ1_o[...] = jnp.maximum(
        _dot(_mean(occ), Wlo[...]) + blo[...][None, :]
        + _dot(xo[...], Wro[...]), 0.0)
    res1_o[...] = jnp.maximum(
        _dot(_mean(res), Wlr[...]) + blr[...][None, :]
        + _dot(xr[...], Wrr[...]), 0.0)


def _tc2_body(fam, occ, res, ind1, occ1, res1,
              Wli, bli, Wri, Wlo, blo, Wro, Wlr, blr, Wrr,
              Po, Pr, Wa, ba, pop2d, ea0, ea1,
              ind2_o, occ2_o, res2_o):
    ind2_o[...] = (_dot(_mean(fam), Wli[...]) + bli[...][None, :]
                   + _dot(ind1[...], Wri[...]))
    occ2 = (_dot(_mean(occ), Wlo[...]) + blo[...][None, :]
            + _dot(occ1[...], Wro[...]))
    res2 = (_dot(_mean(res), Wlr[...]) + blr[...][None, :]
            + _dot(res1[...], Wrr[...]))

    pop = pop2d[...]
    aid = lax.broadcasted_iota(i32, (N_ATT_P, 128), 0)
    eio = lax.broadcasted_iota(i32, (N_ATT_P, 128), 1)
    lp = jnp.full((N_ATT_P, 128), -1, i32)
    for k in range(32):
        lp = jnp.maximum(lp, jnp.where(pop[k:k + 1, :] == aid,
                                       eio + k * 128, -1))
    lastpos = jnp.max(lp, axis=1, keepdims=True)
    present = lastpos >= 0

    e0 = jnp.zeros((N_ATT_P, D), f32)
    e1 = jnp.zeros((N_ATT_P, D), f32)
    for k in range(32):
        oh = ((eio + k * 128) == lastpos).astype(f32)
        e0 = e0 + _dot(oh, ea0[pl.ds(k * 128, 128)])
        e1 = e1 + _dot(oh, ea1[pl.ds(k * 128, 128)])

    W1 = Wa[pl.ds(0, 128)]
    W2 = Wa[pl.ds(128, 128)]
    occ_new = (_dot(occ2, _dot(Po[...], W1)) + _dot(e0, _dot(Po[...], W2))
               + ba[...][None, :])
    res_new = (_dot(res2, _dot(Pr[...], W1)) + _dot(e1, _dot(Pr[...], W2))
               + ba[...][None, :])
    occ2_o[...] = jnp.where(present, occ_new, occ2)
    res2_o[...] = jnp.where(present, res_new, res2)


def _prep_edges(src, dst, nchunk, dummy):
    tot = 16 * nchunk * EC
    e = src.shape[0]
    src_p = jnp.concatenate([src.astype(i32), jnp.zeros((tot - e,), i32)])
    dst_p = jnp.concatenate([dst.astype(i32), jnp.full((tot - e,), dummy, i32)])
    return src_p.reshape(16, nchunk, EC), dst_p.reshape(16, nchunk, EC)


def _run_round(table, fs, fd, osrc, odst, rsrc, rdst, zrows, ones8):
    return _sc_agg(table, fs, fd, osrc, odst, rsrc, rdst, zrows, ones8)


def kernel(x_individuals, x_occupation, x_residence, edge_index_family,
           edge_index_occupation, edge_index_residence, population,
           edge_attributes, Wl_dir_occ, bl_dir_occ, Wr_dir_occ, Wl_dir_res,
           bl_dir_res, Wr_dir_res, Wl_msg, bl_msg, Wr_msg, Wl_inv_occ,
           bl_inv_occ, Wr_inv_occ, Wl_inv_res, bl_inv_res, Wr_inv_res,
           Wl_inv_ind, bl_inv_ind, Wr_inv_ind, P_occ, P_res, W_aggr, b_aggr):
    n_ind = x_individuals.shape[0]
    n_att = x_occupation.shape[0]

    xi = jnp.pad(x_individuals, ((0, N_IND_P - n_ind), (0, 0)))
    xo = jnp.pad(x_occupation, ((0, N_ATT_P - n_att), (0, 0)))
    xr = jnp.pad(x_residence, ((0, N_ATT_P - n_att), (0, 0)))
    fs1, fd1 = _prep_edges(edge_index_family[1], edge_index_family[0],
                           FAM_CH, n_ind)
    fs2, fd2 = _prep_edges(edge_index_family[0], edge_index_family[1],
                           FAM_CH, n_ind)
    osrc, odst = _prep_edges(edge_index_occupation[0],
                             edge_index_occupation[1], ATT_CH, n_att)
    rsrc, rdst = _prep_edges(edge_index_residence[0],
                             edge_index_residence[1], ATT_CH, n_att)
    zrows = jnp.zeros((640, D), f32)
    ones8 = jnp.ones((EC, D), f32)
    pop2d = population.astype(i32).reshape(32, 128)
    ea0 = edge_attributes[:, 0, :]
    ea1 = edge_attributes[:, 1, :]

    fam, occ, res = _run_round(
        xi, fs1, fd1, osrc, odst, rsrc, rdst, zrows, ones8)
    ind1, occ1, res1 = pl.pallas_call(
        _tc1_body,
        out_shape=(jax.ShapeDtypeStruct((N_IND_P, D), f32),
                   jax.ShapeDtypeStruct((N_ATT_P, D), f32),
                   jax.ShapeDtypeStruct((N_ATT_P, D), f32)),
    )(fam, occ, res, xi, xo, xr,
      Wl_msg, bl_msg, Wr_msg, Wl_dir_occ, bl_dir_occ, Wr_dir_occ,
      Wl_dir_res, bl_dir_res, Wr_dir_res)

    fam2, occ2s, res2s = _run_round(
        ind1, fs2, fd2, osrc, odst, rsrc, rdst, zrows, ones8)
    ind2, occ2, res2 = pl.pallas_call(
        _tc2_body,
        out_shape=(jax.ShapeDtypeStruct((N_IND_P, D), f32),
                   jax.ShapeDtypeStruct((N_ATT_P, D), f32),
                   jax.ShapeDtypeStruct((N_ATT_P, D), f32)),
    )(fam2, occ2s, res2s, ind1, occ1, res1,
      Wl_inv_ind, bl_inv_ind, Wr_inv_ind, Wl_inv_occ, bl_inv_occ, Wr_inv_occ,
      Wl_inv_res, bl_inv_res, Wr_inv_res,
      P_occ, P_res, W_aggr, b_aggr, pop2d, ea0, ea1)

    return (ind2[:n_ind], occ2[:n_att], res2[:n_att])

# --- scband reference (transcript-rebuilt; emitter-appended) ---
"""Pipeline reference for scband-family-attribute-gnn-43284680409243 (READ-ONLY COPY).

The authoritative reference and input builder live on the scoring server;
editing this copy changes nothing except your own understanding.
"""

import jax, jax.numpy as jnp
import numpy as np

D = 128
N_IND = 10000
N_ATT = 1000
E_FAM = 320000
E_ATT = 10000
B = 4096

def _mean_agg(msgs, idx, n):
    sums = jnp.zeros((n, msgs.shape[1]), msgs.dtype).at[idx].add(msgs)
    cnt = jnp.zeros((n,), msgs.dtype).at[idx].add(1.0)
    return sums / jnp.clip(cnt, 1.0)[:, None]

def _sage(x_src, x_dst, ei, Wl, bl, Wr, flow):
    if flow == 's2t':
        mean = _mean_agg(x_src[ei[0]], ei[1], x_dst.shape[0])
        x_i = x_dst
    else:
        mean = _mean_agg(x_dst[ei[1]], ei[0], x_src.shape[0])
        x_i = x_src
    return mean @ Wl + bl + x_i @ Wr

def setup_inputs(seed: int = 0):
    key = jax.random.key(seed)
    ks = [jax.random.fold_in(key, i) for i in range(40)]
    w = lambda k, s: jax.random.normal(k, s, jnp.float32) * 0.05
    inp = {}
    inp['x_individuals'] = jax.random.normal(ks[0], (N_IND, D), jnp.float32)
    inp['x_occupation'] = jax.random.normal(ks[1], (N_ATT, D), jnp.float32)
    inp['x_residence'] = jax.random.normal(ks[2], (N_ATT, D), jnp.float32)
    inp['edge_index_family'] = jax.random.randint(ks[3], (2, E_FAM), 0, N_IND)
    inp['edge_index_occupation'] = jax.random.randint(ks[4], (2, E_ATT), 0, N_ATT)
    inp['edge_index_residence'] = jax.random.randint(ks[5], (2, E_ATT), 0, N_ATT)
    inp['population'] = jax.random.randint(ks[6], (B,), 0, N_ATT)
    inp['edge_attributes'] = jax.random.normal(ks[7], (B, 2, D), jnp.float32)
    names = ['dir_occ', 'dir_res', 'msg', 'inv_occ', 'inv_res', 'inv_ind']
    for i, nm in enumerate(names):
        inp['Wl_' + nm] = w(ks[8 + 3 * i], (D, D))
        inp['bl_' + nm] = jnp.zeros((D,), jnp.float32)
        inp['Wr_' + nm] = w(ks[9 + 3 * i], (D, D))
    inp['P_occ'] = w(ks[30], (D, D))
    inp['P_res'] = w(ks[31], (D, D))
    inp['W_aggr'] = w(ks[32], (2 * D, D))
    inp['b_aggr'] = jnp.zeros((D,), jnp.float32)
    return inp

def reference(x_individuals, x_occupation, x_residence, edge_index_family, edge_index_occupation, edge_index_residence, population, edge_attributes, Wl_dir_occ, bl_dir_occ, Wr_dir_occ, Wl_dir_res, bl_dir_res, Wr_dir_res, Wl_msg, bl_msg, Wr_msg, Wl_inv_occ, bl_inv_occ, Wr_inv_occ, Wl_inv_res, bl_inv_res, Wr_inv_res, Wl_inv_ind, bl_inv_ind, Wr_inv_ind, P_occ, P_res, W_aggr, b_aggr):
    occ1 = jax.nn.relu(_sage(x_individuals, x_occupation, edge_index_occupation, Wl_dir_occ, bl_dir_occ, Wr_dir_occ, 's2t'))
    res1 = jax.nn.relu(_sage(x_individuals, x_residence, edge_index_residence, Wl_dir_res, bl_dir_res, Wr_dir_res, 's2t'))
    ind1 = jax.nn.relu(_sage(x_individuals, x_individuals, edge_index_family, Wl_msg, bl_msg, Wr_msg, 't2s'))
    occ2 = _sage(ind1, occ1, edge_index_occupation, Wl_inv_occ, bl_inv_occ, Wr_inv_occ, 's2t')
    res2 = _sage(ind1, res1, edge_index_residence, Wl_inv_res, bl_inv_res, Wr_inv_res, 's2t')
    ind2 = _sage(ind1, ind1, edge_index_family, Wl_inv_ind, bl_inv_ind, Wr_inv_ind, 's2t')
    esp = edge_attributes[:, 0, :] @ P_occ
    ai = occ2[population] @ P_occ
    occ2 = occ2.at[population].set(jnp.concatenate([ai, esp], axis=1) @ W_aggr + b_aggr)
    esp = edge_attributes[:, 1, :] @ P_res
    ai = res2[population] @ P_res
    res2 = res2.at[population].set(jnp.concatenate([ai, esp], axis=1) @ W_aggr + b_aggr)
    return (ind2, occ2, res2)

if __name__ == "__main__":
    import jax
    _d = setup_inputs()
    print(jax.jit(kernel)(*tuple(_d.values())))

</pallas_src>

<mosaic_0001>
#map = affine_map<(d0, d1) -> (0, 0)>
#map1 = affine_map<(d0, d1) -> (0, 0, 0)>
module attributes {stable_mosaic.version = 14 : i64} {
  func.func @_sc_agg_body(%arg0: i32, %arg1: i32, %arg2: memref<10240x128xf32, #tpu.memory_space<hbm>>, %arg3: memref<16x320x64xi32, #tpu.memory_space<hbm>>, %arg4: memref<16x320x64xi32, #tpu.memory_space<hbm>>, %arg5: memref<16x12x64xi32, #tpu.memory_space<hbm>>, %arg6: memref<16x12x64xi32, #tpu.memory_space<hbm>>, %arg7: memref<16x12x64xi32, #tpu.memory_space<hbm>>, %arg8: memref<16x12x64xi32, #tpu.memory_space<hbm>>, %arg9: memref<640x128xf32, #tpu.memory_space<hbm>>, %arg10: memref<64x128xf32, #tpu.memory_space<hbm>>, %arg11: memref<2x10240x128xf32, #tpu.memory_space<hbm>>, %arg12: memref<2x1024x128xf32, #tpu.memory_space<hbm>>, %arg13: memref<2x1024x128xf32, #tpu.memory_space<hbm>>, %arg14: memref<10240x128xf32, #tpu.memory_space<vmem_shared>>, %arg15: memref<1024x128xf32, #tpu.memory_space<vmem_shared>>, %arg16: memref<1024x128xf32, #tpu.memory_space<vmem_shared>>, %arg17: memref<4x64xi32, #tpu.memory_space<vmem>>, %arg18: memref<4x64xi32, #tpu.memory_space<vmem>>, %arg19: memref<64xi32, #tpu.memory_space<vmem>>, %arg20: memref<64xi32, #tpu.memory_space<vmem>>, %arg21: memref<64x128xf32, #tpu.memory_space<vmem>>, %arg22: memref<64x128xf32, #tpu.memory_space<vmem>>, %arg23: memref<!tpu.dma_semaphore, #tpu.memory_space<semaphore_mem>>) attributes {dimension_semantics = [#tpu.dimension_semantics<core_parallel>, #tpu.dimension_semantics<subcore_parallel>], iteration_bounds = array<i64: 2, 16>, scalar_prefetch = 0 : i64, scratch_operands = 10 : i64, tpu.core_type = #tpu.core_type<sc_vector_subcore>, window_params = [{transform_indices = #map}, {transform_indices = #map1}, {transform_indices = #map1}, {transform_indices = #map1}, {transform_indices = #map1}, {transform_indices = #map1}, {transform_indices = #map1}, {transform_indices = #map}, {transform_indices = #map}, {transform_indices = #map1}, {transform_indices = #map1}, {transform_indices = #map1}]} {
    %mul3A = arith.constant 640 : i32
    %mul3A_0 = arith.muli %arg1, %mul3A : i32
    "tpu.region"() ({
      %run_scoped3A = tpu.sem_alloc : memref<!tpu.dma_semaphore, #tpu.memory_space<semaphore_mem>>
      %dma_start3A = arith.constant 0 : i32
      %dma_start3A_35 = tpu.memref_slice %arg14[%mul3A_0, %dma_start3A] : memref<10240x128xf32, #tpu.memory_space<vmem_shared>> -> memref<640x128xf32, #tpu.memory_space<vmem_shared>>
      tpu.enqueue_dma source(%arg9 : memref<640x128xf32, #tpu.memory_space<hbm>>) target(%dma_start3A_35 : memref<640x128xf32, #tpu.memory_space<vmem_shared>>) target_semaphore(%run_scoped3A : memref<!tpu.dma_semaphore, #tpu.memory_space<semaphore_mem>>)
      %dma_wait3A = arith.constant 0 : i32
      %dma_wait3A_36 = tpu.memref_slice %arg14[%mul3A_0, %dma_wait3A] : memref<10240x128xf32, #tpu.memory_space<vmem_shared>> -> memref<640x128xf32, #tpu.memory_space<vmem_shared>>
      tpu.wait_dma2 semaphore(%run_scoped3A : memref<!tpu.dma_semaphore, #tpu.memory_space<semaphore_mem>>) src(%arg9 : memref<640x128xf32, #tpu.memory_space<hbm>>) dst(%dma_wait3A_36 : memref<640x128xf32, #tpu.memory_space<vmem_shared>>)
      tpu.yield
    }) : () -> ()
    %mul3A_1 = arith.constant 64 : i32
    %mul3A_2 = arith.muli %arg1, %mul3A_1 : i32
    "tpu.region"() ({
      %run_scoped3A = tpu.sem_alloc : memref<!tpu.dma_semaphore, #tpu.memory_space<semaphore_mem>>
      %dma_start3A = arith.constant 0 : i32
      %dma_start3A_35 = tpu.memref_slice %arg15[%mul3A_2, %dma_start3A] : memref<1024x128xf32, #tpu.memory_space<vmem_shared>> -> memref<64x128xf32, #tpu.memory_space<vmem_shared>>
      %dma_start3A_36 = arith.constant 0 : i32
      %dma_start3A_37 = arith.constant 0 : i32
      %dma_start3A_38 = tpu.memref_slice %arg9[%dma_start3A_36, %dma_start3A_37] : memref<640x128xf32, #tpu.memory_space<hbm>> -> memref<64x128xf32, #tpu.memory_space<hbm>>
      tpu.enqueue_dma source(%dma_start3A_38 : memref<64x128xf32, #tpu.memory_space<hbm>>) target(%dma_start3A_35 : memref<64x128xf32, #tpu.memory_space<vmem_shared>>) target_semaphore(%run_scoped3A : memref<!tpu.dma_semaphore, #tpu.memory_space<semaphore_mem>>)
      %dma_wait3A = arith.constant 0 : i32
      %dma_wait3A_39 = tpu.memref_slice %arg15[%mul3A_2, %dma_wait3A] : memref<1024x128xf32, #tpu.memory_space<vmem_shared>> -> memref<64x128xf32, #tpu.memory_space<vmem_shared>>
      %dma_wait3A_40 = arith.constant 0 : i32
      %dma_wait3A_41 = arith.constant 0 : i32
      %dma_wait3A_42 = tpu.memref_slice %arg9[%dma_wait3A_40, %dma_wait3A_41] : memref<640x128xf32, #tpu.memory_space<hbm>> -> memref<64x128xf32, #tpu.memory_space<hbm>>
      tpu.wait_dma2 semaphore(%run_scoped3A : memref<!tpu.dma_semaphore, #tpu.memory_space<semaphore_mem>>) src(%dma_wait3A_42 : memref<64x128xf32, #tpu.memory_space<hbm>>) dst(%dma_wait3A_39 : memref<64x128xf32, #tpu.memory_space<vmem_shared>>)
      tpu.yield
    }) : () -> ()
    %mul3A_3 = arith.constant 64 : i32
    %mul3A_4 = arith.muli %arg1, %mul3A_3 : i32
    "tpu.region"() ({
      %run_scoped3A = tpu.sem_alloc : memref<!tpu.dma_semaphore, #tpu.memory_space<semaphore_mem>>
      %dma_start3A = arith.constant 0 : i32
      %dma_start3A_35 = tpu.memref_slice %arg16[%mul3A_4, %dma_start3A] : memref<1024x128xf32, #tpu.memory_space<vmem_shared>> -> memref<64x128xf32, #tpu.memory_space<vmem_shared>>
      %dma_start3A_36 = arith.constant 0 : i32
      %dma_start3A_37 = arith.constant 0 : i32
      %dma_start3A_38 = tpu.memref_slice %arg9[%dma_start3A_36, %dma_start3A_37] : memref<640x128xf32, #tpu.memory_space<hbm>> -> memref<64x128xf32, #tpu.memory_space<hbm>>
      tpu.enqueue_dma source(%dma_start3A_38 : memref<64x128xf32, #tpu.memory_space<hbm>>) target(%dma_start3A_35 : memref<64x128xf32, #tpu.memory_space<vmem_shared>>) target_semaphore(%run_scoped3A : memref<!tpu.dma_semaphore, #tpu.memory_space<semaphore_mem>>)
      %dma_wait3A = arith.constant 0 : i32
      %dma_wait3A_39 = tpu.memref_slice %arg16[%mul3A_4, %dma_wait3A] : memref<1024x128xf32, #tpu.memory_space<vmem_shared>> -> memref<64x128xf32, #tpu.memory_space<vmem_shared>>
      %dma_wait3A_40 = arith.constant 0 : i32
      %dma_wait3A_41 = arith.constant 0 : i32
      %dma_wait3A_42 = tpu.memref_slice %arg9[%dma_wait3A_40, %dma_wait3A_41] : memref<640x128xf32, #tpu.memory_space<hbm>> -> memref<64x128xf32, #tpu.memory_space<hbm>>
      tpu.wait_dma2 semaphore(%run_scoped3A : memref<!tpu.dma_semaphore, #tpu.memory_space<semaphore_mem>>) src(%dma_wait3A_42 : memref<64x128xf32, #tpu.memory_space<hbm>>) dst(%dma_wait3A_39 : memref<64x128xf32, #tpu.memory_space<vmem_shared>>)
      tpu.yield
    }) : () -> ()
    "tpu.region"() ({
      %run_scoped3A = tpu.sem_alloc : memref<!tpu.dma_semaphore, #tpu.memory_space<semaphore_mem>>
      tpu.enqueue_dma source(%arg10 : memref<64x128xf32, #tpu.memory_space<hbm>>) target(%arg22 : memref<64x128xf32, #tpu.memory_space<vmem>>) target_semaphore(%run_scoped3A : memref<!tpu.dma_semaphore, #tpu.memory_space<semaphore_mem>>)
      tpu.wait_dma2 semaphore(%run_scoped3A : memref<!tpu.dma_semaphore, #tpu.memory_space<semaphore_mem>>) src(%arg10 : memref<64x128xf32, #tpu.memory_space<hbm>>) dst(%arg22 : memref<64x128xf32, #tpu.memory_space<vmem>>)
      tpu.yield
    }) : () -> ()
    %barrier3A = arith.constant 0 : index
    tpu.barrier barrier_id(%barrier3A)
    %scan3A = arith.constant 0 : i32
    %scan3A_5 = arith.constant 0 : i32
    %scan3A_6 = arith.constant 80 : i32
    %scan3A_7 = arith.addi %scan3A_5, %scan3A_6 : i32
    %scan3A_8 = arith.constant 1 : i32
    scf.for %scan3A_35 = %scan3A_5 to %scan3A_7 step %scan3A_8  : i32 {
      %mul3A_36 = arith.constant 4 : i32
      %mul3A_37 = arith.muli %scan3A_35, %mul3A_36 : i32
      "tpu.region"() ({
        %run_scoped3A = tpu.sem_alloc : memref<!tpu.dma_semaphore, #tpu.memory_space<semaphore_mem>>
        %dma_start3A = arith.constant 0 : i32
        %dma_start3A_46 = arith.constant 0 : i32
        %dma_start3A_47 = tpu.memref_slice %arg17[%dma_start3A, %dma_start3A_46] : memref<4x64xi32, #tpu.memory_space<vmem>> -> memref<4x64xi32, #tpu.memory_space<vmem>>
        %dma_start3A_48 = arith.constant 0 : i32
        %dma_start3A_49 = tpu.memref_slice %arg3[%arg1, %mul3A_37, %dma_start3A_48] : memref<16x320x64xi32, #tpu.memory_space<hbm>> -> memref<1x4x64xi32, #tpu.memory_space<hbm>>
        %dma_start3A_50 = tpu.memref_squeeze %dma_start3A_49 : memref<1x4x64xi32, #tpu.memory_space<hbm>> -> memref<4x64xi32, #tpu.memory_space<hbm>>
        %dma_start3A_51 = arith.constant 0 : i32
        %dma_start3A_52 = arith.constant 0 : i32
        %dma_start3A_53 = tpu.memref_slice %arg17[%dma_start3A_51, %dma_start3A_52] : memref<4x64xi32, #tpu.memory_space<vmem>> -> memref<4x64xi32, #tpu.memory_space<vmem>>
        %dma_start3A_54 = arith.constant 0 : i32
        %dma_start3A_55 = tpu.memref_slice %arg3[%arg1, %mul3A_37, %dma_start3A_54] : memref<16x320x64xi32, #tpu.memory_space<hbm>> -> memref<1x4x64xi32, #tpu.memory_space<hbm>>
        %dma_start3A_56 = tpu.memref_squeeze %dma_start3A_55 : memref<1x4x64xi32, #tpu.memory_space<hbm>> -> memref<4x64xi32, #tpu.memory_space<hbm>>
        tpu.enqueue_dma source(%dma_start3A_56 : memref<4x64xi32, #tpu.memory_space<hbm>>) target(%dma_start3A_53 : memref<4x64xi32, #tpu.memory_space<vmem>>) target_semaphore(%run_scoped3A : memref<!tpu.dma_semaphore, #tpu.memory_space<semaphore_mem>>)
        %dma_wait3A = arith.constant 0 : i32
        %dma_wait3A_57 = arith.constant 0 : i32
        %dma_wait3A_58 = tpu.memref_slice %arg17[%dma_wait3A, %dma_wait3A_57] : memref<4x64xi32, #tpu.memory_space<vmem>> -> memref<4x64xi32, #tpu.memory_space<vmem>>
        %dma_wait3A_59 = arith.constant 0 : i32
        %dma_wait3A_60 = tpu.memref_slice %arg3[%arg1, %mul3A_37, %dma_wait3A_59] : memref<16x320x64xi32, #tpu.memory_space<hbm>> -> memref<1x4x64xi32, #tpu.memory_space<hbm>>
        %dma_wait3A_61 = tpu.memref_squeeze %dma_wait3A_60 : memref<1x4x64xi32, #tpu.memory_space<hbm>> -> memref<4x64xi32, #tpu.memory_space<hbm>>
        %dma_wait3A_62 = arith.constant 0 : i32
        %dma_wait3A_63 = arith.constant 0 : i32
        %dma_wait3A_64 = tpu.memref_slice %arg17[%dma_wait3A_62, %dma_wait3A_63] : memref<4x64xi32, #tpu.memory_space<vmem>> -> memref<4x64xi32, #tpu.memory_space<vmem>>
        %dma_wait3A_65 = arith.constant 0 : i32
        %dma_wait3A_66 = tpu.memref_slice %arg3[%arg1, %mul3A_37, %dma_wait3A_65] : memref<16x320x64xi32, #tpu.memory_space<hbm>> -> memref<1x4x64xi32, #tpu.memory_space<hbm>>
        %dma_wait3A_67 = tpu.memref_squeeze %dma_wait3A_66 : memref<1x4x64xi32, #tpu.memory_space<hbm>> -> memref<4x64xi32, #tpu.memory_space<hbm>>
        tpu.wait_dma2 semaphore(%run_scoped3A : memref<!tpu.dma_semaphore, #tpu.memory_space<semaphore_mem>>) src(%dma_wait3A_67 : memref<4x64xi32, #tpu.memory_space<hbm>>) dst(%dma_wait3A_64 : memref<4x64xi32, #tpu.memory_space<vmem>>)
        tpu.yield
      }) : () -> ()
      %mul3A_38 = arith.constant 4 : i32
      %mul3A_39 = arith.muli %scan3A_35, %mul3A_38 : i32
      "tpu.region"() ({
        %run_scoped3A = tpu.sem_alloc : memref<!tpu.dma_semaphore, #tpu.memory_space<semaphore_mem>>
        %dma_start3A = arith.constant 0 : i32
        %dma_start3A_46 = arith.constant 0 : i32
        %dma_start3A_47 = tpu.memref_slice %arg18[%dma_start3A, %dma_start3A_46] : memref<4x64xi32, #tpu.memory_space<vmem>> -> memref<4x64xi32, #tpu.memory_space<vmem>>
        %dma_start3A_48 = arith.constant 0 : i32
        %dma_start3A_49 = tpu.memref_slice %arg4[%arg1, %mul3A_39, %dma_start3A_48] : memref<16x320x64xi32, #tpu.memory_space<hbm>> -> memref<1x4x64xi32, #tpu.memory_space<hbm>>
        %dma_start3A_50 = tpu.memref_squeeze %dma_start3A_49 : memref<1x4x64xi32, #tpu.memory_space<hbm>> -> memref<4x64xi32, #tpu.memory_space<hbm>>
        %dma_start3A_51 = arith.constant 0 : i32
        %dma_start3A_52 = arith.constant 0 : i32
        %dma_start3A_53 = tpu.memref_slice %arg18[%dma_start3A_51, %dma_start3A_52] : memref<4x64xi32, #tpu.memory_space<vmem>> -> memref<4x64xi32, #tpu.memory_space<vmem>>
        %dma_start3A_54 = arith.constant 0 : i32
        %dma_start3A_55 = tpu.memref_slice %arg4[%arg1, %mul3A_39, %dma_start3A_54] : memref<16x320x64xi32, #tpu.memory_space<hbm>> -> memref<1x4x64xi32, #tpu.memory_space<hbm>>
        %dma_start3A_56 = tpu.memref_squeeze %dma_start3A_55 : memref<1x4x64xi32, #tpu.memory_space<hbm>> -> memref<4x64xi32, #tpu.memory_space<hbm>>
        tpu.enqueue_dma source(%dma_start3A_56 : memref<4x64xi32, #tpu.memory_space<hbm>>) target(%dma_start3A_53 : memref<4x64xi32, #tpu.memory_space<vmem>>) target_semaphore(%run_scoped3A : memref<!tpu.dma_semaphore, #tpu.memory_space<semaphore_mem>>)
        %dma_wait3A = arith.constant 0 : i32
        %dma_wait3A_57 = arith.constant 0 : i32
        %dma_wait3A_58 = tpu.memref_slice %arg18[%dma_wait3A, %dma_wait3A_57] : memref<4x64xi32, #tpu.memory_space<vmem>> -> memref<4x64xi32, #tpu.memory_space<vmem>>
        %dma_wait3A_59 = arith.constant 0 : i32
        %dma_wait3A_60 = tpu.memref_slice %arg4[%arg1, %mul3A_39, %dma_wait3A_59] : memref<16x320x64xi32, #tpu.memory_space<hbm>> -> memref<1x4x64xi32, #tpu.memory_space<hbm>>
        %dma_wait3A_61 = tpu.memref_squeeze %dma_wait3A_60 : memref<1x4x64xi32, #tpu.memory_space<hbm>> -> memref<4x64xi32, #tpu.memory_space<hbm>>
        %dma_wait3A_62 = arith.constant 0 : i32
        %dma_wait3A_63 = arith.constant 0 : i32
        %dma_wait3A_64 = tpu.memref_slice %arg18[%dma_wait3A_62, %dma_wait3A_63] : memref<4x64xi32, #tpu.memory_space<vmem>> -> memref<4x64xi32, #tpu.memory_space<vmem>>
        %dma_wait3A_65 = arith.constant 0 : i32
        %dma_wait3A_66 = tpu.memref_slice %arg4[%arg1, %mul3A_39, %dma_wait3A_65] : memref<16x320x64xi32, #tpu.memory_space<hbm>> -> memref<1x4x64xi32, #tpu.memory_space<hbm>>
        %dma_wait3A_67 = tpu.memref_squeeze %dma_wait3A_66 : memref<1x4x64xi32, #tpu.memory_space<hbm>> -> memref<4x64xi32, #tpu.memory_space<hbm>>
        tpu.wait_dma2 semaphore(%run_scoped3A : memref<!tpu.dma_semaphore, #tpu.memory_space<semaphore_mem>>) src(%dma_wait3A_67 : memref<4x64xi32, #tpu.memory_space<hbm>>) dst(%dma_wait3A_64 : memref<4x64xi32, #tpu.memory_space<vmem>>)
        tpu.yield
      }) : () -> ()
      %scan3A_40 = arith.constant 0 : i32
      %scan3A_41 = arith.constant 0 : i32
      %scan3A_42 = arith.constant 4 : i32
      %scan3A_43 = arith.addi %scan3A_41, %scan3A_42 : i32
      %scan3A_44 = arith.constant 1 : i32
      scf.for %scan3A_46 = %scan3A_41 to %scan3A_43 step %scan3A_44  : i32 {
        %get3A = arith.index_cast %scan3A_46 : i32 to index
        %get3A_47 = arith.constant 0 : index
        %get3A_48 = tpu.vector_load %arg17[%get3A, %get3A_47] {strides = array<i32>} : memref<4x64xi32, #tpu.memory_space<vmem>>, vector<1x16xi32>,
        %get3A_49 = vector.shape_cast %get3A_48 : vector<1x16xi32> to vector<16xi32>
        %swap3A = arith.constant 0 : index
        %swap3A_50 = tpu.vector_load %arg19[%swap3A] {strides = array<i32>} : memref<64xi32, #tpu.memory_space<vmem>>, vector<16xi32>,
        %swap3A_51 = vector.shape_cast %swap3A_50 : vector<16xi32> to vector<16xi32>
        %swap3A_52 = vector.shape_cast %get3A_49 : vector<16xi32> to vector<16xi32>
        tpu.vector_store %arg19[%swap3A], %swap3A_52 {strides = array<i32>} : memref<64xi32, #tpu.memory_space<vmem>>, vector<16xi32>,
        %get3A_53 = arith.index_cast %scan3A_46 : i32 to index
        %get3A_54 = arith.constant 0 : index
        %get3A_55 = tpu.vector_load %arg18[%get3A_53, %get3A_54] {strides = array<i32>} : memref<4x64xi32, #tpu.memory_space<vmem>>, vector<1x16xi32>,
        %get3A_56 = vector.shape_cast %get3A_55 : vector<1x16xi32> to vector<16xi32>
        %swap3A_57 = arith.constant 0 : index
        %swap3A_58 = tpu.vector_load %arg20[%swap3A_57] {strides = array<i32>} : memref<64xi32, #tpu.memory_space<vmem>>, vector<16xi32>,
        %swap3A_59 = vector.shape_cast %swap3A_58 : vector<16xi32> to vector<16xi32>
        %swap3A_60 = vector.shape_cast %get3A_56 : vector<16xi32> to vector<16xi32>
        tpu.vector_store %arg20[%swap3A_57], %swap3A_60 {strides = array<i32>} : memref<64xi32, #tpu.memory_space<vmem>>, vector<16xi32>,
        %get3A_61 = arith.index_cast %scan3A_46 : i32 to index
        %get3A_62 = arith.constant 16 : index
        %get3A_63 = tpu.vector_load %arg17[%get3A_61, %get3A_62] {strides = array<i32>} : memref<4x64xi32, #tpu.memory_space<vmem>>, vector<1x16xi32>,
        %get3A_64 = vector.shape_cast %get3A_63 : vector<1x16xi32> to vector<16xi32>
        %swap3A_65 = arith.constant 16 : index
        %swap3A_66 = tpu.vector_load %arg19[%swap3A_65] {strides = array<i32>} : memref<64xi32, #tpu.memory_space<vmem>>, vector<16xi32>,
        %swap3A_67 = vector.shape_cast %swap3A_66 : vector<16xi32> to vector<16xi32>
        %swap3A_68 = vector.shape_cast %get3A_64 : vector<16xi32> to vector<16xi32>
        tpu.vector_store %arg19[%swap3A_65], %swap3A_68 {strides = array<i32>} : memref<64xi32, #tpu.memory_space<vmem>>, vector<16xi32>,
        %get3A_69 = arith.index_cast %scan3A_46 : i32 to index
        %get3A_70 = arith.constant 16 : index
        %get3A_71 = tpu.vector_load %arg18[%get3A_69, %get3A_70] {strides = array<i32>} : memref<4x64xi32, #tpu.memory_space<vmem>>, vector<1x16xi32>,
        %get3A_72 = vector.shape_cast %get3A_71 : vector<1x16xi32> to vector<16xi32>
        %swap3A_73 = arith.constant 16 : index
        %swap3A_74 = tpu.vector_load %arg20[%swap3A_73] {strides = array<i32>} : memref<64xi32, #tpu.memory_space<vmem>>, vector<16xi32>,
        %swap3A_75 = vector.shape_cast %swap3A_74 : vector<16xi32> to vector<16xi32>
        %swap3A_76 = vector.shape_cast %get3A_72 : vector<16xi32> to vector<16xi32>
        tpu.vector_store %arg20[%swap3A_73], %swap3A_76 {strides = array<i32>} : memref<64xi32, #tpu.memory_space<vmem>>, vector<16xi32>,
        %get3A_77 = arith.index_cast %scan3A_46 : i32 to index
        %get3A_78 = arith.constant 32 : index
        %get3A_79 = tpu.vector_load %arg17[%get3A_77, %get3A_78] {strides = array<i32>} : memref<4x64xi32, #tpu.memory_space<vmem>>, vector<1x16xi32>,
        %get3A_80 = vector.shape_cast %get3A_79 : vector<1x16xi32> to vector<16xi32>
        %swap3A_81 = arith.constant 32 : index
        %swap3A_82 = tpu.vector_load %arg19[%swap3A_81] {strides = array<i32>} : memref<64xi32, #tpu.memory_space<vmem>>, vector<16xi32>,
        %swap3A_83 = vector.shape_cast %swap3A_82 : vector<16xi32> to vector<16xi32>
        %swap3A_84 = vector.shape_cast %get3A_80 : vector<16xi32> to vector<16xi32>
        tpu.vector_store %arg19[%swap3A_81], %swap3A_84 {strides = array<i32>} : memref<64xi32, #tpu.memory_space<vmem>>, vector<16xi32>,
        %get3A_85 = arith.index_cast %scan3A_46 : i32 to index
        %get3A_86 = arith.constant 32 : index
        %get3A_87 = tpu.vector_load %arg18[%get3A_85, %get3A_86] {strides = array<i32>} : memref<4x64xi32, #tpu.memory_space<vmem>>, vector<1x16xi32>,
        %get3A_88 = vector.shape_cast %get3A_87 : vector<1x16xi32> to vector<16xi32>
        %swap3A_89 = arith.constant 32 : index
        %swap3A_90 = tpu.vector_load %arg20[%swap3A_89] {strides = array<i32>} : memref<64xi32, #tpu.memory_space<vmem>>, vector<16xi32>,
        %swap3A_91 = vector.shape_cast %swap3A_90 : vector<16xi32> to vector<16xi32>
        %swap3A_92 = vector.shape_cast %get3A_88 : vector<16xi32> to vector<16xi32>
        tpu.vector_store %arg20[%swap3A_89], %swap3A_92 {strides = array<i32>} : memref<64xi32, #tpu.memory_space<vmem>>, vector<16xi32>,
        %get3A_93 = arith.index_cast %scan3A_46 : i32 to index
        %get3A_94 = arith.constant 48 : index
        %get3A_95 = tpu.vector_load %arg17[%get3A_93, %get3A_94] {strides = array<i32>} : memref<4x64xi32, #tpu.memory_space<vmem>>, vector<1x16xi32>,
        %get3A_96 = vector.shape_cast %get3A_95 : vector<1x16xi32> to vector<16xi32>
        %swap3A_97 = arith.constant 48 : index
        %swap3A_98 = tpu.vector_load %arg19[%swap3A_97] {strides = array<i32>} : memref<64xi32, #tpu.memory_space<vmem>>, vector<16xi32>,
        %swap3A_99 = vector.shape_cast %swap3A_98 : vector<16xi32> to vector<16xi32>
        %swap3A_100 = vector.shape_cast %get3A_96 : vector<16xi32> to vector<16xi32>
        tpu.vector_store %arg19[%swap3A_97], %swap3A_100 {strides = array<i32>} : memref<64xi32, #tpu.memory_space<vmem>>, vector<16xi32>,
        %get3A_101 = arith.index_cast %scan3A_46 : i32 to index
        %get3A_102 = arith.constant 48 : index
        %get3A_103 = tpu.vector_load %arg18[%get3A_101, %get3A_102] {strides = array<i32>} : memref<4x64xi32, #tpu.memory_space<vmem>>, vector<1x16xi32>,
        %get3A_104 = vector.shape_cast %get3A_103 : vector<1x16xi32> to vector<16xi32>
        %swap3A_105 = arith.constant 48 : index
        %swap3A_106 = tpu.vector_load %arg20[%swap3A_105] {strides = array<i32>} : memref<64xi32, #tpu.memory_space<vmem>>, vector<16xi32>,
        %swap3A_107 = vector.shape_cast %swap3A_106 : vector<16xi32> to vector<16xi32>
        %swap3A_108 = vector.shape_cast %get3A_104 : vector<16xi32> to vector<16xi32>
        tpu.vector_store %arg20[%swap3A_105], %swap3A_108 {strides = array<i32>} : memref<64xi32, #tpu.memory_space<vmem>>, vector<16xi32>,
        %eq3A = arith.constant 0 : i32
        %eq3A_109 = arith.cmpi eq, %arg0, %eq3A : i32
        %convert_element_type3A = arith.extui %eq3A_109 : i1 to i32
        %cond3A = arith.constant 0 : i32
        %cond3A_110 = arith.cmpi ne, %convert_element_type3A, %cond3A : i32
        scf.if %cond3A_110 {
          %dma_start3A = arith.constant 0 : i32
          %dma_start3A_116 = arith.constant 0 : i32
          %dma_start3A_117 = tpu.memref_slice %arg2[%dma_start3A, %dma_start3A_116] : memref<10240x128xf32, #tpu.memory_space<hbm>> -> memref<10240x128xf32, #tpu.memory_space<hbm>>
          tpu.enqueue_indirect_dma source(%dma_start3A_117 : memref<10240x128xf32, #tpu.memory_space<hbm>>) target(%arg21 : memref<64x128xf32, #tpu.memory_space<vmem>>) offsets(%arg19 : memref<64xi32, #tpu.memory_space<vmem>>) semaphore(%arg23 : memref<!tpu.dma_semaphore, #tpu.memory_space<semaphore_mem>>)
          %dma_wait3A = arith.constant 0 : i32
          %dma_wait3A_118 = arith.constant 0 : i32
          %dma_wait3A_119 = tpu.memref_slice %arg2[%dma_wait3A, %dma_wait3A_118] : memref<10240x128xf32, #tpu.memory_space<hbm>> -> memref<10240x128xf32, #tpu.memory_space<hbm>>
          tpu.wait_indirect_dma semaphore(%arg23 : memref<!tpu.dma_semaphore, #tpu.memory_space<semaphore_mem>>) src(%dma_wait3A_119 : memref<10240x128xf32, #tpu.memory_space<hbm>>) dst(%arg21 : memref<64x128xf32, #tpu.memory_space<vmem>>)
          "tpu.region"() ({
            %run_scoped3A = tpu.sem_alloc : memref<!tpu.dma_semaphore, #tpu.memory_space<semaphore_mem>>
            %dma_start3A_120 = arith.constant 0 : i32
            %dma_start3A_121 = arith.constant 0 : i32
            %dma_start3A_122 = tpu.memref_slice %arg14[%dma_start3A_120, %dma_start3A_121] : memref<10240x128xf32, #tpu.memory_space<vmem_shared>> -> memref<10240x128xf32, #tpu.memory_space<vmem_shared>>
            tpu.enqueue_indirect_dma source(%arg21 : memref<64x128xf32, #tpu.memory_space<vmem>>) target(%dma_start3A_122 : memref<10240x128xf32, #tpu.memory_space<vmem_shared>>) offsets(%arg20 : memref<64xi32, #tpu.memory_space<vmem>>) semaphore(%run_scoped3A : memref<!tpu.dma_semaphore, #tpu.memory_space<semaphore_mem>>) {add = true}
            %dma_wait3A_123 = arith.constant 0 : i32
            %dma_wait3A_124 = arith.constant 0 : i32
            %dma_wait3A_125 = tpu.memref_slice %arg14[%dma_wait3A_123, %dma_wait3A_124] : memref<10240x128xf32, #tpu.memory_space<vmem_shared>> -> memref<10240x128xf32, #tpu.memory_space<vmem_shared>>
            tpu.wait_indirect_dma semaphore(%run_scoped3A : memref<!tpu.dma_semaphore, #tpu.memory_space<semaphore_mem>>) src(%arg21 : memref<64x128xf32, #tpu.memory_space<vmem>>) dst(%dma_wait3A_125 : memref<10240x128xf32, #tpu.memory_space<vmem_shared>>)
            tpu.yield
          }) : () -> ()
        } else {
        }
        %eq3A_111 = arith.constant 1 : i32
        %eq3A_112 = arith.cmpi eq, %arg0, %eq3A_111 : i32
        %convert_element_type3A_113 = arith.extui %eq3A_112 : i1 to i32
        %cond3A_114 = arith.constant 0 : i32
        %cond3A_115 = arith.cmpi ne, %convert_element_type3A_113, %cond3A_114 : i32
        scf.if %cond3A_115 {
          "tpu.region"() ({
            %run_scoped3A = tpu.sem_alloc : memref<!tpu.dma_semaphore, #tpu.memory_space<semaphore_mem>>
            %dma_start3A = arith.constant 0 : i32
            %dma_start3A_116 = arith.constant 0 : i32
            %dma_start3A_117 = tpu.memref_slice %arg14[%dma_start3A, %dma_start3A_116] : memref<10240x128xf32, #tpu.memory_space<vmem_shared>> -> memref<10240x128xf32, #tpu.memory_space<vmem_shared>>
            tpu.enqueue_indirect_dma source(%arg22 : memref<64x128xf32, #tpu.memory_space<vmem>>) target(%dma_start3A_117 : memref<10240x128xf32, #tpu.memory_space<vmem_shared>>) offsets(%arg20 : memref<64xi32, #tpu.memory_space<vmem>>) semaphore(%run_scoped3A : memref<!tpu.dma_semaphore, #tpu.memory_space<semaphore_mem>>) {add = true}
            %dma_wait3A = arith.constant 0 : i32
            %dma_wait3A_118 = arith.constant 0 : i32
            %dma_wait3A_119 = tpu.memref_slice %arg14[%dma_wait3A, %dma_wait3A_118] : memref<10240x128xf32, #tpu.memory_space<vmem_shared>> -> memref<10240x128xf32, #tpu.memory_space<vmem_shared>>
            tpu.wait_indirect_dma semaphore(%run_scoped3A : memref<!tpu.dma_semaphore, #tpu.memory_space<semaphore_mem>>) src(%arg22 : memref<64x128xf32, #tpu.memory_space<vmem>>) dst(%dma_wait3A_119 : memref<10240x128xf32, #tpu.memory_space<vmem_shared>>)
            tpu.yield
          }) : () -> ()
        } else {
        }
      }
      %scan3A_45 = arith.constant 4 : i32
    }
    %scan3A_9 = arith.constant 80 : i32
    %scan3A_10 = arith.constant 0 : i32
    %scan3A_11 = arith.constant 0 : i32
    %scan3A_12 = arith.constant 3 : i32
    %scan3A_13 = arith.addi %scan3A_11, %scan3A_12 : i32
    %scan3A_14 = arith.constant 1 : i32
    scf.for %scan3A_35 = %scan3A_11 to %scan3A_13 step %scan3A_14  : i32 {
      %mul3A_36 = arith.constant 4 : i32
      %mul3A_37 = arith.muli %scan3A_35, %mul3A_36 : i32
      "tpu.region"() ({
        %run_scoped3A = tpu.sem_alloc : memref<!tpu.dma_semaphore, #tpu.memory_space<semaphore_mem>>
        %dma_start3A = arith.constant 0 : i32
        %dma_start3A_46 = arith.constant 0 : i32
        %dma_start3A_47 = tpu.memref_slice %arg17[%dma_start3A, %dma_start3A_46] : memref<4x64xi32, #tpu.memory_space<vmem>> -> memref<4x64xi32, #tpu.memory_space<vmem>>
        %dma_start3A_48 = arith.constant 0 : i32
        %dma_start3A_49 = tpu.memref_slice %arg5[%arg1, %mul3A_37, %dma_start3A_48] : memref<16x12x64xi32, #tpu.memory_space<hbm>> -> memref<1x4x64xi32, #tpu.memory_space<hbm>>
        %dma_start3A_50 = tpu.memref_squeeze %dma_start3A_49 : memref<1x4x64xi32, #tpu.memory_space<hbm>> -> memref<4x64xi32, #tpu.memory_space<hbm>>
        %dma_start3A_51 = arith.constant 0 : i32
        %dma_start3A_52 = arith.constant 0 : i32
        %dma_start3A_53 = tpu.memref_slice %arg17[%dma_start3A_51, %dma_start3A_52] : memref<4x64xi32, #tpu.memory_space<vmem>> -> memref<4x64xi32, #tpu.memory_space<vmem>>
        %dma_start3A_54 = arith.constant 0 : i32
        %dma_start3A_55 = tpu.memref_slice %arg5[%arg1, %mul3A_37, %dma_start3A_54] : memref<16x12x64xi32, #tpu.memory_space<hbm>> -> memref<1x4x64xi32, #tpu.memory_space<hbm>>
        %dma_start3A_56 = tpu.memref_squeeze %dma_start3A_55 : memref<1x4x64xi32, #tpu.memory_space<hbm>> -> memref<4x64xi32, #tpu.memory_space<hbm>>
        tpu.enqueue_dma source(%dma_start3A_56 : memref<4x64xi32, #tpu.memory_space<hbm>>) target(%dma_start3A_53 : memref<4x64xi32, #tpu.memory_space<vmem>>) target_semaphore(%run_scoped3A : memref<!tpu.dma_semaphore, #tpu.memory_space<semaphore_mem>>)
        %dma_wait3A = arith.constant 0 : i32
        %dma_wait3A_57 = arith.constant 0 : i32
        %dma_wait3A_58 = tpu.memref_slice %arg17[%dma_wait3A, %dma_wait3A_57] : memref<4x64xi32, #tpu.memory_space<vmem>> -> memref<4x64xi32, #tpu.memory_space<vmem>>
        %dma_wait3A_59 = arith.constant 0 : i32
        %dma_wait3A_60 = tpu.memref_slice %arg5[%arg1, %mul3A_37, %dma_wait3A_59] : memref<16x12x64xi32, #tpu.memory_space<hbm>> -> memref<1x4x64xi32, #tpu.memory_space<hbm>>
        %dma_wait3A_61 = tpu.memref_squeeze %dma_wait3A_60 : memref<1x4x64xi32, #tpu.memory_space<hbm>> -> memref<4x64xi32, #tpu.memory_space<hbm>>
        %dma_wait3A_62 = arith.constant 0 : i32
        %dma_wait3A_63 = arith.constant 0 : i32
        %dma_wait3A_64 = tpu.memref_slice %arg17[%dma_wait3A_62, %dma_wait3A_63] : memref<4x64xi32, #tpu.memory_space<vmem>> -> memref<4x64xi32, #tpu.memory_space<vmem>>
        %dma_wait3A_65 = arith.constant 0 : i32
        %dma_wait3A_66 = tpu.memref_slice %arg5[%arg1, %mul3A_37, %dma_wait3A_65] : memref<16x12x64xi32, #tpu.memory_space<hbm>> -> memref<1x4x64xi32, #tpu.memory_space<hbm>>
        %dma_wait3A_67 = tpu.memref_squeeze %dma_wait3A_66 : memref<1x4x64xi32, #tpu.memory_space<hbm>> -> memref<4x64xi32, #tpu.memory_space<hbm>>
        tpu.wait_dma2 semaphore(%run_scoped3A : memref<!tpu.dma_semaphore, #tpu.memory_space<semaphore_mem>>) src(%dma_wait3A_67 : memref<4x64xi32, #tpu.memory_space<hbm>>) dst(%dma_wait3A_64 : memref<4x64xi32, #tpu.memory_space<vmem>>)
        tpu.yield
      }) : () -> ()
      %mul3A_38 = arith.constant 4 : i32
      %mul3A_39 = arith.muli %scan3A_35, %mul3A_38 : i32
      "tpu.region"() ({
        %run_scoped3A = tpu.sem_alloc : memref<!tpu.dma_semaphore, #tpu.memory_space<semaphore_mem>>
        %dma_start3A = arith.constant 0 : i32
        %dma_start3A_46 = arith.constant 0 : i32
        %dma_start3A_47 = tpu.memref_slice %arg18[%dma_start3A, %dma_start3A_46] : memref<4x64xi32, #tpu.memory_space<vmem>> -> memref<4x64xi32, #tpu.memory_space<vmem>>
        %dma_start3A_48 = arith.constant 0 : i32
        %dma_start3A_49 = tpu.memref_slice %arg6[%arg1, %mul3A_39, %dma_start3A_48] : memref<16x12x64xi32, #tpu.memory_space<hbm>> -> memref<1x4x64xi32, #tpu.memory_space<hbm>>
        %dma_start3A_50 = tpu.memref_squeeze %dma_start3A_49 : memref<1x4x64xi32, #tpu.memory_space<hbm>> -> memref<4x64xi32, #tpu.memory_space<hbm>>
        %dma_start3A_51 = arith.constant 0 : i32
        %dma_start3A_52 = arith.constant 0 : i32
        %dma_start3A_53 = tpu.memref_slice %arg18[%dma_start3A_51, %dma_start3A_52] : memref<4x64xi32, #tpu.memory_space<vmem>> -> memref<4x64xi32, #tpu.memory_space<vmem>>
        %dma_start3A_54 = arith.constant 0 : i32
        %dma_start3A_55 = tpu.memref_slice %arg6[%arg1, %mul3A_39, %dma_start3A_54] : memref<16x12x64xi32, #tpu.memory_space<hbm>> -> memref<1x4x64xi32, #tpu.memory_space<hbm>>
        %dma_start3A_56 = tpu.memref_squeeze %dma_start3A_55 : memref<1x4x64xi32, #tpu.memory_space<hbm>> -> memref<4x64xi32, #tpu.memory_space<hbm>>
        tpu.enqueue_dma source(%dma_start3A_56 : memref<4x64xi32, #tpu.memory_space<hbm>>) target(%dma_start3A_53 : memref<4x64xi32, #tpu.memory_space<vmem>>) target_semaphore(%run_scoped3A : memref<!tpu.dma_semaphore, #tpu.memory_space<semaphore_mem>>)
        %dma_wait3A = arith.constant 0 : i32
        %dma_wait3A_57 = arith.constant 0 : i32
        %dma_wait3A_58 = tpu.memref_slice %arg18[%dma_wait3A, %dma_wait3A_57] : memref<4x64xi32, #tpu.memory_space<vmem>> -> memref<4x64xi32, #tpu.memory_space<vmem>>
        %dma_wait3A_59 = arith.constant 0 : i32
        %dma_wait3A_60 = tpu.memref_slice %arg6[%arg1, %mul3A_39, %dma_wait3A_59] : memref<16x12x64xi32, #tpu.memory_space<hbm>> -> memref<1x4x64xi32, #tpu.memory_space<hbm>>
        %dma_wait3A_61 = tpu.memref_squeeze %dma_wait3A_60 : memref<1x4x64xi32, #tpu.memory_space<hbm>> -> memref<4x64xi32, #tpu.memory_space<hbm>>
        %dma_wait3A_62 = arith.constant 0 : i32
        %dma_wait3A_63 = arith.constant 0 : i32
        %dma_wait3A_64 = tpu.memref_slice %arg18[%dma_wait3A_62, %dma_wait3A_63] : memref<4x64xi32, #tpu.memory_space<vmem>> -> memref<4x64xi32, #tpu.memory_space<vmem>>
        %dma_wait3A_65 = arith.constant 0 : i32
        %dma_wait3A_66 = tpu.memref_slice %arg6[%arg1, %mul3A_39, %dma_wait3A_65] : memref<16x12x64xi32, #tpu.memory_space<hbm>> -> memref<1x4x64xi32, #tpu.memory_space<hbm>>
        %dma_wait3A_67 = tpu.memref_squeeze %dma_wait3A_66 : memref<1x4x64xi32, #tpu.memory_space<hbm>> -> memref<4x64xi32, #tpu.memory_space<hbm>>
        tpu.wait_dma2 semaphore(%run_scoped3A : memref<!tpu.dma_semaphore, #tpu.memory_space<semaphore_mem>>) src(%dma_wait3A_67 : memref<4x64xi32, #tpu.memory_space<hbm>>) dst(%dma_wait3A_64 : memref<4x64xi32, #tpu.memory_space<vmem>>)
        tpu.yield
      }) : () -> ()
      %scan3A_40 = arith.constant 0 : i32
      %scan3A_41 = arith.constant 0 : i32
      %scan3A_42 = arith.constant 4 : i32
      %scan3A_43 = arith.addi %scan3A_41, %scan3A_42 : i32
      %scan3A_44 = arith.constant 1 : i32
      scf.for %scan3A_46 = %scan3A_41 to %scan3A_43 step %scan3A_44  : i32 {
        %get3A = arith.index_cast %scan3A_46 : i32 to index
        %get3A_47 = arith.constant 0 : index
        %get3A_48 = tpu.vector_load %arg17[%get3A, %get3A_47] {strides = array<i32>} : memref<4x64xi32, #tpu.memory_space<vmem>>, vector<1x16xi32>,
        %get3A_49 = vector.shape_cast %get3A_48 : vector<1x16xi32> to vector<16xi32>
        %swap3A = arith.constant 0 : index
        %swap3A_50 = tpu.vector_load %arg19[%swap3A] {strides = array<i32>} : memref<64xi32, #tpu.memory_space<vmem>>, vector<16xi32>,
        %swap3A_51 = vector.shape_cast %swap3A_50 : vector<16xi32> to vector<16xi32>
        %swap3A_52 = vector.shape_cast %get3A_49 : vector<16xi32> to vector<16xi32>
        tpu.vector_store %arg19[%swap3A], %swap3A_52 {strides = array<i32>} : memref<64xi32, #tpu.memory_space<vmem>>, vector<16xi32>,
        %get3A_53 = arith.index_cast %scan3A_46 : i32 to index
        %get3A_54 = arith.constant 0 : index
        %get3A_55 = tpu.vector_load %arg18[%get3A_53, %get3A_54] {strides = array<i32>} : memref<4x64xi32, #tpu.memory_space<vmem>>, vector<1x16xi32>,
        %get3A_56 = vector.shape_cast %get3A_55 : vector<1x16xi32> to vector<16xi32>
        %swap3A_57 = arith.constant 0 : index
        %swap3A_58 = tpu.vector_load %arg20[%swap3A_57] {strides = array<i32>} : memref<64xi32, #tpu.memory_space<vmem>>, vector<16xi32>,
        %swap3A_59 = vector.shape_cast %swap3A_58 : vector<16xi32> to vector<16xi32>
        %swap3A_60 = vector.shape_cast %get3A_56 : vector<16xi32> to vector<16xi32>
        tpu.vector_store %arg20[%swap3A_57], %swap3A_60 {strides = array<i32>} : memref<64xi32, #tpu.memory_space<vmem>>, vector<16xi32>,
        %get3A_61 = arith.index_cast %scan3A_46 : i32 to index
        %get3A_62 = arith.constant 16 : index
        %get3A_63 = tpu.vector_load %arg17[%get3A_61, %get3A_62] {strides = array<i32>} : memref<4x64xi32, #tpu.memory_space<vmem>>, vector<1x16xi32>,
        %get3A_64 = vector.shape_cast %get3A_63 : vector<1x16xi32> to vector<16xi32>
        %swap3A_65 = arith.constant 16 : index
        %swap3A_66 = tpu.vector_load %arg19[%swap3A_65] {strides = array<i32>} : memref<64xi32, #tpu.memory_space<vmem>>, vector<16xi32>,
        %swap3A_67 = vector.shape_cast %swap3A_66 : vector<16xi32> to vector<16xi32>
        %swap3A_68 = vector.shape_cast %get3A_64 : vector<16xi32> to vector<16xi32>
        tpu.vector_store %arg19[%swap3A_65], %swap3A_68 {strides = array<i32>} : memref<64xi32, #tpu.memory_space<vmem>>, vector<16xi32>,
        %get3A_69 = arith.index_cast %scan3A_46 : i32 to index
        %get3A_70 = arith.constant 16 : index
        %get3A_71 = tpu.vector_load %arg18[%get3A_69, %get3A_70] {strides = array<i32>} : memref<4x64xi32, #tpu.memory_space<vmem>>, vector<1x16xi32>,
        %get3A_72 = vector.shape_cast %get3A_71 : vector<1x16xi32> to vector<16xi32>
        %swap3A_73 = arith.constant 16 : index
        %swap3A_74 = tpu.vector_load %arg20[%swap3A_73] {strides = array<i32>} : memref<64xi32, #tpu.memory_space<vmem>>, vector<16xi32>,
        %swap3A_75 = vector.shape_cast %swap3A_74 : vector<16xi32> to vector<16xi32>
        %swap3A_76 = vector.shape_cast %get3A_72 : vector<16xi32> to vector<16xi32>
        tpu.vector_store %arg20[%swap3A_73], %swap3A_76 {strides = array<i32>} : memref<64xi32, #tpu.memory_space<vmem>>, vector<16xi32>,
        %get3A_77 = arith.index_cast %scan3A_46 : i32 to index
        %get3A_78 = arith.constant 32 : index
        %get3A_79 = tpu.vector_load %arg17[%get3A_77, %get3A_78] {strides = array<i32>} : memref<4x64xi32, #tpu.memory_space<vmem>>, vector<1x16xi32>,
        %get3A_80 = vector.shape_cast %get3A_79 : vector<1x16xi32> to vector<16xi32>
        %swap3A_81 = arith.constant 32 : index
        %swap3A_82 = tpu.vector_load %arg19[%swap3A_81] {strides = array<i32>} : memref<64xi32, #tpu.memory_space<vmem>>, vector<16xi32>,
        %swap3A_83 = vector.shape_cast %swap3A_82 : vector<16xi32> to vector<16xi32>
        %swap3A_84 = vector.shape_cast %get3A_80 : vector<16xi32> to vector<16xi32>
        tpu.vector_store %arg19[%swap3A_81], %swap3A_84 {strides = array<i32>} : memref<64xi32, #tpu.memory_space<vmem>>, vector<16xi32>,
        %get3A_85 = arith.index_cast %scan3A_46 : i32 to index
        %get3A_86 = arith.constant 32 : index
        %get3A_87 = tpu.vector_load %arg18[%get3A_85, %get3A_86] {strides = array<i32>} : memref<4x64xi32, #tpu.memory_space<vmem>>, vector<1x16xi32>,
        %get3A_88 = vector.shape_cast %get3A_87 : vector<1x16xi32> to vector<16xi32>
        %swap3A_89 = arith.constant 32 : index
        %swap3A_90 = tpu.vector_load %arg20[%swap3A_89] {strides = array<i32>} : memref<64xi32, #tpu.memory_space<vmem>>, vector<16xi32>,
        %swap3A_91 = vector.shape_cast %swap3A_90 : vector<16xi32> to vector<16xi32>
        %swap3A_92 = vector.shape_cast %get3A_88 : vector<16xi32> to vector<16xi32>
        tpu.vector_store %arg20[%swap3A_89], %swap3A_92 {strides = array<i32>} : memref<64xi32, #tpu.memory_space<vmem>>, vector<16xi32>,
        %get3A_93 = arith.index_cast %scan3A_46 : i32 to index
        %get3A_94 = arith.constant 48 : index
        %get3A_95 = tpu.vector_load %arg17[%get3A_93, %get3A_94] {strides = array<i32>} : memref<4x64xi32, #tpu.memory_space<vmem>>, vector<1x16xi32>,
        %get3A_96 = vector.shape_cast %get3A_95 : vector<1x16xi32> to vector<16xi32>
        %swap3A_97 = arith.constant 48 : index
        %swap3A_98 = tpu.vector_load %arg19[%swap3A_97] {strides = array<i32>} : memref<64xi32, #tpu.memory_space<vmem>>, vector<16xi32>,
        %swap3A_99 = vector.shape_cast %swap3A_98 : vector<16xi32> to vector<16xi32>
        %swap3A_100 = vector.shape_cast %get3A_96 : vector<16xi32> to vector<16xi32>
        tpu.vector_store %arg19[%swap3A_97], %swap3A_100 {strides = array<i32>} : memref<64xi32, #tpu.memory_space<vmem>>, vector<16xi32>,
        %get3A_101 = arith.index_cast %scan3A_46 : i32 to index
        %get3A_102 = arith.constant 48 : index
        %get3A_103 = tpu.vector_load %arg18[%get3A_101, %get3A_102] {strides = array<i32>} : memref<4x64xi32, #tpu.memory_space<vmem>>, vector<1x16xi32>,
        %get3A_104 = vector.shape_cast %get3A_103 : vector<1x16xi32> to vector<16xi32>
        %swap3A_105 = arith.constant 48 : index
        %swap3A_106 = tpu.vector_load %arg20[%swap3A_105] {strides = array<i32>} : memref<64xi32, #tpu.memory_space<vmem>>, vector<16xi32>,
        %swap3A_107 = vector.shape_cast %swap3A_106 : vector<16xi32> to vector<16xi32>
        %swap3A_108 = vector.shape_cast %get3A_104 : vector<16xi32> to vector<16xi32>
        tpu.vector_store %arg20[%swap3A_105], %swap3A_108 {strides = array<i32>} : memref<64xi32, #tpu.memory_space<vmem>>, vector<16xi32>,
        %eq3A = arith.constant 0 : i32
        %eq3A_109 = arith.cmpi eq, %arg0, %eq3A : i32
        %convert_element_type3A = arith.extui %eq3A_109 : i1 to i32
        %cond3A = arith.constant 0 : i32
        %cond3A_110 = arith.cmpi ne, %convert_element_type3A, %cond3A : i32
        scf.if %cond3A_110 {
          %dma_start3A = arith.constant 0 : i32
          %dma_start3A_116 = arith.constant 0 : i32
          %dma_start3A_117 = tpu.memref_slice %arg2[%dma_start3A, %dma_start3A_116] : memref<10240x128xf32, #tpu.memory_space<hbm>> -> memref<10240x128xf32, #tpu.memory_space<hbm>>
          tpu.enqueue_indirect_dma source(%dma_start3A_117 : memref<10240x128xf32, #tpu.memory_space<hbm>>) target(%arg21 : memref<64x128xf32, #tpu.memory_space<vmem>>) offsets(%arg19 : memref<64xi32, #tpu.memory_space<vmem>>) semaphore(%arg23 : memref<!tpu.dma_semaphore, #tpu.memory_space<semaphore_mem>>)
          %dma_wait3A = arith.constant 0 : i32
          %dma_wait3A_118 = arith.constant 0 : i32
          %dma_wait3A_119 = tpu.memref_slice %arg2[%dma_wait3A, %dma_wait3A_118] : memref<10240x128xf32, #tpu.memory_space<hbm>> -> memref<10240x128xf32, #tpu.memory_space<hbm>>
          tpu.wait_indirect_dma semaphore(%arg23 : memref<!tpu.dma_semaphore, #tpu.memory_space<semaphore_mem>>) src(%dma_wait3A_119 : memref<10240x128xf32, #tpu.memory_space<hbm>>) dst(%arg21 : memref<64x128xf32, #tpu.memory_space<vmem>>)
          "tpu.region"() ({
            %run_scoped3A = tpu.sem_alloc : memref<!tpu.dma_semaphore, #tpu.memory_space<semaphore_mem>>
            %dma_start3A_120 = arith.constant 0 : i32
            %dma_start3A_121 = arith.constant 0 : i32
            %dma_start3A_122 = tpu.memref_slice %arg15[%dma_start3A_120, %dma_start3A_121] : memref<1024x128xf32, #tpu.memory_space<vmem_shared>> -> memref<1024x128xf32, #tpu.memory_space<vmem_shared>>
            tpu.enqueue_indirect_dma source(%arg21 : memref<64x128xf32, #tpu.memory_space<vmem>>) target(%dma_start3A_122 : memref<1024x128xf32, #tpu.memory_space<vmem_shared>>) offsets(%arg20 : memref<64xi32, #tpu.memory_space<vmem>>) semaphore(%run_scoped3A : memref<!tpu.dma_semaphore, #tpu.memory_space<semaphore_mem>>) {add = true}
            %dma_wait3A_123 = arith.constant 0 : i32
            %dma_wait3A_124 = arith.constant 0 : i32
            %dma_wait3A_125 = tpu.memref_slice %arg15[%dma_wait3A_123, %dma_wait3A_124] : memref<1024x128xf32, #tpu.memory_space<vmem_shared>> -> memref<1024x128xf32, #tpu.memory_space<vmem_shared>>
            tpu.wait_indirect_dma semaphore(%run_scoped3A : memref<!tpu.dma_semaphore, #tpu.memory_space<semaphore_mem>>) src(%arg21 : memref<64x128xf32, #tpu.memory_space<vmem>>) dst(%dma_wait3A_125 : memref<1024x128xf32, #tpu.memory_space<vmem_shared>>)
            tpu.yield
          }) : () -> ()
        } else {
        }
        %eq3A_111 = arith.constant 1 : i32
        %eq3A_112 = arith.cmpi eq, %arg0, %eq3A_111 : i32
        %convert_element_type3A_113 = arith.extui %eq3A_112 : i1 to i32
        %cond3A_114 = arith.constant 0 : i32
        %cond3A_115 = arith.cmpi ne, %convert_element_type3A_113, %cond3A_114 : i32
        scf.if %cond3A_115 {
          "tpu.region"() ({
            %run_scoped3A = tpu.sem_alloc : memref<!tpu.dma_semaphore, #tpu.memory_space<semaphore_mem>>
            %dma_start3A = arith.constant 0 : i32
            %dma_start3A_116 = arith.constant 0 : i32
            %dma_start3A_117 = tpu.memref_slice %arg15[%dma_start3A, %dma_start3A_116] : memref<1024x128xf32, #tpu.memory_space<vmem_shared>> -> memref<1024x128xf32, #tpu.memory_space<vmem_shared>>
            tpu.enqueue_indirect_dma source(%arg22 : memref<64x128xf32, #tpu.memory_space<vmem>>) target(%dma_start3A_117 : memref<1024x128xf32, #tpu.memory_space<vmem_shared>>) offsets(%arg20 : memref<64xi32, #tpu.memory_space<vmem>>) semaphore(%run_scoped3A : memref<!tpu.dma_semaphore, #tpu.memory_space<semaphore_mem>>) {add = true}
            %dma_wait3A = arith.constant 0 : i32
            %dma_wait3A_118 = arith.constant 0 : i32
            %dma_wait3A_119 = tpu.memref_slice %arg15[%dma_wait3A, %dma_wait3A_118] : memref<1024x128xf32, #tpu.memory_space<vmem_shared>> -> memref<1024x128xf32, #tpu.memory_space<vmem_shared>>
            tpu.wait_indirect_dma semaphore(%run_scoped3A : memref<!tpu.dma_semaphore, #tpu.memory_space<semaphore_mem>>) src(%arg22 : memref<64x128xf32, #tpu.memory_space<vmem>>) dst(%dma_wait3A_119 : memref<1024x128xf32, #tpu.memory_space<vmem_shared>>)
            tpu.yield
          }) : () -> ()
        } else {
        }
      }
      %scan3A_45 = arith.constant 4 : i32
    }
    %scan3A_15 = arith.constant 3 : i32
    %scan3A_16 = arith.constant 0 : i32
    %scan3A_17 = arith.constant 0 : i32
    %scan3A_18 = arith.constant 3 : i32
    %scan3A_19 = arith.addi %scan3A_17, %scan3A_18 : i32
    %scan3A_20 = arith.constant 1 : i32
    scf.for %scan3A_35 = %scan3A_17 to %scan3A_19 step %scan3A_20  : i32 {
      %mul3A_36 = arith.constant 4 : i32
      %mul3A_37 = arith.muli %scan3A_35, %mul3A_36 : i32
      "tpu.region"() ({
        %run_scoped3A = tpu.sem_alloc : memref<!tpu.dma_semaphore, #tpu.memory_space<semaphore_mem>>
        %dma_start3A = arith.constant 0 : i32
        %dma_start3A_46 = arith.constant 0 : i32
        %dma_start3A_47 = tpu.memref_slice %arg17[%dma_start3A, %dma_start3A_46] : memref<4x64xi32, #tpu.memory_space<vmem>> -> memref<4x64xi32, #tpu.memory_space<vmem>>
        %dma_start3A_48 = arith.constant 0 : i32
        %dma_start3A_49 = tpu.memref_slice %arg7[%arg1, %mul3A_37, %dma_start3A_48] : memref<16x12x64xi32, #tpu.memory_space<hbm>> -> memref<1x4x64xi32, #tpu.memory_space<hbm>>
        %dma_start3A_50 = tpu.memref_squeeze %dma_start3A_49 : memref<1x4x64xi32, #tpu.memory_space<hbm>> -> memref<4x64xi32, #tpu.memory_space<hbm>>
        %dma_start3A_51 = arith.constant 0 : i32
        %dma_start3A_52 = arith.constant 0 : i32
        %dma_start3A_53 = tpu.memref_slice %arg17[%dma_start3A_51, %dma_start3A_52] : memref<4x64xi32, #tpu.memory_space<vmem>> -> memref<4x64xi32, #tpu.memory_space<vmem>>
        %dma_start3A_54 = arith.constant 0 : i32
        %dma_start3A_55 = tpu.memref_slice %arg7[%arg1, %mul3A_37, %dma_start3A_54] : memref<16x12x64xi32, #tpu.memory_space<hbm>> -> memref<1x4x64xi32, #tpu.memory_space<hbm>>
        %dma_start3A_56 = tpu.memref_squeeze %dma_start3A_55 : memref<1x4x64xi32, #tpu.memory_space<hbm>> -> memref<4x64xi32, #tpu.memory_space<hbm>>
        tpu.enqueue_dma source(%dma_start3A_56 : memref<4x64xi32, #tpu.memory_space<hbm>>) target(%dma_start3A_53 : memref<4x64xi32, #tpu.memory_space<vmem>>) target_semaphore(%run_scoped3A : memref<!tpu.dma_semaphore, #tpu.memory_space<semaphore_mem>>)
        %dma_wait3A = arith.constant 0 : i32
        %dma_wait3A_57 = arith.constant 0 : i32
        %dma_wait3A_58 = tpu.memref_slice %arg17[%dma_wait3A, %dma_wait3A_57] : memref<4x64xi32, #tpu.memory_space<vmem>> -> memref<4x64xi32, #tpu.memory_space<vmem>>
        %dma_wait3A_59 = arith.constant 0 : i32
        %dma_wait3A_60 = tpu.memref_slice %arg7[%arg1, %mul3A_37, %dma_wait3A_59] : memref<16x12x64xi32, #tpu.memory_space<hbm>> -> memref<1x4x64xi32, #tpu.memory_space<hbm>>
        %dma_wait3A_61 = tpu.memref_squeeze %dma_wait3A_60 : memref<1x4x64xi32, #tpu.memory_space<hbm>> -> memref<4x64xi32, #tpu.memory_space<hbm>>
        %dma_wait3A_62 = arith.constant 0 : i32
        %dma_wait3A_63 = arith.constant 0 : i32
        %dma_wait3A_64 = tpu.memref_slice %arg17[%dma_wait3A_62, %dma_wait3A_63] : memref<4x64xi32, #tpu.memory_space<vmem>> -> memref<4x64xi32, #tpu.memory_space<vmem>>
        %dma_wait3A_65 = arith.constant 0 : i32
        %dma_wait3A_66 = tpu.memref_slice %arg7[%arg1, %mul3A_37, %dma_wait3A_65] : memref<16x12x64xi32, #tpu.memory_space<hbm>> -> memref<1x4x64xi32, #tpu.memory_space<hbm>>
        %dma_wait3A_67 = tpu.memref_squeeze %dma_wait3A_66 : memref<1x4x64xi32, #tpu.memory_space<hbm>> -> memref<4x64xi32, #tpu.memory_space<hbm>>
        tpu.wait_dma2 semaphore(%run_scoped3A : memref<!tpu.dma_semaphore, #tpu.memory_space<semaphore_mem>>) src(%dma_wait3A_67 : memref<4x64xi32, #tpu.memory_space<hbm>>) dst(%dma_wait3A_64 : memref<4x64xi32, #tpu.memory_space<vmem>>)
        tpu.yield
      }) : () -> ()
      %mul3A_38 = arith.constant 4 : i32
      %mul3A_39 = arith.muli %scan3A_35, %mul3A_38 : i32
      "tpu.region"() ({
        %run_scoped3A = tpu.sem_alloc : memref<!tpu.dma_semaphore, #tpu.memory_space<semaphore_mem>>
        %dma_start3A = arith.constant 0 : i32
        %dma_start3A_46 = arith.constant 0 : i32
        %dma_start3A_47 = tpu.memref_slice %arg18[%dma_start3A, %dma_start3A_46] : memref<4x64xi32, #tpu.memory_space<vmem>> -> memref<4x64xi32, #tpu.memory_space<vmem>>
        %dma_start3A_48 = arith.constant 0 : i32
        %dma_start3A_49 = tpu.memref_slice %arg8[%arg1, %mul3A_39, %dma_start3A_48] : memref<16x12x64xi32, #tpu.memory_space<hbm>> -> memref<1x4x64xi32, #tpu.memory_space<hbm>>
        %dma_start3A_50 = tpu.memref_squeeze %dma_start3A_49 : memref<1x4x64xi32, #tpu.memory_space<hbm>> -> memref<4x64xi32, #tpu.memory_space<hbm>>
        %dma_start3A_51 = arith.constant 0 : i32
        %dma_start3A_52 = arith.constant 0 : i32
        %dma_start3A_53 = tpu.memref_slice %arg18[%dma_start3A_51, %dma_start3A_52] : memref<4x64xi32, #tpu.memory_space<vmem>> -> memref<4x64xi32, #tpu.memory_space<vmem>>
        %dma_start3A_54 = arith.constant 0 : i32
        %dma_start3A_55 = tpu.memref_slice %arg8[%arg1, %mul3A_39, %dma_start3A_54] : memref<16x12x64xi32, #tpu.memory_space<hbm>> -> memref<1x4x64xi32, #tpu.memory_space<hbm>>
        %dma_start3A_56 = tpu.memref_squeeze %dma_start3A_55 : memref<1x4x64xi32, #tpu.memory_space<hbm>> -> memref<4x64xi32, #tpu.memory_space<hbm>>
        tpu.enqueue_dma source(%dma_start3A_56 : memref<4x64xi32, #tpu.memory_space<hbm>>) target(%dma_start3A_53 : memref<4x64xi32, #tpu.memory_space<vmem>>) target_semaphore(%run_scoped3A : memref<!tpu.dma_semaphore, #tpu.memory_space<semaphore_mem>>)
        %dma_wait3A = arith.constant 0 : i32
        %dma_wait3A_57 = arith.constant 0 : i32
        %dma_wait3A_58 = tpu.memref_slice %arg18[%dma_wait3A, %dma_wait3A_57] : memref<4x64xi32, #tpu.memory_space<vmem>> -> memref<4x64xi32, #tpu.memory_space<vmem>>
        %dma_wait3A_59 = arith.constant 0 : i32
        %dma_wait3A_60 = tpu.memref_slice %arg8[%arg1, %mul3A_39, %dma_wait3A_59] : memref<16x12x64xi32, #tpu.memory_space<hbm>> -> memref<1x4x64xi32, #tpu.memory_space<hbm>>
        %dma_wait3A_61 = tpu.memref_squeeze %dma_wait3A_60 : memref<1x4x64xi32, #tpu.memory_space<hbm>> -> memref<4x64xi32, #tpu.memory_space<hbm>>
        %dma_wait3A_62 = arith.constant 0 : i32
        %dma_wait3A_63 = arith.constant 0 : i32
        %dma_wait3A_64 = tpu.memref_slice %arg18[%dma_wait3A_62, %dma_wait3A_63] : memref<4x64xi32, #tpu.memory_space<vmem>> -> memref<4x64xi32, #tpu.memory_space<vmem>>
        %dma_wait3A_65 = arith.constant 0 : i32
        %dma_wait3A_66 = tpu.memref_slice %arg8[%arg1, %mul3A_39, %dma_wait3A_65] : memref<16x12x64xi32, #tpu.memory_space<hbm>> -> memref<1x4x64xi32, #tpu.memory_space<hbm>>
        %dma_wait3A_67 = tpu.memref_squeeze %dma_wait3A_66 : memref<1x4x64xi32, #tpu.memory_space<hbm>> -> memref<4x64xi32, #tpu.memory_space<hbm>>
        tpu.wait_dma2 semaphore(%run_scoped3A : memref<!tpu.dma_semaphore, #tpu.memory_space<semaphore_mem>>) src(%dma_wait3A_67 : memref<4x64xi32, #tpu.memory_space<hbm>>) dst(%dma_wait3A_64 : memref<4x64xi32, #tpu.memory_space<vmem>>)
        tpu.yield
      }) : () -> ()
      %scan3A_40 = arith.constant 0 : i32
      %scan3A_41 = arith.constant 0 : i32
      %scan3A_42 = arith.constant 4 : i32
      %scan3A_43 = arith.addi %scan3A_41, %scan3A_42 : i32
      %scan3A_44 = arith.constant 1 : i32
      scf.for %scan3A_46 = %scan3A_41 to %scan3A_43 step %scan3A_44  : i32 {
        %get3A = arith.index_cast %scan3A_46 : i32 to index
        %get3A_47 = arith.constant 0 : index
        %get3A_48 = tpu.vector_load %arg17[%get3A, %get3A_47] {strides = array<i32>} : memref<4x64xi32, #tpu.memory_space<vmem>>, vector<1x16xi32>,
        %get3A_49 = vector.shape_cast %get3A_48 : vector<1x16xi32> to vector<16xi32>
        %swap3A = arith.constant 0 : index
        %swap3A_50 = tpu.vector_load %arg19[%swap3A] {strides = array<i32>} : memref<64xi32, #tpu.memory_space<vmem>>, vector<16xi32>,
        %swap3A_51 = vector.shape_cast %swap3A_50 : vector<16xi32> to vector<16xi32>
        %swap3A_52 = vector.shape_cast %get3A_49 : vector<16xi32> to vector<16xi32>
        tpu.vector_store %arg19[%swap3A], %swap3A_52 {strides = array<i32>} : memref<64xi32, #tpu.memory_space<vmem>>, vector<16xi32>,
        %get3A_53 = arith.index_cast %scan3A_46 : i32 to index
        %get3A_54 = arith.constant 0 : index
        %get3A_55 = tpu.vector_load %arg18[%get3A_53, %get3A_54] {strides = array<i32>} : memref<4x64xi32, #tpu.memory_space<vmem>>, vector<1x16xi32>,
        %get3A_56 = vector.shape_cast %get3A_55 : vector<1x16xi32> to vector<16xi32>
        %swap3A_57 = arith.constant 0 : index
        %swap3A_58 = tpu.vector_load %arg20[%swap3A_57] {strides = array<i32>} : memref<64xi32, #tpu.memory_space<vmem>>, vector<16xi32>,
        %swap3A_59 = vector.shape_cast %swap3A_58 : vector<16xi32> to vector<16xi32>
        %swap3A_60 = vector.shape_cast %get3A_56 : vector<16xi32> to vector<16xi32>
        tpu.vector_store %arg20[%swap3A_57], %swap3A_60 {strides = array<i32>} : memref<64xi32, #tpu.memory_space<vmem>>, vector<16xi32>,
        %get3A_61 = arith.index_cast %scan3A_46 : i32 to index
        %get3A_62 = arith.constant 16 : index
        %get3A_63 = tpu.vector_load %arg17[%get3A_61, %get3A_62] {strides = array<i32>} : memref<4x64xi32, #tpu.memory_space<vmem>>, vector<1x16xi32>,
        %get3A_64 = vector.shape_cast %get3A_63 : vector<1x16xi32> to vector<16xi32>
        %swap3A_65 = arith.constant 16 : index
        %swap3A_66 = tpu.vector_load %arg19[%swap3A_65] {strides = array<i32>} : memref<64xi32, #tpu.memory_space<vmem>>, vector<16xi32>,
        %swap3A_67 = vector.shape_cast %swap3A_66 : vector<16xi32> to vector<16xi32>
        %swap3A_68 = vector.shape_cast %get3A_64 : vector<16xi32> to vector<16xi32>
        tpu.vector_store %arg19[%swap3A_65], %swap3A_68 {strides = array<i32>} : memref<64xi32, #tpu.memory_space<vmem>>, vector<16xi32>,
        %get3A_69 = arith.index_cast %scan3A_46 : i32 to index
        %get3A_70 = arith.constant 16 : index
        %get3A_71 = tpu.vector_load %arg18[%get3A_69, %get3A_70] {strides = array<i32>} : memref<4x64xi32, #tpu.memory_space<vmem>>, vector<1x16xi32>,
        %get3A_72 = vector.shape_cast %get3A_71 : vector<1x16xi32> to vector<16xi32>
        %swap3A_73 = arith.constant 16 : index
        %swap3A_74 = tpu.vector_load %arg20[%swap3A_73] {strides = array<i32>} : memref<64xi32, #tpu.memory_space<vmem>>, vector<16xi32>,
        %swap3A_75 = vector.shape_cast %swap3A_74 : vector<16xi32> to vector<16xi32>
        %swap3A_76 = vector.shape_cast %get3A_72 : vector<16xi32> to vector<16xi32>
        tpu.vector_store %arg20[%swap3A_73], %swap3A_76 {strides = array<i32>} : memref<64xi32, #tpu.memory_space<vmem>>, vector<16xi32>,
        %get3A_77 = arith.index_cast %scan3A_46 : i32 to index
        %get3A_78 = arith.constant 32 : index
        %get3A_79 = tpu.vector_load %arg17[%get3A_77, %get3A_78] {strides = array<i32>} : memref<4x64xi32, #tpu.memory_space<vmem>>, vector<1x16xi32>,
        %get3A_80 = vector.shape_cast %get3A_79 : vector<1x16xi32> to vector<16xi32>
        %swap3A_81 = arith.constant 32 : index
        %swap3A_82 = tpu.vector_load %arg19[%swap3A_81] {strides = array<i32>} : memref<64xi32, #tpu.memory_space<vmem>>, vector<16xi32>,
        %swap3A_83 = vector.shape_cast %swap3A_82 : vector<16xi32> to vector<16xi32>
        %swap3A_84 = vector.shape_cast %get3A_80 : vector<16xi32> to vector<16xi32>
        tpu.vector_store %arg19[%swap3A_81], %swap3A_84 {strides = array<i32>} : memref<64xi32, #tpu.memory_space<vmem>>, vector<16xi32>,
        %get3A_85 = arith.index_cast %scan3A_46 : i32 to index
        %get3A_86 = arith.constant 32 : index
        %get3A_87 = tpu.vector_load %arg18[%get3A_85, %get3A_86] {strides = array<i32>} : memref<4x64xi32, #tpu.memory_space<vmem>>, vector<1x16xi32>,
        %get3A_88 = vector.shape_cast %get3A_87 : vector<1x16xi32> to vector<16xi32>
        %swap3A_89 = arith.constant 32 : index
        %swap3A_90 = tpu.vector_load %arg20[%swap3A_89] {strides = array<i32>} : memref<64xi32, #tpu.memory_space<vmem>>, vector<16xi32>,
        %swap3A_91 = vector.shape_cast %swap3A_90 : vector<16xi32> to vector<16xi32>
        %swap3A_92 = vector.shape_cast %get3A_88 : vector<16xi32> to vector<16xi32>
        tpu.vector_store %arg20[%swap3A_89], %swap3A_92 {strides = array<i32>} : memref<64xi32, #tpu.memory_space<vmem>>, vector<16xi32>,
        %get3A_93 = arith.index_cast %scan3A_46 : i32 to index
        %get3A_94 = arith.constant 48 : index
        %get3A_95 = tpu.vector_load %arg17[%get3A_93, %get3A_94] {strides = array<i32>} : memref<4x64xi32, #tpu.memory_space<vmem>>, vector<1x16xi32>,
        %get3A_96 = vector.shape_cast %get3A_95 : vector<1x16xi32> to vector<16xi32>
        %swap3A_97 = arith.constant 48 : index
        %swap3A_98 = tpu.vector_load %arg19[%swap3A_97] {strides = array<i32>} : memref<64xi32, #tpu.memory_space<vmem>>, vector<16xi32>,
        %swap3A_99 = vector.shape_cast %swap3A_98 : vector<16xi32> to vector<16xi32>
        %swap3A_100 = vector.shape_cast %get3A_96 : vector<16xi32> to vector<16xi32>
        tpu.vector_store %arg19[%swap3A_97], %swap3A_100 {strides = array<i32>} : memref<64xi32, #tpu.memory_space<vmem>>, vector<16xi32>,
        %get3A_101 = arith.index_cast %scan3A_46 : i32 to index
        %get3A_102 = arith.constant 48 : index
        %get3A_103 = tpu.vector_load %arg18[%get3A_101, %get3A_102] {strides = array<i32>} : memref<4x64xi32, #tpu.memory_space<vmem>>, vector<1x16xi32>,
        %get3A_104 = vector.shape_cast %get3A_103 : vector<1x16xi32> to vector<16xi32>
        %swap3A_105 = arith.constant 48 : index
        %swap3A_106 = tpu.vector_load %arg20[%swap3A_105] {strides = array<i32>} : memref<64xi32, #tpu.memory_space<vmem>>, vector<16xi32>,
        %swap3A_107 = vector.shape_cast %swap3A_106 : vector<16xi32> to vector<16xi32>
        %swap3A_108 = vector.shape_cast %get3A_104 : vector<16xi32> to vector<16xi32>
        tpu.vector_store %arg20[%swap3A_105], %swap3A_108 {strides = array<i32>} : memref<64xi32, #tpu.memory_space<vmem>>, vector<16xi32>,
        %eq3A = arith.constant 0 : i32
        %eq3A_109 = arith.cmpi eq, %arg0, %eq3A : i32
        %convert_element_type3A = arith.extui %eq3A_109 : i1 to i32
        %cond3A = arith.constant 0 : i32
        %cond3A_110 = arith.cmpi ne, %convert_element_type3A, %cond3A : i32
        scf.if %cond3A_110 {
          %dma_start3A = arith.constant 0 : i32
          %dma_start3A_116 = arith.constant 0 : i32
          %dma_start3A_117 = tpu.memref_slice %arg2[%dma_start3A, %dma_start3A_116] : memref<10240x128xf32, #tpu.memory_space<hbm>> -> memref<10240x128xf32, #tpu.memory_space<hbm>>
          tpu.enqueue_indirect_dma source(%dma_start3A_117 : memref<10240x128xf32, #tpu.memory_space<hbm>>) target(%arg21 : memref<64x128xf32, #tpu.memory_space<vmem>>) offsets(%arg19 : memref<64xi32, #tpu.memory_space<vmem>>) semaphore(%arg23 : memref<!tpu.dma_semaphore, #tpu.memory_space<semaphore_mem>>)
          %dma_wait3A = arith.constant 0 : i32
          %dma_wait3A_118 = arith.constant 0 : i32
          %dma_wait3A_119 = tpu.memref_slice %arg2[%dma_wait3A, %dma_wait3A_118] : memref<10240x128xf32, #tpu.memory_space<hbm>> -> memref<10240x128xf32, #tpu.memory_space<hbm>>
          tpu.wait_indirect_dma semaphore(%arg23 : memref<!tpu.dma_semaphore, #tpu.memory_space<semaphore_mem>>) src(%dma_wait3A_119 : memref<10240x128xf32, #tpu.memory_space<hbm>>) dst(%arg21 : memref<64x128xf32, #tpu.memory_space<vmem>>)
          "tpu.region"() ({
            %run_scoped3A = tpu.sem_alloc : memref<!tpu.dma_semaphore, #tpu.memory_space<semaphore_mem>>
            %dma_start3A_120 = arith.constant 0 : i32
            %dma_start3A_121 = arith.constant 0 : i32
            %dma_start3A_122 = tpu.memref_slice %arg16[%dma_start3A_120, %dma_start3A_121] : memref<1024x128xf32, #tpu.memory_space<vmem_shared>> -> memref<1024x128xf32, #tpu.memory_space<vmem_shared>>
            tpu.enqueue_indirect_dma source(%arg21 : memref<64x128xf32, #tpu.memory_space<vmem>>) target(%dma_start3A_122 : memref<1024x128xf32, #tpu.memory_space<vmem_shared>>) offsets(%arg20 : memref<64xi32, #tpu.memory_space<vmem>>) semaphore(%run_scoped3A : memref<!tpu.dma_semaphore, #tpu.memory_space<semaphore_mem>>) {add = true}
            %dma_wait3A_123 = arith.constant 0 : i32
            %dma_wait3A_124 = arith.constant 0 : i32
            %dma_wait3A_125 = tpu.memref_slice %arg16[%dma_wait3A_123, %dma_wait3A_124] : memref<1024x128xf32, #tpu.memory_space<vmem_shared>> -> memref<1024x128xf32, #tpu.memory_space<vmem_shared>>
            tpu.wait_indirect_dma semaphore(%run_scoped3A : memref<!tpu.dma_semaphore, #tpu.memory_space<semaphore_mem>>) src(%arg21 : memref<64x128xf32, #tpu.memory_space<vmem>>) dst(%dma_wait3A_125 : memref<1024x128xf32, #tpu.memory_space<vmem_shared>>)
            tpu.yield
          }) : () -> ()
        } else {
        }
        %eq3A_111 = arith.constant 1 : i32
        %eq3A_112 = arith.cmpi eq, %arg0, %eq3A_111 : i32
        %convert_element_type3A_113 = arith.extui %eq3A_112 : i1 to i32
        %cond3A_114 = arith.constant 0 : i32
        %cond3A_115 = arith.cmpi ne, %convert_element_type3A_113, %cond3A_114 : i32
        scf.if %cond3A_115 {
          "tpu.region"() ({
            %run_scoped3A = tpu.sem_alloc : memref<!tpu.dma_semaphore, #tpu.memory_space<semaphore_mem>>
            %dma_start3A = arith.constant 0 : i32
            %dma_start3A_116 = arith.constant 0 : i32
            %dma_start3A_117 = tpu.memref_slice %arg16[%dma_start3A, %dma_start3A_116] : memref<1024x128xf32, #tpu.memory_space<vmem_shared>> -> memref<1024x128xf32, #tpu.memory_space<vmem_shared>>
            tpu.enqueue_indirect_dma source(%arg22 : memref<64x128xf32, #tpu.memory_space<vmem>>) target(%dma_start3A_117 : memref<1024x128xf32, #tpu.memory_space<vmem_shared>>) offsets(%arg20 : memref<64xi32, #tpu.memory_space<vmem>>) semaphore(%run_scoped3A : memref<!tpu.dma_semaphore, #tpu.memory_space<semaphore_mem>>) {add = true}
            %dma_wait3A = arith.constant 0 : i32
            %dma_wait3A_118 = arith.constant 0 : i32
            %dma_wait3A_119 = tpu.memref_slice %arg16[%dma_wait3A, %dma_wait3A_118] : memref<1024x128xf32, #tpu.memory_space<vmem_shared>> -> memref<1024x128xf32, #tpu.memory_space<vmem_shared>>
            tpu.wait_indirect_dma semaphore(%run_scoped3A : memref<!tpu.dma_semaphore, #tpu.memory_space<semaphore_mem>>) src(%arg22 : memref<64x128xf32, #tpu.memory_space<vmem>>) dst(%dma_wait3A_119 : memref<1024x128xf32, #tpu.memory_space<vmem_shared>>)
            tpu.yield
          }) : () -> ()
        } else {
        }
      }
      %scan3A_45 = arith.constant 4 : i32
    }
    %scan3A_21 = arith.constant 3 : i32
    %barrier3A_22 = arith.constant 0 : index
    tpu.barrier barrier_id(%barrier3A_22)
    %mul3A_23 = arith.constant 640 : i32
    %mul3A_24 = arith.muli %arg1, %mul3A_23 : i32
    %mul3A_25 = arith.constant 640 : i32
    %mul3A_26 = arith.muli %arg1, %mul3A_25 : i32
    "tpu.region"() ({
      %run_scoped3A = tpu.sem_alloc : memref<!tpu.dma_semaphore, #tpu.memory_space<semaphore_mem>>
      %dma_start3A = arith.constant 0 : i32
      %dma_start3A_35 = tpu.memref_slice %arg11[%arg0, %mul3A_26, %dma_start3A] : memref<2x10240x128xf32, #tpu.memory_space<hbm>> -> memref<1x640x128xf32, #tpu.memory_space<hbm>>
      %dma_start3A_36 = tpu.memref_squeeze %dma_start3A_35 : memref<1x640x128xf32, #tpu.memory_space<hbm>> -> memref<640x128xf32, #tpu.memory_space<hbm>>
      %dma_start3A_37 = arith.constant 0 : i32
      %dma_start3A_38 = tpu.memref_slice %arg14[%mul3A_24, %dma_start3A_37] : memref<10240x128xf32, #tpu.memory_space<vmem_shared>> -> memref<640x128xf32, #tpu.memory_space<vmem_shared>>
      tpu.enqueue_dma source(%dma_start3A_38 : memref<640x128xf32, #tpu.memory_space<vmem_shared>>) target(%dma_start3A_36 : memref<640x128xf32, #tpu.memory_space<hbm>>) target_semaphore(%run_scoped3A : memref<!tpu.dma_semaphore, #tpu.memory_space<semaphore_mem>>)
      %dma_wait3A = arith.constant 0 : i32
      %dma_wait3A_39 = tpu.memref_slice %arg11[%arg0, %mul3A_26, %dma_wait3A] : memref<2x10240x128xf32, #tpu.memory_space<hbm>> -> memref<1x640x128xf32, #tpu.memory_space<hbm>>
      %dma_wait3A_40 = tpu.memref_squeeze %dma_wait3A_39 : memref<1x640x128xf32, #tpu.memory_space<hbm>> -> memref<640x128xf32, #tpu.memory_space<hbm>>
      %dma_wait3A_41 = arith.constant 0 : i32
      %dma_wait3A_42 = tpu.memref_slice %arg14[%mul3A_24, %dma_wait3A_41] : memref<10240x128xf32, #tpu.memory_space<vmem_shared>> -> memref<640x128xf32, #tpu.memory_space<vmem_shared>>
      tpu.wait_dma2 semaphore(%run_scoped3A : memref<!tpu.dma_semaphore, #tpu.memory_space<semaphore_mem>>) src(%dma_wait3A_42 : memref<640x128xf32, #tpu.memory_space<vmem_shared>>) dst(%dma_wait3A_40 : memref<640x128xf32, #tpu.memory_space<hbm>>)
      tpu.yield
    }) : () -> ()
    %mul3A_27 = arith.constant 64 : i32
    %mul3A_28 = arith.muli %arg1, %mul3A_27 : i32
    %mul3A_29 = arith.constant 64 : i32
    %mul3A_30 = arith.muli %arg1, %mul3A_29 : i32
    "tpu.region"() ({
      %run_scoped3A = tpu.sem_alloc : memref<!tpu.dma_semaphore, #tpu.memory_space<semaphore_mem>>
      %dma_start3A = arith.constant 0 : i32
      %dma_start3A_35 = tpu.memref_slice %arg12[%arg0, %mul3A_30, %dma_start3A] : memref<2x1024x128xf32, #tpu.memory_space<hbm>> -> memref<1x64x128xf32, #tpu.memory_space<hbm>>
      %dma_start3A_36 = tpu.memref_squeeze %dma_start3A_35 : memref<1x64x128xf32, #tpu.memory_space<hbm>> -> memref<64x128xf32, #tpu.memory_space<hbm>>
      %dma_start3A_37 = arith.constant 0 : i32
      %dma_start3A_38 = tpu.memref_slice %arg15[%mul3A_28, %dma_start3A_37] : memref<1024x128xf32, #tpu.memory_space<vmem_shared>> -> memref<64x128xf32, #tpu.memory_space<vmem_shared>>
      tpu.enqueue_dma source(%dma_start3A_38 : memref<64x128xf32, #tpu.memory_space<vmem_shared>>) target(%dma_start3A_36 : memref<64x128xf32, #tpu.memory_space<hbm>>) target_semaphore(%run_scoped3A : memref<!tpu.dma_semaphore, #tpu.memory_space<semaphore_mem>>)
      %dma_wait3A = arith.constant 0 : i32
      %dma_wait3A_39 = tpu.memref_slice %arg12[%arg0, %mul3A_30, %dma_wait3A] : memref<2x1024x128xf32, #tpu.memory_space<hbm>> -> memref<1x64x128xf32, #tpu.memory_space<hbm>>
      %dma_wait3A_40 = tpu.memref_squeeze %dma_wait3A_39 : memref<1x64x128xf32, #tpu.memory_space<hbm>> -> memref<64x128xf32, #tpu.memory_space<hbm>>
      %dma_wait3A_41 = arith.constant 0 : i32
      %dma_wait3A_42 = tpu.memref_slice %arg15[%mul3A_28, %dma_wait3A_41] : memref<1024x128xf32, #tpu.memory_space<vmem_shared>> -> memref<64x128xf32, #tpu.memory_space<vmem_shared>>
      tpu.wait_dma2 semaphore(%run_scoped3A : memref<!tpu.dma_semaphore, #tpu.memory_space<semaphore_mem>>) src(%dma_wait3A_42 : memref<64x128xf32, #tpu.memory_space<vmem_shared>>) dst(%dma_wait3A_40 : memref<64x128xf32, #tpu.memory_space<hbm>>)
      tpu.yield
    }) : () -> ()
    %mul3A_31 = arith.constant 64 : i32
    %mul3A_32 = arith.muli %arg1, %mul3A_31 : i32
    %mul3A_33 = arith.constant 64 : i32
    %mul3A_34 = arith.muli %arg1, %mul3A_33 : i32
    "tpu.region"() ({
      %run_scoped3A = tpu.sem_alloc : memref<!tpu.dma_semaphore, #tpu.memory_space<semaphore_mem>>
      %dma_start3A = arith.constant 0 : i32
      %dma_start3A_35 = tpu.memref_slice %arg13[%arg0, %mul3A_34, %dma_start3A] : memref<2x1024x128xf32, #tpu.memory_space<hbm>> -> memref<1x64x128xf32, #tpu.memory_space<hbm>>
      %dma_start3A_36 = tpu.memref_squeeze %dma_start3A_35 : memref<1x64x128xf32, #tpu.memory_space<hbm>> -> memref<64x128xf32, #tpu.memory_space<hbm>>
      %dma_start3A_37 = arith.constant 0 : i32
      %dma_start3A_38 = tpu.memref_slice %arg16[%mul3A_32, %dma_start3A_37] : memref<1024x128xf32, #tpu.memory_space<vmem_shared>> -> memref<64x128xf32, #tpu.memory_space<vmem_shared>>
      tpu.enqueue_dma source(%dma_start3A_38 : memref<64x128xf32, #tpu.memory_space<vmem_shared>>) target(%dma_start3A_36 : memref<64x128xf32, #tpu.memory_space<hbm>>) target_semaphore(%run_scoped3A : memref<!tpu.dma_semaphore, #tpu.memory_space<semaphore_mem>>)
      %dma_wait3A = arith.constant 0 : i32
      %dma_wait3A_39 = tpu.memref_slice %arg13[%arg0, %mul3A_34, %dma_wait3A] : memref<2x1024x128xf32, #tpu.memory_space<hbm>> -> memref<1x64x128xf32, #tpu.memory_space<hbm>>
      %dma_wait3A_40 = tpu.memref_squeeze %dma_wait3A_39 : memref<1x64x128xf32, #tpu.memory_space<hbm>> -> memref<64x128xf32, #tpu.memory_space<hbm>>
      %dma_wait3A_41 = arith.constant 0 : i32
      %dma_wait3A_42 = tpu.memref_slice %arg16[%mul3A_32, %dma_wait3A_41] : memref<1024x128xf32, #tpu.memory_space<vmem_shared>> -> memref<64x128xf32, #tpu.memory_space<vmem_shared>>
      tpu.wait_dma2 semaphore(%run_scoped3A : memref<!tpu.dma_semaphore, #tpu.memory_space<semaphore_mem>>) src(%dma_wait3A_42 : memref<64x128xf32, #tpu.memory_space<vmem_shared>>) dst(%dma_wait3A_40 : memref<64x128xf32, #tpu.memory_space<hbm>>)
      tpu.yield
    }) : () -> ()
    return
  }
}

#map = affine_map<(d0, d1) -> (0, 0)>
#map1 = affine_map<(d0, d1) -> (0, 0, 0)>
module attributes {stable_mosaic.version = 14 : i64} {
  func.func @_sc_agg_body(%arg0: i32, %arg1: i32, %arg2: memref<10240x128xf32, #tpu.memory_space<hbm>>, %arg3: memref<16x320x64xi32, #tpu.memory_space<hbm>>, %arg4: memref<16x320x64xi32, #tpu.memory_space<hbm>>, %arg5: memref<16x12x64xi32, #tpu.memory_space<hbm>>, %arg6: memref<16x12x64xi32, #tpu.memory_space<hbm>>, %arg7: memref<16x12x64xi32, #tpu.memory_space<hbm>>, %arg8: memref<16x12x64xi32, #tpu.memory_space<hbm>>, %arg9: memref<640x128xf32, #tpu.memory_space<hbm>>, %arg10: memref<64x128xf32, #tpu.memory_space<hbm>>, %arg11: memref<2x10240x128xf32, #tpu.memory_space<hbm>>, %arg12: memref<2x1024x128xf32, #tpu.memory_space<hbm>>, %arg13: memref<2x1024x128xf32, #tpu.memory_space<hbm>>, %arg14: memref<10240x128xf32, #tpu.memory_space<vmem_shared>>, %arg15: memref<1024x128xf32, #tpu.memory_space<vmem_shared>>, %arg16: memref<1024x128xf32, #tpu.memory_space<vmem_shared>>, %arg17: memref<4x64xi32, #tpu.memory_space<vmem>>, %arg18: memref<4x64xi32, #tpu.memory_space<vmem>>, %arg19: memref<64xi32, #tpu.memory_space<vmem>>, %arg20: memref<64xi32, #tpu.memory_space<vmem>>, %arg21: memref<64x128xf32, #tpu.memory_space<vmem>>, %arg22: memref<64x128xf32, #tpu.memory_space<vmem>>, %arg23: memref<!tpu.dma_semaphore, #tpu.memory_space<semaphore_mem>>) attributes {dimension_semantics = [#tpu.dimension_semantics<core_parallel>, #tpu.dimension_semantics<subcore_parallel>], iteration_bounds = array<i64: 2, 16>, scalar_prefetch = 0 : i64, scratch_operands = 10 : i64, tpu.core_type = #tpu.core_type<sc_vector_subcore>, window_params = [{transform_indices = #map}, {transform_indices = #map1}, {transform_indices = #map1}, {transform_indices = #map1}, {transform_indices = #map1}, {transform_indices = #map1}, {transform_indices = #map1}, {transform_indices = #map}, {transform_indices = #map}, {transform_indices = #map1}, {transform_indices = #map1}, {transform_indices = #map1}]} {
    %mul3A = arith.constant 640 : i32
    %mul3A_0 = arith.muli %arg1, %mul3A : i32
    "tpu.region"() ({
      %run_scoped3A = tpu.sem_alloc : memref<!tpu.dma_semaphore, #tpu.memory_space<semaphore_mem>>
      %dma_start3A = arith.constant 0 : i32
      %dma_start3A_35 = tpu.memref_slice %arg14[%mul3A_0, %dma_start3A] : memref<10240x128xf32, #tpu.memory_space<vmem_shared>> -> memref<640x128xf32, #tpu.memory_space<vmem_shared>>
      tpu.enqueue_dma source(%arg9 : memref<640x128xf32, #tpu.memory_space<hbm>>) target(%dma_start3A_35 : memref<640x128xf32, #tpu.memory_space<vmem_shared>>) target_semaphore(%run_scoped3A : memref<!tpu.dma_semaphore, #tpu.memory_space<semaphore_mem>>)
      %dma_wait3A = arith.constant 0 : i32
      %dma_wait3A_36 = tpu.memref_slice %arg14[%mul3A_0, %dma_wait3A] : memref<10240x128xf32, #tpu.memory_space<vmem_shared>> -> memref<640x128xf32, #tpu.memory_space<vmem_shared>>
      tpu.wait_dma2 semaphore(%run_scoped3A : memref<!tpu.dma_semaphore, #tpu.memory_space<semaphore_mem>>) src(%arg9 : memref<640x128xf32, #tpu.memory_space<hbm>>) dst(%dma_wait3A_36 : memref<640x128xf32, #tpu.memory_space<vmem_shared>>)
      tpu.yield
    }) : () -> ()
    %mul3A_1 = arith.constant 64 : i32
    %mul3A_2 = arith.muli %arg1, %mul3A_1 : i32
    "tpu.region"() ({
      %run_scoped3A = tpu.sem_alloc : memref<!tpu.dma_semaphore, #tpu.memory_space<semaphore_mem>>
      %dma_start3A = arith.constant 0 : i32
      %dma_start3A_35 = tpu.memref_slice %arg15[%mul3A_2, %dma_start3A] : memref<1024x128xf32, #tpu.memory_space<vmem_shared>> -> memref<64x128xf32, #tpu.memory_space<vmem_shared>>
      %dma_start3A_36 = arith.constant 0 : i32
      %dma_start3A_37 = arith.constant 0 : i32
      %dma_start3A_38 = tpu.memref_slice %arg9[%dma_start3A_36, %dma_start3A_37] : memref<640x128xf32, #tpu.memory_space<hbm>> -> memref<64x128xf32, #tpu.memory_space<hbm>>
      tpu.enqueue_dma source(%dma_start3A_38 : memref<64x128xf32, #tpu.memory_space<hbm>>) target(%dma_start3A_35 : memref<64x128xf32, #tpu.memory_space<vmem_shared>>) target_semaphore(%run_scoped3A : memref<!tpu.dma_semaphore, #tpu.memory_space<semaphore_mem>>)
      %dma_wait3A = arith.constant 0 : i32
      %dma_wait3A_39 = tpu.memref_slice %arg15[%mul3A_2, %dma_wait3A] : memref<1024x128xf32, #tpu.memory_space<vmem_shared>> -> memref<64x128xf32, #tpu.memory_space<vmem_shared>>
      %dma_wait3A_40 = arith.constant 0 : i32
      %dma_wait3A_41 = arith.constant 0 : i32
      %dma_wait3A_42 = tpu.memref_slice %arg9[%dma_wait3A_40, %dma_wait3A_41] : memref<640x128xf32, #tpu.memory_space<hbm>> -> memref<64x128xf32, #tpu.memory_space<hbm>>
      tpu.wait_dma2 semaphore(%run_scoped3A : memref<!tpu.dma_semaphore, #tpu.memory_space<semaphore_mem>>) src(%dma_wait3A_42 : memref<64x128xf32, #tpu.memory_space<hbm>>) dst(%dma_wait3A_39 : memref<64x128xf32, #tpu.memory_space<vmem_shared>>)
      tpu.yield
    }) : () -> ()
    %mul3A_3 = arith.constant 64 : i32
    %mul3A_4 = arith.muli %arg1, %mul3A_3 : i32
    "tpu.region"() ({
      %run_scoped3A = tpu.sem_alloc : memref<!tpu.dma_semaphore, #tpu.memory_space<semaphore_mem>>
      %dma_start3A = arith.constant 0 : i32
      %dma_start3A_35 = tpu.memref_slice %arg16[%mul3A_4, %dma_start3A] : memref<1024x128xf32, #tpu.memory_space<vmem_shared>> -> memref<64x128xf32, #tpu.memory_space<vmem_shared>>
      %dma_start3A_36 = arith.constant 0 : i32
      %dma_start3A_37 = arith.constant 0 : i32
      %dma_start3A_38 = tpu.memref_slice %arg9[%dma_start3A_36, %dma_start3A_37] : memref<640x128xf32, #tpu.memory_space<hbm>> -> memref<64x128xf32, #tpu.memory_space<hbm>>
      tpu.enqueue_dma source(%dma_start3A_38 : memref<64x128xf32, #tpu.memory_space<hbm>>) target(%dma_start3A_35 : memref<64x128xf32, #tpu.memory_space<vmem_shared>>) target_semaphore(%run_scoped3A : memref<!tpu.dma_semaphore, #tpu.memory_space<semaphore_mem>>)
      %dma_wait3A = arith.constant 0 : i32
      %dma_wait3A_39 = tpu.memref_slice %arg16[%mul3A_4, %dma_wait3A] : memref<1024x128xf32, #tpu.memory_space<vmem_shared>> -> memref<64x128xf32, #tpu.memory_space<vmem_shared>>
      %dma_wait3A_40 = arith.constant 0 : i32
      %dma_wait3A_41 = arith.constant 0 : i32
      %dma_wait3A_42 = tpu.memref_slice %arg9[%dma_wait3A_40, %dma_wait3A_41] : memref<640x128xf32, #tpu.memory_space<hbm>> -> memref<64x128xf32, #tpu.memory_space<hbm>>
      tpu.wait_dma2 semaphore(%run_scoped3A : memref<!tpu.dma_semaphore, #tpu.memory_space<semaphore_mem>>) src(%dma_wait3A_42 : memref<64x128xf32, #tpu.memory_space<hbm>>) dst(%dma_wait3A_39 : memref<64x128xf32, #tpu.memory_space<vmem_shared>>)
      tpu.yield
    }) : () -> ()
    "tpu.region"() ({
      %run_scoped3A = tpu.sem_alloc : memref<!tpu.dma_semaphore, #tpu.memory_space<semaphore_mem>>
      tpu.enqueue_dma source(%arg10 : memref<64x128xf32, #tpu.memory_space<hbm>>) target(%arg22 : memref<64x128xf32, #tpu.memory_space<vmem>>) target_semaphore(%run_scoped3A : memref<!tpu.dma_semaphore, #tpu.memory_space<semaphore_mem>>)
      tpu.wait_dma2 semaphore(%run_scoped3A : memref<!tpu.dma_semaphore, #tpu.memory_space<semaphore_mem>>) src(%arg10 : memref<64x128xf32, #tpu.memory_space<hbm>>) dst(%arg22 : memref<64x128xf32, #tpu.memory_space<vmem>>)
      tpu.yield
    }) : () -> ()
    %barrier3A = arith.constant 0 : index
    tpu.barrier barrier_id(%barrier3A)
    %scan3A = arith.constant 0 : i32
    %scan3A_5 = arith.constant 0 : i32
    %scan3A_6 = arith.constant 80 : i32
    %scan3A_7 = arith.addi %scan3A_5, %scan3A_6 : i32
    %scan3A_8 = arith.constant 1 : i32
    scf.for %scan3A_35 = %scan3A_5 to %scan3A_7 step %scan3A_8  : i32 {
      %mul3A_36 = arith.constant 4 : i32
      %mul3A_37 = arith.muli %scan3A_35, %mul3A_36 : i32
      "tpu.region"() ({
        %run_scoped3A = tpu.sem_alloc : memref<!tpu.dma_semaphore, #tpu.memory_space<semaphore_mem>>
        %dma_start3A = arith.constant 0 : i32
        %dma_start3A_46 = arith.constant 0 : i32
        %dma_start3A_47 = tpu.memref_slice %arg17[%dma_start3A, %dma_start3A_46] : memref<4x64xi32, #tpu.memory_space<vmem>> -> memref<4x64xi32, #tpu.memory_space<vmem>>
        %dma_start3A_48 = arith.constant 0 : i32
        %dma_start3A_49 = tpu.memref_slice %arg3[%arg1, %mul3A_37, %dma_start3A_48] : memref<16x320x64xi32, #tpu.memory_space<hbm>> -> memref<1x4x64xi32, #tpu.memory_space<hbm>>
        %dma_start3A_50 = tpu.memref_squeeze %dma_start3A_49 : memref<1x4x64xi32, #tpu.memory_space<hbm>> -> memref<4x64xi32, #tpu.memory_space<hbm>>
        %dma_start3A_51 = arith.constant 0 : i32
        %dma_start3A_52 = arith.constant 0 : i32
        %dma_start3A_53 = tpu.memref_slice %arg17[%dma_start3A_51, %dma_start3A_52] : memref<4x64xi32, #tpu.memory_space<vmem>> -> memref<4x64xi32, #tpu.memory_space<vmem>>
        %dma_start3A_54 = arith.constant 0 : i32
        %dma_start3A_55 = tpu.memref_slice %arg3[%arg1, %mul3A_37, %dma_start3A_54] : memref<16x320x64xi32, #tpu.memory_space<hbm>> -> memref<1x4x64xi32, #tpu.memory_space<hbm>>
        %dma_start3A_56 = tpu.memref_squeeze %dma_start3A_55 : memref<1x4x64xi32, #tpu.memory_space<hbm>> -> memref<4x64xi32, #tpu.memory_space<hbm>>
        tpu.enqueue_dma source(%dma_start3A_56 : memref<4x64xi32, #tpu.memory_space<hbm>>) target(%dma_start3A_53 : memref<4x64xi32, #tpu.memory_space<vmem>>) target_semaphore(%run_scoped3A : memref<!tpu.dma_semaphore, #tpu.memory_space<semaphore_mem>>)
        %dma_wait3A = arith.constant 0 : i32
        %dma_wait3A_57 = arith.constant 0 : i32
        %dma_wait3A_58 = tpu.memref_slice %arg17[%dma_wait3A, %dma_wait3A_57] : memref<4x64xi32, #tpu.memory_space<vmem>> -> memref<4x64xi32, #tpu.memory_space<vmem>>
        %dma_wait3A_59 = arith.constant 0 : i32
        %dma_wait3A_60 = tpu.memref_slice %arg3[%arg1, %mul3A_37, %dma_wait3A_59] : memref<16x320x64xi32, #tpu.memory_space<hbm>> -> memref<1x4x64xi32, #tpu.memory_space<hbm>>
        %dma_wait3A_61 = tpu.memref_squeeze %dma_wait3A_60 : memref<1x4x64xi32, #tpu.memory_space<hbm>> -> memref<4x64xi32, #tpu.memory_space<hbm>>
        %dma_wait3A_62 = arith.constant 0 : i32
        %dma_wait3A_63 = arith.constant 0 : i32
        %dma_wait3A_64 = tpu.memref_slice %arg17[%dma_wait3A_62, %dma_wait3A_63] : memref<4x64xi32, #tpu.memory_space<vmem>> -> memref<4x64xi32, #tpu.memory_space<vmem>>
        %dma_wait3A_65 = arith.constant 0 : i32
        %dma_wait3A_66 = tpu.memref_slice %arg3[%arg1, %mul3A_37, %dma_wait3A_65] : memref<16x320x64xi32, #tpu.memory_space<hbm>> -> memref<1x4x64xi32, #tpu.memory_space<hbm>>
        %dma_wait3A_67 = tpu.memref_squeeze %dma_wait3A_66 : memref<1x4x64xi32, #tpu.memory_space<hbm>> -> memref<4x64xi32, #tpu.memory_space<hbm>>
        tpu.wait_dma2 semaphore(%run_scoped3A : memref<!tpu.dma_semaphore, #tpu.memory_space<semaphore_mem>>) src(%dma_wait3A_67 : memref<4x64xi32, #tpu.memory_space<hbm>>) dst(%dma_wait3A_64 : memref<4x64xi32, #tpu.memory_space<vmem>>)
        tpu.yield
      }) : () -> ()
      %mul3A_38 = arith.constant 4 : i32
      %mul3A_39 = arith.muli %scan3A_35, %mul3A_38 : i32
      "tpu.region"() ({
        %run_scoped3A = tpu.sem_alloc : memref<!tpu.dma_semaphore, #tpu.memory_space<semaphore_mem>>
        %dma_start3A = arith.constant 0 : i32
        %dma_start3A_46 = arith.constant 0 : i32
        %dma_start3A_47 = tpu.memref_slice %arg18[%dma_start3A, %dma_start3A_46] : memref<4x64xi32, #tpu.memory_space<vmem>> -> memref<4x64xi32, #tpu.memory_space<vmem>>
        %dma_start3A_48 = arith.constant 0 : i32
        %dma_start3A_49 = tpu.memref_slice %arg4[%arg1, %mul3A_39, %dma_start3A_48] : memref<16x320x64xi32, #tpu.memory_space<hbm>> -> memref<1x4x64xi32, #tpu.memory_space<hbm>>
        %dma_start3A_50 = tpu.memref_squeeze %dma_start3A_49 : memref<1x4x64xi32, #tpu.memory_space<hbm>> -> memref<4x64xi32, #tpu.memory_space<hbm>>
        %dma_start3A_51 = arith.constant 0 : i32
        %dma_start3A_52 = arith.constant 0 : i32
        %dma_start3A_53 = tpu.memref_slice %arg18[%dma_start3A_51, %dma_start3A_52] : memref<4x64xi32, #tpu.memory_space<vmem>> -> memref<4x64xi32, #tpu.memory_space<vmem>>
        %dma_start3A_54 = arith.constant 0 : i32
        %dma_start3A_55 = tpu.memref_slice %arg4[%arg1, %mul3A_39, %dma_start3A_54] : memref<16x320x64xi32, #tpu.memory_space<hbm>> -> memref<1x4x64xi32, #tpu.memory_space<hbm>>
        %dma_start3A_56 = tpu.memref_squeeze %dma_start3A_55 : memref<1x4x64xi32, #tpu.memory_space<hbm>> -> memref<4x64xi32, #tpu.memory_space<hbm>>
        tpu.enqueue_dma source(%dma_start3A_56 : memref<4x64xi32, #tpu.memory_space<hbm>>) target(%dma_start3A_53 : memref<4x64xi32, #tpu.memory_space<vmem>>) target_semaphore(%run_scoped3A : memref<!tpu.dma_semaphore, #tpu.memory_space<semaphore_mem>>)
        %dma_wait3A = arith.constant 0 : i32
        %dma_wait3A_57 = arith.constant 0 : i32
        %dma_wait3A_58 = tpu.memref_slice %arg18[%dma_wait3A, %dma_wait3A_57] : memref<4x64xi32, #tpu.memory_space<vmem>> -> memref<4x64xi32, #tpu.memory_space<vmem>>
        %dma_wait3A_59 = arith.constant 0 : i32
        %dma_wait3A_60 = tpu.memref_slice %arg4[%arg1, %mul3A_39, %dma_wait3A_59] : memref<16x320x64xi32, #tpu.memory_space<hbm>> -> memref<1x4x64xi32, #tpu.memory_space<hbm>>
        %dma_wait3A_61 = tpu.memref_squeeze %dma_wait3A_60 : memref<1x4x64xi32, #tpu.memory_space<hbm>> -> memref<4x64xi32, #tpu.memory_space<hbm>>
        %dma_wait3A_62 = arith.constant 0 : i32
        %dma_wait3A_63 = arith.constant 0 : i32
        %dma_wait3A_64 = tpu.memref_slice %arg18[%dma_wait3A_62, %dma_wait3A_63] : memref<4x64xi32, #tpu.memory_space<vmem>> -> memref<4x64xi32, #tpu.memory_space<vmem>>
        %dma_wait3A_65 = arith.constant 0 : i32
        %dma_wait3A_66 = tpu.memref_slice %arg4[%arg1, %mul3A_39, %dma_wait3A_65] : memref<16x320x64xi32, #tpu.memory_space<hbm>> -> memref<1x4x64xi32, #tpu.memory_space<hbm>>
        %dma_wait3A_67 = tpu.memref_squeeze %dma_wait3A_66 : memref<1x4x64xi32, #tpu.memory_space<hbm>> -> memref<4x64xi32, #tpu.memory_space<hbm>>
        tpu.wait_dma2 semaphore(%run_scoped3A : memref<!tpu.dma_semaphore, #tpu.memory_space<semaphore_mem>>) src(%dma_wait3A_67 : memref<4x64xi32, #tpu.memory_space<hbm>>) dst(%dma_wait3A_64 : memref<4x64xi32, #tpu.memory_space<vmem>>)
        tpu.yield
      }) : () -> ()
      %scan3A_40 = arith.constant 0 : i32
      %scan3A_41 = arith.constant 0 : i32
      %scan3A_42 = arith.constant 4 : i32
      %scan3A_43 = arith.addi %scan3A_41, %scan3A_42 : i32
      %scan3A_44 = arith.constant 1 : i32
      scf.for %scan3A_46 = %scan3A_41 to %scan3A_43 step %scan3A_44  : i32 {
        %get3A = arith.index_cast %scan3A_46 : i32 to index
        %get3A_47 = arith.constant 0 : index
        %get3A_48 = tpu.vector_load %arg17[%get3A, %get3A_47] {strides = array<i32>} : memref<4x64xi32, #tpu.memory_space<vmem>>, vector<1x16xi32>,
        %get3A_49 = vector.shape_cast %get3A_48 : vector<1x16xi32> to vector<16xi32>
        %swap3A = arith.constant 0 : index
        %swap3A_50 = tpu.vector_load %arg19[%swap3A] {strides = array<i32>} : memref<64xi32, #tpu.memory_space<vmem>>, vector<16xi32>,
        %swap3A_51 = vector.shape_cast %swap3A_50 : vector<16xi32> to vector<16xi32>
        %swap3A_52 = vector.shape_cast %get3A_49 : vector<16xi32> to vector<16xi32>
        tpu.vector_store %arg19[%swap3A], %swap3A_52 {strides = array<i32>} : memref<64xi32, #tpu.memory_space<vmem>>, vector<16xi32>,
        %get3A_53 = arith.index_cast %scan3A_46 : i32 to index
        %get3A_54 = arith.constant 0 : index
        %get3A_55 = tpu.vector_load %arg18[%get3A_53, %get3A_54] {strides = array<i32>} : memref<4x64xi32, #tpu.memory_space<vmem>>, vector<1x16xi32>,
        %get3A_56 = vector.shape_cast %get3A_55 : vector<1x16xi32> to vector<16xi32>
        %swap3A_57 = arith.constant 0 : index
        %swap3A_58 = tpu.vector_load %arg20[%swap3A_57] {strides = array<i32>} : memref<64xi32, #tpu.memory_space<vmem>>, vector<16xi32>,
        %swap3A_59 = vector.shape_cast %swap3A_58 : vector<16xi32> to vector<16xi32>
        %swap3A_60 = vector.shape_cast %get3A_56 : vector<16xi32> to vector<16xi32>
        tpu.vector_store %arg20[%swap3A_57], %swap3A_60 {strides = array<i32>} : memref<64xi32, #tpu.memory_space<vmem>>, vector<16xi32>,
        %get3A_61 = arith.index_cast %scan3A_46 : i32 to index
        %get3A_62 = arith.constant 16 : index
        %get3A_63 = tpu.vector_load %arg17[%get3A_61, %get3A_62] {strides = array<i32>} : memref<4x64xi32, #tpu.memory_space<vmem>>, vector<1x16xi32>,
        %get3A_64 = vector.shape_cast %get3A_63 : vector<1x16xi32> to vector<16xi32>
        %swap3A_65 = arith.constant 16 : index
        %swap3A_66 = tpu.vector_load %arg19[%swap3A_65] {strides = array<i32>} : memref<64xi32, #tpu.memory_space<vmem>>, vector<16xi32>,
        %swap3A_67 = vector.shape_cast %swap3A_66 : vector<16xi32> to vector<16xi32>
        %swap3A_68 = vector.shape_cast %get3A_64 : vector<16xi32> to vector<16xi32>
        tpu.vector_store %arg19[%swap3A_65], %swap3A_68 {strides = array<i32>} : memref<64xi32, #tpu.memory_space<vmem>>, vector<16xi32>,
        %get3A_69 = arith.index_cast %scan3A_46 : i32 to index
        %get3A_70 = arith.constant 16 : index
        %get3A_71 = tpu.vector_load %arg18[%get3A_69, %get3A_70] {strides = array<i32>} : memref<4x64xi32, #tpu.memory_space<vmem>>, vector<1x16xi32>,
        %get3A_72 = vector.shape_cast %get3A_71 : vector<1x16xi32> to vector<16xi32>
        %swap3A_73 = arith.constant 16 : index
        %swap3A_74 = tpu.vector_load %arg20[%swap3A_73] {strides = array<i32>} : memref<64xi32, #tpu.memory_space<vmem>>, vector<16xi32>,
        %swap3A_75 = vector.shape_cast %swap3A_74 : vector<16xi32> to vector<16xi32>
        %swap3A_76 = vector.shape_cast %get3A_72 : vector<16xi32> to vector<16xi32>
        tpu.vector_store %arg20[%swap3A_73], %swap3A_76 {strides = array<i32>} : memref<64xi32, #tpu.memory_space<vmem>>, vector<16xi32>,
        %get3A_77 = arith.index_cast %scan3A_46 : i32 to index
        %get3A_78 = arith.constant 32 : index
        %get3A_79 = tpu.vector_load %arg17[%get3A_77, %get3A_78] {strides = array<i32>} : memref<4x64xi32, #tpu.memory_space<vmem>>, vector<1x16xi32>,
        %get3A_80 = vector.shape_cast %get3A_79 : vector<1x16xi32> to vector<16xi32>
        %swap3A_81 = arith.constant 32 : index
        %swap3A_82 = tpu.vector_load %arg19[%swap3A_81] {strides = array<i32>} : memref<64xi32, #tpu.memory_space<vmem>>, vector<16xi32>,
        %swap3A_83 = vector.shape_cast %swap3A_82 : vector<16xi32> to vector<16xi32>
        %swap3A_84 = vector.shape_cast %get3A_80 : vector<16xi32> to vector<16xi32>
        tpu.vector_store %arg19[%swap3A_81], %swap3A_84 {strides = array<i32>} : memref<64xi32, #tpu.memory_space<vmem>>, vector<16xi32>,
        %get3A_85 = arith.index_cast %scan3A_46 : i32 to index
        %get3A_86 = arith.constant 32 : index
        %get3A_87 = tpu.vector_load %arg18[%get3A_85, %get3A_86] {strides = array<i32>} : memref<4x64xi32, #tpu.memory_space<vmem>>, vector<1x16xi32>,
        %get3A_88 = vector.shape_cast %get3A_87 : vector<1x16xi32> to vector<16xi32>
        %swap3A_89 = arith.constant 32 : index
        %swap3A_90 = tpu.vector_load %arg20[%swap3A_89] {strides = array<i32>} : memref<64xi32, #tpu.memory_space<vmem>>, vector<16xi32>,
        %swap3A_91 = vector.shape_cast %swap3A_90 : vector<16xi32> to vector<16xi32>
        %swap3A_92 = vector.shape_cast %get3A_88 : vector<16xi32> to vector<16xi32>
        tpu.vector_store %arg20[%swap3A_89], %swap3A_92 {strides = array<i32>} : memref<64xi32, #tpu.memory_space<vmem>>, vector<16xi32>,
        %get3A_93 = arith.index_cast %scan3A_46 : i32 to index
        %get3A_94 = arith.constant 48 : index
        %get3A_95 = tpu.vector_load %arg17[%get3A_93, %get3A_94] {strides = array<i32>} : memref<4x64xi32, #tpu.memory_space<vmem>>, vector<1x16xi32>,
        %get3A_96 = vector.shape_cast %get3A_95 : vector<1x16xi32> to vector<16xi32>
        %swap3A_97 = arith.constant 48 : index
        %swap3A_98 = tpu.vector_load %arg19[%swap3A_97] {strides = array<i32>} : memref<64xi32, #tpu.memory_space<vmem>>, vector<16xi32>,
        %swap3A_99 = vector.shape_cast %swap3A_98 : vector<16xi32> to vector<16xi32>
        %swap3A_100 = vector.shape_cast %get3A_96 : vector<16xi32> to vector<16xi32>
        tpu.vector_store %arg19[%swap3A_97], %swap3A_100 {strides = array<i32>} : memref<64xi32, #tpu.memory_space<vmem>>, vector<16xi32>,
        %get3A_101 = arith.index_cast %scan3A_46 : i32 to index
        %get3A_102 = arith.constant 48 : index
        %get3A_103 = tpu.vector_load %arg18[%get3A_101, %get3A_102] {strides = array<i32>} : memref<4x64xi32, #tpu.memory_space<vmem>>, vector<1x16xi32>,
        %get3A_104 = vector.shape_cast %get3A_103 : vector<1x16xi32> to vector<16xi32>
        %swap3A_105 = arith.constant 48 : index
        %swap3A_106 = tpu.vector_load %arg20[%swap3A_105] {strides = array<i32>} : memref<64xi32, #tpu.memory_space<vmem>>, vector<16xi32>,
        %swap3A_107 = vector.shape_cast %swap3A_106 : vector<16xi32> to vector<16xi32>
        %swap3A_108 = vector.shape_cast %get3A_104 : vector<16xi32> to vector<16xi32>
        tpu.vector_store %arg20[%swap3A_105], %swap3A_108 {strides = array<i32>} : memref<64xi32, #tpu.memory_space<vmem>>, vector<16xi32>,
        %eq3A = arith.constant 0 : i32
        %eq3A_109 = arith.cmpi eq, %arg0, %eq3A : i32
        %convert_element_type3A = arith.extui %eq3A_109 : i1 to i32
        %cond3A = arith.constant 0 : i32
        %cond3A_110 = arith.cmpi ne, %convert_element_type3A, %cond3A : i32
        scf.if %cond3A_110 {
          %dma_start3A = arith.constant 0 : i32
          %dma_start3A_116 = arith.constant 0 : i32
          %dma_start3A_117 = tpu.memref_slice %arg2[%dma_start3A, %dma_start3A_116] : memref<10240x128xf32, #tpu.memory_space<hbm>> -> memref<10240x128xf32, #tpu.memory_space<hbm>>
          tpu.enqueue_indirect_dma source(%dma_start3A_117 : memref<10240x128xf32, #tpu.memory_space<hbm>>) target(%arg21 : memref<64x128xf32, #tpu.memory_space<vmem>>) offsets(%arg19 : memref<64xi32, #tpu.memory_space<vmem>>) semaphore(%arg23 : memref<!tpu.dma_semaphore, #tpu.memory_space<semaphore_mem>>)
          %dma_wait3A = arith.constant 0 : i32
          %dma_wait3A_118 = arith.constant 0 : i32
          %dma_wait3A_119 = tpu.memref_slice %arg2[%dma_wait3A, %dma_wait3A_118] : memref<10240x128xf32, #tpu.memory_space<hbm>> -> memref<10240x128xf32, #tpu.memory_space<hbm>>
          tpu.wait_indirect_dma semaphore(%arg23 : memref<!tpu.dma_semaphore, #tpu.memory_space<semaphore_mem>>) src(%dma_wait3A_119 : memref<10240x128xf32, #tpu.memory_space<hbm>>) dst(%arg21 : memref<64x128xf32, #tpu.memory_space<vmem>>)
          "tpu.region"() ({
            %run_scoped3A = tpu.sem_alloc : memref<!tpu.dma_semaphore, #tpu.memory_space<semaphore_mem>>
            %dma_start3A_120 = arith.constant 0 : i32
            %dma_start3A_121 = arith.constant 0 : i32
            %dma_start3A_122 = tpu.memref_slice %arg14[%dma_start3A_120, %dma_start3A_121] : memref<10240x128xf32, #tpu.memory_space<vmem_shared>> -> memref<10240x128xf32, #tpu.memory_space<vmem_shared>>
            tpu.enqueue_indirect_dma source(%arg21 : memref<64x128xf32, #tpu.memory_space<vmem>>) target(%dma_start3A_122 : memref<10240x128xf32, #tpu.memory_space<vmem_shared>>) offsets(%arg20 : memref<64xi32, #tpu.memory_space<vmem>>) semaphore(%run_scoped3A : memref<!tpu.dma_semaphore, #tpu.memory_space<semaphore_mem>>) {add = true}
            %dma_wait3A_123 = arith.constant 0 : i32
            %dma_wait3A_124 = arith.constant 0 : i32
            %dma_wait3A_125 = tpu.memref_slice %arg14[%dma_wait3A_123, %dma_wait3A_124] : memref<10240x128xf32, #tpu.memory_space<vmem_shared>> -> memref<10240x128xf32, #tpu.memory_space<vmem_shared>>
            tpu.wait_indirect_dma semaphore(%run_scoped3A : memref<!tpu.dma_semaphore, #tpu.memory_space<semaphore_mem>>) src(%arg21 : memref<64x128xf32, #tpu.memory_space<vmem>>) dst(%dma_wait3A_125 : memref<10240x128xf32, #tpu.memory_space<vmem_shared>>)
            tpu.yield
          }) : () -> ()
        } else {
        }
        %eq3A_111 = arith.constant 1 : i32
        %eq3A_112 = arith.cmpi eq, %arg0, %eq3A_111 : i32
        %convert_element_type3A_113 = arith.extui %eq3A_112 : i1 to i32
        %cond3A_114 = arith.constant 0 : i32
        %cond3A_115 = arith.cmpi ne, %convert_element_type3A_113, %cond3A_114 : i32
        scf.if %cond3A_115 {
          "tpu.region"() ({
            %run_scoped3A = tpu.sem_alloc : memref<!tpu.dma_semaphore, #tpu.memory_space<semaphore_mem>>
            %dma_start3A = arith.constant 0 : i32
            %dma_start3A_116 = arith.constant 0 : i32
            %dma_start3A_117 = tpu.memref_slice %arg14[%dma_start3A, %dma_start3A_116] : memref<10240x128xf32, #tpu.memory_space<vmem_shared>> -> memref<10240x128xf32, #tpu.memory_space<vmem_shared>>
            tpu.enqueue_indirect_dma source(%arg22 : memref<64x128xf32, #tpu.memory_space<vmem>>) target(%dma_start3A_117 : memref<10240x128xf32, #tpu.memory_space<vmem_shared>>) offsets(%arg20 : memref<64xi32, #tpu.memory_space<vmem>>) semaphore(%run_scoped3A : memref<!tpu.dma_semaphore, #tpu.memory_space<semaphore_mem>>) {add = true}
            %dma_wait3A = arith.constant 0 : i32
            %dma_wait3A_118 = arith.constant 0 : i32
            %dma_wait3A_119 = tpu.memref_slice %arg14[%dma_wait3A, %dma_wait3A_118] : memref<10240x128xf32, #tpu.memory_space<vmem_shared>> -> memref<10240x128xf32, #tpu.memory_space<vmem_shared>>
            tpu.wait_indirect_dma semaphore(%run_scoped3A : memref<!tpu.dma_semaphore, #tpu.memory_space<semaphore_mem>>) src(%arg22 : memref<64x128xf32, #tpu.memory_space<vmem>>) dst(%dma_wait3A_119 : memref<10240x128xf32, #tpu.memory_space<vmem_shared>>)
            tpu.yield
          }) : () -> ()
        } else {
        }
      }
      %scan3A_45 = arith.constant 4 : i32
    }
    %scan3A_9 = arith.constant 80 : i32
    %scan3A_10 = arith.constant 0 : i32
    %scan3A_11 = arith.constant 0 : i32
    %scan3A_12 = arith.constant 3 : i32
    %scan3A_13 = arith.addi %scan3A_11, %scan3A_12 : i32
    %scan3A_14 = arith.constant 1 : i32
    scf.for %scan3A_35 = %scan3A_11 to %scan3A_13 step %scan3A_14  : i32 {
      %mul3A_36 = arith.constant 4 : i32
      %mul3A_37 = arith.muli %scan3A_35, %mul3A_36 : i32
      "tpu.region"() ({
        %run_scoped3A = tpu.sem_alloc : memref<!tpu.dma_semaphore, #tpu.memory_space<semaphore_mem>>
        %dma_start3A = arith.constant 0 : i32
        %dma_start3A_46 = arith.constant 0 : i32
        %dma_start3A_47 = tpu.memref_slice %arg17[%dma_start3A, %dma_start3A_46] : memref<4x64xi32, #tpu.memory_space<vmem>> -> memref<4x64xi32, #tpu.memory_space<vmem>>
        %dma_start3A_48 = arith.constant 0 : i32
        %dma_start3A_49 = tpu.memref_slice %arg5[%arg1, %mul3A_37, %dma_start3A_48] : memref<16x12x64xi32, #tpu.memory_space<hbm>> -> memref<1x4x64xi32, #tpu.memory_space<hbm>>
        %dma_start3A_50 = tpu.memref_squeeze %dma_start3A_49 : memref<1x4x64xi32, #tpu.memory_space<hbm>> -> memref<4x64xi32, #tpu.memory_space<hbm>>
        %dma_start3A_51 = arith.constant 0 : i32
        %dma_start3A_52 = arith.constant 0 : i32
        %dma_start3A_53 = tpu.memref_slice %arg17[%dma_start3A_51, %dma_start3A_52] : memref<4x64xi32, #tpu.memory_space<vmem>> -> memref<4x64xi32, #tpu.memory_space<vmem>>
        %dma_start3A_54 = arith.constant 0 : i32
        %dma_start3A_55 = tpu.memref_slice %arg5[%arg1, %mul3A_37, %dma_start3A_54] : memref<16x12x64xi32, #tpu.memory_space<hbm>> -> memref<1x4x64xi32, #tpu.memory_space<hbm>>
        %dma_start3A_56 = tpu.memref_squeeze %dma_start3A_55 : memref<1x4x64xi32, #tpu.memory_space<hbm>> -> memref<4x64xi32, #tpu.memory_space<hbm>>
        tpu.enqueue_dma source(%dma_start3A_56 : memref<4x64xi32, #tpu.memory_space<hbm>>) target(%dma_start3A_53 : memref<4x64xi32, #tpu.memory_space<vmem>>) target_semaphore(%run_scoped3A : memref<!tpu.dma_semaphore, #tpu.memory_space<semaphore_mem>>)
        %dma_wait3A = arith.constant 0 : i32
        %dma_wait3A_57 = arith.constant 0 : i32
        %dma_wait3A_58 = tpu.memref_slice %arg17[%dma_wait3A, %dma_wait3A_57] : memref<4x64xi32, #tpu.memory_space<vmem>> -> memref<4x64xi32, #tpu.memory_space<vmem>>
        %dma_wait3A_59 = arith.constant 0 : i32
        %dma_wait3A_60 = tpu.memref_slice %arg5[%arg1, %mul3A_37, %dma_wait3A_59] : memref<16x12x64xi32, #tpu.memory_space<hbm>> -> memref<1x4x64xi32, #tpu.memory_space<hbm>>
        %dma_wait3A_61 = tpu.memref_squeeze %dma_wait3A_60 : memref<1x4x64xi32, #tpu.memory_space<hbm>> -> memref<4x64xi32, #tpu.memory_space<hbm>>
        %dma_wait3A_62 = arith.constant 0 : i32
        %dma_wait3A_63 = arith.constant 0 : i32
        %dma_wait3A_64 = tpu.memref_slice %arg17[%dma_wait3A_62, %dma_wait3A_63] : memref<4x64xi32, #tpu.memory_space<vmem>> -> memref<4x64xi32, #tpu.memory_space<vmem>>
        %dma_wait3A_65 = arith.constant 0 : i32
        %dma_wait3A_66 = tpu.memref_slice %arg5[%arg1, %mul3A_37, %dma_wait3A_65] : memref<16x12x64xi32, #tpu.memory_space<hbm>> -> memref<1x4x64xi32, #tpu.memory_space<hbm>>
        %dma_wait3A_67 = tpu.memref_squeeze %dma_wait3A_66 : memref<1x4x64xi32, #tpu.memory_space<hbm>> -> memref<4x64xi32, #tpu.memory_space<hbm>>
        tpu.wait_dma2 semaphore(%run_scoped3A : memref<!tpu.dma_semaphore, #tpu.memory_space<semaphore_mem>>) src(%dma_wait3A_67 : memref<4x64xi32, #tpu.memory_space<hbm>>) dst(%dma_wait3A_64 : memref<4x64xi32, #tpu.memory_space<vmem>>)
        tpu.yield
      }) : () -> ()
      %mul3A_38 = arith.constant 4 : i32
      %mul3A_39 = arith.muli %scan3A_35, %mul3A_38 : i32
      "tpu.region"() ({
        %run_scoped3A = tpu.sem_alloc : memref<!tpu.dma_semaphore, #tpu.memory_space<semaphore_mem>>
        %dma_start3A = arith.constant 0 : i32
        %dma_start3A_46 = arith.constant 0 : i32
        %dma_start3A_47 = tpu.memref_slice %arg18[%dma_start3A, %dma_start3A_46] : memref<4x64xi32, #tpu.memory_space<vmem>> -> memref<4x64xi32, #tpu.memory_space<vmem>>
        %dma_start3A_48 = arith.constant 0 : i32
        %dma_start3A_49 = tpu.memref_slice %arg6[%arg1, %mul3A_39, %dma_start3A_48] : memref<16x12x64xi32, #tpu.memory_space<hbm>> -> memref<1x4x64xi32, #tpu.memory_space<hbm>>
        %dma_start3A_50 = tpu.memref_squeeze %dma_start3A_49 : memref<1x4x64xi32, #tpu.memory_space<hbm>> -> memref<4x64xi32, #tpu.memory_space<hbm>>
        %dma_start3A_51 = arith.constant 0 : i32
        %dma_start3A_52 = arith.constant 0 : i32
        %dma_start3A_53 = tpu.memref_slice %arg18[%dma_start3A_51, %dma_start3A_52] : memref<4x64xi32, #tpu.memory_space<vmem>> -> memref<4x64xi32, #tpu.memory_space<vmem>>
        %dma_start3A_54 = arith.constant 0 : i32
        %dma_start3A_55 = tpu.memref_slice %arg6[%arg1, %mul3A_39, %dma_start3A_54] : memref<16x12x64xi32, #tpu.memory_space<hbm>> -> memref<1x4x64xi32, #tpu.memory_space<hbm>>
        %dma_start3A_56 = tpu.memref_squeeze %dma_start3A_55 : memref<1x4x64xi32, #tpu.memory_space<hbm>> -> memref<4x64xi32, #tpu.memory_space<hbm>>
        tpu.enqueue_dma source(%dma_start3A_56 : memref<4x64xi32, #tpu.memory_space<hbm>>) target(%dma_start3A_53 : memref<4x64xi32, #tpu.memory_space<vmem>>) target_semaphore(%run_scoped3A : memref<!tpu.dma_semaphore, #tpu.memory_space<semaphore_mem>>)
        %dma_wait3A = arith.constant 0 : i32
        %dma_wait3A_57 = arith.constant 0 : i32
        %dma_wait3A_58 = tpu.memref_slice %arg18[%dma_wait3A, %dma_wait3A_57] : memref<4x64xi32, #tpu.memory_space<vmem>> -> memref<4x64xi32, #tpu.memory_space<vmem>>
        %dma_wait3A_59 = arith.constant 0 : i32
        %dma_wait3A_60 = tpu.memref_slice %arg6[%arg1, %mul3A_39, %dma_wait3A_59] : memref<16x12x64xi32, #tpu.memory_space<hbm>> -> memref<1x4x64xi32, #tpu.memory_space<hbm>>
        %dma_wait3A_61 = tpu.memref_squeeze %dma_wait3A_60 : memref<1x4x64xi32, #tpu.memory_space<hbm>> -> memref<4x64xi32, #tpu.memory_space<hbm>>
        %dma_wait3A_62 = arith.constant 0 : i32
        %dma_wait3A_63 = arith.constant 0 : i32
        %dma_wait3A_64 = tpu.memref_slice %arg18[%dma_wait3A_62, %dma_wait3A_63] : memref<4x64xi32, #tpu.memory_space<vmem>> -> memref<4x64xi32, #tpu.memory_space<vmem>>
        %dma_wait3A_65 = arith.constant 0 : i32
        %dma_wait3A_66 = tpu.memref_slice %arg6[%arg1, %mul3A_39, %dma_wait3A_65] : memref<16x12x64xi32, #tpu.memory_space<hbm>> -> memref<1x4x64xi32, #tpu.memory_space<hbm>>
        %dma_wait3A_67 = tpu.memref_squeeze %dma_wait3A_66 : memref<1x4x64xi32, #tpu.memory_space<hbm>> -> memref<4x64xi32, #tpu.memory_space<hbm>>
        tpu.wait_dma2 semaphore(%run_scoped3A : memref<!tpu.dma_semaphore, #tpu.memory_space<semaphore_mem>>) src(%dma_wait3A_67 : memref<4x64xi32, #tpu.memory_space<hbm>>) dst(%dma_wait3A_64 : memref<4x64xi32, #tpu.memory_space<vmem>>)
        tpu.yield
      }) : () -> ()
      %scan3A_40 = arith.constant 0 : i32
      %scan3A_41 = arith.constant 0 : i32
      %scan3A_42 = arith.constant 4 : i32
      %scan3A_43 = arith.addi %scan3A_41, %scan3A_42 : i32
      %scan3A_44 = arith.constant 1 : i32
      scf.for %scan3A_46 = %scan3A_41 to %scan3A_43 step %scan3A_44  : i32 {
        %get3A = arith.index_cast %scan3A_46 : i32 to index
        %get3A_47 = arith.constant 0 : index
        %get3A_48 = tpu.vector_load %arg17[%get3A, %get3A_47] {strides = array<i32>} : memref<4x64xi32, #tpu.memory_space<vmem>>, vector<1x16xi32>,
        %get3A_49 = vector.shape_cast %get3A_48 : vector<1x16xi32> to vector<16xi32>
        %swap3A = arith.constant 0 : index
        %swap3A_50 = tpu.vector_load %arg19[%swap3A] {strides = array<i32>} : memref<64xi32, #tpu.memory_space<vmem>>, vector<16xi32>,
        %swap3A_51 = vector.shape_cast %swap3A_50 : vector<16xi32> to vector<16xi32>
        %swap3A_52 = vector.shape_cast %get3A_49 : vector<16xi32> to vector<16xi32>
        tpu.vector_store %arg19[%swap3A], %swap3A_52 {strides = array<i32>} : memref<64xi32, #tpu.memory_space<vmem>>, vector<16xi32>,
        %get3A_53 = arith.index_cast %scan3A_46 : i32 to index
        %get3A_54 = arith.constant 0 : index
        %get3A_55 = tpu.vector_load %arg18[%get3A_53, %get3A_54] {strides = array<i32>} : memref<4x64xi32, #tpu.memory_space<vmem>>, vector<1x16xi32>,
        %get3A_56 = vector.shape_cast %get3A_55 : vector<1x16xi32> to vector<16xi32>
        %swap3A_57 = arith.constant 0 : index
        %swap3A_58 = tpu.vector_load %arg20[%swap3A_57] {strides = array<i32>} : memref<64xi32, #tpu.memory_space<vmem>>, vector<16xi32>,
        %swap3A_59 = vector.shape_cast %swap3A_58 : vector<16xi32> to vector<16xi32>
        %swap3A_60 = vector.shape_cast %get3A_56 : vector<16xi32> to vector<16xi32>
        tpu.vector_store %arg20[%swap3A_57], %swap3A_60 {strides = array<i32>} : memref<64xi32, #tpu.memory_space<vmem>>, vector<16xi32>,
        %get3A_61 = arith.index_cast %scan3A_46 : i32 to index
        %get3A_62 = arith.constant 16 : index
        %get3A_63 = tpu.vector_load %arg17[%get3A_61, %get3A_62] {strides = array<i32>} : memref<4x64xi32, #tpu.memory_space<vmem>>, vector<1x16xi32>,
        %get3A_64 = vector.shape_cast %get3A_63 : vector<1x16xi32> to vector<16xi32>
        %swap3A_65 = arith.constant 16 : index
        %swap3A_66 = tpu.vector_load %arg19[%swap3A_65] {strides = array<i32>} : memref<64xi32, #tpu.memory_space<vmem>>, vector<16xi32>,
        %swap3A_67 = vector.shape_cast %swap3A_66 : vector<16xi32> to vector<16xi32>
        %swap3A_68 = vector.shape_cast %get3A_64 : vector<16xi32> to vector<16xi32>
        tpu.vector_store %arg19[%swap3A_65], %swap3A_68 {strides = array<i32>} : memref<64xi32, #tpu.memory_space<vmem>>, vector<16xi32>,
        %get3A_69 = arith.index_cast %scan3A_46 : i32 to index
        %get3A_70 = arith.constant 16 : index
        %get3A_71 = tpu.vector_load %arg18[%get3A_69, %get3A_70] {strides = array<i32>} : memref<4x64xi32, #tpu.memory_space<vmem>>, vector<1x16xi32>,
        %get3A_72 = vector.shape_cast %get3A_71 : vector<1x16xi32> to vector<16xi32>
        %swap3A_73 = arith.constant 16 : index
        %swap3A_74 = tpu.vector_load %arg20[%swap3A_73] {strides = array<i32>} : memref<64xi32, #tpu.memory_space<vmem>>, vector<16xi32>,
        %swap3A_75 = vector.shape_cast %swap3A_74 : vector<16xi32> to vector<16xi32>
        %swap3A_76 = vector.shape_cast %get3A_72 : vector<16xi32> to vector<16xi32>
        tpu.vector_store %arg20[%swap3A_73], %swap3A_76 {strides = array<i32>} : memref<64xi32, #tpu.memory_space<vmem>>, vector<16xi32>,
        %get3A_77 = arith.index_cast %scan3A_46 : i32 to index
        %get3A_78 = arith.constant 32 : index
        %get3A_79 = tpu.vector_load %arg17[%get3A_77, %get3A_78] {strides = array<i32>} : memref<4x64xi32, #tpu.memory_space<vmem>>, vector<1x16xi32>,
        %get3A_80 = vector.shape_cast %get3A_79 : vector<1x16xi32> to vector<16xi32>
        %swap3A_81 = arith.constant 32 : index
        %swap3A_82 = tpu.vector_load %arg19[%swap3A_81] {strides = array<i32>} : memref<64xi32, #tpu.memory_space<vmem>>, vector<16xi32>,
        %swap3A_83 = vector.shape_cast %swap3A_82 : vector<16xi32> to vector<16xi32>
        %swap3A_84 = vector.shape_cast %get3A_80 : vector<16xi32> to vector<16xi32>
        tpu.vector_store %arg19[%swap3A_81], %swap3A_84 {strides = array<i32>} : memref<64xi32, #tpu.memory_space<vmem>>, vector<16xi32>,
        %get3A_85 = arith.index_cast %scan3A_46 : i32 to index
        %get3A_86 = arith.constant 32 : index
        %get3A_87 = tpu.vector_load %arg18[%get3A_85, %get3A_86] {strides = array<i32>} : memref<4x64xi32, #tpu.memory_space<vmem>>, vector<1x16xi32>,
        %get3A_88 = vector.shape_cast %get3A_87 : vector<1x16xi32> to vector<16xi32>
        %swap3A_89 = arith.constant 32 : index
        %swap3A_90 = tpu.vector_load %arg20[%swap3A_89] {strides = array<i32>} : memref<64xi32, #tpu.memory_space<vmem>>, vector<16xi32>,
        %swap3A_91 = vector.shape_cast %swap3A_90 : vector<16xi32> to vector<16xi32>
        %swap3A_92 = vector.shape_cast %get3A_88 : vector<16xi32> to vector<16xi32>
        tpu.vector_store %arg20[%swap3A_89], %swap3A_92 {strides = array<i32>} : memref<64xi32, #tpu.memory_space<vmem>>, vector<16xi32>,
        %get3A_93 = arith.index_cast %scan3A_46 : i32 to index
        %get3A_94 = arith.constant 48 : index
        %get3A_95 = tpu.vector_load %arg17[%get3A_93, %get3A_94] {strides = array<i32>} : memref<4x64xi32, #tpu.memory_space<vmem>>, vector<1x16xi32>,
        %get3A_96 = vector.shape_cast %get3A_95 : vector<1x16xi32> to vector<16xi32>
        %swap3A_97 = arith.constant 48 : index
        %swap3A_98 = tpu.vector_load %arg19[%swap3A_97] {strides = array<i32>} : memref<64xi32, #tpu.memory_space<vmem>>, vector<16xi32>,
        %swap3A_99 = vector.shape_cast %swap3A_98 : vector<16xi32> to vector<16xi32>
        %swap3A_100 = vector.shape_cast %get3A_96 : vector<16xi32> to vector<16xi32>
        tpu.vector_store %arg19[%swap3A_97], %swap3A_100 {strides = array<i32>} : memref<64xi32, #tpu.memory_space<vmem>>, vector<16xi32>,
        %get3A_101 = arith.index_cast %scan3A_46 : i32 to index
        %get3A_102 = arith.constant 48 : index
        %get3A_103 = tpu.vector_load %arg18[%get3A_101, %get3A_102] {strides = array<i32>} : memref<4x64xi32, #tpu.memory_space<vmem>>, vector<1x16xi32>,
        %get3A_104 = vector.shape_cast %get3A_103 : vector<1x16xi32> to vector<16xi32>
        %swap3A_105 = arith.constant 48 : index
        %swap3A_106 = tpu.vector_load %arg20[%swap3A_105] {strides = array<i32>} : memref<64xi32, #tpu.memory_space<vmem>>, vector<16xi32>,
        %swap3A_107 = vector.shape_cast %swap3A_106 : vector<16xi32> to vector<16xi32>
        %swap3A_108 = vector.shape_cast %get3A_104 : vector<16xi32> to vector<16xi32>
        tpu.vector_store %arg20[%swap3A_105], %swap3A_108 {strides = array<i32>} : memref<64xi32, #tpu.memory_space<vmem>>, vector<16xi32>,
        %eq3A = arith.constant 0 : i32
        %eq3A_109 = arith.cmpi eq, %arg0, %eq3A : i32
        %convert_element_type3A = arith.extui %eq3A_109 : i1 to i32
        %cond3A = arith.constant 0 : i32
        %cond3A_110 = arith.cmpi ne, %convert_element_type3A, %cond3A : i32
        scf.if %cond3A_110 {
          %dma_start3A = arith.constant 0 : i32
          %dma_start3A_116 = arith.constant 0 : i32
          %dma_start3A_117 = tpu.memref_slice %arg2[%dma_start3A, %dma_start3A_116] : memref<10240x128xf32, #tpu.memory_space<hbm>> -> memref<10240x128xf32, #tpu.memory_space<hbm>>
          tpu.enqueue_indirect_dma source(%dma_start3A_117 : memref<10240x128xf32, #tpu.memory_space<hbm>>) target(%arg21 : memref<64x128xf32, #tpu.memory_space<vmem>>) offsets(%arg19 : memref<64xi32, #tpu.memory_space<vmem>>) semaphore(%arg23 : memref<!tpu.dma_semaphore, #tpu.memory_space<semaphore_mem>>)
          %dma_wait3A = arith.constant 0 : i32
          %dma_wait3A_118 = arith.constant 0 : i32
          %dma_wait3A_119 = tpu.memref_slice %arg2[%dma_wait3A, %dma_wait3A_118] : memref<10240x128xf32, #tpu.memory_space<hbm>> -> memref<10240x128xf32, #tpu.memory_space<hbm>>
          tpu.wait_indirect_dma semaphore(%arg23 : memref<!tpu.dma_semaphore, #tpu.memory_space<semaphore_mem>>) src(%dma_wait3A_119 : memref<10240x128xf32, #tpu.memory_space<hbm>>) dst(%arg21 : memref<64x128xf32, #tpu.memory_space<vmem>>)
          "tpu.region"() ({
            %run_scoped3A = tpu.sem_alloc : memref<!tpu.dma_semaphore, #tpu.memory_space<semaphore_mem>>
            %dma_start3A_120 = arith.constant 0 : i32
            %dma_start3A_121 = arith.constant 0 : i32
            %dma_start3A_122 = tpu.memref_slice %arg15[%dma_start3A_120, %dma_start3A_121] : memref<1024x128xf32, #tpu.memory_space<vmem_shared>> -> memref<1024x128xf32, #tpu.memory_space<vmem_shared>>
            tpu.enqueue_indirect_dma source(%arg21 : memref<64x128xf32, #tpu.memory_space<vmem>>) target(%dma_start3A_122 : memref<1024x128xf32, #tpu.memory_space<vmem_shared>>) offsets(%arg20 : memref<64xi32, #tpu.memory_space<vmem>>) semaphore(%run_scoped3A : memref<!tpu.dma_semaphore, #tpu.memory_space<semaphore_mem>>) {add = true}
            %dma_wait3A_123 = arith.constant 0 : i32
            %dma_wait3A_124 = arith.constant 0 : i32
            %dma_wait3A_125 = tpu.memref_slice %arg15[%dma_wait3A_123, %dma_wait3A_124] : memref<1024x128xf32, #tpu.memory_space<vmem_shared>> -> memref<1024x128xf32, #tpu.memory_space<vmem_shared>>
            tpu.wait_indirect_dma semaphore(%run_scoped3A : memref<!tpu.dma_semaphore, #tpu.memory_space<semaphore_mem>>) src(%arg21 : memref<64x128xf32, #tpu.memory_space<vmem>>) dst(%dma_wait3A_125 : memref<1024x128xf32, #tpu.memory_space<vmem_shared>>)
            tpu.yield
          }) : () -> ()
        } else {
        }
        %eq3A_111 = arith.constant 1 : i32
        %eq3A_112 = arith.cmpi eq, %arg0, %eq3A_111 : i32
        %convert_element_type3A_113 = arith.extui %eq3A_112 : i1 to i32
        %cond3A_114 = arith.constant 0 : i32
        %cond3A_115 = arith.cmpi ne, %convert_element_type3A_113, %cond3A_114 : i32
        scf.if %cond3A_115 {
          "tpu.region"() ({
            %run_scoped3A = tpu.sem_alloc : memref<!tpu.dma_semaphore, #tpu.memory_space<semaphore_mem>>
            %dma_start3A = arith.constant 0 : i32
            %dma_start3A_116 = arith.constant 0 : i32
            %dma_start3A_117 = tpu.memref_slice %arg15[%dma_start3A, %dma_start3A_116] : memref<1024x128xf32, #tpu.memory_space<vmem_shared>> -> memref<1024x128xf32, #tpu.memory_space<vmem_shared>>
            tpu.enqueue_indirect_dma source(%arg22 : memref<64x128xf32, #tpu.memory_space<vmem>>) target(%dma_start3A_117 : memref<1024x128xf32, #tpu.memory_space<vmem_shared>>) offsets(%arg20 : memref<64xi32, #tpu.memory_space<vmem>>) semaphore(%run_scoped3A : memref<!tpu.dma_semaphore, #tpu.memory_space<semaphore_mem>>) {add = true}
            %dma_wait3A = arith.constant 0 : i32
            %dma_wait3A_118 = arith.constant 0 : i32
            %dma_wait3A_119 = tpu.memref_slice %arg15[%dma_wait3A, %dma_wait3A_118] : memref<1024x128xf32, #tpu.memory_space<vmem_shared>> -> memref<1024x128xf32, #tpu.memory_space<vmem_shared>>
            tpu.wait_indirect_dma semaphore(%run_scoped3A : memref<!tpu.dma_semaphore, #tpu.memory_space<semaphore_mem>>) src(%arg22 : memref<64x128xf32, #tpu.memory_space<vmem>>) dst(%dma_wait3A_119 : memref<1024x128xf32, #tpu.memory_space<vmem_shared>>)
            tpu.yield
          }) : () -> ()
        } else {
        }
      }
      %scan3A_45 = arith.constant 4 : i32
    }
    %scan3A_15 = arith.constant 3 : i32
    %scan3A_16 = arith.constant 0 : i32
    %scan3A_17 = arith.constant 0 : i32
    %scan3A_18 = arith.constant 3 : i32
    %scan3A_19 = arith.addi %scan3A_17, %scan3A_18 : i32
    %scan3A_20 = arith.constant 1 : i32
    scf.for %scan3A_35 = %scan3A_17 to %scan3A_19 step %scan3A_20  : i32 {
      %mul3A_36 = arith.constant 4 : i32
      %mul3A_37 = arith.muli %scan3A_35, %mul3A_36 : i32
      "tpu.region"() ({
        %run_scoped3A = tpu.sem_alloc : memref<!tpu.dma_semaphore, #tpu.memory_space<semaphore_mem>>
        %dma_start3A = arith.constant 0 : i32
        %dma_start3A_46 = arith.constant 0 : i32
        %dma_start3A_47 = tpu.memref_slice %arg17[%dma_start3A, %dma_start3A_46] : memref<4x64xi32, #tpu.memory_space<vmem>> -> memref<4x64xi32, #tpu.memory_space<vmem>>
        %dma_start3A_48 = arith.constant 0 : i32
        %dma_start3A_49 = tpu.memref_slice %arg7[%arg1, %mul3A_37, %dma_start3A_48] : memref<16x12x64xi32, #tpu.memory_space<hbm>> -> memref<1x4x64xi32, #tpu.memory_space<hbm>>
        %dma_start3A_50 = tpu.memref_squeeze %dma_start3A_49 : memref<1x4x64xi32, #tpu.memory_space<hbm>> -> memref<4x64xi32, #tpu.memory_space<hbm>>
        %dma_start3A_51 = arith.constant 0 : i32
        %dma_start3A_52 = arith.constant 0 : i32
        %dma_start3A_53 = tpu.memref_slice %arg17[%dma_start3A_51, %dma_start3A_52] : memref<4x64xi32, #tpu.memory_space<vmem>> -> memref<4x64xi32, #tpu.memory_space<vmem>>
        %dma_start3A_54 = arith.constant 0 : i32
        %dma_start3A_55 = tpu.memref_slice %arg7[%arg1, %mul3A_37, %dma_start3A_54] : memref<16x12x64xi32, #tpu.memory_space<hbm>> -> memref<1x4x64xi32, #tpu.memory_space<hbm>>
        %dma_start3A_56 = tpu.memref_squeeze %dma_start3A_55 : memref<1x4x64xi32, #tpu.memory_space<hbm>> -> memref<4x64xi32, #tpu.memory_space<hbm>>
        tpu.enqueue_dma source(%dma_start3A_56 : memref<4x64xi32, #tpu.memory_space<hbm>>) target(%dma_start3A_53 : memref<4x64xi32, #tpu.memory_space<vmem>>) target_semaphore(%run_scoped3A : memref<!tpu.dma_semaphore, #tpu.memory_space<semaphore_mem>>)
        %dma_wait3A = arith.constant 0 : i32
        %dma_wait3A_57 = arith.constant 0 : i32
        %dma_wait3A_58 = tpu.memref_slice %arg17[%dma_wait3A, %dma_wait3A_57] : memref<4x64xi32, #tpu.memory_space<vmem>> -> memref<4x64xi32, #tpu.memory_space<vmem>>
        %dma_wait3A_59 = arith.constant 0 : i32
        %dma_wait3A_60 = tpu.memref_slice %arg7[%arg1, %mul3A_37, %dma_wait3A_59] : memref<16x12x64xi32, #tpu.memory_space<hbm>> -> memref<1x4x64xi32, #tpu.memory_space<hbm>>
        %dma_wait3A_61 = tpu.memref_squeeze %dma_wait3A_60 : memref<1x4x64xi32, #tpu.memory_space<hbm>> -> memref<4x64xi32, #tpu.memory_space<hbm>>
        %dma_wait3A_62 = arith.constant 0 : i32
        %dma_wait3A_63 = arith.constant 0 : i32
        %dma_wait3A_64 = tpu.memref_slice %arg17[%dma_wait3A_62, %dma_wait3A_63] : memref<4x64xi32, #tpu.memory_space<vmem>> -> memref<4x64xi32, #tpu.memory_space<vmem>>
        %dma_wait3A_65 = arith.constant 0 : i32
        %dma_wait3A_66 = tpu.memref_slice %arg7[%arg1, %mul3A_37, %dma_wait3A_65] : memref<16x12x64xi32, #tpu.memory_space<hbm>> -> memref<1x4x64xi32, #tpu.memory_space<hbm>>
        %dma_wait3A_67 = tpu.memref_squeeze %dma_wait3A_66 : memref<1x4x64xi32, #tpu.memory_space<hbm>> -> memref<4x64xi32, #tpu.memory_space<hbm>>
        tpu.wait_dma2 semaphore(%run_scoped3A : memref<!tpu.dma_semaphore, #tpu.memory_space<semaphore_mem>>) src(%dma_wait3A_67 : memref<4x64xi32, #tpu.memory_space<hbm>>) dst(%dma_wait3A_64 : memref<4x64xi32, #tpu.memory_space<vmem>>)
        tpu.yield
      }) : () -> ()
      %mul3A_38 = arith.constant 4 : i32
      %mul3A_39 = arith.muli %scan3A_35, %mul3A_38 : i32
      "tpu.region"() ({
        %run_scoped3A = tpu.sem_alloc : memref<!tpu.dma_semaphore, #tpu.memory_space<semaphore_mem>>
        %dma_start3A = arith.constant 0 : i32
        %dma_start3A_46 = arith.constant 0 : i32
        %dma_start3A_47 = tpu.memref_slice %arg18[%dma_start3A, %dma_start3A_46] : memref<4x64xi32, #tpu.memory_space<vmem>> -> memref<4x64xi32, #tpu.memory_space<vmem>>
        %dma_start3A_48 = arith.constant 0 : i32
        %dma_start3A_49 = tpu.memref_slice %arg8[%arg1, %mul3A_39, %dma_start3A_48] : memref<16x12x64xi32, #tpu.memory_space<hbm>> -> memref<1x4x64xi32, #tpu.memory_space<hbm>>
        %dma_start3A_50 = tpu.memref_squeeze %dma_start3A_49 : memref<1x4x64xi32, #tpu.memory_space<hbm>> -> memref<4x64xi32, #tpu.memory_space<hbm>>
        %dma_start3A_51 = arith.constant 0 : i32
        %dma_start3A_52 = arith.constant 0 : i32
        %dma_start3A_53 = tpu.memref_slice %arg18[%dma_start3A_51, %dma_start3A_52] : memref<4x64xi32, #tpu.memory_space<vmem>> -> memref<4x64xi32, #tpu.memory_space<vmem>>
        %dma_start3A_54 = arith.constant 0 : i32
        %dma_start3A_55 = tpu.memref_slice %arg8[%arg1, %mul3A_39, %dma_start3A_54] : memref<16x12x64xi32, #tpu.memory_space<hbm>> -> memref<1x4x64xi32, #tpu.memory_space<hbm>>
        %dma_start3A_56 = tpu.memref_squeeze %dma_start3A_55 : memref<1x4x64xi32, #tpu.memory_space<hbm>> -> memref<4x64xi32, #tpu.memory_space<hbm>>
        tpu.enqueue_dma source(%dma_start3A_56 : memref<4x64xi32, #tpu.memory_space<hbm>>) target(%dma_start3A_53 : memref<4x64xi32, #tpu.memory_space<vmem>>) target_semaphore(%run_scoped3A : memref<!tpu.dma_semaphore, #tpu.memory_space<semaphore_mem>>)
        %dma_wait3A = arith.constant 0 : i32
        %dma_wait3A_57 = arith.constant 0 : i32
        %dma_wait3A_58 = tpu.memref_slice %arg18[%dma_wait3A, %dma_wait3A_57] : memref<4x64xi32, #tpu.memory_space<vmem>> -> memref<4x64xi32, #tpu.memory_space<vmem>>
        %dma_wait3A_59 = arith.constant 0 : i32
        %dma_wait3A_60 = tpu.memref_slice %arg8[%arg1, %mul3A_39, %dma_wait3A_59] : memref<16x12x64xi32, #tpu.memory_space<hbm>> -> memref<1x4x64xi32, #tpu.memory_space<hbm>>
        %dma_wait3A_61 = tpu.memref_squeeze %dma_wait3A_60 : memref<1x4x64xi32, #tpu.memory_space<hbm>> -> memref<4x64xi32, #tpu.memory_space<hbm>>
        %dma_wait3A_62 = arith.constant 0 : i32
        %dma_wait3A_63 = arith.constant 0 : i32
        %dma_wait3A_64 = tpu.memref_slice %arg18[%dma_wait3A_62, %dma_wait3A_63] : memref<4x64xi32, #tpu.memory_space<vmem>> -> memref<4x64xi32, #tpu.memory_space<vmem>>
        %dma_wait3A_65 = arith.constant 0 : i32
        %dma_wait3A_66 = tpu.memref_slice %arg8[%arg1, %mul3A_39, %dma_wait3A_65] : memref<16x12x64xi32, #tpu.memory_space<hbm>> -> memref<1x4x64xi32, #tpu.memory_space<hbm>>
        %dma_wait3A_67 = tpu.memref_squeeze %dma_wait3A_66 : memref<1x4x64xi32, #tpu.memory_space<hbm>> -> memref<4x64xi32, #tpu.memory_space<hbm>>
        tpu.wait_dma2 semaphore(%run_scoped3A : memref<!tpu.dma_semaphore, #tpu.memory_space<semaphore_mem>>) src(%dma_wait3A_67 : memref<4x64xi32, #tpu.memory_space<hbm>>) dst(%dma_wait3A_64 : memref<4x64xi32, #tpu.memory_space<vmem>>)
        tpu.yield
      }) : () -> ()
      %scan3A_40 = arith.constant 0 : i32
      %scan3A_41 = arith.constant 0 : i32
      %scan3A_42 = arith.constant 4 : i32
      %scan3A_43 = arith.addi %scan3A_41, %scan3A_42 : i32
      %scan3A_44 = arith.constant 1 : i32
      scf.for %scan3A_46 = %scan3A_41 to %scan3A_43 step %scan3A_44  : i32 {
        %get3A = arith.index_cast %scan3A_46 : i32 to index
        %get3A_47 = arith.constant 0 : index
        %get3A_48 = tpu.vector_load %arg17[%get3A, %get3A_47] {strides = array<i32>} : memref<4x64xi32, #tpu.memory_space<vmem>>, vector<1x16xi32>,
        %get3A_49 = vector.shape_cast %get3A_48 : vector<1x16xi32> to vector<16xi32>
        %swap3A = arith.constant 0 : index
        %swap3A_50 = tpu.vector_load %arg19[%swap3A] {strides = array<i32>} : memref<64xi32, #tpu.memory_space<vmem>>, vector<16xi32>,
        %swap3A_51 = vector.shape_cast %swap3A_50 : vector<16xi32> to vector<16xi32>
        %swap3A_52 = vector.shape_cast %get3A_49 : vector<16xi32> to vector<16xi32>
        tpu.vector_store %arg19[%swap3A], %swap3A_52 {strides = array<i32>} : memref<64xi32, #tpu.memory_space<vmem>>, vector<16xi32>,
        %get3A_53 = arith.index_cast %scan3A_46 : i32 to index
        %get3A_54 = arith.constant 0 : index
        %get3A_55 = tpu.vector_load %arg18[%get3A_53, %get3A_54] {strides = array<i32>} : memref<4x64xi32, #tpu.memory_space<vmem>>, vector<1x16xi32>,
        %get3A_56 = vector.shape_cast %get3A_55 : vector<1x16xi32> to vector<16xi32>
        %swap3A_57 = arith.constant 0 : index
        %swap3A_58 = tpu.vector_load %arg20[%swap3A_57] {strides = array<i32>} : memref<64xi32, #tpu.memory_space<vmem>>, vector<16xi32>,
        %swap3A_59 = vector.shape_cast %swap3A_58 : vector<16xi32> to vector<16xi32>
        %swap3A_60 = vector.shape_cast %get3A_56 : vector<16xi32> to vector<16xi32>
        tpu.vector_store %arg20[%swap3A_57], %swap3A_60 {strides = array<i32>} : memref<64xi32, #tpu.memory_space<vmem>>, vector<16xi32>,
        %get3A_61 = arith.index_cast %scan3A_46 : i32 to index
        %get3A_62 = arith.constant 16 : index
        %get3A_63 = tpu.vector_load %arg17[%get3A_61, %get3A_62] {strides = array<i32>} : memref<4x64xi32, #tpu.memory_space<vmem>>, vector<1x16xi32>,
        %get3A_64 = vector.shape_cast %get3A_63 : vector<1x16xi32> to vector<16xi32>
        %swap3A_65 = arith.constant 16 : index
        %swap3A_66 = tpu.vector_load %arg19[%swap3A_65] {strides = array<i32>} : memref<64xi32, #tpu.memory_space<vmem>>, vector<16xi32>,
        %swap3A_67 = vector.shape_cast %swap3A_66 : vector<16xi32> to vector<16xi32>
        %swap3A_68 = vector.shape_cast %get3A_64 : vector<16xi32> to vector<16xi32>
        tpu.vector_store %arg19[%swap3A_65], %swap3A_68 {strides = array<i32>} : memref<64xi32, #tpu.memory_space<vmem>>, vector<16xi32>,
        %get3A_69 = arith.index_cast %scan3A_46 : i32 to index
        %get3A_70 = arith.constant 16 : index
        %get3A_71 = tpu.vector_load %arg18[%get3A_69, %get3A_70] {strides = array<i32>} : memref<4x64xi32, #tpu.memory_space<vmem>>, vector<1x16xi32>,
        %get3A_72 = vector.shape_cast %get3A_71 : vector<1x16xi32> to vector<16xi32>
        %swap3A_73 = arith.constant 16 : index
        %swap3A_74 = tpu.vector_load %arg20[%swap3A_73] {strides = array<i32>} : memref<64xi32, #tpu.memory_space<vmem>>, vector<16xi32>,
        %swap3A_75 = vector.shape_cast %swap3A_74 : vector<16xi32> to vector<16xi32>
        %swap3A_76 = vector.shape_cast %get3A_72 : vector<16xi32> to vector<16xi32>
        tpu.vector_store %arg20[%swap3A_73], %swap3A_76 {strides = array<i32>} : memref<64xi32, #tpu.memory_space<vmem>>, vector<16xi32>,
        %get3A_77 = arith.index_cast %scan3A_46 : i32 to index
        %get3A_78 = arith.constant 32 : index
        %get3A_79 = tpu.vector_load %arg17[%get3A_77, %get3A_78] {strides = array<i32>} : memref<4x64xi32, #tpu.memory_space<vmem>>, vector<1x16xi32>,
        %get3A_80 = vector.shape_cast %get3A_79 : vector<1x16xi32> to vector<16xi32>
        %swap3A_81 = arith.constant 32 : index
        %swap3A_82 = tpu.vector_load %arg19[%swap3A_81] {strides = array<i32>} : memref<64xi32, #tpu.memory_space<vmem>>, vector<16xi32>,
        %swap3A_83 = vector.shape_cast %swap3A_82 : vector<16xi32> to vector<16xi32>
        %swap3A_84 = vector.shape_cast %get3A_80 : vector<16xi32> to vector<16xi32>
        tpu.vector_store %arg19[%swap3A_81], %swap3A_84 {strides = array<i32>} : memref<64xi32, #tpu.memory_space<vmem>>, vector<16xi32>,
        %get3A_85 = arith.index_cast %scan3A_46 : i32 to index
        %get3A_86 = arith.constant 32 : index
        %get3A_87 = tpu.vector_load %arg18[%get3A_85, %get3A_86] {strides = array<i32>} : memref<4x64xi32, #tpu.memory_space<vmem>>, vector<1x16xi32>,
        %get3A_88 = vector.shape_cast %get3A_87 : vector<1x16xi32> to vector<16xi32>
        %swap3A_89 = arith.constant 32 : index
        %swap3A_90 = tpu.vector_load %arg20[%swap3A_89] {strides = array<i32>} : memref<64xi32, #tpu.memory_space<vmem>>, vector<16xi32>,
        %swap3A_91 = vector.shape_cast %swap3A_90 : vector<16xi32> to vector<16xi32>
        %swap3A_92 = vector.shape_cast %get3A_88 : vector<16xi32> to vector<16xi32>
        tpu.vector_store %arg20[%swap3A_89], %swap3A_92 {strides = array<i32>} : memref<64xi32, #tpu.memory_space<vmem>>, vector<16xi32>,
        %get3A_93 = arith.index_cast %scan3A_46 : i32 to index
        %get3A_94 = arith.constant 48 : index
        %get3A_95 = tpu.vector_load %arg17[%get3A_93, %get3A_94] {strides = array<i32>} : memref<4x64xi32, #tpu.memory_space<vmem>>, vector<1x16xi32>,
        %get3A_96 = vector.shape_cast %get3A_95 : vector<1x16xi32> to vector<16xi32>
        %swap3A_97 = arith.constant 48 : index
        %swap3A_98 = tpu.vector_load %arg19[%swap3A_97] {strides = array<i32>} : memref<64xi32, #tpu.memory_space<vmem>>, vector<16xi32>,
        %swap3A_99 = vector.shape_cast %swap3A_98 : vector<16xi32> to vector<16xi32>
        %swap3A_100 = vector.shape_cast %get3A_96 : vector<16xi32> to vector<16xi32>
        tpu.vector_store %arg19[%swap3A_97], %swap3A_100 {strides = array<i32>} : memref<64xi32, #tpu.memory_space<vmem>>, vector<16xi32>,
        %get3A_101 = arith.index_cast %scan3A_46 : i32 to index
        %get3A_102 = arith.constant 48 : index
        %get3A_103 = tpu.vector_load %arg18[%get3A_101, %get3A_102] {strides = array<i32>} : memref<4x64xi32, #tpu.memory_space<vmem>>, vector<1x16xi32>,
        %get3A_104 = vector.shape_cast %get3A_103 : vector<1x16xi32> to vector<16xi32>
        %swap3A_105 = arith.constant 48 : index
        %swap3A_106 = tpu.vector_load %arg20[%swap3A_105] {strides = array<i32>} : memref<64xi32, #tpu.memory_space<vmem>>, vector<16xi32>,
        %swap3A_107 = vector.shape_cast %swap3A_106 : vector<16xi32> to vector<16xi32>
        %swap3A_108 = vector.shape_cast %get3A_104 : vector<16xi32> to vector<16xi32>
        tpu.vector_store %arg20[%swap3A_105], %swap3A_108 {strides = array<i32>} : memref<64xi32, #tpu.memory_space<vmem>>, vector<16xi32>,
        %eq3A = arith.constant 0 : i32
        %eq3A_109 = arith.cmpi eq, %arg0, %eq3A : i32
        %convert_element_type3A = arith.extui %eq3A_109 : i1 to i32
        %cond3A = arith.constant 0 : i32
        %cond3A_110 = arith.cmpi ne, %convert_element_type3A, %cond3A : i32
        scf.if %cond3A_110 {
          %dma_start3A = arith.constant 0 : i32
          %dma_start3A_116 = arith.constant 0 : i32
          %dma_start3A_117 = tpu.memref_slice %arg2[%dma_start3A, %dma_start3A_116] : memref<10240x128xf32, #tpu.memory_space<hbm>> -> memref<10240x128xf32, #tpu.memory_space<hbm>>
          tpu.enqueue_indirect_dma source(%dma_start3A_117 : memref<10240x128xf32, #tpu.memory_space<hbm>>) target(%arg21 : memref<64x128xf32, #tpu.memory_space<vmem>>) offsets(%arg19 : memref<64xi32, #tpu.memory_space<vmem>>) semaphore(%arg23 : memref<!tpu.dma_semaphore, #tpu.memory_space<semaphore_mem>>)
          %dma_wait3A = arith.constant 0 : i32
          %dma_wait3A_118 = arith.constant 0 : i32
          %dma_wait3A_119 = tpu.memref_slice %arg2[%dma_wait3A, %dma_wait3A_118] : memref<10240x128xf32, #tpu.memory_space<hbm>> -> memref<10240x128xf32, #tpu.memory_space<hbm>>
          tpu.wait_indirect_dma semaphore(%arg23 : memref<!tpu.dma_semaphore, #tpu.memory_space<semaphore_mem>>) src(%dma_wait3A_119 : memref<10240x128xf32, #tpu.memory_space<hbm>>) dst(%arg21 : memref<64x128xf32, #tpu.memory_space<vmem>>)
          "tpu.region"() ({
            %run_scoped3A = tpu.sem_alloc : memref<!tpu.dma_semaphore, #tpu.memory_space<semaphore_mem>>
            %dma_start3A_120 = arith.constant 0 : i32
            %dma_start3A_121 = arith.constant 0 : i32
            %dma_start3A_122 = tpu.memref_slice %arg16[%dma_start3A_120, %dma_start3A_121] : memref<1024x128xf32, #tpu.memory_space<vmem_shared>> -> memref<1024x128xf32, #tpu.memory_space<vmem_shared>>
            tpu.enqueue_indirect_dma source(%arg21 : memref<64x128xf32, #tpu.memory_space<vmem>>) target(%dma_start3A_122 : memref<1024x128xf32, #tpu.memory_space<vmem_shared>>) offsets(%arg20 : memref<64xi32, #tpu.memory_space<vmem>>) semaphore(%run_scoped3A : memref<!tpu.dma_semaphore, #tpu.memory_space<semaphore_mem>>) {add = true}
            %dma_wait3A_123 = arith.constant 0 : i32
            %dma_wait3A_124 = arith.constant 0 : i32
            %dma_wait3A_125 = tpu.memref_slice %arg16[%dma_wait3A_123, %dma_wait3A_124] : memref<1024x128xf32, #tpu.memory_space<vmem_shared>> -> memref<1024x128xf32, #tpu.memory_space<vmem_shared>>
            tpu.wait_indirect_dma semaphore(%run_scoped3A : memref<!tpu.dma_semaphore, #tpu.memory_space<semaphore_mem>>) src(%arg21 : memref<64x128xf32, #tpu.memory_space<vmem>>) dst(%dma_wait3A_125 : memref<1024x128xf32, #tpu.memory_space<vmem_shared>>)
            tpu.yield
          }) : () -> ()
        } else {
        }
        %eq3A_111 = arith.constant 1 : i32
        %eq3A_112 = arith.cmpi eq, %arg0, %eq3A_111 : i32
        %convert_element_type3A_113 = arith.extui %eq3A_112 : i1 to i32
        %cond3A_114 = arith.constant 0 : i32
        %cond3A_115 = arith.cmpi ne, %convert_element_type3A_113, %cond3A_114 : i32
        scf.if %cond3A_115 {
          "tpu.region"() ({
            %run_scoped3A = tpu.sem_alloc : memref<!tpu.dma_semaphore, #tpu.memory_space<semaphore_mem>>
            %dma_start3A = arith.constant 0 : i32
            %dma_start3A_116 = arith.constant 0 : i32
            %dma_start3A_117 = tpu.memref_slice %arg16[%dma_start3A, %dma_start3A_116] : memref<1024x128xf32, #tpu.memory_space<vmem_shared>> -> memref<1024x128xf32, #tpu.memory_space<vmem_shared>>
            tpu.enqueue_indirect_dma source(%arg22 : memref<64x128xf32, #tpu.memory_space<vmem>>) target(%dma_start3A_117 : memref<1024x128xf32, #tpu.memory_space<vmem_shared>>) offsets(%arg20 : memref<64xi32, #tpu.memory_space<vmem>>) semaphore(%run_scoped3A : memref<!tpu.dma_semaphore, #tpu.memory_space<semaphore_mem>>) {add = true}
            %dma_wait3A = arith.constant 0 : i32
            %dma_wait3A_118 = arith.constant 0 : i32
            %dma_wait3A_119 = tpu.memref_slice %arg16[%dma_wait3A, %dma_wait3A_118] : memref<1024x128xf32, #tpu.memory_space<vmem_shared>> -> memref<1024x128xf32, #tpu.memory_space<vmem_shared>>
            tpu.wait_indirect_dma semaphore(%run_scoped3A : memref<!tpu.dma_semaphore, #tpu.memory_space<semaphore_mem>>) src(%arg22 : memref<64x128xf32, #tpu.memory_space<vmem>>) dst(%dma_wait3A_119 : memref<1024x128xf32, #tpu.memory_space<vmem_shared>>)
            tpu.yield
          }) : () -> ()
        } else {
        }
      }
      %scan3A_45 = arith.constant 4 : i32
    }
    %scan3A_21 = arith.constant 3 : i32
    %barrier3A_22 = arith.constant 0 : index
    tpu.barrier barrier_id(%barrier3A_22)
    %mul3A_23 = arith.constant 640 : i32
    %mul3A_24 = arith.muli %arg1, %mul3A_23 : i32
    %mul3A_25 = arith.constant 640 : i32
    %mul3A_26 = arith.muli %arg1, %mul3A_25 : i32
    "tpu.region"() ({
      %run_scoped3A = tpu.sem_alloc : memref<!tpu.dma_semaphore, #tpu.memory_space<semaphore_mem>>
      %dma_start3A = arith.constant 0 : i32
      %dma_start3A_35 = tpu.memref_slice %arg11[%arg0, %mul3A_26, %dma_start3A] : memref<2x10240x128xf32, #tpu.memory_space<hbm>> -> memref<1x640x128xf32, #tpu.memory_space<hbm>>
      %dma_start3A_36 = tpu.memref_squeeze %dma_start3A_35 : memref<1x640x128xf32, #tpu.memory_space<hbm>> -> memref<640x128xf32, #tpu.memory_space<hbm>>
      %dma_start3A_37 = arith.constant 0 : i32
      %dma_start3A_38 = tpu.memref_slice %arg14[%mul3A_24, %dma_start3A_37] : memref<10240x128xf32, #tpu.memory_space<vmem_shared>> -> memref<640x128xf32, #tpu.memory_space<vmem_shared>>
      tpu.enqueue_dma source(%dma_start3A_38 : memref<640x128xf32, #tpu.memory_space<vmem_shared>>) target(%dma_start3A_36 : memref<640x128xf32, #tpu.memory_space<hbm>>) target_semaphore(%run_scoped3A : memref<!tpu.dma_semaphore, #tpu.memory_space<semaphore_mem>>)
      %dma_wait3A = arith.constant 0 : i32
      %dma_wait3A_39 = tpu.memref_slice %arg11[%arg0, %mul3A_26, %dma_wait3A] : memref<2x10240x128xf32, #tpu.memory_space<hbm>> -> memref<1x640x128xf32, #tpu.memory_space<hbm>>
      %dma_wait3A_40 = tpu.memref_squeeze %dma_wait3A_39 : memref<1x640x128xf32, #tpu.memory_space<hbm>> -> memref<640x128xf32, #tpu.memory_space<hbm>>
      %dma_wait3A_41 = arith.constant 0 : i32
      %dma_wait3A_42 = tpu.memref_slice %arg14[%mul3A_24, %dma_wait3A_41] : memref<10240x128xf32, #tpu.memory_space<vmem_shared>> -> memref<640x128xf32, #tpu.memory_space<vmem_shared>>
      tpu.wait_dma2 semaphore(%run_scoped3A : memref<!tpu.dma_semaphore, #tpu.memory_space<semaphore_mem>>) src(%dma_wait3A_42 : memref<640x128xf32, #tpu.memory_space<vmem_shared>>) dst(%dma_wait3A_40 : memref<640x128xf32, #tpu.memory_space<hbm>>)
      tpu.yield
    }) : () -> ()
    %mul3A_27 = arith.constant 64 : i32
    %mul3A_28 = arith.muli %arg1, %mul3A_27 : i32
    %mul3A_29 = arith.constant 64 : i32
    %mul3A_30 = arith.muli %arg1, %mul3A_29 : i32
    "tpu.region"() ({
      %run_scoped3A = tpu.sem_alloc : memref<!tpu.dma_semaphore, #tpu.memory_space<semaphore_mem>>
      %dma_start3A = arith.constant 0 : i32
      %dma_start3A_35 = tpu.memref_slice %arg12[%arg0, %mul3A_30, %dma_start3A] : memref<2x1024x128xf32, #tpu.memory_space<hbm>> -> memref<1x64x128xf32, #tpu.memory_space<hbm>>
      %dma_start3A_36 = tpu.memref_squeeze %dma_start3A_35 : memref<1x64x128xf32, #tpu.memory_space<hbm>> -> memref<64x128xf32, #tpu.memory_space<hbm>>
      %dma_start3A_37 = arith.constant 0 : i32
      %dma_start3A_38 = tpu.memref_slice %arg15[%mul3A_28, %dma_start3A_37] : memref<1024x128xf32, #tpu.memory_space<vmem_shared>> -> memref<64x128xf32, #tpu.memory_space<vmem_shared>>
      tpu.enqueue_dma source(%dma_start3A_38 : memref<64x128xf32, #tpu.memory_space<vmem_shared>>) target(%dma_start3A_36 : memref<64x128xf32, #tpu.memory_space<hbm>>) target_semaphore(%run_scoped3A : memref<!tpu.dma_semaphore, #tpu.memory_space<semaphore_mem>>)
      %dma_wait3A = arith.constant 0 : i32
      %dma_wait3A_39 = tpu.memref_slice %arg12[%arg0, %mul3A_30, %dma_wait3A] : memref<2x1024x128xf32, #tpu.memory_space<hbm>> -> memref<1x64x128xf32, #tpu.memory_space<hbm>>
      %dma_wait3A_40 = tpu.memref_squeeze %dma_wait3A_39 : memref<1x64x128xf32, #tpu.memory_space<hbm>> -> memref<64x128xf32, #tpu.memory_space<hbm>>
      %dma_wait3A_41 = arith.constant 0 : i32
      %dma_wait3A_42 = tpu.memref_slice %arg15[%mul3A_28, %dma_wait3A_41] : memref<1024x128xf32, #tpu.memory_space<vmem_shared>> -> memref<64x128xf32, #tpu.memory_space<vmem_shared>>
      tpu.wait_dma2 semaphore(%run_scoped3A : memref<!tpu.dma_semaphore, #tpu.memory_space<semaphore_mem>>) src(%dma_wait3A_42 : memref<64x128xf32, #tpu.memory_space<vmem_shared>>) dst(%dma_wait3A_40 : memref<64x128xf32, #tpu.memory_space<hbm>>)
      tpu.yield
    }) : () -> ()
    %mul3A_31 = arith.constant 64 : i32
    %mul3A_32 = arith.muli %arg1, %mul3A_31 : i32
    %mul3A_33 = arith.constant 64 : i32
    %mul3A_34 = arith.muli %arg1, %mul3A_33 : i32
    "tpu.region"() ({
      %run_scoped3A = tpu.sem_alloc : memref<!tpu.dma_semaphore, #tpu.memory_space<semaphore_mem>>
      %dma_start3A = arith.constant 0 : i32
      %dma_start3A_35 = tpu.memref_slice %arg13[%arg0, %mul3A_34, %dma_start3A] : memref<2x1024x128xf32, #tpu.memory_space<hbm>> -> memref<1x64x128xf32, #tpu.memory_space<hbm>>
      %dma_start3A_36 = tpu.memref_squeeze %dma_start3A_35 : memref<1x64x128xf32, #tpu.memory_space<hbm>> -> memref<64x128xf32, #tpu.memory_space<hbm>>
      %dma_start3A_37 = arith.constant 0 : i32
      %dma_start3A_38 = tpu.memref_slice %arg16[%mul3A_32, %dma_start3A_37] : memref<1024x128xf32, #tpu.memory_space<vmem_shared>> -> memref<64x128xf32, #tpu.memory_space<vmem_shared>>
      tpu.enqueue_dma source(%dma_start3A_38 : memref<64x128xf32, #tpu.memory_space<vmem_shared>>) target(%dma_start3A_36 : memref<64x128xf32, #tpu.memory_space<hbm>>) target_semaphore(%run_scoped3A : memref<!tpu.dma_semaphore, #tpu.memory_space<semaphore_mem>>)
      %dma_wait3A = arith.constant 0 : i32
      %dma_wait3A_39 = tpu.memref_slice %arg13[%arg0, %mul3A_34, %dma_wait3A] : memref<2x1024x128xf32, #tpu.memory_space<hbm>> -> memref<1x64x128xf32, #tpu.memory_space<hbm>>
      %dma_wait3A_40 = tpu.memref_squeeze %dma_wait3A_39 : memref<1x64x128xf32, #tpu.memory_space<hbm>> -> memref<64x128xf32, #tpu.memory_space<hbm>>
      %dma_wait3A_41 = arith.constant 0 : i32
      %dma_wait3A_42 = tpu.memref_slice %arg16[%mul3A_32, %dma_wait3A_41] : memref<1024x128xf32, #tpu.memory_space<vmem_shared>> -> memref<64x128xf32, #tpu.memory_space<vmem_shared>>
      tpu.wait_dma2 semaphore(%run_scoped3A : memref<!tpu.dma_semaphore, #tpu.memory_space<semaphore_mem>>) src(%dma_wait3A_42 : memref<64x128xf32, #tpu.memory_space<vmem_shared>>) dst(%dma_wait3A_40 : memref<64x128xf32, #tpu.memory_space<hbm>>)
      tpu.yield
    }) : () -> ()
    return
  }
}

module attributes {stable_mosaic.version = 14 : i64} {
  func.func @_tc1_body(%arg0: memref<2x10240x128xf32, #tpu.memory_space<vmem>>, %arg1: memref<2x1024x128xf32, #tpu.memory_space<vmem>>, %arg2: memref<2x1024x128xf32, #tpu.memory_space<vmem>>, %arg3: memref<10240x128xf32, #tpu.memory_space<vmem>>, %arg4: memref<1024x128xf32, #tpu.memory_space<vmem>>, %arg5: memref<1024x128xf32, #tpu.memory_space<vmem>>, %arg6: memref<128x128xf32, #tpu.memory_space<vmem>>, %arg7: memref<128xf32, #tpu.memory_space<vmem>>, %arg8: memref<128x128xf32, #tpu.memory_space<vmem>>, %arg9: memref<128x128xf32, #tpu.memory_space<vmem>>, %arg10: memref<128xf32, #tpu.memory_space<vmem>>, %arg11: memref<128x128xf32, #tpu.memory_space<vmem>>, %arg12: memref<128x128xf32, #tpu.memory_space<vmem>>, %arg13: memref<128xf32, #tpu.memory_space<vmem>>, %arg14: memref<128x128xf32, #tpu.memory_space<vmem>>, %arg15: memref<10240x128xf32, #tpu.memory_space<vmem>>, %arg16: memref<1024x128xf32, #tpu.memory_space<vmem>>, %arg17: memref<1024x128xf32, #tpu.memory_space<vmem>>) attributes {dimension_semantics = [], scalar_prefetch = 0 : i64, scratch_operands = 0 : i64, tpu.core_type = #tpu.core_type<tc>} {
    %get3A = arith.constant 0 : index
    %get3A_0 = arith.constant 0 : index
    %get3A_1 = arith.constant 0 : index
    %get3A_2 = vector.load %arg0[%get3A, %get3A_0, %get3A_1] : memref<2x10240x128xf32, #tpu.memory_space<vmem>>, vector<1x10240x128xf32>
    %get3A_3 = vector.shape_cast %get3A_2 : vector<1x10240x128xf32> to vector<10240x128xf32>
    %get3A_4 = arith.constant 1 : index
    %get3A_5 = arith.constant 0 : index
    %get3A_6 = arith.constant 0 : index
    %get3A_7 = vector.load %arg0[%get3A_4, %get3A_5, %get3A_6] : memref<2x10240x128xf32, #tpu.memory_space<vmem>>, vector<1x10240x128xf32>
    %get3A_8 = vector.shape_cast %get3A_7 : vector<1x10240x128xf32> to vector<10240x128xf32>
    %slice3A = vector.extract_strided_slice %get3A_8 {offsets = [0, 0], sizes = [10240, 1], strides = [1, 1]} : vector<10240x128xf32> to vector<10240x1xf32>
    %max3A = arith.constant 1.000000e+00 : f32
    %max3A_9 = vector.broadcast %max3A : f32 to vector<10240x1xf32>
    %max3A_10 = arith.maximumf %slice3A, %max3A_9 : vector<10240x1xf32>
    %div3A = arith.constant 1.000000e+00 : f32
    %div3A_11 = vector.broadcast %div3A : f32 to vector<10240x1xf32>
    %div3A_12 = arith.divf %div3A_11, %max3A_10 : vector<10240x1xf32>
    %mul3A = vector.broadcast %div3A_12 : vector<10240x1xf32> to vector<10240x128xf32>
    %mul3A_13 = arith.mulf %get3A_3, %mul3A : vector<10240x128xf32>
    %get3A_14 = arith.constant 0 : index
    %get3A_15 = arith.constant 0 : index
    %get3A_16 = vector.load %arg6[%get3A_14, %get3A_15] : memref<128x128xf32, #tpu.memory_space<vmem>>, vector<128x128xf32>
    %dot_general3A = arith.constant dense<0.000000e+00> : vector<10240x128xf32>
    %dot_general3A_17 = tpu.matmul %mul3A_13, %get3A_16, %dot_general3A {dimension_numbers = #tpu.dot_dimension_numbers<[1], [0], [0], [1], [0, 0, 1, 1], [], []>, transpose_lhs_hint = false} : vector<10240x128xf32>, vector<128x128xf32>, vector<10240x128xf32> -> vector<10240x128xf32>
    %get3A_18 = arith.constant 0 : index
    %get3A_19 = vector.load %arg7[%get3A_18] : memref<128xf32, #tpu.memory_space<vmem>>, vector<128xf32>
    %broadcast_in_dim3A = vector.shape_cast %get3A_19 : vector<128xf32> to vector<1x128xf32>
    %add3A = vector.broadcast %broadcast_in_dim3A : vector<1x128xf32> to vector<10240x128xf32>
    %add3A_20 = arith.addf %dot_general3A_17, %add3A : vector<10240x128xf32>
    %get3A_21 = arith.constant 0 : index
    %get3A_22 = arith.constant 0 : index
    %get3A_23 = vector.load %arg3[%get3A_21, %get3A_22] : memref<10240x128xf32, #tpu.memory_space<vmem>>, vector<10240x128xf32>
    %get3A_24 = arith.constant 0 : index
    %get3A_25 = arith.constant 0 : index
    %get3A_26 = vector.load %arg8[%get3A_24, %get3A_25] : memref<128x128xf32, #tpu.memory_space<vmem>>, vector<128x128xf32>
    %dot_general3A_27 = arith.constant dense<0.000000e+00> : vector<10240x128xf32>
    %dot_general3A_28 = tpu.matmul %get3A_23, %get3A_26, %dot_general3A_27 {dimension_numbers = #tpu.dot_dimension_numbers<[1], [0], [0], [1], [0, 0, 1, 1], [], []>, transpose_lhs_hint = false} : vector<10240x128xf32>, vector<128x128xf32>, vector<10240x128xf32> -> vector<10240x128xf32>
    %add3A_29 = arith.addf %add3A_20, %dot_general3A_28 : vector<10240x128xf32>
    %max3A_30 = arith.constant 0.000000e+00 : f32
    %max3A_31 = vector.broadcast %max3A_30 : f32 to vector<10240x128xf32>
    %max3A_32 = arith.maximumf %add3A_29, %max3A_31 : vector<10240x128xf32>
    %swap3A = arith.constant 0 : index
    %swap3A_33 = arith.constant 0 : index
    %swap3A_34 = vector.load %arg15[%swap3A, %swap3A_33] : memref<10240x128xf32, #tpu.memory_space<vmem>>, vector<10240x128xf32>
    tpu.vector_store %arg15[%swap3A, %swap3A_33], %max3A_32 {strides = array<i32>} : memref<10240x128xf32, #tpu.memory_space<vmem>>, vector<10240x128xf32>,
    %get3A_35 = arith.constant 0 : index
    %get3A_36 = arith.constant 0 : index
    %get3A_37 = arith.constant 0 : index
    %get3A_38 = vector.load %arg1[%get3A_35, %get3A_36, %get3A_37] : memref<2x1024x128xf32, #tpu.memory_space<vmem>>, vector<1x1024x128xf32>
    %get3A_39 = vector.shape_cast %get3A_38 : vector<1x1024x128xf32> to vector<1024x128xf32>
    %get3A_40 = arith.constant 1 : index
    %get3A_41 = arith.constant 0 : index
    %get3A_42 = arith.constant 0 : index
    %get3A_43 = vector.load %arg1[%get3A_40, %get3A_41, %get3A_42] : memref<2x1024x128xf32, #tpu.memory_space<vmem>>, vector<1x1024x128xf32>
    %get3A_44 = vector.shape_cast %get3A_43 : vector<1x1024x128xf32> to vector<1024x128xf32>
    %slice3A_45 = vector.extract_strided_slice %get3A_44 {offsets = [0, 0], sizes = [1024, 1], strides = [1, 1]} : vector<1024x128xf32> to vector<1024x1xf32>
    %max3A_46 = arith.constant 1.000000e+00 : f32
    %max3A_47 = vector.broadcast %max3A_46 : f32 to vector<1024x1xf32>
    %max3A_48 = arith.maximumf %slice3A_45, %max3A_47 : vector<1024x1xf32>
    %div3A_49 = arith.constant 1.000000e+00 : f32
    %div3A_50 = vector.broadcast %div3A_49 : f32 to vector<1024x1xf32>
    %div3A_51 = arith.divf %div3A_50, %max3A_48 : vector<1024x1xf32>
    %mul3A_52 = vector.broadcast %div3A_51 : vector<1024x1xf32> to vector<1024x128xf32>
    %mul3A_53 = arith.mulf %get3A_39, %mul3A_52 : vector<1024x128xf32>
    %get3A_54 = arith.constant 0 : index
    %get3A_55 = arith.constant 0 : index
    %get3A_56 = vector.load %arg9[%get3A_54, %get3A_55] : memref<128x128xf32, #tpu.memory_space<vmem>>, vector<128x128xf32>
    %dot_general3A_57 = arith.constant dense<0.000000e+00> : vector<1024x128xf32>
    %dot_general3A_58 = tpu.matmul %mul3A_53, %get3A_56, %dot_general3A_57 {dimension_numbers = #tpu.dot_dimension_numbers<[1], [0], [0], [1], [0, 0, 1, 1], [], []>, transpose_lhs_hint = false} : vector<1024x128xf32>, vector<128x128xf32>, vector<1024x128xf32> -> vector<1024x128xf32>
    %get3A_59 = arith.constant 0 : index
    %get3A_60 = vector.load %arg10[%get3A_59] : memref<128xf32, #tpu.memory_space<vmem>>, vector<128xf32>
    %broadcast_in_dim3A_61 = vector.shape_cast %get3A_60 : vector<128xf32> to vector<1x128xf32>
    %add3A_62 = vector.broadcast %broadcast_in_dim3A_61 : vector<1x128xf32> to vector<1024x128xf32>
    %add3A_63 = arith.addf %dot_general3A_58, %add3A_62 : vector<1024x128xf32>
    %get3A_64 = arith.constant 0 : index
    %get3A_65 = arith.constant 0 : index
    %get3A_66 = vector.load %arg4[%get3A_64, %get3A_65] : memref<1024x128xf32, #tpu.memory_space<vmem>>, vector<1024x128xf32>
    %get3A_67 = arith.constant 0 : index
    %get3A_68 = arith.constant 0 : index
    %get3A_69 = vector.load %arg11[%get3A_67, %get3A_68] : memref<128x128xf32, #tpu.memory_space<vmem>>, vector<128x128xf32>
    %dot_general3A_70 = arith.constant dense<0.000000e+00> : vector<1024x128xf32>
    %dot_general3A_71 = tpu.matmul %get3A_66, %get3A_69, %dot_general3A_70 {dimension_numbers = #tpu.dot_dimension_numbers<[1], [0], [0], [1], [0, 0, 1, 1], [], []>, transpose_lhs_hint = false} : vector<1024x128xf32>, vector<128x128xf32>, vector<1024x128xf32> -> vector<1024x128xf32>
    %add3A_72 = arith.addf %add3A_63, %dot_general3A_71 : vector<1024x128xf32>
    %max3A_73 = arith.constant 0.000000e+00 : f32
    %max3A_74 = vector.broadcast %max3A_73 : f32 to vector<1024x128xf32>
    %max3A_75 = arith.maximumf %add3A_72, %max3A_74 : vector<1024x128xf32>
    %swap3A_76 = arith.constant 0 : index
    %swap3A_77 = arith.constant 0 : index
    %swap3A_78 = vector.load %arg16[%swap3A_76, %swap3A_77] : memref<1024x128xf32, #tpu.memory_space<vmem>>, vector<1024x128xf32>
    tpu.vector_store %arg16[%swap3A_76, %swap3A_77], %max3A_75 {strides = array<i32>} : memref<1024x128xf32, #tpu.memory_space<vmem>>, vector<1024x128xf32>,
    %get3A_79 = arith.constant 0 : index
    %get3A_80 = arith.constant 0 : index
    %get3A_81 = arith.constant 0 : index
    %get3A_82 = vector.load %arg2[%get3A_79, %get3A_80, %get3A_81] : memref<2x1024x128xf32, #tpu.memory_space<vmem>>, vector<1x1024x128xf32>
    %get3A_83 = vector.shape_cast %get3A_82 : vector<1x1024x128xf32> to vector<1024x128xf32>
    %get3A_84 = arith.constant 1 : index
    %get3A_85 = arith.constant 0 : index
    %get3A_86 = arith.constant 0 : index
    %get3A_87 = vector.load %arg2[%get3A_84, %get3A_85, %get3A_86] : memref<2x1024x128xf32, #tpu.memory_space<vmem>>, vector<1x1024x128xf32>
    %get3A_88 = vector.shape_cast %get3A_87 : vector<1x1024x128xf32> to vector<1024x128xf32>
    %slice3A_89 = vector.extract_strided_slice %get3A_88 {offsets = [0, 0], sizes = [1024, 1], strides = [1, 1]} : vector<1024x128xf32> to vector<1024x1xf32>
    %max3A_90 = arith.constant 1.000000e+00 : f32
    %max3A_91 = vector.broadcast %max3A_90 : f32 to vector<1024x1xf32>
    %max3A_92 = arith.maximumf %slice3A_89, %max3A_91 : vector<1024x1xf32>
    %div3A_93 = arith.constant 1.000000e+00 : f32
    %div3A_94 = vector.broadcast %div3A_93 : f32 to vector<1024x1xf32>
    %div3A_95 = arith.divf %div3A_94, %max3A_92 : vector<1024x1xf32>
    %mul3A_96 = vector.broadcast %div3A_95 : vector<1024x1xf32> to vector<1024x128xf32>
    %mul3A_97 = arith.mulf %get3A_83, %mul3A_96 : vector<1024x128xf32>
    %get3A_98 = arith.constant 0 : index
    %get3A_99 = arith.constant 0 : index
    %get3A_100 = vector.load %arg12[%get3A_98, %get3A_99] : memref<128x128xf32, #tpu.memory_space<vmem>>, vector<128x128xf32>
    %dot_general3A_101 = arith.constant dense<0.000000e+00> : vector<1024x128xf32>
    %dot_general3A_102 = tpu.matmul %mul3A_97, %get3A_100, %dot_general3A_101 {dimension_numbers = #tpu.dot_dimension_numbers<[1], [0], [0], [1], [0, 0, 1, 1], [], []>, transpose_lhs_hint = false} : vector<1024x128xf32>, vector<128x128xf32>, vector<1024x128xf32> -> vector<1024x128xf32>
    %get3A_103 = arith.constant 0 : index
    %get3A_104 = vector.load %arg13[%get3A_103] : memref<128xf32, #tpu.memory_space<vmem>>, vector<128xf32>
    %broadcast_in_dim3A_105 = vector.shape_cast %get3A_104 : vector<128xf32> to vector<1x128xf32>
    %add3A_106 = vector.broadcast %broadcast_in_dim3A_105 : vector<1x128xf32> to vector<1024x128xf32>
    %add3A_107 = arith.addf %dot_general3A_102, %add3A_106 : vector<1024x128xf32>
    %get3A_108 = arith.constant 0 : index
    %get3A_109 = arith.constant 0 : index
    %get3A_110 = vector.load %arg5[%get3A_108, %get3A_109] : memref<1024x128xf32, #tpu.memory_space<vmem>>, vector<1024x128xf32>
    %get3A_111 = arith.constant 0 : index
    %get3A_112 = arith.constant 0 : index
    %get3A_113 = vector.load %arg14[%get3A_111, %get3A_112] : memref<128x128xf32, #tpu.memory_space<vmem>>, vector<128x128xf32>
    %dot_general3A_114 = arith.constant dense<0.000000e+00> : vector<1024x128xf32>
    %dot_general3A_115 = tpu.matmul %get3A_110, %get3A_113, %dot_general3A_114 {dimension_numbers = #tpu.dot_dimension_numbers<[1], [0], [0], [1], [0, 0, 1, 1], [], []>, transpose_lhs_hint = false} : vector<1024x128xf32>, vector<128x128xf32>, vector<1024x128xf32> -> vector<1024x128xf32>
    %add3A_116 = arith.addf %add3A_107, %dot_general3A_115 : vector<1024x128xf32>
    %max3A_117 = arith.constant 0.000000e+00 : f32
    %max3A_118 = vector.broadcast %max3A_117 : f32 to vector<1024x128xf32>
    %max3A_119 = arith.maximumf %add3A_116, %max3A_118 : vector<1024x128xf32>
    %swap3A_120 = arith.constant 0 : index
    %swap3A_121 = arith.constant 0 : index
    %swap3A_122 = vector.load %arg17[%swap3A_120, %swap3A_121] : memref<1024x128xf32, #tpu.memory_space<vmem>>, vector<1024x128xf32>
    tpu.vector_store %arg17[%swap3A_120, %swap3A_121], %max3A_119 {strides = array<i32>} : memref<1024x128xf32, #tpu.memory_space<vmem>>, vector<1024x128xf32>,
    return
  }
}

module attributes {stable_mosaic.version = 14 : i64} {
  func.func @_tc2_body(%arg0: memref<2x10240x128xf32, #tpu.memory_space<vmem>>, %arg1: memref<2x1024x128xf32, #tpu.memory_space<vmem>>, %arg2: memref<2x1024x128xf32, #tpu.memory_space<vmem>>, %arg3: memref<10240x128xf32, #tpu.memory_space<vmem>>, %arg4: memref<1024x128xf32, #tpu.memory_space<vmem>>, %arg5: memref<1024x128xf32, #tpu.memory_space<vmem>>, %arg6: memref<128x128xf32, #tpu.memory_space<vmem>>, %arg7: memref<128xf32, #tpu.memory_space<vmem>>, %arg8: memref<128x128xf32, #tpu.memory_space<vmem>>, %arg9: memref<128x128xf32, #tpu.memory_space<vmem>>, %arg10: memref<128xf32, #tpu.memory_space<vmem>>, %arg11: memref<128x128xf32, #tpu.memory_space<vmem>>, %arg12: memref<128x128xf32, #tpu.memory_space<vmem>>, %arg13: memref<128xf32, #tpu.memory_space<vmem>>, %arg14: memref<128x128xf32, #tpu.memory_space<vmem>>, %arg15: memref<128x128xf32, #tpu.memory_space<vmem>>, %arg16: memref<128x128xf32, #tpu.memory_space<vmem>>, %arg17: memref<256x128xf32, #tpu.memory_space<vmem>>, %arg18: memref<128xf32, #tpu.memory_space<vmem>>, %arg19: memref<32x128xi32, #tpu.memory_space<vmem>>, %arg20: memref<4096x128xf32, #tpu.memory_space<vmem>>, %arg21: memref<4096x128xf32, #tpu.memory_space<vmem>>, %arg22: memref<10240x128xf32, #tpu.memory_space<vmem>>, %arg23: memref<1024x128xf32, #tpu.memory_space<vmem>>, %arg24: memref<1024x128xf32, #tpu.memory_space<vmem>>) attributes {dimension_semantics = [], scalar_prefetch = 0 : i64, scratch_operands = 0 : i64, tpu.core_type = #tpu.core_type<tc>} {
    %get3A = arith.constant 0 : index
    %get3A_0 = arith.constant 0 : index
    %get3A_1 = arith.constant 0 : index
    %get3A_2 = vector.load %arg0[%get3A, %get3A_0, %get3A_1] : memref<2x10240x128xf32, #tpu.memory_space<vmem>>, vector<1x10240x128xf32>
    %get3A_3 = vector.shape_cast %get3A_2 : vector<1x10240x128xf32> to vector<10240x128xf32>
    %get3A_4 = arith.constant 1 : index
    %get3A_5 = arith.constant 0 : index
    %get3A_6 = arith.constant 0 : index
    %get3A_7 = vector.load %arg0[%get3A_4, %get3A_5, %get3A_6] : memref<2x10240x128xf32, #tpu.memory_space<vmem>>, vector<1x10240x128xf32>
    %get3A_8 = vector.shape_cast %get3A_7 : vector<1x10240x128xf32> to vector<10240x128xf32>
    %slice3A = vector.extract_strided_slice %get3A_8 {offsets = [0, 0], sizes = [10240, 1], strides = [1, 1]} : vector<10240x128xf32> to vector<10240x1xf32>
    %max3A = arith.constant 1.000000e+00 : f32
    %max3A_9 = vector.broadcast %max3A : f32 to vector<10240x1xf32>
    %max3A_10 = arith.maximumf %slice3A, %max3A_9 : vector<10240x1xf32>
    %div3A = arith.constant 1.000000e+00 : f32
    %div3A_11 = vector.broadcast %div3A : f32 to vector<10240x1xf32>
    %div3A_12 = arith.divf %div3A_11, %max3A_10 : vector<10240x1xf32>
    %mul3A = vector.broadcast %div3A_12 : vector<10240x1xf32> to vector<10240x128xf32>
    %mul3A_13 = arith.mulf %get3A_3, %mul3A : vector<10240x128xf32>
    %get3A_14 = arith.constant 0 : index
    %get3A_15 = arith.constant 0 : index
    %get3A_16 = vector.load %arg6[%get3A_14, %get3A_15] : memref<128x128xf32, #tpu.memory_space<vmem>>, vector<128x128xf32>
    %dot_general3A = arith.constant dense<0.000000e+00> : vector<10240x128xf32>
    %dot_general3A_17 = tpu.matmul %mul3A_13, %get3A_16, %dot_general3A {dimension_numbers = #tpu.dot_dimension_numbers<[1], [0], [0], [1], [0, 0, 1, 1], [], []>, transpose_lhs_hint = false} : vector<10240x128xf32>, vector<128x128xf32>, vector<10240x128xf32> -> vector<10240x128xf32>
    %get3A_18 = arith.constant 0 : index
    %get3A_19 = vector.load %arg7[%get3A_18] : memref<128xf32, #tpu.memory_space<vmem>>, vector<128xf32>
    %broadcast_in_dim3A = vector.shape_cast %get3A_19 : vector<128xf32> to vector<1x128xf32>
    %add3A = vector.broadcast %broadcast_in_dim3A : vector<1x128xf32> to vector<10240x128xf32>
    %add3A_20 = arith.addf %dot_general3A_17, %add3A : vector<10240x128xf32>
    %get3A_21 = arith.constant 0 : index
    %get3A_22 = arith.constant 0 : index
    %get3A_23 = vector.load %arg3[%get3A_21, %get3A_22] : memref<10240x128xf32, #tpu.memory_space<vmem>>, vector<10240x128xf32>
    %get3A_24 = arith.constant 0 : index
    %get3A_25 = arith.constant 0 : index
    %get3A_26 = vector.load %arg8[%get3A_24, %get3A_25] : memref<128x128xf32, #tpu.memory_space<vmem>>, vector<128x128xf32>
    %dot_general3A_27 = arith.constant dense<0.000000e+00> : vector<10240x128xf32>
    %dot_general3A_28 = tpu.matmul %get3A_23, %get3A_26, %dot_general3A_27 {dimension_numbers = #tpu.dot_dimension_numbers<[1], [0], [0], [1], [0, 0, 1, 1], [], []>, transpose_lhs_hint = false} : vector<10240x128xf32>, vector<128x128xf32>, vector<10240x128xf32> -> vector<10240x128xf32>
    %add3A_29 = arith.addf %add3A_20, %dot_general3A_28 : vector<10240x128xf32>
    %swap3A = arith.constant 0 : index
    %swap3A_30 = arith.constant 0 : index
    %swap3A_31 = vector.load %arg22[%swap3A, %swap3A_30] : memref<10240x128xf32, #tpu.memory_space<vmem>>, vector<10240x128xf32>
    tpu.vector_store %arg22[%swap3A, %swap3A_30], %add3A_29 {strides = array<i32>} : memref<10240x128xf32, #tpu.memory_space<vmem>>, vector<10240x128xf32>,
    %get3A_32 = arith.constant 0 : index
    %get3A_33 = arith.constant 0 : index
    %get3A_34 = arith.constant 0 : index
    %get3A_35 = vector.load %arg1[%get3A_32, %get3A_33, %get3A_34] : memref<2x1024x128xf32, #tpu.memory_space<vmem>>, vector<1x1024x128xf32>
    %get3A_36 = vector.shape_cast %get3A_35 : vector<1x1024x128xf32> to vector<1024x128xf32>
    %get3A_37 = arith.constant 1 : index
    %get3A_38 = arith.constant 0 : index
    %get3A_39 = arith.constant 0 : index
    %get3A_40 = vector.load %arg1[%get3A_37, %get3A_38, %get3A_39] : memref<2x1024x128xf32, #tpu.memory_space<vmem>>, vector<1x1024x128xf32>
    %get3A_41 = vector.shape_cast %get3A_40 : vector<1x1024x128xf32> to vector<1024x128xf32>
    %slice3A_42 = vector.extract_strided_slice %get3A_41 {offsets = [0, 0], sizes = [1024, 1], strides = [1, 1]} : vector<1024x128xf32> to vector<1024x1xf32>
    %max3A_43 = arith.constant 1.000000e+00 : f32
    %max3A_44 = vector.broadcast %max3A_43 : f32 to vector<1024x1xf32>
    %max3A_45 = arith.maximumf %slice3A_42, %max3A_44 : vector<1024x1xf32>
    %div3A_46 = arith.constant 1.000000e+00 : f32
    %div3A_47 = vector.broadcast %div3A_46 : f32 to vector<1024x1xf32>
    %div3A_48 = arith.divf %div3A_47, %max3A_45 : vector<1024x1xf32>
    %mul3A_49 = vector.broadcast %div3A_48 : vector<1024x1xf32> to vector<1024x128xf32>
    %mul3A_50 = arith.mulf %get3A_36, %mul3A_49 : vector<1024x128xf32>
    %get3A_51 = arith.constant 0 : index
    %get3A_52 = arith.constant 0 : index
    %get3A_53 = vector.load %arg9[%get3A_51, %get3A_52] : memref<128x128xf32, #tpu.memory_space<vmem>>, vector<128x128xf32>
    %dot_general3A_54 = arith.constant dense<0.000000e+00> : vector<1024x128xf32>
    %dot_general3A_55 = tpu.matmul %mul3A_50, %get3A_53, %dot_general3A_54 {dimension_numbers = #tpu.dot_dimension_numbers<[1], [0], [0], [1], [0, 0, 1, 1], [], []>, transpose_lhs_hint = false} : vector<1024x128xf32>, vector<128x128xf32>, vector<1024x128xf32> -> vector<1024x128xf32>
    %get3A_56 = arith.constant 0 : index
    %get3A_57 = vector.load %arg10[%get3A_56] : memref<128xf32, #tpu.memory_space<vmem>>, vector<128xf32>
    %broadcast_in_dim3A_58 = vector.shape_cast %get3A_57 : vector<128xf32> to vector<1x128xf32>
    %add3A_59 = vector.broadcast %broadcast_in_dim3A_58 : vector<1x128xf32> to vector<1024x128xf32>
    %add3A_60 = arith.addf %dot_general3A_55, %add3A_59 : vector<1024x128xf32>
    %get3A_61 = arith.constant 0 : index
    %get3A_62 = arith.constant 0 : index
    %get3A_63 = vector.load %arg4[%get3A_61, %get3A_62] : memref<1024x128xf32, #tpu.memory_space<vmem>>, vector<1024x128xf32>
    %get3A_64 = arith.constant 0 : index
    %get3A_65 = arith.constant 0 : index
    %get3A_66 = vector.load %arg11[%get3A_64, %get3A_65] : memref<128x128xf32, #tpu.memory_space<vmem>>, vector<128x128xf32>
    %dot_general3A_67 = arith.constant dense<0.000000e+00> : vector<1024x128xf32>
    %dot_general3A_68 = tpu.matmul %get3A_63, %get3A_66, %dot_general3A_67 {dimension_numbers = #tpu.dot_dimension_numbers<[1], [0], [0], [1], [0, 0, 1, 1], [], []>, transpose_lhs_hint = false} : vector<1024x128xf32>, vector<128x128xf32>, vector<1024x128xf32> -> vector<1024x128xf32>
    %add3A_69 = arith.addf %add3A_60, %dot_general3A_68 : vector<1024x128xf32>
    %get3A_70 = arith.constant 0 : index
    %get3A_71 = arith.constant 0 : index
    %get3A_72 = arith.constant 0 : index
    %get3A_73 = vector.load %arg2[%get3A_70, %get3A_71, %get3A_72] : memref<2x1024x128xf32, #tpu.memory_space<vmem>>, vector<1x1024x128xf32>
    %get3A_74 = vector.shape_cast %get3A_73 : vector<1x1024x128xf32> to vector<1024x128xf32>
    %get3A_75 = arith.constant 1 : index
    %get3A_76 = arith.constant 0 : index
    %get3A_77 = arith.constant 0 : index
    %get3A_78 = vector.load %arg2[%get3A_75, %get3A_76, %get3A_77] : memref<2x1024x128xf32, #tpu.memory_space<vmem>>, vector<1x1024x128xf32>
    %get3A_79 = vector.shape_cast %get3A_78 : vector<1x1024x128xf32> to vector<1024x128xf32>
    %slice3A_80 = vector.extract_strided_slice %get3A_79 {offsets = [0, 0], sizes = [1024, 1], strides = [1, 1]} : vector<1024x128xf32> to vector<1024x1xf32>
    %max3A_81 = arith.constant 1.000000e+00 : f32
    %max3A_82 = vector.broadcast %max3A_81 : f32 to vector<1024x1xf32>
    %max3A_83 = arith.maximumf %slice3A_80, %max3A_82 : vector<1024x1xf32>
    %div3A_84 = arith.constant 1.000000e+00 : f32
    %div3A_85 = vector.broadcast %div3A_84 : f32 to vector<1024x1xf32>
    %div3A_86 = arith.divf %div3A_85, %max3A_83 : vector<1024x1xf32>
    %mul3A_87 = vector.broadcast %div3A_86 : vector<1024x1xf32> to vector<1024x128xf32>
    %mul3A_88 = arith.mulf %get3A_74, %mul3A_87 : vector<1024x128xf32>
    %get3A_89 = arith.constant 0 : index
    %get3A_90 = arith.constant 0 : index
    %get3A_91 = vector.load %arg12[%get3A_89, %get3A_90] : memref<128x128xf32, #tpu.memory_space<vmem>>, vector<128x128xf32>
    %dot_general3A_92 = arith.constant dense<0.000000e+00> : vector<1024x128xf32>
    %dot_general3A_93 = tpu.matmul %mul3A_88, %get3A_91, %dot_general3A_92 {dimension_numbers = #tpu.dot_dimension_numbers<[1], [0], [0], [1], [0, 0, 1, 1], [], []>, transpose_lhs_hint = false} : vector<1024x128xf32>, vector<128x128xf32>, vector<1024x128xf32> -> vector<1024x128xf32>
    %get3A_94 = arith.constant 0 : index
    %get3A_95 = vector.load %arg13[%get3A_94] : memref<128xf32, #tpu.memory_space<vmem>>, vector<128xf32>
    %broadcast_in_dim3A_96 = vector.shape_cast %get3A_95 : vector<128xf32> to vector<1x128xf32>
    %add3A_97 = vector.broadcast %broadcast_in_dim3A_96 : vector<1x128xf32> to vector<1024x128xf32>
    %add3A_98 = arith.addf %dot_general3A_93, %add3A_97 : vector<1024x128xf32>
    %get3A_99 = arith.constant 0 : index
    %get3A_100 = arith.constant 0 : index
    %get3A_101 = vector.load %arg5[%get3A_99, %get3A_100] : memref<1024x128xf32, #tpu.memory_space<vmem>>, vector<1024x128xf32>
    %get3A_102 = arith.constant 0 : index
    %get3A_103 = arith.constant 0 : index
    %get3A_104 = vector.load %arg14[%get3A_102, %get3A_103] : memref<128x128xf32, #tpu.memory_space<vmem>>, vector<128x128xf32>
    %dot_general3A_105 = arith.constant dense<0.000000e+00> : vector<1024x128xf32>
    %dot_general3A_106 = tpu.matmul %get3A_101, %get3A_104, %dot_general3A_105 {dimension_numbers = #tpu.dot_dimension_numbers<[1], [0], [0], [1], [0, 0, 1, 1], [], []>, transpose_lhs_hint = false} : vector<1024x128xf32>, vector<128x128xf32>, vector<1024x128xf32> -> vector<1024x128xf32>
    %add3A_107 = arith.addf %add3A_98, %dot_general3A_106 : vector<1024x128xf32>
    %get3A_108 = arith.constant 0 : index
    %get3A_109 = arith.constant 0 : index
    %get3A_110 = vector.load %arg19[%get3A_108, %get3A_109] : memref<32x128xi32, #tpu.memory_space<vmem>>, vector<32x128xi32>
    %iota3A = tpu.iota {dimensions = array<i32: 0>} : vector<1024x128xi32>
    %iota3A_111 = tpu.iota {dimensions = array<i32: 1>} : vector<1024x128xi32>
    %broadcast_in_dim3A_112 = arith.constant -1 : i32
    %broadcast_in_dim3A_113 = vector.broadcast %broadcast_in_dim3A_112 : i32 to vector<1024x128xi32>
    %slice3A_114 = vector.extract_strided_slice %get3A_110 {offsets = [0, 0], sizes = [1, 128], strides = [1, 1]} : vector<32x128xi32> to vector<1x128xi32>
    %eq3A = vector.broadcast %slice3A_114 : vector<1x128xi32> to vector<1024x128xi32>
    %eq3A_115 = arith.cmpi eq, %eq3A, %iota3A : vector<1024x128xi32>
    %add3A_116 = arith.constant 0 : i32
    %add3A_117 = vector.broadcast %add3A_116 : i32 to vector<1024x128xi32>
    %add3A_118 = arith.addi %iota3A_111, %add3A_117 : vector<1024x128xi32>
    %jit3A = arith.constant -1 : i32
    %broadcast_in_dim3A_119 = vector.broadcast %jit3A : i32 to vector<1024x128xi32>
    %select_n3A = arith.select %eq3A_115, %add3A_118, %broadcast_in_dim3A_119 : vector<1024x128xi1>, vector<1024x128xi32>
    %max3A_120 = arith.maxsi %broadcast_in_dim3A_113, %select_n3A : vector<1024x128xi32>
    %slice3A_121 = vector.extract_strided_slice %get3A_110 {offsets = [1, 0], sizes = [1, 128], strides = [1, 1]} : vector<32x128xi32> to vector<1x128xi32>
    %eq3A_122 = vector.broadcast %slice3A_121 : vector<1x128xi32> to vector<1024x128xi32>
    %eq3A_123 = arith.cmpi eq, %eq3A_122, %iota3A : vector<1024x128xi32>
    %add3A_124 = arith.constant 128 : i32
    %add3A_125 = vector.broadcast %add3A_124 : i32 to vector<1024x128xi32>
    %add3A_126 = arith.addi %iota3A_111, %add3A_125 : vector<1024x128xi32>
    %jit3A_127 = arith.constant -1 : i32
    %broadcast_in_dim3A_128 = vector.broadcast %jit3A_127 : i32 to vector<1024x128xi32>
    %select_n3A_129 = arith.select %eq3A_123, %add3A_126, %broadcast_in_dim3A_128 : vector<1024x128xi1>, vector<1024x128xi32>
    %max3A_130 = arith.maxsi %max3A_120, %select_n3A_129 : vector<1024x128xi32>
    %slice3A_131 = vector.extract_strided_slice %get3A_110 {offsets = [2, 0], sizes = [1, 128], strides = [1, 1]} : vector<32x128xi32> to vector<1x128xi32>
    %eq3A_132 = vector.broadcast %slice3A_131 : vector<1x128xi32> to vector<1024x128xi32>
    %eq3A_133 = arith.cmpi eq, %eq3A_132, %iota3A : vector<1024x128xi32>
    %add3A_134 = arith.constant 256 : i32
    %add3A_135 = vector.broadcast %add3A_134 : i32 to vector<1024x128xi32>
    %add3A_136 = arith.addi %iota3A_111, %add3A_135 : vector<1024x128xi32>
    %jit3A_137 = arith.constant -1 : i32
    %broadcast_in_dim3A_138 = vector.broadcast %jit3A_137 : i32 to vector<1024x128xi32>
    %select_n3A_139 = arith.select %eq3A_133, %add3A_136, %broadcast_in_dim3A_138 : vector<1024x128xi1>, vector<1024x128xi32>
    %max3A_140 = arith.maxsi %max3A_130, %select_n3A_139 : vector<1024x128xi32>
    %slice3A_141 = vector.extract_strided_slice %get3A_110 {offsets = [3, 0], sizes = [1, 128], strides = [1, 1]} : vector<32x128xi32> to vector<1x128xi32>
    %eq3A_142 = vector.broadcast %slice3A_141 : vector<1x128xi32> to vector<1024x128xi32>
    %eq3A_143 = arith.cmpi eq, %eq3A_142, %iota3A : vector<1024x128xi32>
    %add3A_144 = arith.constant 384 : i32
    %add3A_145 = vector.broadcast %add3A_144 : i32 to vector<1024x128xi32>
    %add3A_146 = arith.addi %iota3A_111, %add3A_145 : vector<1024x128xi32>
    %jit3A_147 = arith.constant -1 : i32
    %broadcast_in_dim3A_148 = vector.broadcast %jit3A_147 : i32 to vector<1024x128xi32>
    %select_n3A_149 = arith.select %eq3A_143, %add3A_146, %broadcast_in_dim3A_148 : vector<1024x128xi1>, vector<1024x128xi32>
    %max3A_150 = arith.maxsi %max3A_140, %select_n3A_149 : vector<1024x128xi32>
    %slice3A_151 = vector.extract_strided_slice %get3A_110 {offsets = [4, 0], sizes = [1, 128], strides = [1, 1]} : vector<32x128xi32> to vector<1x128xi32>
    %eq3A_152 = vector.broadcast %slice3A_151 : vector<1x128xi32> to vector<1024x128xi32>
    %eq3A_153 = arith.cmpi eq, %eq3A_152, %iota3A : vector<1024x128xi32>
    %add3A_154 = arith.constant 512 : i32
    %add3A_155 = vector.broadcast %add3A_154 : i32 to vector<1024x128xi32>
    %add3A_156 = arith.addi %iota3A_111, %add3A_155 : vector<1024x128xi32>
    %jit3A_157 = arith.constant -1 : i32
    %broadcast_in_dim3A_158 = vector.broadcast %jit3A_157 : i32 to vector<1024x128xi32>
    %select_n3A_159 = arith.select %eq3A_153, %add3A_156, %broadcast_in_dim3A_158 : vector<1024x128xi1>, vector<1024x128xi32>
    %max3A_160 = arith.maxsi %max3A_150, %select_n3A_159 : vector<1024x128xi32>
    %slice3A_161 = vector.extract_strided_slice %get3A_110 {offsets = [5, 0], sizes = [1, 128], strides = [1, 1]} : vector<32x128xi32> to vector<1x128xi32>
    %eq3A_162 = vector.broadcast %slice3A_161 : vector<1x128xi32> to vector<1024x128xi32>
    %eq3A_163 = arith.cmpi eq, %eq3A_162, %iota3A : vector<1024x128xi32>
    %add3A_164 = arith.constant 640 : i32
    %add3A_165 = vector.broadcast %add3A_164 : i32 to vector<1024x128xi32>
    %add3A_166 = arith.addi %iota3A_111, %add3A_165 : vector<1024x128xi32>
    %jit3A_167 = arith.constant -1 : i32
    %broadcast_in_dim3A_168 = vector.broadcast %jit3A_167 : i32 to vector<1024x128xi32>
    %select_n3A_169 = arith.select %eq3A_163, %add3A_166, %broadcast_in_dim3A_168 : vector<1024x128xi1>, vector<1024x128xi32>
    %max3A_170 = arith.maxsi %max3A_160, %select_n3A_169 : vector<1024x128xi32>
    %slice3A_171 = vector.extract_strided_slice %get3A_110 {offsets = [6, 0], sizes = [1, 128], strides = [1, 1]} : vector<32x128xi32> to vector<1x128xi32>
    %eq3A_172 = vector.broadcast %slice3A_171 : vector<1x128xi32> to vector<1024x128xi32>
    %eq3A_173 = arith.cmpi eq, %eq3A_172, %iota3A : vector<1024x128xi32>
    %add3A_174 = arith.constant 768 : i32
    %add3A_175 = vector.broadcast %add3A_174 : i32 to vector<1024x128xi32>
    %add3A_176 = arith.addi %iota3A_111, %add3A_175 : vector<1024x128xi32>
    %jit3A_177 = arith.constant -1 : i32
    %broadcast_in_dim3A_178 = vector.broadcast %jit3A_177 : i32 to vector<1024x128xi32>
    %select_n3A_179 = arith.select %eq3A_173, %add3A_176, %broadcast_in_dim3A_178 : vector<1024x128xi1>, vector<1024x128xi32>
    %max3A_180 = arith.maxsi %max3A_170, %select_n3A_179 : vector<1024x128xi32>
    %slice3A_181 = vector.extract_strided_slice %get3A_110 {offsets = [7, 0], sizes = [1, 128], strides = [1, 1]} : vector<32x128xi32> to vector<1x128xi32>
    %eq3A_182 = vector.broadcast %slice3A_181 : vector<1x128xi32> to vector<1024x128xi32>
    %eq3A_183 = arith.cmpi eq, %eq3A_182, %iota3A : vector<1024x128xi32>
    %add3A_184 = arith.constant 896 : i32
    %add3A_185 = vector.broadcast %add3A_184 : i32 to vector<1024x128xi32>
    %add3A_186 = arith.addi %iota3A_111, %add3A_185 : vector<1024x128xi32>
    %jit3A_187 = arith.constant -1 : i32
    %broadcast_in_dim3A_188 = vector.broadcast %jit3A_187 : i32 to vector<1024x128xi32>
    %select_n3A_189 = arith.select %eq3A_183, %add3A_186, %broadcast_in_dim3A_188 : vector<1024x128xi1>, vector<1024x128xi32>
    %max3A_190 = arith.maxsi %max3A_180, %select_n3A_189 : vector<1024x128xi32>
    %slice3A_191 = vector.extract_strided_slice %get3A_110 {offsets = [8, 0], sizes = [1, 128], strides = [1, 1]} : vector<32x128xi32> to vector<1x128xi32>
    %eq3A_192 = vector.broadcast %slice3A_191 : vector<1x128xi32> to vector<1024x128xi32>
    %eq3A_193 = arith.cmpi eq, %eq3A_192, %iota3A : vector<1024x128xi32>
    %add3A_194 = arith.constant 1024 : i32
    %add3A_195 = vector.broadcast %add3A_194 : i32 to vector<1024x128xi32>
    %add3A_196 = arith.addi %iota3A_111, %add3A_195 : vector<1024x128xi32>
    %jit3A_197 = arith.constant -1 : i32
    %broadcast_in_dim3A_198 = vector.broadcast %jit3A_197 : i32 to vector<1024x128xi32>
    %select_n3A_199 = arith.select %eq3A_193, %add3A_196, %broadcast_in_dim3A_198 : vector<1024x128xi1>, vector<1024x128xi32>
    %max3A_200 = arith.maxsi %max3A_190, %select_n3A_199 : vector<1024x128xi32>
    %slice3A_201 = vector.extract_strided_slice %get3A_110 {offsets = [9, 0], sizes = [1, 128], strides = [1, 1]} : vector<32x128xi32> to vector<1x128xi32>
    %eq3A_202 = vector.broadcast %slice3A_201 : vector<1x128xi32> to vector<1024x128xi32>
    %eq3A_203 = arith.cmpi eq, %eq3A_202, %iota3A : vector<1024x128xi32>
    %add3A_204 = arith.constant 1152 : i32
    %add3A_205 = vector.broadcast %add3A_204 : i32 to vector<1024x128xi32>
    %add3A_206 = arith.addi %iota3A_111, %add3A_205 : vector<1024x128xi32>
    %jit3A_207 = arith.constant -1 : i32
    %broadcast_in_dim3A_208 = vector.broadcast %jit3A_207 : i32 to vector<1024x128xi32>
    %select_n3A_209 = arith.select %eq3A_203, %add3A_206, %broadcast_in_dim3A_208 : vector<1024x128xi1>, vector<1024x128xi32>
    %max3A_210 = arith.maxsi %max3A_200, %select_n3A_209 : vector<1024x128xi32>
    %slice3A_211 = vector.extract_strided_slice %get3A_110 {offsets = [10, 0], sizes = [1, 128], strides = [1, 1]} : vector<32x128xi32> to vector<1x128xi32>
    %eq3A_212 = vector.broadcast %slice3A_211 : vector<1x128xi32> to vector<1024x128xi32>
    %eq3A_213 = arith.cmpi eq, %eq3A_212, %iota3A : vector<1024x128xi32>
    %add3A_214 = arith.constant 1280 : i32
    %add3A_215 = vector.broadcast %add3A_214 : i32 to vector<1024x128xi32>
    %add3A_216 = arith.addi %iota3A_111, %add3A_215 : vector<1024x128xi32>
    %jit3A_217 = arith.constant -1 : i32
    %broadcast_in_dim3A_218 = vector.broadcast %jit3A_217 : i32 to vector<1024x128xi32>
    %select_n3A_219 = arith.select %eq3A_213, %add3A_216, %broadcast_in_dim3A_218 : vector<1024x128xi1>, vector<1024x128xi32>
    %max3A_220 = arith.maxsi %max3A_210, %select_n3A_219 : vector<1024x128xi32>
    %slice3A_221 = vector.extract_strided_slice %get3A_110 {offsets = [11, 0], sizes = [1, 128], strides = [1, 1]} : vector<32x128xi32> to vector<1x128xi32>
    %eq3A_222 = vector.broadcast %slice3A_221 : vector<1x128xi32> to vector<1024x128xi32>
    %eq3A_223 = arith.cmpi eq, %eq3A_222, %iota3A : vector<1024x128xi32>
    %add3A_224 = arith.constant 1408 : i32
    %add3A_225 = vector.broadcast %add3A_224 : i32 to vector<1024x128xi32>
    %add3A_226 = arith.addi %iota3A_111, %add3A_225 : vector<1024x128xi32>
    %jit3A_227 = arith.constant -1 : i32
    %broadcast_in_dim3A_228 = vector.broadcast %jit3A_227 : i32 to vector<1024x128xi32>
    %select_n3A_229 = arith.select %eq3A_223, %add3A_226, %broadcast_in_dim3A_228 : vector<1024x128xi1>, vector<1024x128xi32>
    %max3A_230 = arith.maxsi %max3A_220, %select_n3A_229 : vector<1024x128xi32>
    %slice3A_231 = vector.extract_strided_slice %get3A_110 {offsets = [12, 0], sizes = [1, 128], strides = [1, 1]} : vector<32x128xi32> to vector<1x128xi32>
    %eq3A_232 = vector.broadcast %slice3A_231 : vector<1x128xi32> to vector<1024x128xi32>
    %eq3A_233 = arith.cmpi eq, %eq3A_232, %iota3A : vector<1024x128xi32>
    %add3A_234 = arith.constant 1536 : i32
    %add3A_235 = vector.broadcast %add3A_234 : i32 to vector<1024x128xi32>
    %add3A_236 = arith.addi %iota3A_111, %add3A_235 : vector<1024x128xi32>
    %jit3A_237 = arith.constant -1 : i32
    %broadcast_in_dim3A_238 = vector.broadcast %jit3A_237 : i32 to vector<1024x128xi32>
    %select_n3A_239 = arith.select %eq3A_233, %add3A_236, %broadcast_in_dim3A_238 : vector<1024x128xi1>, vector<1024x128xi32>
    %max3A_240 = arith.maxsi %max3A_230, %select_n3A_239 : vector<1024x128xi32>
    %slice3A_241 = vector.extract_strided_slice %get3A_110 {offsets = [13, 0], sizes = [1, 128], strides = [1, 1]} : vector<32x128xi32> to vector<1x128xi32>
    %eq3A_242 = vector.broadcast %slice3A_241 : vector<1x128xi32> to vector<1024x128xi32>
    %eq3A_243 = arith.cmpi eq, %eq3A_242, %iota3A : vector<1024x128xi32>
    %add3A_244 = arith.constant 1664 : i32
    %add3A_245 = vector.broadcast %add3A_244 : i32 to vector<1024x128xi32>
    %add3A_246 = arith.addi %iota3A_111, %add3A_245 : vector<1024x128xi32>
    %jit3A_247 = arith.constant -1 : i32
    %broadcast_in_dim3A_248 = vector.broadcast %jit3A_247 : i32 to vector<1024x128xi32>
    %select_n3A_249 = arith.select %eq3A_243, %add3A_246, %broadcast_in_dim3A_248 : vector<1024x128xi1>, vector<1024x128xi32>
    %max3A_250 = arith.maxsi %max3A_240, %select_n3A_249 : vector<1024x128xi32>
    %slice3A_251 = vector.extract_strided_slice %get3A_110 {offsets = [14, 0], sizes = [1, 128], strides = [1, 1]} : vector<32x128xi32> to vector<1x128xi32>
    %eq3A_252 = vector.broadcast %slice3A_251 : vector<1x128xi32> to vector<1024x128xi32>
    %eq3A_253 = arith.cmpi eq, %eq3A_252, %iota3A : vector<1024x128xi32>
    %add3A_254 = arith.constant 1792 : i32
    %add3A_255 = vector.broadcast %add3A_254 : i32 to vector<1024x128xi32>
    %add3A_256 = arith.addi %iota3A_111, %add3A_255 : vector<1024x128xi32>
    %jit3A_257 = arith.constant -1 : i32
    %broadcast_in_dim3A_258 = vector.broadcast %jit3A_257 : i32 to vector<1024x128xi32>
    %select_n3A_259 = arith.select %eq3A_253, %add3A_256, %broadcast_in_dim3A_258 : vector<1024x128xi1>, vector<1024x128xi32>
    %max3A_260 = arith.maxsi %max3A_250, %select_n3A_259 : vector<1024x128xi32>
    %slice3A_261 = vector.extract_strided_slice %get3A_110 {offsets = [15, 0], sizes = [1, 128], strides = [1, 1]} : vector<32x128xi32> to vector<1x128xi32>
    %eq3A_262 = vector.broadcast %slice3A_261 : vector<1x128xi32> to vector<1024x128xi32>
    %eq3A_263 = arith.cmpi eq, %eq3A_262, %iota3A : vector<1024x128xi32>
    %add3A_264 = arith.constant 1920 : i32
    %add3A_265 = vector.broadcast %add3A_264 : i32 to vector<1024x128xi32>
    %add3A_266 = arith.addi %iota3A_111, %add3A_265 : vector<1024x128xi32>
    %jit3A_267 = arith.constant -1 : i32
    %broadcast_in_dim3A_268 = vector.broadcast %jit3A_267 : i32 to vector<1024x128xi32>
    %select_n3A_269 = arith.select %eq3A_263, %add3A_266, %broadcast_in_dim3A_268 : vector<1024x128xi1>, vector<1024x128xi32>
    %max3A_270 = arith.maxsi %max3A_260, %select_n3A_269 : vector<1024x128xi32>
    %slice3A_271 = vector.extract_strided_slice %get3A_110 {offsets = [16, 0], sizes = [1, 128], strides = [1, 1]} : vector<32x128xi32> to vector<1x128xi32>
    %eq3A_272 = vector.broadcast %slice3A_271 : vector<1x128xi32> to vector<1024x128xi32>
    %eq3A_273 = arith.cmpi eq, %eq3A_272, %iota3A : vector<1024x128xi32>
    %add3A_274 = arith.constant 2048 : i32
    %add3A_275 = vector.broadcast %add3A_274 : i32 to vector<1024x128xi32>
    %add3A_276 = arith.addi %iota3A_111, %add3A_275 : vector<1024x128xi32>
    %jit3A_277 = arith.constant -1 : i32
    %broadcast_in_dim3A_278 = vector.broadcast %jit3A_277 : i32 to vector<1024x128xi32>
    %select_n3A_279 = arith.select %eq3A_273, %add3A_276, %broadcast_in_dim3A_278 : vector<1024x128xi1>, vector<1024x128xi32>
    %max3A_280 = arith.maxsi %max3A_270, %select_n3A_279 : vector<1024x128xi32>
    %slice3A_281 = vector.extract_strided_slice %get3A_110 {offsets = [17, 0], sizes = [1, 128], strides = [1, 1]} : vector<32x128xi32> to vector<1x128xi32>
    %eq3A_282 = vector.broadcast %slice3A_281 : vector<1x128xi32> to vector<1024x128xi32>
    %eq3A_283 = arith.cmpi eq, %eq3A_282, %iota3A : vector<1024x128xi32>
    %add3A_284 = arith.constant 2176 : i32
    %add3A_285 = vector.broadcast %add3A_284 : i32 to vector<1024x128xi32>
    %add3A_286 = arith.addi %iota3A_111, %add3A_285 : vector<1024x128xi32>
    %jit3A_287 = arith.constant -1 : i32
    %broadcast_in_dim3A_288 = vector.broadcast %jit3A_287 : i32 to vector<1024x128xi32>
    %select_n3A_289 = arith.select %eq3A_283, %add3A_286, %broadcast_in_dim3A_288 : vector<1024x128xi1>, vector<1024x128xi32>
    %max3A_290 = arith.maxsi %max3A_280, %select_n3A_289 : vector<1024x128xi32>
    %slice3A_291 = vector.extract_strided_slice %get3A_110 {offsets = [18, 0], sizes = [1, 128], strides = [1, 1]} : vector<32x128xi32> to vector<1x128xi32>
    %eq3A_292 = vector.broadcast %slice3A_291 : vector<1x128xi32> to vector<1024x128xi32>
    %eq3A_293 = arith.cmpi eq, %eq3A_292, %iota3A : vector<1024x128xi32>
    %add3A_294 = arith.constant 2304 : i32
    %add3A_295 = vector.broadcast %add3A_294 : i32 to vector<1024x128xi32>
    %add3A_296 = arith.addi %iota3A_111, %add3A_295 : vector<1024x128xi32>
    %jit3A_297 = arith.constant -1 : i32
    %broadcast_in_dim3A_298 = vector.broadcast %jit3A_297 : i32 to vector<1024x128xi32>
    %select_n3A_299 = arith.select %eq3A_293, %add3A_296, %broadcast_in_dim3A_298 : vector<1024x128xi1>, vector<1024x128xi32>
    %max3A_300 = arith.maxsi %max3A_290, %select_n3A_299 : vector<1024x128xi32>
    %slice3A_301 = vector.extract_strided_slice %get3A_110 {offsets = [19, 0], sizes = [1, 128], strides = [1, 1]} : vector<32x128xi32> to vector<1x128xi32>
    %eq3A_302 = vector.broadcast %slice3A_301 : vector<1x128xi32> to vector<1024x128xi32>
    %eq3A_303 = arith.cmpi eq, %eq3A_302, %iota3A : vector<1024x128xi32>
    %add3A_304 = arith.constant 2432 : i32
    %add3A_305 = vector.broadcast %add3A_304 : i32 to vector<1024x128xi32>
    %add3A_306 = arith.addi %iota3A_111, %add3A_305 : vector<1024x128xi32>
    %jit3A_307 = arith.constant -1 : i32
    %broadcast_in_dim3A_308 = vector.broadcast %jit3A_307 : i32 to vector<1024x128xi32>
    %select_n3A_309 = arith.select %eq3A_303, %add3A_306, %broadcast_in_dim3A_308 : vector<1024x128xi1>, vector<1024x128xi32>
    %max3A_310 = arith.maxsi %max3A_300, %select_n3A_309 : vector<1024x128xi32>
    %slice3A_311 = vector.extract_strided_slice %get3A_110 {offsets = [20, 0], sizes = [1, 128], strides = [1, 1]} : vector<32x128xi32> to vector<1x128xi32>
    %eq3A_312 = vector.broadcast %slice3A_311 : vector<1x128xi32> to vector<1024x128xi32>
    %eq3A_313 = arith.cmpi eq, %eq3A_312, %iota3A : vector<1024x128xi32>
    %add3A_314 = arith.constant 2560 : i32
    %add3A_315 = vector.broadcast %add3A_314 : i32 to vector<1024x128xi32>
    %add3A_316 = arith.addi %iota3A_111, %add3A_315 : vector<1024x128xi32>
    %jit3A_317 = arith.constant -1 : i32
    %broadcast_in_dim3A_318 = vector.broadcast %jit3A_317 : i32 to vector<1024x128xi32>
    %select_n3A_319 = arith.select %eq3A_313, %add3A_316, %broadcast_in_dim3A_318 : vector<1024x128xi1>, vector<1024x128xi32>
    %max3A_320 = arith.maxsi %max3A_310, %select_n3A_319 : vector<1024x128xi32>
    %slice3A_321 = vector.extract_strided_slice %get3A_110 {offsets = [21, 0], sizes = [1, 128], strides = [1, 1]} : vector<32x128xi32> to vector<1x128xi32>
    %eq3A_322 = vector.broadcast %slice3A_321 : vector<1x128xi32> to vector<1024x128xi32>
    %eq3A_323 = arith.cmpi eq, %eq3A_322, %iota3A : vector<1024x128xi32>
    %add3A_324 = arith.constant 2688 : i32
    %add3A_325 = vector.broadcast %add3A_324 : i32 to vector<1024x128xi32>
    %add3A_326 = arith.addi %iota3A_111, %add3A_325 : vector<1024x128xi32>
    %jit3A_327 = arith.constant -1 : i32
    %broadcast_in_dim3A_328 = vector.broadcast %jit3A_327 : i32 to vector<1024x128xi32>
    %select_n3A_329 = arith.select %eq3A_323, %add3A_326, %broadcast_in_dim3A_328 : vector<1024x128xi1>, vector<1024x128xi32>
    %max3A_330 = arith.maxsi %max3A_320, %select_n3A_329 : vector<1024x128xi32>
    %slice3A_331 = vector.extract_strided_slice %get3A_110 {offsets = [22, 0], sizes = [1, 128], strides = [1, 1]} : vector<32x128xi32> to vector<1x128xi32>
    %eq3A_332 = vector.broadcast %slice3A_331 : vector<1x128xi32> to vector<1024x128xi32>
    %eq3A_333 = arith.cmpi eq, %eq3A_332, %iota3A : vector<1024x128xi32>
    %add3A_334 = arith.constant 2816 : i32
    %add3A_335 = vector.broadcast %add3A_334 : i32 to vector<1024x128xi32>
    %add3A_336 = arith.addi %iota3A_111, %add3A_335 : vector<1024x128xi32>
    %jit3A_337 = arith.constant -1 : i32
    %broadcast_in_dim3A_338 = vector.broadcast %jit3A_337 : i32 to vector<1024x128xi32>
    %select_n3A_339 = arith.select %eq3A_333, %add3A_336, %broadcast_in_dim3A_338 : vector<1024x128xi1>, vector<1024x128xi32>
    %max3A_340 = arith.maxsi %max3A_330, %select_n3A_339 : vector<1024x128xi32>
    %slice3A_341 = vector.extract_strided_slice %get3A_110 {offsets = [23, 0], sizes = [1, 128], strides = [1, 1]} : vector<32x128xi32> to vector<1x128xi32>
    %eq3A_342 = vector.broadcast %slice3A_341 : vector<1x128xi32> to vector<1024x128xi32>
    %eq3A_343 = arith.cmpi eq, %eq3A_342, %iota3A : vector<1024x128xi32>
    %add3A_344 = arith.constant 2944 : i32
    %add3A_345 = vector.broadcast %add3A_344 : i32 to vector<1024x128xi32>
    %add3A_346 = arith.addi %iota3A_111, %add3A_345 : vector<1024x128xi32>
    %jit3A_347 = arith.constant -1 : i32
    %broadcast_in_dim3A_348 = vector.broadcast %jit3A_347 : i32 to vector<1024x128xi32>
    %select_n3A_349 = arith.select %eq3A_343, %add3A_346, %broadcast_in_dim3A_348 : vector<1024x128xi1>, vector<1024x128xi32>
    %max3A_350 = arith.maxsi %max3A_340, %select_n3A_349 : vector<1024x128xi32>
    %slice3A_351 = vector.extract_strided_slice %get3A_110 {offsets = [24, 0], sizes = [1, 128], strides = [1, 1]} : vector<32x128xi32> to vector<1x128xi32>
    %eq3A_352 = vector.broadcast %slice3A_351 : vector<1x128xi32> to vector<1024x128xi32>
    %eq3A_353 = arith.cmpi eq, %eq3A_352, %iota3A : vector<1024x128xi32>
    %add3A_354 = arith.constant 3072 : i32
    %add3A_355 = vector.broadcast %add3A_354 : i32 to vector<1024x128xi32>
    %add3A_356 = arith.addi %iota3A_111, %add3A_355 : vector<1024x128xi32>
    %jit3A_357 = arith.constant -1 : i32
    %broadcast_in_dim3A_358 = vector.broadcast %jit3A_357 : i32 to vector<1024x128xi32>
    %select_n3A_359 = arith.select %eq3A_353, %add3A_356, %broadcast_in_dim3A_358 : vector<1024x128xi1>, vector<1024x128xi32>
    %max3A_360 = arith.maxsi %max3A_350, %select_n3A_359 : vector<1024x128xi32>
    %slice3A_361 = vector.extract_strided_slice %get3A_110 {offsets = [25, 0], sizes = [1, 128], strides = [1, 1]} : vector<32x128xi32> to vector<1x128xi32>
    %eq3A_362 = vector.broadcast %slice3A_361 : vector<1x128xi32> to vector<1024x128xi32>
    %eq3A_363 = arith.cmpi eq, %eq3A_362, %iota3A : vector<1024x128xi32>
    %add3A_364 = arith.constant 3200 : i32
    %add3A_365 = vector.broadcast %add3A_364 : i32 to vector<1024x128xi32>
    %add3A_366 = arith.addi %iota3A_111, %add3A_365 : vector<1024x128xi32>
    %jit3A_367 = arith.constant -1 : i32
    %broadcast_in_dim3A_368 = vector.broadcast %jit3A_367 : i32 to vector<1024x128xi32>
    %select_n3A_369 = arith.select %eq3A_363, %add3A_366, %broadcast_in_dim3A_368 : vector<1024x128xi1>, vector<1024x128xi32>
    %max3A_370 = arith.maxsi %max3A_360, %select_n3A_369 : vector<1024x128xi32>
    %slice3A_371 = vector.extract_strided_slice %get3A_110 {offsets = [26, 0], sizes = [1, 128], strides = [1, 1]} : vector<32x128xi32> to vector<1x128xi32>
    %eq3A_372 = vector.broadcast %slice3A_371 : vector<1x128xi32> to vector<1024x128xi32>
    %eq3A_373 = arith.cmpi eq, %eq3A_372, %iota3A : vector<1024x128xi32>
    %add3A_374 = arith.constant 3328 : i32
    %add3A_375 = vector.broadcast %add3A_374 : i32 to vector<1024x128xi32>
    %add3A_376 = arith.addi %iota3A_111, %add3A_375 : vector<1024x128xi32>
    %jit3A_377 = arith.constant -1 : i32
    %broadcast_in_dim3A_378 = vector.broadcast %jit3A_377 : i32 to vector<1024x128xi32>
    %select_n3A_379 = arith.select %eq3A_373, %add3A_376, %broadcast_in_dim3A_378 : vector<1024x128xi1>, vector<1024x128xi32>
    %max3A_380 = arith.maxsi %max3A_370, %select_n3A_379 : vector<1024x128xi32>
    %slice3A_381 = vector.extract_strided_slice %get3A_110 {offsets = [27, 0], sizes = [1, 128], strides = [1, 1]} : vector<32x128xi32> to vector<1x128xi32>
    %eq3A_382 = vector.broadcast %slice3A_381 : vector<1x128xi32> to vector<1024x128xi32>
    %eq3A_383 = arith.cmpi eq, %eq3A_382, %iota3A : vector<1024x128xi32>
    %add3A_384 = arith.constant 3456 : i32
    %add3A_385 = vector.broadcast %add3A_384 : i32 to vector<1024x128xi32>
    %add3A_386 = arith.addi %iota3A_111, %add3A_385 : vector<1024x128xi32>
    %jit3A_387 = arith.constant -1 : i32
    %broadcast_in_dim3A_388 = vector.broadcast %jit3A_387 : i32 to vector<1024x128xi32>
    %select_n3A_389 = arith.select %eq3A_383, %add3A_386, %broadcast_in_dim3A_388 : vector<1024x128xi1>, vector<1024x128xi32>
    %max3A_390 = arith.maxsi %max3A_380, %select_n3A_389 : vector<1024x128xi32>
    %slice3A_391 = vector.extract_strided_slice %get3A_110 {offsets = [28, 0], sizes = [1, 128], strides = [1, 1]} : vector<32x128xi32> to vector<1x128xi32>
    %eq3A_392 = vector.broadcast %slice3A_391 : vector<1x128xi32> to vector<1024x128xi32>
    %eq3A_393 = arith.cmpi eq, %eq3A_392, %iota3A : vector<1024x128xi32>
    %add3A_394 = arith.constant 3584 : i32
    %add3A_395 = vector.broadcast %add3A_394 : i32 to vector<1024x128xi32>
    %add3A_396 = arith.addi %iota3A_111, %add3A_395 : vector<1024x128xi32>
    %jit3A_397 = arith.constant -1 : i32
    %broadcast_in_dim3A_398 = vector.broadcast %jit3A_397 : i32 to vector<1024x128xi32>
    %select_n3A_399 = arith.select %eq3A_393, %add3A_396, %broadcast_in_dim3A_398 : vector<1024x128xi1>, vector<1024x128xi32>
    %max3A_400 = arith.maxsi %max3A_390, %select_n3A_399 : vector<1024x128xi32>
    %slice3A_401 = vector.extract_strided_slice %get3A_110 {offsets = [29, 0], sizes = [1, 128], strides = [1, 1]} : vector<32x128xi32> to vector<1x128xi32>
    %eq3A_402 = vector.broadcast %slice3A_401 : vector<1x128xi32> to vector<1024x128xi32>
    %eq3A_403 = arith.cmpi eq, %eq3A_402, %iota3A : vector<1024x128xi32>
    %add3A_404 = arith.constant 3712 : i32
    %add3A_405 = vector.broadcast %add3A_404 : i32 to vector<1024x128xi32>
    %add3A_406 = arith.addi %iota3A_111, %add3A_405 : vector<1024x128xi32>
    %jit3A_407 = arith.constant -1 : i32
    %broadcast_in_dim3A_408 = vector.broadcast %jit3A_407 : i32 to vector<1024x128xi32>
    %select_n3A_409 = arith.select %eq3A_403, %add3A_406, %broadcast_in_dim3A_408 : vector<1024x128xi1>, vector<1024x128xi32>
    %max3A_410 = arith.maxsi %max3A_400, %select_n3A_409 : vector<1024x128xi32>
    %slice3A_411 = vector.extract_strided_slice %get3A_110 {offsets = [30, 0], sizes = [1, 128], strides = [1, 1]} : vector<32x128xi32> to vector<1x128xi32>
    %eq3A_412 = vector.broadcast %slice3A_411 : vector<1x128xi32> to vector<1024x128xi32>
    %eq3A_413 = arith.cmpi eq, %eq3A_412, %iota3A : vector<1024x128xi32>
    %add3A_414 = arith.constant 3840 : i32
    %add3A_415 = vector.broadcast %add3A_414 : i32 to vector<1024x128xi32>
    %add3A_416 = arith.addi %iota3A_111, %add3A_415 : vector<1024x128xi32>
    %jit3A_417 = arith.constant -1 : i32
    %broadcast_in_dim3A_418 = vector.broadcast %jit3A_417 : i32 to vector<1024x128xi32>
    %select_n3A_419 = arith.select %eq3A_413, %add3A_416, %broadcast_in_dim3A_418 : vector<1024x128xi1>, vector<1024x128xi32>
    %max3A_420 = arith.maxsi %max3A_410, %select_n3A_419 : vector<1024x128xi32>
    %slice3A_421 = vector.extract_strided_slice %get3A_110 {offsets = [31, 0], sizes = [1, 128], strides = [1, 1]} : vector<32x128xi32> to vector<1x128xi32>
    %eq3A_422 = vector.broadcast %slice3A_421 : vector<1x128xi32> to vector<1024x128xi32>
    %eq3A_423 = arith.cmpi eq, %eq3A_422, %iota3A : vector<1024x128xi32>
    %add3A_424 = arith.constant 3968 : i32
    %add3A_425 = vector.broadcast %add3A_424 : i32 to vector<1024x128xi32>
    %add3A_426 = arith.addi %iota3A_111, %add3A_425 : vector<1024x128xi32>
    %jit3A_427 = arith.constant -1 : i32
    %broadcast_in_dim3A_428 = vector.broadcast %jit3A_427 : i32 to vector<1024x128xi32>
    %select_n3A_429 = arith.select %eq3A_423, %add3A_426, %broadcast_in_dim3A_428 : vector<1024x128xi1>, vector<1024x128xi32>
    %max3A_430 = arith.maxsi %max3A_420, %select_n3A_429 : vector<1024x128xi32>
    %reduce_max3A = arith.constant dense<-2147483648> : vector<1024xi32>
    %reduce_max3A_431 = vector.multi_reduction <maxsi>, %max3A_430, %reduce_max3A [1] : vector<1024x128xi32> to vector<1024xi32>
    %broadcast_in_dim3A_432 = vector.shape_cast %reduce_max3A_431 : vector<1024xi32> to vector<1024x1xi32>
    %ge3A = arith.constant 0 : i32
    %ge3A_433 = vector.broadcast %ge3A : i32 to vector<1024x1xi32>
    %ge3A_434 = arith.cmpi sge, %broadcast_in_dim3A_432, %ge3A_433 : vector<1024x1xi32>
    %broadcast_in_dim3A_435 = arith.constant 0.000000e+00 : f32
    %broadcast_in_dim3A_436 = vector.broadcast %broadcast_in_dim3A_435 : f32 to vector<1024x128xf32>
    %broadcast_in_dim3A_437 = arith.constant 0.000000e+00 : f32
    %broadcast_in_dim3A_438 = vector.broadcast %broadcast_in_dim3A_437 : f32 to vector<1024x128xf32>
    %add3A_439 = arith.constant 0 : i32
    %add3A_440 = vector.broadcast %add3A_439 : i32 to vector<1024x128xi32>
    %add3A_441 = arith.addi %iota3A_111, %add3A_440 : vector<1024x128xi32>
    %eq3A_442 = vector.broadcast %broadcast_in_dim3A_432 : vector<1024x1xi32> to vector<1024x128xi32>
    %eq3A_443 = arith.cmpi eq, %add3A_441, %eq3A_442 : vector<1024x128xi32>
    %convert_element_type3A = arith.extui %eq3A_443 : vector<1024x128xi1> to vector<1024x128xi32>
    %convert_element_type3A_444 = arith.sitofp %convert_element_type3A : vector<1024x128xi32> to vector<1024x128xf32>
    %get3A_445 = arith.constant 0 : index
    %get3A_446 = arith.constant 0 : index
    %get3A_447 = vector.load %arg20[%get3A_445, %get3A_446] : memref<4096x128xf32, #tpu.memory_space<vmem>>, vector<128x128xf32>
    %dot_general3A_448 = arith.constant dense<0.000000e+00> : vector<1024x128xf32>
    %dot_general3A_449 = tpu.matmul %convert_element_type3A_444, %get3A_447, %dot_general3A_448 {dimension_numbers = #tpu.dot_dimension_numbers<[1], [0], [0], [1], [0, 0, 1, 1], [], []>, transpose_lhs_hint = false} : vector<1024x128xf32>, vector<128x128xf32>, vector<1024x128xf32> -> vector<1024x128xf32>
    %add3A_450 = arith.addf %broadcast_in_dim3A_436, %dot_general3A_449 : vector<1024x128xf32>
    %get3A_451 = arith.constant 0 : index
    %get3A_452 = arith.constant 0 : index
    %get3A_453 = vector.load %arg21[%get3A_451, %get3A_452] : memref<4096x128xf32, #tpu.memory_space<vmem>>, vector<128x128xf32>
    %dot_general3A_454 = arith.constant dense<0.000000e+00> : vector<1024x128xf32>
    %dot_general3A_455 = tpu.matmul %convert_element_type3A_444, %get3A_453, %dot_general3A_454 {dimension_numbers = #tpu.dot_dimension_numbers<[1], [0], [0], [1], [0, 0, 1, 1], [], []>, transpose_lhs_hint = false} : vector<1024x128xf32>, vector<128x128xf32>, vector<1024x128xf32> -> vector<1024x128xf32>
    %add3A_456 = arith.addf %broadcast_in_dim3A_438, %dot_general3A_455 : vector<1024x128xf32>
    %add3A_457 = arith.constant 128 : i32
    %add3A_458 = vector.broadcast %add3A_457 : i32 to vector<1024x128xi32>
    %add3A_459 = arith.addi %iota3A_111, %add3A_458 : vector<1024x128xi32>
    %eq3A_460 = vector.broadcast %broadcast_in_dim3A_432 : vector<1024x1xi32> to vector<1024x128xi32>
    %eq3A_461 = arith.cmpi eq, %add3A_459, %eq3A_460 : vector<1024x128xi32>
    %convert_element_type3A_462 = arith.extui %eq3A_461 : vector<1024x128xi1> to vector<1024x128xi32>
    %convert_element_type3A_463 = arith.sitofp %convert_element_type3A_462 : vector<1024x128xi32> to vector<1024x128xf32>
    %get3A_464 = arith.constant 128 : index
    %get3A_465 = arith.constant 0 : index
    %get3A_466 = vector.load %arg20[%get3A_464, %get3A_465] : memref<4096x128xf32, #tpu.memory_space<vmem>>, vector<128x128xf32>
    %dot_general3A_467 = arith.constant dense<0.000000e+00> : vector<1024x128xf32>
    %dot_general3A_468 = tpu.matmul %convert_element_type3A_463, %get3A_466, %dot_general3A_467 {dimension_numbers = #tpu.dot_dimension_numbers<[1], [0], [0], [1], [0, 0, 1, 1], [], []>, transpose_lhs_hint = false} : vector<1024x128xf32>, vector<128x128xf32>, vector<1024x128xf32> -> vector<1024x128xf32>
    %add3A_469 = arith.addf %add3A_450, %dot_general3A_468 : vector<1024x128xf32>
    %get3A_470 = arith.constant 128 : index
    %get3A_471 = arith.constant 0 : index
    %get3A_472 = vector.load %arg21[%get3A_470, %get3A_471] : memref<4096x128xf32, #tpu.memory_space<vmem>>, vector<128x128xf32>
    %dot_general3A_473 = arith.constant dense<0.000000e+00> : vector<1024x128xf32>
    %dot_general3A_474 = tpu.matmul %convert_element_type3A_463, %get3A_472, %dot_general3A_473 {dimension_numbers = #tpu.dot_dimension_numbers<[1], [0], [0], [1], [0, 0, 1, 1], [], []>, transpose_lhs_hint = false} : vector<1024x128xf32>, vector<128x128xf32>, vector<1024x128xf32> -> vector<1024x128xf32>
    %add3A_475 = arith.addf %add3A_456, %dot_general3A_474 : vector<1024x128xf32>
    %add3A_476 = arith.constant 256 : i32
    %add3A_477 = vector.broadcast %add3A_476 : i32 to vector<1024x128xi32>
    %add3A_478 = arith.addi %iota3A_111, %add3A_477 : vector<1024x128xi32>
    %eq3A_479 = vector.broadcast %broadcast_in_dim3A_432 : vector<1024x1xi32> to vector<1024x128xi32>
    %eq3A_480 = arith.cmpi eq, %add3A_478, %eq3A_479 : vector<1024x128xi32>
    %convert_element_type3A_481 = arith.extui %eq3A_480 : vector<1024x128xi1> to vector<1024x128xi32>
    %convert_element_type3A_482 = arith.sitofp %convert_element_type3A_481 : vector<1024x128xi32> to vector<1024x128xf32>
    %get3A_483 = arith.constant 256 : index
    %get3A_484 = arith.constant 0 : index
    %get3A_485 = vector.load %arg20[%get3A_483, %get3A_484] : memref<4096x128xf32, #tpu.memory_space<vmem>>, vector<128x128xf32>
    %dot_general3A_486 = arith.constant dense<0.000000e+00> : vector<1024x128xf32>
    %dot_general3A_487 = tpu.matmul %convert_element_type3A_482, %get3A_485, %dot_general3A_486 {dimension_numbers = #tpu.dot_dimension_numbers<[1], [0], [0], [1], [0, 0, 1, 1], [], []>, transpose_lhs_hint = false} : vector<1024x128xf32>, vector<128x128xf32>, vector<1024x128xf32> -> vector<1024x128xf32>
    %add3A_488 = arith.addf %add3A_469, %dot_general3A_487 : vector<1024x128xf32>
    %get3A_489 = arith.constant 256 : index
    %get3A_490 = arith.constant 0 : index
    %get3A_491 = vector.load %arg21[%get3A_489, %get3A_490] : memref<4096x128xf32, #tpu.memory_space<vmem>>, vector<128x128xf32>
    %dot_general3A_492 = arith.constant dense<0.000000e+00> : vector<1024x128xf32>
    %dot_general3A_493 = tpu.matmul %convert_element_type3A_482, %get3A_491, %dot_general3A_492 {dimension_numbers = #tpu.dot_dimension_numbers<[1], [0], [0], [1], [0, 0, 1, 1], [], []>, transpose_lhs_hint = false} : vector<1024x128xf32>, vector<128x128xf32>, vector<1024x128xf32> -> vector<1024x128xf32>
    %add3A_494 = arith.addf %add3A_475, %dot_general3A_493 : vector<1024x128xf32>
    %add3A_495 = arith.constant 384 : i32
    %add3A_496 = vector.broadcast %add3A_495 : i32 to vector<1024x128xi32>
    %add3A_497 = arith.addi %iota3A_111, %add3A_496 : vector<1024x128xi32>
    %eq3A_498 = vector.broadcast %broadcast_in_dim3A_432 : vector<1024x1xi32> to vector<1024x128xi32>
    %eq3A_499 = arith.cmpi eq, %add3A_497, %eq3A_498 : vector<1024x128xi32>
    %convert_element_type3A_500 = arith.extui %eq3A_499 : vector<1024x128xi1> to vector<1024x128xi32>
    %convert_element_type3A_501 = arith.sitofp %convert_element_type3A_500 : vector<1024x128xi32> to vector<1024x128xf32>
    %get3A_502 = arith.constant 384 : index
    %get3A_503 = arith.constant 0 : index
    %get3A_504 = vector.load %arg20[%get3A_502, %get3A_503] : memref<4096x128xf32, #tpu.memory_space<vmem>>, vector<128x128xf32>
    %dot_general3A_505 = arith.constant dense<0.000000e+00> : vector<1024x128xf32>
    %dot_general3A_506 = tpu.matmul %convert_element_type3A_501, %get3A_504, %dot_general3A_505 {dimension_numbers = #tpu.dot_dimension_numbers<[1], [0], [0], [1], [0, 0, 1, 1], [], []>, transpose_lhs_hint = false} : vector<1024x128xf32>, vector<128x128xf32>, vector<1024x128xf32> -> vector<1024x128xf32>
    %add3A_507 = arith.addf %add3A_488, %dot_general3A_506 : vector<1024x128xf32>
    %get3A_508 = arith.constant 384 : index
    %get3A_509 = arith.constant 0 : index
    %get3A_510 = vector.load %arg21[%get3A_508, %get3A_509] : memref<4096x128xf32, #tpu.memory_space<vmem>>, vector<128x128xf32>
    %dot_general3A_511 = arith.constant dense<0.000000e+00> : vector<1024x128xf32>
    %dot_general3A_512 = tpu.matmul %convert_element_type3A_501, %get3A_510, %dot_general3A_511 {dimension_numbers = #tpu.dot_dimension_numbers<[1], [0], [0], [1], [0, 0, 1, 1], [], []>, transpose_lhs_hint = false} : vector<1024x128xf32>, vector<128x128xf32>, vector<1024x128xf32> -> vector<1024x128xf32>
    %add3A_513 = arith.addf %add3A_494, %dot_general3A_512 : vector<1024x128xf32>
    %add3A_514 = arith.constant 512 : i32
    %add3A_515 = vector.broadcast %add3A_514 : i32 to vector<1024x128xi32>
    %add3A_516 = arith.addi %iota3A_111, %add3A_515 : vector<1024x128xi32>
    %eq3A_517 = vector.broadcast %broadcast_in_dim3A_432 : vector<1024x1xi32> to vector<1024x128xi32>
    %eq3A_518 = arith.cmpi eq, %add3A_516, %eq3A_517 : vector<1024x128xi32>
    %convert_element_type3A_519 = arith.extui %eq3A_518 : vector<1024x128xi1> to vector<1024x128xi32>
    %convert_element_type3A_520 = arith.sitofp %convert_element_type3A_519 : vector<1024x128xi32> to vector<1024x128xf32>
    %get3A_521 = arith.constant 512 : index
    %get3A_522 = arith.constant 0 : index
    %get3A_523 = vector.load %arg20[%get3A_521, %get3A_522] : memref<4096x128xf32, #tpu.memory_space<vmem>>, vector<128x128xf32>
    %dot_general3A_524 = arith.constant dense<0.000000e+00> : vector<1024x128xf32>
    %dot_general3A_525 = tpu.matmul %convert_element_type3A_520, %get3A_523, %dot_general3A_524 {dimension_numbers = #tpu.dot_dimension_numbers<[1], [0], [0], [1], [0, 0, 1, 1], [], []>, transpose_lhs_hint = false} : vector<1024x128xf32>, vector<128x128xf32>, vector<1024x128xf32> -> vector<1024x128xf32>
    %add3A_526 = arith.addf %add3A_507, %dot_general3A_525 : vector<1024x128xf32>
    %get3A_527 = arith.constant 512 : index
    %get3A_528 = arith.constant 0 : index
    %get3A_529 = vector.load %arg21[%get3A_527, %get3A_528] : memref<4096x128xf32, #tpu.memory_space<vmem>>, vector<128x128xf32>
    %dot_general3A_530 = arith.constant dense<0.000000e+00> : vector<1024x128xf32>
    %dot_general3A_531 = tpu.matmul %convert_element_type3A_520, %get3A_529, %dot_general3A_530 {dimension_numbers = #tpu.dot_dimension_numbers<[1], [0], [0], [1], [0, 0, 1, 1], [], []>, transpose_lhs_hint = false} : vector<1024x128xf32>, vector<128x128xf32>, vector<1024x128xf32> -> vector<1024x128xf32>
    %add3A_532 = arith.addf %add3A_513, %dot_general3A_531 : vector<1024x128xf32>
    %add3A_533 = arith.constant 640 : i32
    %add3A_534 = vector.broadcast %add3A_533 : i32 to vector<1024x128xi32>
    %add3A_535 = arith.addi %iota3A_111, %add3A_534 : vector<1024x128xi32>
    %eq3A_536 = vector.broadcast %broadcast_in_dim3A_432 : vector<1024x1xi32> to vector<1024x128xi32>
    %eq3A_537 = arith.cmpi eq, %add3A_535, %eq3A_536 : vector<1024x128xi32>
    %convert_element_type3A_538 = arith.extui %eq3A_537 : vector<1024x128xi1> to vector<1024x128xi32>
    %convert_element_type3A_539 = arith.sitofp %convert_element_type3A_538 : vector<1024x128xi32> to vector<1024x128xf32>
    %get3A_540 = arith.constant 640 : index
    %get3A_541 = arith.constant 0 : index
    %get3A_542 = vector.load %arg20[%get3A_540, %get3A_541] : memref<4096x128xf32, #tpu.memory_space<vmem>>, vector<128x128xf32>
    %dot_general3A_543 = arith.constant dense<0.000000e+00> : vector<1024x128xf32>
    %dot_general3A_544 = tpu.matmul %convert_element_type3A_539, %get3A_542, %dot_general3A_543 {dimension_numbers = #tpu.dot_dimension_numbers<[1], [0], [0], [1], [0, 0, 1, 1], [], []>, transpose_lhs_hint = false} : vector<1024x128xf32>, vector<128x128xf32>, vector<1024x128xf32> -> vector<1024x128xf32>
    %add3A_545 = arith.addf %add3A_526, %dot_general3A_544 : vector<1024x128xf32>
    %get3A_546 = arith.constant 640 : index
    %get3A_547 = arith.constant 0 : index
    %get3A_548 = vector.load %arg21[%get3A_546, %get3A_547] : memref<4096x128xf32, #tpu.memory_space<vmem>>, vector<128x128xf32>
    %dot_general3A_549 = arith.constant dense<0.000000e+00> : vector<1024x128xf32>
    %dot_general3A_550 = tpu.matmul %convert_element_type3A_539, %get3A_548, %dot_general3A_549 {dimension_numbers = #tpu.dot_dimension_numbers<[1], [0], [0], [1], [0, 0, 1, 1], [], []>, transpose_lhs_hint = false} : vector<1024x128xf32>, vector<128x128xf32>, vector<1024x128xf32> -> vector<1024x128xf32>
    %add3A_551 = arith.addf %add3A_532, %dot_general3A_550 : vector<1024x128xf32>
    %add3A_552 = arith.constant 768 : i32
    %add3A_553 = vector.broadcast %add3A_552 : i32 to vector<1024x128xi32>
    %add3A_554 = arith.addi %iota3A_111, %add3A_553 : vector<1024x128xi32>
    %eq3A_555 = vector.broadcast %broadcast_in_dim3A_432 : vector<1024x1xi32> to vector<1024x128xi32>
    %eq3A_556 = arith.cmpi eq, %add3A_554, %eq3A_555 : vector<1024x128xi32>
    %convert_element_type3A_557 = arith.extui %eq3A_556 : vector<1024x128xi1> to vector<1024x128xi32>
    %convert_element_type3A_558 = arith.sitofp %convert_element_type3A_557 : vector<1024x128xi32> to vector<1024x128xf32>
    %get3A_559 = arith.constant 768 : index
    %get3A_560 = arith.constant 0 : index
    %get3A_561 = vector.load %arg20[%get3A_559, %get3A_560] : memref<4096x128xf32, #tpu.memory_space<vmem>>, vector<128x128xf32>
    %dot_general3A_562 = arith.constant dense<0.000000e+00> : vector<1024x128xf32>
    %dot_general3A_563 = tpu.matmul %convert_element_type3A_558, %get3A_561, %dot_general3A_562 {dimension_numbers = #tpu.dot_dimension_numbers<[1], [0], [0], [1], [0, 0, 1, 1], [], []>, transpose_lhs_hint = false} : vector<1024x128xf32>, vector<128x128xf32>, vector<1024x128xf32> -> vector<1024x128xf32>
    %add3A_564 = arith.addf %add3A_545, %dot_general3A_563 : vector<1024x128xf32>
    %get3A_565 = arith.constant 768 : index
    %get3A_566 = arith.constant 0 : index
    %get3A_567 = vector.load %arg21[%get3A_565, %get3A_566] : memref<4096x128xf32, #tpu.memory_space<vmem>>, vector<128x128xf32>
    %dot_general3A_568 = arith.constant dense<0.000000e+00> : vector<1024x128xf32>
    %dot_general3A_569 = tpu.matmul %convert_element_type3A_558, %get3A_567, %dot_general3A_568 {dimension_numbers = #tpu.dot_dimension_numbers<[1], [0], [0], [1], [0, 0, 1, 1], [], []>, transpose_lhs_hint = false} : vector<1024x128xf32>, vector<128x128xf32>, vector<1024x128xf32> -> vector<1024x128xf32>
    %add3A_570 = arith.addf %add3A_551, %dot_general3A_569 : vector<1024x128xf32>
    %add3A_571 = arith.constant 896 : i32
    %add3A_572 = vector.broadcast %add3A_571 : i32 to vector<1024x128xi32>
    %add3A_573 = arith.addi %iota3A_111, %add3A_572 : vector<1024x128xi32>
    %eq3A_574 = vector.broadcast %broadcast_in_dim3A_432 : vector<1024x1xi32> to vector<1024x128xi32>
    %eq3A_575 = arith.cmpi eq, %add3A_573, %eq3A_574 : vector<1024x128xi32>
    %convert_element_type3A_576 = arith.extui %eq3A_575 : vector<1024x128xi1> to vector<1024x128xi32>
    %convert_element_type3A_577 = arith.sitofp %convert_element_type3A_576 : vector<1024x128xi32> to vector<1024x128xf32>
    %get3A_578 = arith.constant 896 : index
    %get3A_579 = arith.constant 0 : index
    %get3A_580 = vector.load %arg20[%get3A_578, %get3A_579] : memref<4096x128xf32, #tpu.memory_space<vmem>>, vector<128x128xf32>
    %dot_general3A_581 = arith.constant dense<0.000000e+00> : vector<1024x128xf32>
    %dot_general3A_582 = tpu.matmul %convert_element_type3A_577, %get3A_580, %dot_general3A_581 {dimension_numbers = #tpu.dot_dimension_numbers<[1], [0], [0], [1], [0, 0, 1, 1], [], []>, transpose_lhs_hint = false} : vector<1024x128xf32>, vector<128x128xf32>, vector<1024x128xf32> -> vector<1024x128xf32>
    %add3A_583 = arith.addf %add3A_564, %dot_general3A_582 : vector<1024x128xf32>
    %get3A_584 = arith.constant 896 : index
    %get3A_585 = arith.constant 0 : index
    %get3A_586 = vector.load %arg21[%get3A_584, %get3A_585] : memref<4096x128xf32, #tpu.memory_space<vmem>>, vector<128x128xf32>
    %dot_general3A_587 = arith.constant dense<0.000000e+00> : vector<1024x128xf32>
    %dot_general3A_588 = tpu.matmul %convert_element_type3A_577, %get3A_586, %dot_general3A_587 {dimension_numbers = #tpu.dot_dimension_numbers<[1], [0], [0], [1], [0, 0, 1, 1], [], []>, transpose_lhs_hint = false} : vector<1024x128xf32>, vector<128x128xf32>, vector<1024x128xf32> -> vector<1024x128xf32>
    %add3A_589 = arith.addf %add3A_570, %dot_general3A_588 : vector<1024x128xf32>
    %add3A_590 = arith.constant 1024 : i32
    %add3A_591 = vector.broadcast %add3A_590 : i32 to vector<1024x128xi32>
    %add3A_592 = arith.addi %iota3A_111, %add3A_591 : vector<1024x128xi32>
    %eq3A_593 = vector.broadcast %broadcast_in_dim3A_432 : vector<1024x1xi32> to vector<1024x128xi32>
    %eq3A_594 = arith.cmpi eq, %add3A_592, %eq3A_593 : vector<1024x128xi32>
    %convert_element_type3A_595 = arith.extui %eq3A_594 : vector<1024x128xi1> to vector<1024x128xi32>
    %convert_element_type3A_596 = arith.sitofp %convert_element_type3A_595 : vector<1024x128xi32> to vector<1024x128xf32>
    %get3A_597 = arith.constant 1024 : index
    %get3A_598 = arith.constant 0 : index
    %get3A_599 = vector.load %arg20[%get3A_597, %get3A_598] : memref<4096x128xf32, #tpu.memory_space<vmem>>, vector<128x128xf32>
    %dot_general3A_600 = arith.constant dense<0.000000e+00> : vector<1024x128xf32>
    %dot_general3A_601 = tpu.matmul %convert_element_type3A_596, %get3A_599, %dot_general3A_600 {dimension_numbers = #tpu.dot_dimension_numbers<[1], [0], [0], [1], [0, 0, 1, 1], [], []>, transpose_lhs_hint = false} : vector<1024x128xf32>, vector<128x128xf32>, vector<1024x128xf32> -> vector<1024x128xf32>
    %add3A_602 = arith.addf %add3A_583, %dot_general3A_601 : vector<1024x128xf32>
    %get3A_603 = arith.constant 1024 : index
    %get3A_604 = arith.constant 0 : index
    %get3A_605 = vector.load %arg21[%get3A_603, %get3A_604] : memref<4096x128xf32, #tpu.memory_space<vmem>>, vector<128x128xf32>
    %dot_general3A_606 = arith.constant dense<0.000000e+00> : vector<1024x128xf32>
    %dot_general3A_607 = tpu.matmul %convert_element_type3A_596, %get3A_605, %dot_general3A_606 {dimension_numbers = #tpu.dot_dimension_numbers<[1], [0], [0], [1], [0, 0, 1, 1], [], []>, transpose_lhs_hint = false} : vector<1024x128xf32>, vector<128x128xf32>, vector<1024x128xf32> -> vector<1024x128xf32>
    %add3A_608 = arith.addf %add3A_589, %dot_general3A_607 : vector<1024x128xf32>
    %add3A_609 = arith.constant 1152 : i32
    %add3A_610 = vector.broadcast %add3A_609 : i32 to vector<1024x128xi32>
    %add3A_611 = arith.addi %iota3A_111, %add3A_610 : vector<1024x128xi32>
    %eq3A_612 = vector.broadcast %broadcast_in_dim3A_432 : vector<1024x1xi32> to vector<1024x128xi32>
    %eq3A_613 = arith.cmpi eq, %add3A_611, %eq3A_612 : vector<1024x128xi32>
    %convert_element_type3A_614 = arith.extui %eq3A_613 : vector<1024x128xi1> to vector<1024x128xi32>
    %convert_element_type3A_615 = arith.sitofp %convert_element_type3A_614 : vector<1024x128xi32> to vector<1024x128xf32>
    %get3A_616 = arith.constant 1152 : index
    %get3A_617 = arith.constant 0 : index
    %get3A_618 = vector.load %arg20[%get3A_616, %get3A_617] : memref<4096x128xf32, #tpu.memory_space<vmem>>, vector<128x128xf32>
    %dot_general3A_619 = arith.constant dense<0.000000e+00> : vector<1024x128xf32>
    %dot_general3A_620 = tpu.matmul %convert_element_type3A_615, %get3A_618, %dot_general3A_619 {dimension_numbers = #tpu.dot_dimension_numbers<[1], [0], [0], [1], [0, 0, 1, 1], [], []>, transpose_lhs_hint = false} : vector<1024x128xf32>, vector<128x128xf32>, vector<1024x128xf32> -> vector<1024x128xf32>
    %add3A_621 = arith.addf %add3A_602, %dot_general3A_620 : vector<1024x128xf32>
    %get3A_622 = arith.constant 1152 : index
    %get3A_623 = arith.constant 0 : index
    %get3A_624 = vector.load %arg21[%get3A_622, %get3A_623] : memref<4096x128xf32, #tpu.memory_space<vmem>>, vector<128x128xf32>
    %dot_general3A_625 = arith.constant dense<0.000000e+00> : vector<1024x128xf32>
    %dot_general3A_626 = tpu.matmul %convert_element_type3A_615, %get3A_624, %dot_general3A_625 {dimension_numbers = #tpu.dot_dimension_numbers<[1], [0], [0], [1], [0, 0, 1, 1], [], []>, transpose_lhs_hint = false} : vector<1024x128xf32>, vector<128x128xf32>, vector<1024x128xf32> -> vector<1024x128xf32>
    %add3A_627 = arith.addf %add3A_608, %dot_general3A_626 : vector<1024x128xf32>
    %add3A_628 = arith.constant 1280 : i32
    %add3A_629 = vector.broadcast %add3A_628 : i32 to vector<1024x128xi32>
    %add3A_630 = arith.addi %iota3A_111, %add3A_629 : vector<1024x128xi32>
    %eq3A_631 = vector.broadcast %broadcast_in_dim3A_432 : vector<1024x1xi32> to vector<1024x128xi32>
    %eq3A_632 = arith.cmpi eq, %add3A_630, %eq3A_631 : vector<1024x128xi32>
    %convert_element_type3A_633 = arith.extui %eq3A_632 : vector<1024x128xi1> to vector<1024x128xi32>
    %convert_element_type3A_634 = arith.sitofp %convert_element_type3A_633 : vector<1024x128xi32> to vector<1024x128xf32>
    %get3A_635 = arith.constant 1280 : index
    %get3A_636 = arith.constant 0 : index
    %get3A_637 = vector.load %arg20[%get3A_635, %get3A_636] : memref<4096x128xf32, #tpu.memory_space<vmem>>, vector<128x128xf32>
    %dot_general3A_638 = arith.constant dense<0.000000e+00> : vector<1024x128xf32>
    %dot_general3A_639 = tpu.matmul %convert_element_type3A_634, %get3A_637, %dot_general3A_638 {dimension_numbers = #tpu.dot_dimension_numbers<[1], [0], [0], [1], [0, 0, 1, 1], [], []>, transpose_lhs_hint = false} : vector<1024x128xf32>, vector<128x128xf32>, vector<1024x128xf32> -> vector<1024x128xf32>
    %add3A_640 = arith.addf %add3A_621, %dot_general3A_639 : vector<1024x128xf32>
    %get3A_641 = arith.constant 1280 : index
    %get3A_642 = arith.constant 0 : index
    %get3A_643 = vector.load %arg21[%get3A_641, %get3A_642] : memref<4096x128xf32, #tpu.memory_space<vmem>>, vector<128x128xf32>
    %dot_general3A_644 = arith.constant dense<0.000000e+00> : vector<1024x128xf32>
    %dot_general3A_645 = tpu.matmul %convert_element_type3A_634, %get3A_643, %dot_general3A_644 {dimension_numbers = #tpu.dot_dimension_numbers<[1], [0], [0], [1], [0, 0, 1, 1], [], []>, transpose_lhs_hint = false} : vector<1024x128xf32>, vector<128x128xf32>, vector<1024x128xf32> -> vector<1024x128xf32>
    %add3A_646 = arith.addf %add3A_627, %dot_general3A_645 : vector<1024x128xf32>
    %add3A_647 = arith.constant 1408 : i32
    %add3A_648 = vector.broadcast %add3A_647 : i32 to vector<1024x128xi32>
    %add3A_649 = arith.addi %iota3A_111, %add3A_648 : vector<1024x128xi32>
    %eq3A_650 = vector.broadcast %broadcast_in_dim3A_432 : vector<1024x1xi32> to vector<1024x128xi32>
    %eq3A_651 = arith.cmpi eq, %add3A_649, %eq3A_650 : vector<1024x128xi32>
    %convert_element_type3A_652 = arith.extui %eq3A_651 : vector<1024x128xi1> to vector<1024x128xi32>
    %convert_element_type3A_653 = arith.sitofp %convert_element_type3A_652 : vector<1024x128xi32> to vector<1024x128xf32>
    %get3A_654 = arith.constant 1408 : index
    %get3A_655 = arith.constant 0 : index
    %get3A_656 = vector.load %arg20[%get3A_654, %get3A_655] : memref<4096x128xf32, #tpu.memory_space<vmem>>, vector<128x128xf32>
    %dot_general3A_657 = arith.constant dense<0.000000e+00> : vector<1024x128xf32>
    %dot_general3A_658 = tpu.matmul %convert_element_type3A_653, %get3A_656, %dot_general3A_657 {dimension_numbers = #tpu.dot_dimension_numbers<[1], [0], [0], [1], [0, 0, 1, 1], [], []>, transpose_lhs_hint = false} : vector<1024x128xf32>, vector<128x128xf32>, vector<1024x128xf32> -> vector<1024x128xf32>
    %add3A_659 = arith.addf %add3A_640, %dot_general3A_658 : vector<1024x128xf32>
    %get3A_660 = arith.constant 1408 : index
    %get3A_661 = arith.constant 0 : index
    %get3A_662 = vector.load %arg21[%get3A_660, %get3A_661] : memref<4096x128xf32, #tpu.memory_space<vmem>>, vector<128x128xf32>
    %dot_general3A_663 = arith.constant dense<0.000000e+00> : vector<1024x128xf32>
    %dot_general3A_664 = tpu.matmul %convert_element_type3A_653, %get3A_662, %dot_general3A_663 {dimension_numbers = #tpu.dot_dimension_numbers<[1], [0], [0], [1], [0, 0, 1, 1], [], []>, transpose_lhs_hint = false} : vector<1024x128xf32>, vector<128x128xf32>, vector<1024x128xf32> -> vector<1024x128xf32>
    %add3A_665 = arith.addf %add3A_646, %dot_general3A_664 : vector<1024x128xf32>
    %add3A_666 = arith.constant 1536 : i32
    %add3A_667 = vector.broadcast %add3A_666 : i32 to vector<1024x128xi32>
    %add3A_668 = arith.addi %iota3A_111, %add3A_667 : vector<1024x128xi32>
    %eq3A_669 = vector.broadcast %broadcast_in_dim3A_432 : vector<1024x1xi32> to vector<1024x128xi32>
    %eq3A_670 = arith.cmpi eq, %add3A_668, %eq3A_669 : vector<1024x128xi32>
    %convert_element_type3A_671 = arith.extui %eq3A_670 : vector<1024x128xi1> to vector<1024x128xi32>
    %convert_element_type3A_672 = arith.sitofp %convert_element_type3A_671 : vector<1024x128xi32> to vector<1024x128xf32>
    %get3A_673 = arith.constant 1536 : index
    %get3A_674 = arith.constant 0 : index
    %get3A_675 = vector.load %arg20[%get3A_673, %get3A_674] : memref<4096x128xf32, #tpu.memory_space<vmem>>, vector<128x128xf32>
    %dot_general3A_676 = arith.constant dense<0.000000e+00> : vector<1024x128xf32>
    %dot_general3A_677 = tpu.matmul %convert_element_type3A_672, %get3A_675, %dot_general3A_676 {dimension_numbers = #tpu.dot_dimension_numbers<[1], [0], [0], [1], [0, 0, 1, 1], [], []>, transpose_lhs_hint = false} : vector<1024x128xf32>, vector<128x128xf32>, vector<1024x128xf32> -> vector<1024x128xf32>
    %add3A_678 = arith.addf %add3A_659, %dot_general3A_677 : vector<1024x128xf32>
    %get3A_679 = arith.constant 1536 : index
    %get3A_680 = arith.constant 0 : index
    %get3A_681 = vector.load %arg21[%get3A_679, %get3A_680] : memref<4096x128xf32, #tpu.memory_space<vmem>>, vector<128x128xf32>
    %dot_general3A_682 = arith.constant dense<0.000000e+00> : vector<1024x128xf32>
    %dot_general3A_683 = tpu.matmul %convert_element_type3A_672, %get3A_681, %dot_general3A_682 {dimension_numbers = #tpu.dot_dimension_numbers<[1], [0], [0], [1], [0, 0, 1, 1], [], []>, transpose_lhs_hint = false} : vector<1024x128xf32>, vector<128x128xf32>, vector<1024x128xf32> -> vector<1024x128xf32>
    %add3A_684 = arith.addf %add3A_665, %dot_general3A_683 : vector<1024x128xf32>
    %add3A_685 = arith.constant 1664 : i32
    %add3A_686 = vector.broadcast %add3A_685 : i32 to vector<1024x128xi32>
    %add3A_687 = arith.addi %iota3A_111, %add3A_686 : vector<1024x128xi32>
    %eq3A_688 = vector.broadcast %broadcast_in_dim3A_432 : vector<1024x1xi32> to vector<1024x128xi32>
    %eq3A_689 = arith.cmpi eq, %add3A_687, %eq3A_688 : vector<1024x128xi32>
    %convert_element_type3A_690 = arith.extui %eq3A_689 : vector<1024x128xi1> to vector<1024x128xi32>
    %convert_element_type3A_691 = arith.sitofp %convert_element_type3A_690 : vector<1024x128xi32> to vector<1024x128xf32>
    %get3A_692 = arith.constant 1664 : index
    %get3A_693 = arith.constant 0 : index
    %get3A_694 = vector.load %arg20[%get3A_692, %get3A_693] : memref<4096x128xf32, #tpu.memory_space<vmem>>, vector<128x128xf32>
    %dot_general3A_695 = arith.constant dense<0.000000e+00> : vector<1024x128xf32>
    %dot_general3A_696 = tpu.matmul %convert_element_type3A_691, %get3A_694, %dot_general3A_695 {dimension_numbers = #tpu.dot_dimension_numbers<[1], [0], [0], [1], [0, 0, 1, 1], [], []>, transpose_lhs_hint = false} : vector<1024x128xf32>, vector<128x128xf32>, vector<1024x128xf32> -> vector<1024x128xf32>
    %add3A_697 = arith.addf %add3A_678, %dot_general3A_696 : vector<1024x128xf32>
    %get3A_698 = arith.constant 1664 : index
    %get3A_699 = arith.constant 0 : index
    %get3A_700 = vector.load %arg21[%get3A_698, %get3A_699] : memref<4096x128xf32, #tpu.memory_space<vmem>>, vector<128x128xf32>
    %dot_general3A_701 = arith.constant dense<0.000000e+00> : vector<1024x128xf32>
    %dot_general3A_702 = tpu.matmul %convert_element_type3A_691, %get3A_700, %dot_general3A_701 {dimension_numbers = #tpu.dot_dimension_numbers<[1], [0], [0], [1], [0, 0, 1, 1], [], []>, transpose_lhs_hint = false} : vector<1024x128xf32>, vector<128x128xf32>, vector<1024x128xf32> -> vector<1024x128xf32>
    %add3A_703 = arith.addf %add3A_684, %dot_general3A_702 : vector<1024x128xf32>
    %add3A_704 = arith.constant 1792 : i32
    %add3A_705 = vector.broadcast %add3A_704 : i32 to vector<1024x128xi32>
    %add3A_706 = arith.addi %iota3A_111, %add3A_705 : vector<1024x128xi32>
    %eq3A_707 = vector.broadcast %broadcast_in_dim3A_432 : vector<1024x1xi32> to vector<1024x128xi32>
    %eq3A_708 = arith.cmpi eq, %add3A_706, %eq3A_707 : vector<1024x128xi32>
    %convert_element_type3A_709 = arith.extui %eq3A_708 : vector<1024x128xi1> to vector<1024x128xi32>
    %convert_element_type3A_710 = arith.sitofp %convert_element_type3A_709 : vector<1024x128xi32> to vector<1024x128xf32>
    %get3A_711 = arith.constant 1792 : index
    %get3A_712 = arith.constant 0 : index
    %get3A_713 = vector.load %arg20[%get3A_711, %get3A_712] : memref<4096x128xf32, #tpu.memory_space<vmem>>, vector<128x128xf32>
    %dot_general3A_714 = arith.constant dense<0.000000e+00> : vector<1024x128xf32>
    %dot_general3A_715 = tpu.matmul %convert_element_type3A_710, %get3A_713, %dot_general3A_714 {dimension_numbers = #tpu.dot_dimension_numbers<[1], [0], [0], [1], [0, 0, 1, 1], [], []>, transpose_lhs_hint = false} : vector<1024x128xf32>, vector<128x128xf32>, vector<1024x128xf32> -> vector<1024x128xf32>
    %add3A_716 = arith.addf %add3A_697, %dot_general3A_715 : vector<1024x128xf32>
    %get3A_717 = arith.constant 1792 : index
    %get3A_718 = arith.constant 0 : index
    %get3A_719 = vector.load %arg21[%get3A_717, %get3A_718] : memref<4096x128xf32, #tpu.memory_space<vmem>>, vector<128x128xf32>
    %dot_general3A_720 = arith.constant dense<0.000000e+00> : vector<1024x128xf32>
    %dot_general3A_721 = tpu.matmul %convert_element_type3A_710, %get3A_719, %dot_general3A_720 {dimension_numbers = #tpu.dot_dimension_numbers<[1], [0], [0], [1], [0, 0, 1, 1], [], []>, transpose_lhs_hint = false} : vector<1024x128xf32>, vector<128x128xf32>, vector<1024x128xf32> -> vector<1024x128xf32>
    %add3A_722 = arith.addf %add3A_703, %dot_general3A_721 : vector<1024x128xf32>
    %add3A_723 = arith.constant 1920 : i32
    %add3A_724 = vector.broadcast %add3A_723 : i32 to vector<1024x128xi32>
    %add3A_725 = arith.addi %iota3A_111, %add3A_724 : vector<1024x128xi32>
    %eq3A_726 = vector.broadcast %broadcast_in_dim3A_432 : vector<1024x1xi32> to vector<1024x128xi32>
    %eq3A_727 = arith.cmpi eq, %add3A_725, %eq3A_726 : vector<1024x128xi32>
    %convert_element_type3A_728 = arith.extui %eq3A_727 : vector<1024x128xi1> to vector<1024x128xi32>
    %convert_element_type3A_729 = arith.sitofp %convert_element_type3A_728 : vector<1024x128xi32> to vector<1024x128xf32>
    %get3A_730 = arith.constant 1920 : index
    %get3A_731 = arith.constant 0 : index
    %get3A_732 = vector.load %arg20[%get3A_730, %get3A_731] : memref<4096x128xf32, #tpu.memory_space<vmem>>, vector<128x128xf32>
    %dot_general3A_733 = arith.constant dense<0.000000e+00> : vector<1024x128xf32>
    %dot_general3A_734 = tpu.matmul %convert_element_type3A_729, %get3A_732, %dot_general3A_733 {dimension_numbers = #tpu.dot_dimension_numbers<[1], [0], [0], [1], [0, 0, 1, 1], [], []>, transpose_lhs_hint = false} : vector<1024x128xf32>, vector<128x128xf32>, vector<1024x128xf32> -> vector<1024x128xf32>
    %add3A_735 = arith.addf %add3A_716, %dot_general3A_734 : vector<1024x128xf32>
    %get3A_736 = arith.constant 1920 : index
    %get3A_737 = arith.constant 0 : index
    %get3A_738 = vector.load %arg21[%get3A_736, %get3A_737] : memref<4096x128xf32, #tpu.memory_space<vmem>>, vector<128x128xf32>
    %dot_general3A_739 = arith.constant dense<0.000000e+00> : vector<1024x128xf32>
    %dot_general3A_740 = tpu.matmul %convert_element_type3A_729, %get3A_738, %dot_general3A_739 {dimension_numbers = #tpu.dot_dimension_numbers<[1], [0], [0], [1], [0, 0, 1, 1], [], []>, transpose_lhs_hint = false} : vector<1024x128xf32>, vector<128x128xf32>, vector<1024x128xf32> -> vector<1024x128xf32>
    %add3A_741 = arith.addf %add3A_722, %dot_general3A_740 : vector<1024x128xf32>
    %add3A_742 = arith.constant 2048 : i32
    %add3A_743 = vector.broadcast %add3A_742 : i32 to vector<1024x128xi32>
    %add3A_744 = arith.addi %iota3A_111, %add3A_743 : vector<1024x128xi32>
    %eq3A_745 = vector.broadcast %broadcast_in_dim3A_432 : vector<1024x1xi32> to vector<1024x128xi32>
    %eq3A_746 = arith.cmpi eq, %add3A_744, %eq3A_745 : vector<1024x128xi32>
    %convert_element_type3A_747 = arith.extui %eq3A_746 : vector<1024x128xi1> to vector<1024x128xi32>
    %convert_element_type3A_748 = arith.sitofp %convert_element_type3A_747 : vector<1024x128xi32> to vector<1024x128xf32>
    %get3A_749 = arith.constant 2048 : index
    %get3A_750 = arith.constant 0 : index
    %get3A_751 = vector.load %arg20[%get3A_749, %get3A_750] : memref<4096x128xf32, #tpu.memory_space<vmem>>, vector<128x128xf32>
    %dot_general3A_752 = arith.constant dense<0.000000e+00> : vector<1024x128xf32>
    %dot_general3A_753 = tpu.matmul %convert_element_type3A_748, %get3A_751, %dot_general3A_752 {dimension_numbers = #tpu.dot_dimension_numbers<[1], [0], [0], [1], [0, 0, 1, 1], [], []>, transpose_lhs_hint = false} : vector<1024x128xf32>, vector<128x128xf32>, vector<1024x128xf32> -> vector<1024x128xf32>
    %add3A_754 = arith.addf %add3A_735, %dot_general3A_753 : vector<1024x128xf32>
    %get3A_755 = arith.constant 2048 : index
    %get3A_756 = arith.constant 0 : index
    %get3A_757 = vector.load %arg21[%get3A_755, %get3A_756] : memref<4096x128xf32, #tpu.memory_space<vmem>>, vector<128x128xf32>
    %dot_general3A_758 = arith.constant dense<0.000000e+00> : vector<1024x128xf32>
    %dot_general3A_759 = tpu.matmul %convert_element_type3A_748, %get3A_757, %dot_general3A_758 {dimension_numbers = #tpu.dot_dimension_numbers<[1], [0], [0], [1], [0, 0, 1, 1], [], []>, transpose_lhs_hint = false} : vector<1024x128xf32>, vector<128x128xf32>, vector<1024x128xf32> -> vector<1024x128xf32>
    %add3A_760 = arith.addf %add3A_741, %dot_general3A_759 : vector<1024x128xf32>
    %add3A_761 = arith.constant 2176 : i32
    %add3A_762 = vector.broadcast %add3A_761 : i32 to vector<1024x128xi32>
    %add3A_763 = arith.addi %iota3A_111, %add3A_762 : vector<1024x128xi32>
    %eq3A_764 = vector.broadcast %broadcast_in_dim3A_432 : vector<1024x1xi32> to vector<1024x128xi32>
    %eq3A_765 = arith.cmpi eq, %add3A_763, %eq3A_764 : vector<1024x128xi32>
    %convert_element_type3A_766 = arith.extui %eq3A_765 : vector<1024x128xi1> to vector<1024x128xi32>
    %convert_element_type3A_767 = arith.sitofp %convert_element_type3A_766 : vector<1024x128xi32> to vector<1024x128xf32>
    %get3A_768 = arith.constant 2176 : index
    %get3A_769 = arith.constant 0 : index
    %get3A_770 = vector.load %arg20[%get3A_768, %get3A_769] : memref<4096x128xf32, #tpu.memory_space<vmem>>, vector<128x128xf32>
    %dot_general3A_771 = arith.constant dense<0.000000e+00> : vector<1024x128xf32>
    %dot_general3A_772 = tpu.matmul %convert_element_type3A_767, %get3A_770, %dot_general3A_771 {dimension_numbers = #tpu.dot_dimension_numbers<[1], [0], [0], [1], [0, 0, 1, 1], [], []>, transpose_lhs_hint = false} : vector<1024x128xf32>, vector<128x128xf32>, vector<1024x128xf32> -> vector<1024x128xf32>
    %add3A_773 = arith.addf %add3A_754, %dot_general3A_772 : vector<1024x128xf32>
    %get3A_774 = arith.constant 2176 : index
    %get3A_775 = arith.constant 0 : index
    %get3A_776 = vector.load %arg21[%get3A_774, %get3A_775] : memref<4096x128xf32, #tpu.memory_space<vmem>>, vector<128x128xf32>
    %dot_general3A_777 = arith.constant dense<0.000000e+00> : vector<1024x128xf32>
    %dot_general3A_778 = tpu.matmul %convert_element_type3A_767, %get3A_776, %dot_general3A_777 {dimension_numbers = #tpu.dot_dimension_numbers<[1], [0], [0], [1], [0, 0, 1, 1], [], []>, transpose_lhs_hint = false} : vector<1024x128xf32>, vector<128x128xf32>, vector<1024x128xf32> -> vector<1024x128xf32>
    %add3A_779 = arith.addf %add3A_760, %dot_general3A_778 : vector<1024x128xf32>
    %add3A_780 = arith.constant 2304 : i32
    %add3A_781 = vector.broadcast %add3A_780 : i32 to vector<1024x128xi32>
    %add3A_782 = arith.addi %iota3A_111, %add3A_781 : vector<1024x128xi32>
    %eq3A_783 = vector.broadcast %broadcast_in_dim3A_432 : vector<1024x1xi32> to vector<1024x128xi32>
    %eq3A_784 = arith.cmpi eq, %add3A_782, %eq3A_783 : vector<1024x128xi32>
    %convert_element_type3A_785 = arith.extui %eq3A_784 : vector<1024x128xi1> to vector<1024x128xi32>
    %convert_element_type3A_786 = arith.sitofp %convert_element_type3A_785 : vector<1024x128xi32> to vector<1024x128xf32>
    %get3A_787 = arith.constant 2304 : index
    %get3A_788 = arith.constant 0 : index
    %get3A_789 = vector.load %arg20[%get3A_787, %get3A_788] : memref<4096x128xf32, #tpu.memory_space<vmem>>, vector<128x128xf32>
    %dot_general3A_790 = arith.constant dense<0.000000e+00> : vector<1024x128xf32>
    %dot_general3A_791 = tpu.matmul %convert_element_type3A_786, %get3A_789, %dot_general3A_790 {dimension_numbers = #tpu.dot_dimension_numbers<[1], [0], [0], [1], [0, 0, 1, 1], [], []>, transpose_lhs_hint = false} : vector<1024x128xf32>, vector<128x128xf32>, vector<1024x128xf32> -> vector<1024x128xf32>
    %add3A_792 = arith.addf %add3A_773, %dot_general3A_791 : vector<1024x128xf32>
    %get3A_793 = arith.constant 2304 : index
    %get3A_794 = arith.constant 0 : index
    %get3A_795 = vector.load %arg21[%get3A_793, %get3A_794] : memref<4096x128xf32, #tpu.memory_space<vmem>>, vector<128x128xf32>
    %dot_general3A_796 = arith.constant dense<0.000000e+00> : vector<1024x128xf32>
    %dot_general3A_797 = tpu.matmul %convert_element_type3A_786, %get3A_795, %dot_general3A_796 {dimension_numbers = #tpu.dot_dimension_numbers<[1], [0], [0], [1], [0, 0, 1, 1], [], []>, transpose_lhs_hint = false} : vector<1024x128xf32>, vector<128x128xf32>, vector<1024x128xf32> -> vector<1024x128xf32>
    %add3A_798 = arith.addf %add3A_779, %dot_general3A_797 : vector<1024x128xf32>
    %add3A_799 = arith.constant 2432 : i32
    %add3A_800 = vector.broadcast %add3A_799 : i32 to vector<1024x128xi32>
    %add3A_801 = arith.addi %iota3A_111, %add3A_800 : vector<1024x128xi32>
    %eq3A_802 = vector.broadcast %broadcast_in_dim3A_432 : vector<1024x1xi32> to vector<1024x128xi32>
    %eq3A_803 = arith.cmpi eq, %add3A_801, %eq3A_802 : vector<1024x128xi32>
    %convert_element_type3A_804 = arith.extui %eq3A_803 : vector<1024x128xi1> to vector<1024x128xi32>
    %convert_element_type3A_805 = arith.sitofp %convert_element_type3A_804 : vector<1024x128xi32> to vector<1024x128xf32>
    %get3A_806 = arith.constant 2432 : index
    %get3A_807 = arith.constant 0 : index
    %get3A_808 = vector.load %arg20[%get3A_806, %get3A_807] : memref<4096x128xf32, #tpu.memory_space<vmem>>, vector<128x128xf32>
    %dot_general3A_809 = arith.constant dense<0.000000e+00> : vector<1024x128xf32>
    %dot_general3A_810 = tpu.matmul %convert_element_type3A_805, %get3A_808, %dot_general3A_809 {dimension_numbers = #tpu.dot_dimension_numbers<[1], [0], [0], [1], [0, 0, 1, 1], [], []>, transpose_lhs_hint = false} : vector<1024x128xf32>, vector<128x128xf32>, vector<1024x128xf32> -> vector<1024x128xf32>
    %add3A_811 = arith.addf %add3A_792, %dot_general3A_810 : vector<1024x128xf32>
    %get3A_812 = arith.constant 2432 : index
    %get3A_813 = arith.constant 0 : index
    %get3A_814 = vector.load %arg21[%get3A_812, %get3A_813] : memref<4096x128xf32, #tpu.memory_space<vmem>>, vector<128x128xf32>
    %dot_general3A_815 = arith.constant dense<0.000000e+00> : vector<1024x128xf32>
    %dot_general3A_816 = tpu.matmul %convert_element_type3A_805, %get3A_814, %dot_general3A_815 {dimension_numbers = #tpu.dot_dimension_numbers<[1], [0], [0], [1], [0, 0, 1, 1], [], []>, transpose_lhs_hint = false} : vector<1024x128xf32>, vector<128x128xf32>, vector<1024x128xf32> -> vector<1024x128xf32>
    %add3A_817 = arith.addf %add3A_798, %dot_general3A_816 : vector<1024x128xf32>
    %add3A_818 = arith.constant 2560 : i32
    %add3A_819 = vector.broadcast %add3A_818 : i32 to vector<1024x128xi32>
    %add3A_820 = arith.addi %iota3A_111, %add3A_819 : vector<1024x128xi32>
    %eq3A_821 = vector.broadcast %broadcast_in_dim3A_432 : vector<1024x1xi32> to vector<1024x128xi32>
    %eq3A_822 = arith.cmpi eq, %add3A_820, %eq3A_821 : vector<1024x128xi32>
    %convert_element_type3A_823 = arith.extui %eq3A_822 : vector<1024x128xi1> to vector<1024x128xi32>
    %convert_element_type3A_824 = arith.sitofp %convert_element_type3A_823 : vector<1024x128xi32> to vector<1024x128xf32>
    %get3A_825 = arith.constant 2560 : index
    %get3A_826 = arith.constant 0 : index
    %get3A_827 = vector.load %arg20[%get3A_825, %get3A_826] : memref<4096x128xf32, #tpu.memory_space<vmem>>, vector<128x128xf32>
    %dot_general3A_828 = arith.constant dense<0.000000e+00> : vector<1024x128xf32>
    %dot_general3A_829 = tpu.matmul %convert_element_type3A_824, %get3A_827, %dot_general3A_828 {dimension_numbers = #tpu.dot_dimension_numbers<[1], [0], [0], [1], [0, 0, 1, 1], [], []>, transpose_lhs_hint = false} : vector<1024x128xf32>, vector<128x128xf32>, vector<1024x128xf32> -> vector<1024x128xf32>
    %add3A_830 = arith.addf %add3A_811, %dot_general3A_829 : vector<1024x128xf32>
    %get3A_831 = arith.constant 2560 : index
    %get3A_832 = arith.constant 0 : index
    %get3A_833 = vector.load %arg21[%get3A_831, %get3A_832] : memref<4096x128xf32, #tpu.memory_space<vmem>>, vector<128x128xf32>
    %dot_general3A_834 = arith.constant dense<0.000000e+00> : vector<1024x128xf32>
    %dot_general3A_835 = tpu.matmul %convert_element_type3A_824, %get3A_833, %dot_general3A_834 {dimension_numbers = #tpu.dot_dimension_numbers<[1], [0], [0], [1], [0, 0, 1, 1], [], []>, transpose_lhs_hint = false} : vector<1024x128xf32>, vector<128x128xf32>, vector<1024x128xf32> -> vector<1024x128xf32>
    %add3A_836 = arith.addf %add3A_817, %dot_general3A_835 : vector<1024x128xf32>
    %add3A_837 = arith.constant 2688 : i32
    %add3A_838 = vector.broadcast %add3A_837 : i32 to vector<1024x128xi32>
    %add3A_839 = arith.addi %iota3A_111, %add3A_838 : vector<1024x128xi32>
    %eq3A_840 = vector.broadcast %broadcast_in_dim3A_432 : vector<1024x1xi32> to vector<1024x128xi32>
    %eq3A_841 = arith.cmpi eq, %add3A_839, %eq3A_840 : vector<1024x128xi32>
    %convert_element_type3A_842 = arith.extui %eq3A_841 : vector<1024x128xi1> to vector<1024x128xi32>
    %convert_element_type3A_843 = arith.sitofp %convert_element_type3A_842 : vector<1024x128xi32> to vector<1024x128xf32>
    %get3A_844 = arith.constant 2688 : index
    %get3A_845 = arith.constant 0 : index
    %get3A_846 = vector.load %arg20[%get3A_844, %get3A_845] : memref<4096x128xf32, #tpu.memory_space<vmem>>, vector<128x128xf32>
    %dot_general3A_847 = arith.constant dense<0.000000e+00> : vector<1024x128xf32>
    %dot_general3A_848 = tpu.matmul %convert_element_type3A_843, %get3A_846, %dot_general3A_847 {dimension_numbers = #tpu.dot_dimension_numbers<[1], [0], [0], [1], [0, 0, 1, 1], [], []>, transpose_lhs_hint = false} : vector<1024x128xf32>, vector<128x128xf32>, vector<1024x128xf32> -> vector<1024x128xf32>
    %add3A_849 = arith.addf %add3A_830, %dot_general3A_848 : vector<1024x128xf32>
    %get3A_850 = arith.constant 2688 : index
    %get3A_851 = arith.constant 0 : index
    %get3A_852 = vector.load %arg21[%get3A_850, %get3A_851] : memref<4096x128xf32, #tpu.memory_space<vmem>>, vector<128x128xf32>
    %dot_general3A_853 = arith.constant dense<0.000000e+00> : vector<1024x128xf32>
    %dot_general3A_854 = tpu.matmul %convert_element_type3A_843, %get3A_852, %dot_general3A_853 {dimension_numbers = #tpu.dot_dimension_numbers<[1], [0], [0], [1], [0, 0, 1, 1], [], []>, transpose_lhs_hint = false} : vector<1024x128xf32>, vector<128x128xf32>, vector<1024x128xf32> -> vector<1024x128xf32>
    %add3A_855 = arith.addf %add3A_836, %dot_general3A_854 : vector<1024x128xf32>
    %add3A_856 = arith.constant 2816 : i32
    %add3A_857 = vector.broadcast %add3A_856 : i32 to vector<1024x128xi32>
    %add3A_858 = arith.addi %iota3A_111, %add3A_857 : vector<1024x128xi32>
    %eq3A_859 = vector.broadcast %broadcast_in_dim3A_432 : vector<1024x1xi32> to vector<1024x128xi32>
    %eq3A_860 = arith.cmpi eq, %add3A_858, %eq3A_859 : vector<1024x128xi32>
    %convert_element_type3A_861 = arith.extui %eq3A_860 : vector<1024x128xi1> to vector<1024x128xi32>
    %convert_element_type3A_862 = arith.sitofp %convert_element_type3A_861 : vector<1024x128xi32> to vector<1024x128xf32>
    %get3A_863 = arith.constant 2816 : index
    %get3A_864 = arith.constant 0 : index
    %get3A_865 = vector.load %arg20[%get3A_863, %get3A_864] : memref<4096x128xf32, #tpu.memory_space<vmem>>, vector<128x128xf32>
    %dot_general3A_866 = arith.constant dense<0.000000e+00> : vector<1024x128xf32>
    %dot_general3A_867 = tpu.matmul %convert_element_type3A_862, %get3A_865, %dot_general3A_866 {dimension_numbers = #tpu.dot_dimension_numbers<[1], [0], [0], [1], [0, 0, 1, 1], [], []>, transpose_lhs_hint = false} : vector<1024x128xf32>, vector<128x128xf32>, vector<1024x128xf32> -> vector<1024x128xf32>
    %add3A_868 = arith.addf %add3A_849, %dot_general3A_867 : vector<1024x128xf32>
    %get3A_869 = arith.constant 2816 : index
    %get3A_870 = arith.constant 0 : index
    %get3A_871 = vector.load %arg21[%get3A_869, %get3A_870] : memref<4096x128xf32, #tpu.memory_space<vmem>>, vector<128x128xf32>
    %dot_general3A_872 = arith.constant dense<0.000000e+00> : vector<1024x128xf32>
    %dot_general3A_873 = tpu.matmul %convert_element_type3A_862, %get3A_871, %dot_general3A_872 {dimension_numbers = #tpu.dot_dimension_numbers<[1], [0], [0], [1], [0, 0, 1, 1], [], []>, transpose_lhs_hint = false} : vector<1024x128xf32>, vector<128x128xf32>, vector<1024x128xf32> -> vector<1024x128xf32>
    %add3A_874 = arith.addf %add3A_855, %dot_general3A_873 : vector<1024x128xf32>
    %add3A_875 = arith.constant 2944 : i32
    %add3A_876 = vector.broadcast %add3A_875 : i32 to vector<1024x128xi32>
    %add3A_877 = arith.addi %iota3A_111, %add3A_876 : vector<1024x128xi32>
    %eq3A_878 = vector.broadcast %broadcast_in_dim3A_432 : vector<1024x1xi32> to vector<1024x128xi32>
    %eq3A_879 = arith.cmpi eq, %add3A_877, %eq3A_878 : vector<1024x128xi32>
    %convert_element_type3A_880 = arith.extui %eq3A_879 : vector<1024x128xi1> to vector<1024x128xi32>
    %convert_element_type3A_881 = arith.sitofp %convert_element_type3A_880 : vector<1024x128xi32> to vector<1024x128xf32>
    %get3A_882 = arith.constant 2944 : index
    %get3A_883 = arith.constant 0 : index
    %get3A_884 = vector.load %arg20[%get3A_882, %get3A_883] : memref<4096x128xf32, #tpu.memory_space<vmem>>, vector<128x128xf32>
    %dot_general3A_885 = arith.constant dense<0.000000e+00> : vector<1024x128xf32>
    %dot_general3A_886 = tpu.matmul %convert_element_type3A_881, %get3A_884, %dot_general3A_885 {dimension_numbers = #tpu.dot_dimension_numbers<[1], [0], [0], [1], [0, 0, 1, 1], [], []>, transpose_lhs_hint = false} : vector<1024x128xf32>, vector<128x128xf32>, vector<1024x128xf32> -> vector<1024x128xf32>
    %add3A_887 = arith.addf %add3A_868, %dot_general3A_886 : vector<1024x128xf32>
    %get3A_888 = arith.constant 2944 : index
    %get3A_889 = arith.constant 0 : index
    %get3A_890 = vector.load %arg21[%get3A_888, %get3A_889] : memref<4096x128xf32, #tpu.memory_space<vmem>>, vector<128x128xf32>
    %dot_general3A_891 = arith.constant dense<0.000000e+00> : vector<1024x128xf32>
    %dot_general3A_892 = tpu.matmul %convert_element_type3A_881, %get3A_890, %dot_general3A_891 {dimension_numbers = #tpu.dot_dimension_numbers<[1], [0], [0], [1], [0, 0, 1, 1], [], []>, transpose_lhs_hint = false} : vector<1024x128xf32>, vector<128x128xf32>, vector<1024x128xf32> -> vector<1024x128xf32>
    %add3A_893 = arith.addf %add3A_874, %dot_general3A_892 : vector<1024x128xf32>
    %add3A_894 = arith.constant 3072 : i32
    %add3A_895 = vector.broadcast %add3A_894 : i32 to vector<1024x128xi32>
    %add3A_896 = arith.addi %iota3A_111, %add3A_895 : vector<1024x128xi32>
    %eq3A_897 = vector.broadcast %broadcast_in_dim3A_432 : vector<1024x1xi32> to vector<1024x128xi32>
    %eq3A_898 = arith.cmpi eq, %add3A_896, %eq3A_897 : vector<1024x128xi32>
    %convert_element_type3A_899 = arith.extui %eq3A_898 : vector<1024x128xi1> to vector<1024x128xi32>
    %convert_element_type3A_900 = arith.sitofp %convert_element_type3A_899 : vector<1024x128xi32> to vector<1024x128xf32>
    %get3A_901 = arith.constant 3072 : index
    %get3A_902 = arith.constant 0 : index
    %get3A_903 = vector.load %arg20[%get3A_901, %get3A_902] : memref<4096x128xf32, #tpu.memory_space<vmem>>, vector<128x128xf32>
    %dot_general3A_904 = arith.constant dense<0.000000e+00> : vector<1024x128xf32>
    %dot_general3A_905 = tpu.matmul %convert_element_type3A_900, %get3A_903, %dot_general3A_904 {dimension_numbers = #tpu.dot_dimension_numbers<[1], [0], [0], [1], [0, 0, 1, 1], [], []>, transpose_lhs_hint = false} : vector<1024x128xf32>, vector<128x128xf32>, vector<1024x128xf32> -> vector<1024x128xf32>
    %add3A_906 = arith.addf %add3A_887, %dot_general3A_905 : vector<1024x128xf32>
    %get3A_907 = arith.constant 3072 : index
    %get3A_908 = arith.constant 0 : index
    %get3A_909 = vector.load %arg21[%get3A_907, %get3A_908] : memref<4096x128xf32, #tpu.memory_space<vmem>>, vector<128x128xf32>
    %dot_general3A_910 = arith.constant dense<0.000000e+00> : vector<1024x128xf32>
    %dot_general3A_911 = tpu.matmul %convert_element_type3A_900, %get3A_909, %dot_general3A_910 {dimension_numbers = #tpu.dot_dimension_numbers<[1], [0], [0], [1], [0, 0, 1, 1], [], []>, transpose_lhs_hint = false} : vector<1024x128xf32>, vector<128x128xf32>, vector<1024x128xf32> -> vector<1024x128xf32>
    %add3A_912 = arith.addf %add3A_893, %dot_general3A_911 : vector<1024x128xf32>
    %add3A_913 = arith.constant 3200 : i32
    %add3A_914 = vector.broadcast %add3A_913 : i32 to vector<1024x128xi32>
    %add3A_915 = arith.addi %iota3A_111, %add3A_914 : vector<1024x128xi32>
    %eq3A_916 = vector.broadcast %broadcast_in_dim3A_432 : vector<1024x1xi32> to vector<1024x128xi32>
    %eq3A_917 = arith.cmpi eq, %add3A_915, %eq3A_916 : vector<1024x128xi32>
    %convert_element_type3A_918 = arith.extui %eq3A_917 : vector<1024x128xi1> to vector<1024x128xi32>
    %convert_element_type3A_919 = arith.sitofp %convert_element_type3A_918 : vector<1024x128xi32> to vector<1024x128xf32>
    %get3A_920 = arith.constant 3200 : index
    %get3A_921 = arith.constant 0 : index
    %get3A_922 = vector.load %arg20[%get3A_920, %get3A_921] : memref<4096x128xf32, #tpu.memory_space<vmem>>, vector<128x128xf32>
    %dot_general3A_923 = arith.constant dense<0.000000e+00> : vector<1024x128xf32>
    %dot_general3A_924 = tpu.matmul %convert_element_type3A_919, %get3A_922, %dot_general3A_923 {dimension_numbers = #tpu.dot_dimension_numbers<[1], [0], [0], [1], [0, 0, 1, 1], [], []>, transpose_lhs_hint = false} : vector<1024x128xf32>, vector<128x128xf32>, vector<1024x128xf32> -> vector<1024x128xf32>
    %add3A_925 = arith.addf %add3A_906, %dot_general3A_924 : vector<1024x128xf32>
    %get3A_926 = arith.constant 3200 : index
    %get3A_927 = arith.constant 0 : index
    %get3A_928 = vector.load %arg21[%get3A_926, %get3A_927] : memref<4096x128xf32, #tpu.memory_space<vmem>>, vector<128x128xf32>
    %dot_general3A_929 = arith.constant dense<0.000000e+00> : vector<1024x128xf32>
    %dot_general3A_930 = tpu.matmul %convert_element_type3A_919, %get3A_928, %dot_general3A_929 {dimension_numbers = #tpu.dot_dimension_numbers<[1], [0], [0], [1], [0, 0, 1, 1], [], []>, transpose_lhs_hint = false} : vector<1024x128xf32>, vector<128x128xf32>, vector<1024x128xf32> -> vector<1024x128xf32>
    %add3A_931 = arith.addf %add3A_912, %dot_general3A_930 : vector<1024x128xf32>
    %add3A_932 = arith.constant 3328 : i32
    %add3A_933 = vector.broadcast %add3A_932 : i32 to vector<1024x128xi32>
    %add3A_934 = arith.addi %iota3A_111, %add3A_933 : vector<1024x128xi32>
    %eq3A_935 = vector.broadcast %broadcast_in_dim3A_432 : vector<1024x1xi32> to vector<1024x128xi32>
    %eq3A_936 = arith.cmpi eq, %add3A_934, %eq3A_935 : vector<1024x128xi32>
    %convert_element_type3A_937 = arith.extui %eq3A_936 : vector<1024x128xi1> to vector<1024x128xi32>
    %convert_element_type3A_938 = arith.sitofp %convert_element_type3A_937 : vector<1024x128xi32> to vector<1024x128xf32>
    %get3A_939 = arith.constant 3328 : index
    %get3A_940 = arith.constant 0 : index
    %get3A_941 = vector.load %arg20[%get3A_939, %get3A_940] : memref<4096x128xf32, #tpu.memory_space<vmem>>, vector<128x128xf32>
    %dot_general3A_942 = arith.constant dense<0.000000e+00> : vector<1024x128xf32>
    %dot_general3A_943 = tpu.matmul %convert_element_type3A_938, %get3A_941, %dot_general3A_942 {dimension_numbers = #tpu.dot_dimension_numbers<[1], [0], [0], [1], [0, 0, 1, 1], [], []>, transpose_lhs_hint = false} : vector<1024x128xf32>, vector<128x128xf32>, vector<1024x128xf32> -> vector<1024x128xf32>
    %add3A_944 = arith.addf %add3A_925, %dot_general3A_943 : vector<1024x128xf32>
    %get3A_945 = arith.constant 3328 : index
    %get3A_946 = arith.constant 0 : index
    %get3A_947 = vector.load %arg21[%get3A_945, %get3A_946] : memref<4096x128xf32, #tpu.memory_space<vmem>>, vector<128x128xf32>
    %dot_general3A_948 = arith.constant dense<0.000000e+00> : vector<1024x128xf32>
    %dot_general3A_949 = tpu.matmul %convert_element_type3A_938, %get3A_947, %dot_general3A_948 {dimension_numbers = #tpu.dot_dimension_numbers<[1], [0], [0], [1], [0, 0, 1, 1], [], []>, transpose_lhs_hint = false} : vector<1024x128xf32>, vector<128x128xf32>, vector<1024x128xf32> -> vector<1024x128xf32>
    %add3A_950 = arith.addf %add3A_931, %dot_general3A_949 : vector<1024x128xf32>
    %add3A_951 = arith.constant 3456 : i32
    %add3A_952 = vector.broadcast %add3A_951 : i32 to vector<1024x128xi32>
    %add3A_953 = arith.addi %iota3A_111, %add3A_952 : vector<1024x128xi32>
    %eq3A_954 = vector.broadcast %broadcast_in_dim3A_432 : vector<1024x1xi32> to vector<1024x128xi32>
    %eq3A_955 = arith.cmpi eq, %add3A_953, %eq3A_954 : vector<1024x128xi32>
    %convert_element_type3A_956 = arith.extui %eq3A_955 : vector<1024x128xi1> to vector<1024x128xi32>
    %convert_element_type3A_957 = arith.sitofp %convert_element_type3A_956 : vector<1024x128xi32> to vector<1024x128xf32>
    %get3A_958 = arith.constant 3456 : index
    %get3A_959 = arith.constant 0 : index
    %get3A_960 = vector.load %arg20[%get3A_958, %get3A_959] : memref<4096x128xf32, #tpu.memory_space<vmem>>, vector<128x128xf32>
    %dot_general3A_961 = arith.constant dense<0.000000e+00> : vector<1024x128xf32>
    %dot_general3A_962 = tpu.matmul %convert_element_type3A_957, %get3A_960, %dot_general3A_961 {dimension_numbers = #tpu.dot_dimension_numbers<[1], [0], [0], [1], [0, 0, 1, 1], [], []>, transpose_lhs_hint = false} : vector<1024x128xf32>, vector<128x128xf32>, vector<1024x128xf32> -> vector<1024x128xf32>
    %add3A_963 = arith.addf %add3A_944, %dot_general3A_962 : vector<1024x128xf32>
    %get3A_964 = arith.constant 3456 : index
    %get3A_965 = arith.constant 0 : index
    %get3A_966 = vector.load %arg21[%get3A_964, %get3A_965] : memref<4096x128xf32, #tpu.memory_space<vmem>>, vector<128x128xf32>
    %dot_general3A_967 = arith.constant dense<0.000000e+00> : vector<1024x128xf32>
    %dot_general3A_968 = tpu.matmul %convert_element_type3A_957, %get3A_966, %dot_general3A_967 {dimension_numbers = #tpu.dot_dimension_numbers<[1], [0], [0], [1], [0, 0, 1, 1], [], []>, transpose_lhs_hint = false} : vector<1024x128xf32>, vector<128x128xf32>, vector<1024x128xf32> -> vector<1024x128xf32>
    %add3A_969 = arith.addf %add3A_950, %dot_general3A_968 : vector<1024x128xf32>
    %add3A_970 = arith.constant 3584 : i32
    %add3A_971 = vector.broadcast %add3A_970 : i32 to vector<1024x128xi32>
    %add3A_972 = arith.addi %iota3A_111, %add3A_971 : vector<1024x128xi32>
    %eq3A_973 = vector.broadcast %broadcast_in_dim3A_432 : vector<1024x1xi32> to vector<1024x128xi32>
    %eq3A_974 = arith.cmpi eq, %add3A_972, %eq3A_973 : vector<1024x128xi32>
    %convert_element_type3A_975 = arith.extui %eq3A_974 : vector<1024x128xi1> to vector<1024x128xi32>
    %convert_element_type3A_976 = arith.sitofp %convert_element_type3A_975 : vector<1024x128xi32> to vector<1024x128xf32>
    %get3A_977 = arith.constant 3584 : index
    %get3A_978 = arith.constant 0 : index
    %get3A_979 = vector.load %arg20[%get3A_977, %get3A_978] : memref<4096x128xf32, #tpu.memory_space<vmem>>, vector<128x128xf32>
    %dot_general3A_980 = arith.constant dense<0.000000e+00> : vector<1024x128xf32>
    %dot_general3A_981 = tpu.matmul %convert_element_type3A_976, %get3A_979, %dot_general3A_980 {dimension_numbers = #tpu.dot_dimension_numbers<[1], [0], [0], [1], [0, 0, 1, 1], [], []>, transpose_lhs_hint = false} : vector<1024x128xf32>, vector<128x128xf32>, vector<1024x128xf32> -> vector<1024x128xf32>
    %add3A_982 = arith.addf %add3A_963, %dot_general3A_981 : vector<1024x128xf32>
    %get3A_983 = arith.constant 3584 : index
    %get3A_984 = arith.constant 0 : index
    %get3A_985 = vector.load %arg21[%get3A_983, %get3A_984] : memref<4096x128xf32, #tpu.memory_space<vmem>>, vector<128x128xf32>
    %dot_general3A_986 = arith.constant dense<0.000000e+00> : vector<1024x128xf32>
    %dot_general3A_987 = tpu.matmul %convert_element_type3A_976, %get3A_985, %dot_general3A_986 {dimension_numbers = #tpu.dot_dimension_numbers<[1], [0], [0], [1], [0, 0, 1, 1], [], []>, transpose_lhs_hint = false} : vector<1024x128xf32>, vector<128x128xf32>, vector<1024x128xf32> -> vector<1024x128xf32>
    %add3A_988 = arith.addf %add3A_969, %dot_general3A_987 : vector<1024x128xf32>
    %add3A_989 = arith.constant 3712 : i32
    %add3A_990 = vector.broadcast %add3A_989 : i32 to vector<1024x128xi32>
    %add3A_991 = arith.addi %iota3A_111, %add3A_990 : vector<1024x128xi32>
    %eq3A_992 = vector.broadcast %broadcast_in_dim3A_432 : vector<1024x1xi32> to vector<1024x128xi32>
    %eq3A_993 = arith.cmpi eq, %add3A_991, %eq3A_992 : vector<1024x128xi32>
    %convert_element_type3A_994 = arith.extui %eq3A_993 : vector<1024x128xi1> to vector<1024x128xi32>
    %convert_element_type3A_995 = arith.sitofp %convert_element_type3A_994 : vector<1024x128xi32> to vector<1024x128xf32>
    %get3A_996 = arith.constant 3712 : index
    %get3A_997 = arith.constant 0 : index
    %get3A_998 = vector.load %arg20[%get3A_996, %get3A_997] : memref<4096x128xf32, #tpu.memory_space<vmem>>, vector<128x128xf32>
    %dot_general3A_999 = arith.constant dense<0.000000e+00> : vector<1024x128xf32>
    %dot_general3A_1000 = tpu.matmul %convert_element_type3A_995, %get3A_998, %dot_general3A_999 {dimension_numbers = #tpu.dot_dimension_numbers<[1], [0], [0], [1], [0, 0, 1, 1], [], []>, transpose_lhs_hint = false} : vector<1024x128xf32>, vector<128x128xf32>, vector<1024x128xf32> -> vector<1024x128xf32>
    %add3A_1001 = arith.addf %add3A_982, %dot_general3A_1000 : vector<1024x128xf32>
    %get3A_1002 = arith.constant 3712 : index
    %get3A_1003 = arith.constant 0 : index
    %get3A_1004 = vector.load %arg21[%get3A_1002, %get3A_1003] : memref<4096x128xf32, #tpu.memory_space<vmem>>, vector<128x128xf32>
    %dot_general3A_1005 = arith.constant dense<0.000000e+00> : vector<1024x128xf32>
    %dot_general3A_1006 = tpu.matmul %convert_element_type3A_995, %get3A_1004, %dot_general3A_1005 {dimension_numbers = #tpu.dot_dimension_numbers<[1], [0], [0], [1], [0, 0, 1, 1], [], []>, transpose_lhs_hint = false} : vector<1024x128xf32>, vector<128x128xf32>, vector<1024x128xf32> -> vector<1024x128xf32>
    %add3A_1007 = arith.addf %add3A_988, %dot_general3A_1006 : vector<1024x128xf32>
    %add3A_1008 = arith.constant 3840 : i32
    %add3A_1009 = vector.broadcast %add3A_1008 : i32 to vector<1024x128xi32>
    %add3A_1010 = arith.addi %iota3A_111, %add3A_1009 : vector<1024x128xi32>
    %eq3A_1011 = vector.broadcast %broadcast_in_dim3A_432 : vector<1024x1xi32> to vector<1024x128xi32>
    %eq3A_1012 = arith.cmpi eq, %add3A_1010, %eq3A_1011 : vector<1024x128xi32>
    %convert_element_type3A_1013 = arith.extui %eq3A_1012 : vector<1024x128xi1> to vector<1024x128xi32>
    %convert_element_type3A_1014 = arith.sitofp %convert_element_type3A_1013 : vector<1024x128xi32> to vector<1024x128xf32>
    %get3A_1015 = arith.constant 3840 : index
    %get3A_1016 = arith.constant 0 : index
    %get3A_1017 = vector.load %arg20[%get3A_1015, %get3A_1016] : memref<4096x128xf32, #tpu.memory_space<vmem>>, vector<128x128xf32>
    %dot_general3A_1018 = arith.constant dense<0.000000e+00> : vector<1024x128xf32>
    %dot_general3A_1019 = tpu.matmul %convert_element_type3A_1014, %get3A_1017, %dot_general3A_1018 {dimension_numbers = #tpu.dot_dimension_numbers<[1], [0], [0], [1], [0, 0, 1, 1], [], []>, transpose_lhs_hint = false} : vector<1024x128xf32>, vector<128x128xf32>, vector<1024x128xf32> -> vector<1024x128xf32>
    %add3A_1020 = arith.addf %add3A_1001, %dot_general3A_1019 : vector<1024x128xf32>
    %get3A_1021 = arith.constant 3840 : index
    %get3A_1022 = arith.constant 0 : index
    %get3A_1023 = vector.load %arg21[%get3A_1021, %get3A_1022] : memref<4096x128xf32, #tpu.memory_space<vmem>>, vector<128x128xf32>
    %dot_general3A_1024 = arith.constant dense<0.000000e+00> : vector<1024x128xf32>
    %dot_general3A_1025 = tpu.matmul %convert_element_type3A_1014, %get3A_1023, %dot_general3A_1024 {dimension_numbers = #tpu.dot_dimension_numbers<[1], [0], [0], [1], [0, 0, 1, 1], [], []>, transpose_lhs_hint = false} : vector<1024x128xf32>, vector<128x128xf32>, vector<1024x128xf32> -> vector<1024x128xf32>
    %add3A_1026 = arith.addf %add3A_1007, %dot_general3A_1025 : vector<1024x128xf32>
    %add3A_1027 = arith.constant 3968 : i32
    %add3A_1028 = vector.broadcast %add3A_1027 : i32 to vector<1024x128xi32>
    %add3A_1029 = arith.addi %iota3A_111, %add3A_1028 : vector<1024x128xi32>
    %eq3A_1030 = vector.broadcast %broadcast_in_dim3A_432 : vector<1024x1xi32> to vector<1024x128xi32>
    %eq3A_1031 = arith.cmpi eq, %add3A_1029, %eq3A_1030 : vector<1024x128xi32>
    %convert_element_type3A_1032 = arith.extui %eq3A_1031 : vector<1024x128xi1> to vector<1024x128xi32>
    %convert_element_type3A_1033 = arith.sitofp %convert_element_type3A_1032 : vector<1024x128xi32> to vector<1024x128xf32>
    %get3A_1034 = arith.constant 3968 : index
    %get3A_1035 = arith.constant 0 : index
    %get3A_1036 = vector.load %arg20[%get3A_1034, %get3A_1035] : memref<4096x128xf32, #tpu.memory_space<vmem>>, vector<128x128xf32>
    %dot_general3A_1037 = arith.constant dense<0.000000e+00> : vector<1024x128xf32>
    %dot_general3A_1038 = tpu.matmul %convert_element_type3A_1033, %get3A_1036, %dot_general3A_1037 {dimension_numbers = #tpu.dot_dimension_numbers<[1], [0], [0], [1], [0, 0, 1, 1], [], []>, transpose_lhs_hint = false} : vector<1024x128xf32>, vector<128x128xf32>, vector<1024x128xf32> -> vector<1024x128xf32>
    %add3A_1039 = arith.addf %add3A_1020, %dot_general3A_1038 : vector<1024x128xf32>
    %get3A_1040 = arith.constant 3968 : index
    %get3A_1041 = arith.constant 0 : index
    %get3A_1042 = vector.load %arg21[%get3A_1040, %get3A_1041] : memref<4096x128xf32, #tpu.memory_space<vmem>>, vector<128x128xf32>
    %dot_general3A_1043 = arith.constant dense<0.000000e+00> : vector<1024x128xf32>
    %dot_general3A_1044 = tpu.matmul %convert_element_type3A_1033, %get3A_1042, %dot_general3A_1043 {dimension_numbers = #tpu.dot_dimension_numbers<[1], [0], [0], [1], [0, 0, 1, 1], [], []>, transpose_lhs_hint = false} : vector<1024x128xf32>, vector<128x128xf32>, vector<1024x128xf32> -> vector<1024x128xf32>
    %add3A_1045 = arith.addf %add3A_1026, %dot_general3A_1044 : vector<1024x128xf32>
    %get3A_1046 = arith.constant 0 : index
    %get3A_1047 = arith.constant 0 : index
    %get3A_1048 = vector.load %arg17[%get3A_1046, %get3A_1047] : memref<256x128xf32, #tpu.memory_space<vmem>>, vector<128x128xf32>
    %get3A_1049 = arith.constant 128 : index
    %get3A_1050 = arith.constant 0 : index
    %get3A_1051 = vector.load %arg17[%get3A_1049, %get3A_1050] : memref<256x128xf32, #tpu.memory_space<vmem>>, vector<128x128xf32>
    %get3A_1052 = arith.constant 0 : index
    %get3A_1053 = arith.constant 0 : index
    %get3A_1054 = vector.load %arg15[%get3A_1052, %get3A_1053] : memref<128x128xf32, #tpu.memory_space<vmem>>, vector<128x128xf32>
    %dot_general3A_1055 = arith.constant dense<0.000000e+00> : vector<128x128xf32>
    %dot_general3A_1056 = tpu.matmul %get3A_1054, %get3A_1048, %dot_general3A_1055 {dimension_numbers = #tpu.dot_dimension_numbers<[1], [0], [0], [1], [0, 0, 1, 1], [], []>, transpose_lhs_hint = false} : vector<128x128xf32>, vector<128x128xf32>, vector<128x128xf32> -> vector<128x128xf32>
    %dot_general3A_1057 = arith.constant dense<0.000000e+00> : vector<1024x128xf32>
    %dot_general3A_1058 = tpu.matmul %add3A_69, %dot_general3A_1056, %dot_general3A_1057 {dimension_numbers = #tpu.dot_dimension_numbers<[1], [0], [0], [1], [0, 0, 1, 1], [], []>, transpose_lhs_hint = false} : vector<1024x128xf32>, vector<128x128xf32>, vector<1024x128xf32> -> vector<1024x128xf32>
    %get3A_1059 = arith.constant 0 : index
    %get3A_1060 = arith.constant 0 : index
    %get3A_1061 = vector.load %arg15[%get3A_1059, %get3A_1060] : memref<128x128xf32, #tpu.memory_space<vmem>>, vector<128x128xf32>
    %dot_general3A_1062 = arith.constant dense<0.000000e+00> : vector<128x128xf32>
    %dot_general3A_1063 = tpu.matmul %get3A_1061, %get3A_1051, %dot_general3A_1062 {dimension_numbers = #tpu.dot_dimension_numbers<[1], [0], [0], [1], [0, 0, 1, 1], [], []>, transpose_lhs_hint = false} : vector<128x128xf32>, vector<128x128xf32>, vector<128x128xf32> -> vector<128x128xf32>
    %dot_general3A_1064 = arith.constant dense<0.000000e+00> : vector<1024x128xf32>
    %dot_general3A_1065 = tpu.matmul %add3A_1039, %dot_general3A_1063, %dot_general3A_1064 {dimension_numbers = #tpu.dot_dimension_numbers<[1], [0], [0], [1], [0, 0, 1, 1], [], []>, transpose_lhs_hint = false} : vector<1024x128xf32>, vector<128x128xf32>, vector<1024x128xf32> -> vector<1024x128xf32>
    %add3A_1066 = arith.addf %dot_general3A_1058, %dot_general3A_1065 : vector<1024x128xf32>
    %get3A_1067 = arith.constant 0 : index
    %get3A_1068 = vector.load %arg18[%get3A_1067] : memref<128xf32, #tpu.memory_space<vmem>>, vector<128xf32>
    %broadcast_in_dim3A_1069 = vector.shape_cast %get3A_1068 : vector<128xf32> to vector<1x128xf32>
    %add3A_1070 = vector.broadcast %broadcast_in_dim3A_1069 : vector<1x128xf32> to vector<1024x128xf32>
    %add3A_1071 = arith.addf %add3A_1066, %add3A_1070 : vector<1024x128xf32>
    %get3A_1072 = arith.constant 0 : index
    %get3A_1073 = arith.constant 0 : index
    %get3A_1074 = vector.load %arg16[%get3A_1072, %get3A_1073] : memref<128x128xf32, #tpu.memory_space<vmem>>, vector<128x128xf32>
    %dot_general3A_1075 = arith.constant dense<0.000000e+00> : vector<128x128xf32>
    %dot_general3A_1076 = tpu.matmul %get3A_1074, %get3A_1048, %dot_general3A_1075 {dimension_numbers = #tpu.dot_dimension_numbers<[1], [0], [0], [1], [0, 0, 1, 1], [], []>, transpose_lhs_hint = false} : vector<128x128xf32>, vector<128x128xf32>, vector<128x128xf32> -> vector<128x128xf32>
    %dot_general3A_1077 = arith.constant dense<0.000000e+00> : vector<1024x128xf32>
    %dot_general3A_1078 = tpu.matmul %add3A_107, %dot_general3A_1076, %dot_general3A_1077 {dimension_numbers = #tpu.dot_dimension_numbers<[1], [0], [0], [1], [0, 0, 1, 1], [], []>, transpose_lhs_hint = false} : vector<1024x128xf32>, vector<128x128xf32>, vector<1024x128xf32> -> vector<1024x128xf32>
    %get3A_1079 = arith.constant 0 : index
    %get3A_1080 = arith.constant 0 : index
    %get3A_1081 = vector.load %arg16[%get3A_1079, %get3A_1080] : memref<128x128xf32, #tpu.memory_space<vmem>>, vector<128x128xf32>
    %dot_general3A_1082 = arith.constant dense<0.000000e+00> : vector<128x128xf32>
    %dot_general3A_1083 = tpu.matmul %get3A_1081, %get3A_1051, %dot_general3A_1082 {dimension_numbers = #tpu.dot_dimension_numbers<[1], [0], [0], [1], [0, 0, 1, 1], [], []>, transpose_lhs_hint = false} : vector<128x128xf32>, vector<128x128xf32>, vector<128x128xf32> -> vector<128x128xf32>
    %dot_general3A_1084 = arith.constant dense<0.000000e+00> : vector<1024x128xf32>
    %dot_general3A_1085 = tpu.matmul %add3A_1045, %dot_general3A_1083, %dot_general3A_1084 {dimension_numbers = #tpu.dot_dimension_numbers<[1], [0], [0], [1], [0, 0, 1, 1], [], []>, transpose_lhs_hint = false} : vector<1024x128xf32>, vector<128x128xf32>, vector<1024x128xf32> -> vector<1024x128xf32>
    %add3A_1086 = arith.addf %dot_general3A_1078, %dot_general3A_1085 : vector<1024x128xf32>
    %get3A_1087 = arith.constant 0 : index
    %get3A_1088 = vector.load %arg18[%get3A_1087] : memref<128xf32, #tpu.memory_space<vmem>>, vector<128xf32>
    %broadcast_in_dim3A_1089 = vector.shape_cast %get3A_1088 : vector<128xf32> to vector<1x128xf32>
    %add3A_1090 = vector.broadcast %broadcast_in_dim3A_1089 : vector<1x128xf32> to vector<1024x128xf32>
    %add3A_1091 = arith.addf %add3A_1086, %add3A_1090 : vector<1024x128xf32>
    %broadcast_in_dim3A_1092 = vector.shape_cast %ge3A_434 : vector<1024x1xi1> to vector<1024x1xi1>
    %broadcast_in_dim3A_1093 = vector.broadcast %broadcast_in_dim3A_1092 : vector<1024x1xi1> to vector<1024x128xi1>
    %select_n3A_1094 = arith.select %broadcast_in_dim3A_1093, %add3A_1071, %add3A_69 : vector<1024x128xi1>, vector<1024x128xf32>
    %swap3A_1095 = arith.constant 0 : index
    %swap3A_1096 = arith.constant 0 : index
    %swap3A_1097 = vector.load %arg23[%swap3A_1095, %swap3A_1096] : memref<1024x128xf32, #tpu.memory_space<vmem>>, vector<1024x128xf32>
    tpu.vector_store %arg23[%swap3A_1095, %swap3A_1096], %select_n3A_1094 {strides = array<i32>} : memref<1024x128xf32, #tpu.memory_space<vmem>>, vector<1024x128xf32>,
    %broadcast_in_dim3A_1098 = vector.shape_cast %ge3A_434 : vector<1024x1xi1> to vector<1024x1xi1>
    %broadcast_in_dim3A_1099 = vector.broadcast %broadcast_in_dim3A_1098 : vector<1024x1xi1> to vector<1024x128xi1>
    %select_n3A_1100 = arith.select %broadcast_in_dim3A_1099, %add3A_1091, %add3A_107 : vector<1024x128xi1>, vector<1024x128xf32>
    %swap3A_1101 = arith.constant 0 : index
    %swap3A_1102 = arith.constant 0 : index
    %swap3A_1103 = vector.load %arg24[%swap3A_1101, %swap3A_1102] : memref<1024x128xf32, #tpu.memory_space<vmem>>, vector<1024x128xf32>
    tpu.vector_store %arg24[%swap3A_1101, %swap3A_1102], %select_n3A_1100 {strides = array<i32>} : memref<1024x128xf32, #tpu.memory_space<vmem>>, vector<1024x128xf32>,
    return
  }
}

</mosaic_0001>

<sc_bundles>
// kernel: kernel.6.cloned.1.call-start
scs
__scs_entry_jumppad:
0x0: {  	(pc) =	sbr.rel $0x88, $3  }
0x1: {  	(tag) =	ssettag $0x0;
	lr =	simm.s32 $0x1  }
0x2: {  	[smem:$0x3F83] =	sst lr;
	_ =	strace $0xD0000000  }
0x3: {  	_ = 	snop  }
0x4: {  	_ = 	snop  }
0x5: {  	_ = 	snop  }
0x6: {  	_ = 	snop  }
0x7: {  	_ = 	snop  }
__scs_overlays_trampoline_lowered:
0x8: {  	[smem:$0x3F92] =	sst s0  }
0x9: {  	[smem:$0x3F93] =	sst s1  }
0xa: {  	[smem:$0x3F94] =	sst s2  }
0xb: {  	[smem:$0x3F95] =	sst s3  }
0xc: {  	[smem:$0x3F96] =	sst s4  }
0xd: {  	[smem:$0x3F97] =	sst s5  }
0xe: {  	[smem:$0x3F98] =	sst s6  }
0xf: {  	[smem:$0x3F99] =	sst s7  }
0x10: {  	[smem:$0x3F9A] =	sst s8  }
0x11: {  	[smem:$0x3F9B] =	sst s9;
	s0 =	simm.s32 @!p0 $0x0  }
0x12: {  	s1 =	sld [smem:$0x3F81];
	s0 =	simm.s32 @p0 $0x1  }
0x13: {  	[smem:$0x3F9C] =	sst s0;
	s0 =	simm.s32 @!p1 $0x0  }
0x14: {  	s2 =	sld [smem:$0x3F80];
	s0 =	simm.s32 @p1 $0x1  }
0x15: {  	[smem:$0x3F9D] =	sst s0;
	s0 =	simm.s32 @!p2 $0x0  }
0x16: {  	s3 =	sld [smem:$0x3FDB];
	s0 =	simm.s32 @p2 $0x1  }
0x17: {  	s4 =	simm.s32 $0x1BF5;
	[smem:$0x3F9F] =	sst s0  }
0x18: {  	s0 =	sld [smem:$0x3F82];
	_ =	swait.ge [sflag:s4], $0x0  }
0x19: {  	s7 =	sld [smem:$0x3F83]  }
0x1a: {  	s8 =	sadd.s32 $0xFFFFE003, lr  }
0x1b: {  	s9 =	sadd.s32 $0xFFFFFEF7, lr;
	s5 =	simm.s32 $0xFFFFFFFF;
	p2 =	slt.u32 s8, $0xFFFFF086  }
0x1c: {  	p1 =	slt.u32 s9, $0xF7A;
	s5 =	simm.s32 @!p2 $0x0  }
0x1d: {  	s5 =	simm.s32 @p1 $0x1;
	p0 =	seq.s32 s7, s2  }
0x1e: {  	s7 =	smul.u32 @!p0 $0xF7A, s2;
	p2 =	seq.s32 @!p0 s5, $0x0  }
0x1f: {  	s9 =	smul.u32 $0xF7A, s1;
	s8 =	simm.s32 @!p0 $0x1BF5;
	p2 =	por !p2, p0  }
0x20: {  	[sflag:s8] =	ssyncset.s32 @!p0 $0xFFFFF086;
	s6 =	sadd.s32 @!p0 s3, s7;
	s7 =	simm.s32 @!p0 $0x108  }
0x21: {  	s3 =	sadd.s32 s3, s9;
	s6 =	sadd.s32 @!p0 $0x88, s6;
	s7 =	simm.s32 @p2 $0x1082  }
0x22: {  	[simem:s7], [sflag:s8] =	dma.local @!p0 [hbm:s6], $0xF7A  }
0x23: {  	s9 =	sor.u32 $0xD0000000, s2;
	s6 =	simm.s32 $0x108;
	_ =	swait.ge @!p0 [sflag:s8], $0x0  }
0x24: {  	s3 =	sadd.s32 $0x88, s3;
	s6 =	simm.s32 @!p1 $0x1082;
	[sflag:s4] =	ssyncset.s32 $0xFFFFF086  }
0x25: {  	[simem:s6], [sflag:s4] =	dma.local [hbm:s3], $0xF7A  }
0x26: {  	[smem:$0x3F83] =	sst s1;
	(tag) =	ssettag s2;
	_ =	strace s9  }
0x27: {  	s1 =	sld [smem:$0x3F93]  }
0x28: {  	s2 =	sld [smem:$0x3F94]  }
0x29: {  	s4 =	sld [smem:$0x3F96]  }
0x2a: {  	p0 =	seq.s32 s5, $0x0;
	s5 =	sld [smem:$0x3F97]  }
0x2b: {  	s6 =	sld [smem:$0x3F98]  }
0x2c: {  	s7 =	sld [smem:$0x3F99]  }
0x2d: {  	s3 =	simm.s32 $0x108;
	s8 =	sld [smem:$0x3F9A]  }
0x2e: {  	s3 =	simm.s32 @!p0 $0x1082;
	s9 =	sld [smem:$0x3F9B]  }
0x2f: {  	lr =	sadd.s32 s0, s3;
	s0 =	sld [smem:$0x3F92]  }
0x30: {  	s3 =	sld [smem:$0x3F95]  }
0x31: {  	[smem:$0x3F9E] =	sst s10  }
0x32: {  	s10 =	sld [smem:$0x3F9C];
	_ =	sdelay $0x3  }
0x33: {  	p0 =	seq.s32 s10, $0x1;
	s10 =	sld [smem:$0x3F9E];
	_ =	sdelay $0x3  }
0x34: {  	[smem:$0x3F9E] =	sst s10  }
0x35: {  	s10 =	sld [smem:$0x3F9D];
	_ =	sdelay $0x3  }
0x36: {  	p1 =	seq.s32 s10, $0x1;
	s10 =	sld [smem:$0x3F9E];
	_ =	sdelay $0x3  }
0x37: {  	[smem:$0x3F9E] =	sst s10  }
0x38: {  	s10 =	sld [smem:$0x3F9F]  }
0x39: {  	_ = 	snop;
	(pc) =	sbr.ind lr, $3  }
0x3a: {  	_ = 	snop  }
0x3b: {  	_ = 	snop  }
0x3c: {  	p2 =	seq.s32 s10, $0x1;
	s10 =	sld [smem:$0x3F9E]  }
0x3d: {  	_ =	shalt  }
0x3e: {  	_ =	shalt  }
0x3f: {  	_ =	shalt  }
0x40: {  	_ =	shalt  }
0x41: {  	_ =	shalt  }
0x42: {  	_ =	shalt  }
0x43: {  	_ =	shalt  }
0x44: {  	_ =	shalt  }
0x45: {  	_ =	shalt  }
0x46: {  	_ =	shalt  }
0x47: {  	_ =	shalt  }
0x48: {  	_ =	shalt  }
0x49: {  	_ =	shalt  }
0x4a: {  	_ =	shalt  }
0x4b: {  	_ =	shalt  }
0x4c: {  	_ =	shalt  }
0x4d: {  	_ =	shalt  }
0x4e: {  	_ =	shalt  }
0x4f: {  	_ =	shalt  }
0x50: {  	_ =	shalt  }
0x51: {  	_ =	shalt  }
0x52: {  	_ =	shalt  }
0x53: {  	_ =	shalt  }
0x54: {  	_ =	shalt  }
0x55: {  	_ =	shalt  }
0x56: {  	_ =	shalt  }
0x57: {  	_ =	shalt  }
0x58: {  	_ =	shalt  }
0x59: {  	_ =	shalt  }
0x5a: {  	_ =	shalt  }
0x5b: {  	_ =	shalt  }
0x5c: {  	_ =	shalt  }
0x5d: {  	_ =	shalt  }
0x5e: {  	_ =	shalt  }
0x5f: {  	_ =	shalt  }
0x60: {  	_ =	shalt  }
0x61: {  	_ =	shalt  }
0x62: {  	_ =	shalt  }
0x63: {  	_ =	shalt  }
0x64: {  	_ =	shalt  }
0x65: {  	_ =	shalt  }
0x66: {  	_ =	shalt  }
0x67: {  	_ =	shalt  }
0x68: {  	_ =	shalt  }
0x69: {  	_ =	shalt  }
0x6a: {  	_ =	shalt  }
0x6b: {  	_ =	shalt  }
0x6c: {  	_ =	shalt  }
0x6d: {  	_ =	shalt  }
0x6e: {  	_ =	shalt  }
0x6f: {  	_ =	shalt  }
0x70: {  	_ =	shalt  }
0x71: {  	_ =	shalt  }
0x72: {  	_ =	shalt  }
0x73: {  	_ =	shalt  }
0x74: {  	_ =	shalt  }
0x75: {  	_ =	shalt  }
0x76: {  	_ =	shalt  }
0x77: {  	_ =	shalt  }
0x78: {  	_ =	shalt  }
0x79: {  	_ =	shalt  }
0x7a: {  	_ =	shalt  }
0x7b: {  	_ =	shalt  }
0x7c: {  	_ =	shalt  }
0x7d: {  	_ =	shalt  }
0x7e: {  	_ =	shalt  }
0x7f: {  	_ =	shalt  }
0x80: {  	_ =	shalt  }
0x81: {  	_ =	shalt  }
0x82: {  	_ =	shalt  }
0x83: {  	_ =	shalt  }
0x84: {  	_ =	shalt  }
0x85: {  	_ =	shalt  }
0x86: {  	_ =	shalt  }
0x87: {  	_ =	shalt  }
.Lfunc_end0:
.L_simem_size_0:
called_computation_lowered:
.L_overlay_start_0:
0x88: {  	s2 =	sld [smem:$0x3FD9]  }
0x89: {  	s3 =	sld [smem:$0x3FFE];
	_ =	sdelay $0x1  }
0x8a: {  	s1 =	srdreg.scid  }
0x8b: {  	s0 =	sand.u32 $0x1, s1  }
0x8c: {  	s14 =	sshll.u32 s0, $0xA;
	s2 =	sadd.s32 s3, s2  }
0x8d: {  	s2 =	sadd.s32 s2, s14  }
0x8e: {  	[smem:$0x3FAA] =	sst s2  }
0x8f: {  	_ = 	snop  }
0x90: {  	s2 =	sld [smem:$0x3FD0];
	_ =	sdelay $0x2  }
0x91: {  	s15 =	simm.s32 $0xA;
	s4 =	simm.s32 $0x10  }
0x92: {  	[smem:s4], [sflag:s15] =	dma.local [hbm:s2], $0x1  }
0x93: {  	_ =	swait.eq [sflag:s15], $0x1  }
0x94: {  	s16 =	sld [smem:$0x10];
	[sflag:s15] =	ssyncset.done $0x0  }
0x95: {  	s17 =	sld [smem:$0x11];
	[sflag:s15] =	ssyncadd.s32 $0xFFFFFFFF  }
0x96: {  	s18 =	sld [smem:$0x12];
	(tm) =	ssettm $0x1  }
0x97: {  	s5 =	sld [smem:$0x3FFB];
	_ =	sdelay $0x3  }
0x98: {  	_ =	strace s5  }
0x99: {  	s5 =	sld [smem:$0x3FFC];
	_ =	sdelay $0x3  }
0x9a: {  	_ =	strace s5  }
0x9b: {  	s5 =	sld [smem:$0x3FFD];
	_ =	sdelay $0x3  }
0x9c: {  	_ =	strace s5  }
0x9d: {  	_ =	strace $0x8FFFFFFF  }
0x9e: {  	s19 =	sld [smem:$0x3FDB];
	_ =	sdelay $0x1  }
0x9f: {  	s6 =	simm.s32 $_scs_section_size  }
0xa0: {  	s7 =	simm.s32 $_size__tile_overlayer_lowered;
	s8 =	simm.s32 $_tile_overlayer_lowered  }
0xa1: {  	s22 =	simm.s32 $0x1BFF;
	s21 =	sshll.u32 s8, $0x1;
	s5 =	sadd.s32 s6, s19  }
0xa2: {  	s9 =	simm.s32 $0x0;
	s20 =	sshll.u32 s7, $0x1;
	s7 =	sadd.s32 s21, s5  }
0xa3: {  	[timem:s9], [sflag:s22] =	dma.local [hbm:s7], s20  }
0xa4: {  	_ =	swait.ge [sflag:s22], s20  }
0xa5: {  	s6 =	ssub.s32 $0x0, s20;
	[sflag:s22] =	ssyncset.done $0x0  }
0xa6: {  	[sflag:s22] =	ssyncadd.s32 s6;
	_ =	sdelay $0x1  }
0xa7: {  	s23 =	simm.s32 $0x1B8B  }
0xa8: {  	_ =	swait.ge [sflag:s23], $0x1  }
0xa9: {  	[sflag:s23] =	ssyncset.done $0x0  }
0xaa: {  	s25 =	simm.s32 $0x1B8E;
	s24 =	sld [smem:$0x3FFE];
	[sflag:s23] =	ssyncadd.s32 $0xFFFFFFFF  }
0xab: {  	s26 =	simm.s32 $execute0_lowered;
	[smem:$0x3FD2] =	sst s25  }
0xac: {  	s7 =	sshll.u32 s26, $0x1;
	_ =	strace $0x80000046;
	[dreg:$0x1] =	wrdreg $0xFFFFFFFF  }
0xad: {  	s28 =	simm.s32 $_size_execute0_lowered;
	s5 =	sadd.s32 s5, s7;
	[dreg:$0x0] =	wrdreg $0x0  }
0xae: {  	s7 =	sshll.u32 s28, $0x1;
	[dreg:$0x2] =	wrdreg s5  }
0xaf: {  	[dreg:$0x3] =	wrdreg s7  }
0xb0: {  	[dreg:$0x4] =	wrdreg $0xC0  }
0xb1: {  	_ =	task [dreg:s9], $0x5FFFF  }
0xb2: {  	[dreg:$0x1] =	wrdreg $0xFFFFFFFF  }
0xb3: {  	[dreg:$0x0] =	wrdreg $0x60  }
0xb4: {  	[dreg:$0x2] =	wrdreg s24  }
0xb5: {  	[dreg:$0x3] =	wrdreg s16  }
0xb6: {  	[dreg:$0x4] =	wrdreg s17  }
0xb7: {  	[dreg:$0x5] =	wrdreg s18  }
0xb8: {  	[dreg:$0x6] =	wrdreg $0x0  }
0xb9: {  	[dreg:$0x7] =	wrdreg $0x140000  }
0xba: {  	[dreg:$0x8] =	wrdreg $0x160000  }
0xbb: {  	[dreg:$0x9] =	wrdreg $0x9  }
0xbc: {  	_ =	task.clear_ibuf [dreg:s9], $0xAFFFF;
	_ =	strace $0x90000046  }
0xbd: {  	s29 =	simm.s32 $0x9;
	_ =	strace $0x80000048  }
0xbe: {  	_ =	swait.ge [sflag:s29], $0x1  }
0xbf: {  	[sflag:s29] =	ssyncadd.s32 $0xFFFFFFFF  }
0xc0: {  	_ =	strace $0x90000048  }
0xc1: {  	_ =	sfence  }
0xc2: {  	s30 =	sld [smem:$0x0];
	_ =	sdelay $0x2  }
0xc3: {  	s31 =	sshll.u32 s1, $0xD;
	s1 =	sshrl.u32 s1, $0x2  }
0xc4: {  	s3 =	sand.u32 $0x4000, s31;
	s1 =	sadd.s32 s1, s30  }
0xc5: {  	s0 =	sor.u32 s3, s0;
	s1 =	sshll.u32 s1, $0x11  }
0xc6: {  	s0 =	sor.u32 s1, s0  }
0xc7: {  	s0 =	sadd.s32 $0x8F2B, s0  }
0xc8: {  	[sflag:s0] =	ssyncadd.remote.s32 $0x1  }
0xc9: {  	_ =	sfence.sel $0xFFFF  }
0xca: {  	[dreg:$0x0] =	wrdreg $0xFFFFFFFF;
	(pc) =	sbr.abs _section_cstart, $3  }
0xcb: {  	[dreg:$0x1] =	wrdreg $0xFFFFFFFF  }
0xcc: {  	_ =	task.clear_ibuf [dreg:s9], $0x2FFFF;
	_ =	strace $0x9FFFFFFF  }
0xcd: {  	(tm) =	ssettm $0x7FFFFFFF  }
tec
execute0_lowered:
.L_overlay_start_1:
0x0: {  	(tag) =	ssettag $0x1  }
0x1: {  	s0 =	rddreg [dreg:$0x0]  }
0x2: {  	s1 =	rddreg [dreg:$0x1]  }
0x3: {  	s21 =	rddreg [dreg:$0x2]  }
0x4: {  	s2 =	rddreg [dreg:$0x4]  }
0x5: {  	s3 =	rddreg [dreg:$0x5]  }
0x6: {  	s4 =	rddreg [dreg:$0x6]  }
0x7: {  	s5 =	simm.s32 $0x0;
	s6 =	srdreg.scid;
	[dreg:$0x9] =	wrdreg s1  }
0x8: {  	s16 =	stileid.u32;
	[smem:$0x7FF] =	sst s5  }
0x9: {  	s6 =	sand.u32 $0x1, s6;
	s9 =	sadd.s32 $0x5600, s0;
	s10 =	sshll.u32 s16, $0x8  }
0xa: {  	s11 =	smul.u32 $0x14000, s16;
	s7 =	sadd.s32 $0x1C600, s0;
	s23 =	sshll.u32 s16, $0xD  }
0xb: {  	s13 =	sadd.s32 $0x44600, s0;
	s14 =	smul.u32 $0x50000, s16;
	s15 =	sshll.u32 s16, $0x6  }
0xc: {  	s16 =	smul.u32 $0xA000, s16;
	s1 =	simm.s32 $0x0;
	_ =	strace $0x80000047  }
0xd: {  	s8 =	smul.u32 $0x140000, s6;
	[dreg:$0xa] =	wrdreg s9;
	s22 =	sadd.s32 s10, s0  }
0xe: {  	s12 =	sshll.u32 s6, $0x11;
	[dreg:$0xc] =	wrdreg s13;
	s28 =	sadd.s32 s23, s3  }
0xf: {  	s24 =	ssub.s32 $0x2, s6;
	s13 =	sor.u32 $0x1C02, s15;
	[dreg:$0xf] =	wrdreg s28  }
0x10: {  	s19 =	sadd.s32 s10, s21;
	s21 =	simm.s32 $0x2;
	[dreg:$0x8] =	wrdreg s16  }
0x11: {  	p0 =	sne.s32 s6, $0x0;
	s12 =	sor.u32 s23, s12;
	[dreg:$0xe] =	wrdreg s13  }
0x12: {  	s14 =	sshrl.u32 s14, $0x2;
	s31 =	sadd.s32 $0x19600, s22;
	[dreg:$0x15] =	wrdreg s19  }
0x13: {  	s20 =	sadd.s32 $0x1A600, s22;
	s18 =	sadd.s32 $0x1B600, s22;
	[dreg:$0x16] =	wrdreg s31  }
0x14: {  	s8 =	sadd.s32 s11, s8;
	s12 =	sshrl.u32 s12, $0x3;
	[dreg:$0x17] =	wrdreg s20  }
0x15: {  	s26 =	sadd.s32 s14, s2;
	[dreg:$0xb] =	wrdreg s18;
	s8 =	sshrl.u32 s8, $0x3  }
0x16: {  	s11 =	sadd.s32 s23, s4;
	[dreg:$0xd] =	wrdreg s26;
	s8 =	sadd.s32 s8, s0  }
0x17: {  	[dreg:$0x10] =	wrdreg s11;
	s0 =	sadd.s32 s12, s0;
	s8 =	sadd.s32 $0x54A00, s8  }
0x18: {  	s25 =	sshrl.u32 s24, $0x1;
	s29 =	sadd.s32 $0x44A00, s0;
	[dreg:$0x11] =	wrdreg s8  }
0x19: {  	s12 =	ssub.s32 s24, s25;
	s0 =	sadd.s32 $0x4CA00, s0;
	[dreg:$0x12] =	wrdreg s29  }
0x1a: {  	p1 =	seq.s32 s6, $0x0;
	s30 =	smax.u32 s12, $0x1;
	[dreg:$0x13] =	wrdreg s0  }
0x1b: {  	s23 =	simm.s32 $0x18000;
	s24 =	simm.s32 $0x18200;
	[dreg:$0x14] =	wrdreg s30  }
.LBB2_1:
0x1c: {  	[dreg:$0x18] =	wrdreg s1  }
0x1d: {  	s0 =	rddreg [dreg:$0xd]  }
0x1e: {  	s14 =	rddreg [dreg:$0x3];
	s12 =	sshrl.u32 s0, $0x3  }
0x1f: {  	[dreg:$0x19] =	wrdreg s12  }
0x20: {  	[spmem:s12], [sflag:s13] =	dma.local [hbm:s14], $0x2800  }
0x21: {  	_ =	swait.ge [sflag:s21], $0x2800  }
0x22: {  	s15 =	rddreg [dreg:$0xf]  }
0x23: {  	[sflag:s21] =	ssyncset.done $0x0;
	s1 =	sshrl.u32 s15, $0x3  }
0x24: {  	[sflag:s21] =	ssyncadd.s32 $0xFFFFD800;
	[dreg:$0x1a] =	wrdreg s1  }
0x25: {  	[spmem:s1], [sflag:s13] =	dma.local [hbm:s14], $0x400  }
0x26: {  	_ =	swait.ge [sflag:s21], $0x400  }
0x27: {  	s16 =	rddreg [dreg:$0x10]  }
0x28: {  	[sflag:s21] =	ssyncset.done $0x0;
	s1 =	sshrl.u32 s16, $0x3  }
0x29: {  	[sflag:s21] =	ssyncadd.s32 $0xFFFFFC00;
	[dreg:$0x1b] =	wrdreg s1  }
0x2a: {  	[spmem:s1], [sflag:s13] =	dma.local [hbm:s14], $0x400  }
0x2b: {  	_ =	swait.ge [sflag:s21], $0x400  }
0x2c: {  	[sflag:s21] =	ssyncset.done $0x0  }
0x2d: {  	s18 =	simm.s32 $0x1A500;
	s17 =	rddreg [dreg:$0xc];
	[sflag:s21] =	ssyncadd.s32 $0xFFFFFC00  }
0x2e: {  	[tilespmem:s18], [sflag:$0x2] =	stream.linear.gather [hbm4b:s17+s5], $0x2000, $0x38;
	[tilespmem:$0x1C500] =	vst v63  }
0x2f: {  	_ =	swait.ge [sflag:s21], $0x2000  }
0x30: {  	[sflag:s21] =	ssyncset.done $0x0  }
0x31: {  	[sflag:s21] =	ssyncadd.s32 $0xFFFFE000  }
0x32: {  	[bflag:$0x0] =	sbarrier.arrive $0xFFFF  }
0x33: {  	s20 =	sand.u32 $0xFC00, s5;
	s19 =	rddreg [dreg:$0x8]  }
0x34: {  	s22 =	sand.u32 $0x200, s5;
	s0 =	sadd.s32 s19, s20  }
0x35: {  	s0 =	sor.u32 s22, s0  }
0x36: {  	s6 =	rddreg [dreg:$0x9];
	s0 =	sshrl.u32 s0, $0x3  }
0x37: {  	s25 =	sadd.s32 s6, s0  }
0x38: {  	[tilespmem:s23], [sflag:$0x2] =	stream.linear.gather [hbm4b:s25+s5], $0x200, $0x38;
	[tilespmem:$0x1C500] =	vst v63  }
0x39: {  	_ =	swait.ge [sflag:s21], $0x200  }
0x3a: {  	s26 =	rddreg [dreg:$0xa];
	[sflag:s21] =	ssyncset.done $0x0  }
0x3b: {  	[sflag:s21] =	ssyncadd.s32 $0xFFFFFE00;
	s0 =	sadd.s32 s26, s0  }
0x3c: {  	[tilespmem:s24], [sflag:$0x2] =	stream.linear.gather [hbm4b:s0+s5], $0x200, $0x38;
	[tilespmem:$0x1C500] =	vst v63  }
0x3d: {  	_ =	swait.ge [sflag:s21], $0x200  }
0x3e: {  	[sflag:s21] =	ssyncset.done $0x0  }
0x3f: {  	[sflag:s21] =	ssyncadd.s32 $0xFFFFFE00  }
0x40: {  	v0 =	vld [tilespmem:$0x18220]  }
0x41: {  	v1 =	vld [tilespmem:$0x18230]  }
0x42: {  	v2 =	vld [tilespmem:$0x18210]  }
0x43: {  	v3 =	vld [tilespmem:$0x18020]  }
0x44: {  	v4 =	vld [tilespmem:$0x18010]  }
0x45: {  	v5 =	vld [tilespmem:$0x18000];
	[tilespmem:$0x184A0] =	vst v0  }
0x46: {  	v0 =	vld [tilespmem:$0x18200];
	[tilespmem:$0x184B0] =	vst v1  }
0x47: {  	[tilespmem:$0x18490] =	vst v2;
	v1 =	vld [tilespmem:$0x18030]  }
0x48: {  	[tilespmem:$0x18420] =	vst v3  }
0x49: {  	[tilespmem:$0x18410] =	vst v4  }
0x4a: {  	[tilespmem:$0x18400] =	vst v5  }
0x4b: {  	s9 =	simm.s32 @!p0 $0x1;
	[tilespmem:$0x18480] =	vst v0  }
0x4c: {  	s11 =	simm.s32 @p0 $0x40;
	s13 =	simm.s32 @p0 $0x18480;
	s14 =	simm.s32 @p0 $0x1A500;
	[tilespmem:$0x18430] =	vst v1  }
0x4d: {  	[spmem:s2] =	stream.indirect.scatter.add.f32 @p0 [tilespmem:s14], [sflag:$0x2], $0x80, s13, s11, $0xb8;
	[tilespmem:$0x1C500] =	vst v63  }
0x4e: {  	s28 =	simm.s32 @!p0 $0x18500;
	s1 =	simm.s32 @!p0 $0x40;
	s26 =	simm.s32 @!p0 $0x18400  }
0x4f: {  	[tilespmem:s28], [sflag:$0x1] =	stream.indirect.gather @!p0 [hbm4b:s7+s1], $0x80, s26, s1, $0xb8;
	[tilespmem:$0x1C500] =	vst v63  }
0x50: {  	_ =	swait.ge @!p0 [sflag:s9], $0x2000  }
0x51: {  	s29 =	simm.s32 @!p0 $0x3;
	[sflag:s9] =	ssyncset.done @!p0 $0x0  }
0x52: {  	s10 =	simm.s32 @!p0 $0x18480;
	s29 =	simm.s32 @p0 $0x2;
	[sflag:s9] =	ssyncadd.s32 @!p0 $0xFFFFE000  }
0x53: {  	[spmem:s2] =	stream.indirect.scatter.add.f32 @!p0 [tilespmem:s28], [sflag:$0x3], $0x80, s10, s1, $0xb8;
	[tilespmem:$0x1C500] =	vst v63  }
0x54: {  	_ =	swait.ge [sflag:s29], $0x2000  }
0x55: {  	[sflag:s29] =	ssyncset.done $0x0  }
0x56: {  	[sflag:s29] =	ssyncadd.s32 $0xFFFFE000  }
0x57: {  	v0 =	vld [tilespmem:$0x182A0]  }
0x58: {  	v1 =	vld [tilespmem:$0x18280]  }
0x59: {  	v2 =	vld [tilespmem:$0x18080]  }
0x5a: {  	v3 =	vld [tilespmem:$0x18290]  }
0x5b: {  	v63 =	vld [tilespmem:$0x180A0]  }
0x5c: {  	[tilespmem:$0x184A0] =	vst v0;
	v0 =	vld [tilespmem:$0x180B0]  }
0x5d: {  	[tilespmem:$0x18480] =	vst v1;
	v1 =	vld [tilespmem:$0x182B0]  }
0x5e: {  	[tilespmem:$0x18400] =	vst v2;
	v2 =	vld [tilespmem:$0x18090]  }
0x5f: {  	[tilespmem:$0x18490] =	vst v3  }
0x60: {  	[tilespmem:$0x18420] =	vst v63  }
0x61: {  	[tilespmem:$0x18430] =	vst v0  }
0x62: {  	s30 =	simm.s32 @p1 $0x1;
	[tilespmem:$0x184B0] =	vst v1  }
0x63: {  	s31 =	simm.s32 @p1 $0x40;
	s6 =	simm.s32 @p1 $0x18400;
	s0 =	simm.s32 @p1 $0x18500;
	[tilespmem:$0x18410] =	vst v2  }
0x64: {  	[tilespmem:s0], [sflag:$0x1] =	stream.indirect.gather @p1 [hbm4b:s7+s31], $0x80, s6, s31, $0xb8;
	[tilespmem:$0x1C500] =	vst v63  }
0x65: {  	_ =	swait.ge @p1 [sflag:s30], $0x2000  }
0x66: {  	s8 =	simm.s32 @!p1 $0x2;
	[sflag:s30] =	ssyncset.done @p1 $0x0  }
0x67: {  	s8 =	simm.s32 @p1 $0x3;
	s12 =	simm.s32 @p1 $0x18480;
	[sflag:s30] =	ssyncadd.s32 @p1 $0xFFFFE000  }
0x68: {  	[spmem:s2] =	stream.indirect.scatter.add.f32 @p1 [tilespmem:s0], [sflag:$0x3], $0x80, s12, s31, $0xb8;
	[tilespmem:$0x1C500] =	vst v63  }
0x69: {  	s15 =	simm.s32 @!p1 $0x40;
	s16 =	simm.s32 @!p1 $0x18480;
	s22 =	simm.s32 @!p1 $0x1A500  }
0x6a: {  	[spmem:s2] =	stream.indirect.scatter.add.f32 @!p1 [tilespmem:s22], [sflag:$0x2], $0x80, s16, s15, $0xb8;
	[tilespmem:$0x1C500] =	vst v63  }
0x6b: {  	_ =	swait.ge [sflag:s8], $0x2000  }
0x6c: {  	[sflag:s8] =	ssyncset.done $0x0  }
0x6d: {  	[sflag:s8] =	ssyncadd.s32 $0xFFFFE000  }
0x6e: {  	s25 =	simm.s32 $0x200;
	v0 =	vld [tilespmem:$0x18120]  }
.LBB2_2:
0x6f: {  	v1 =	vld [tilespmem:$0x18300]  }
0x70: {  	v2 =	vld [tilespmem:$0x18110]  }
0x71: {  	v3 =	vld [tilespmem:$0x18310]  }
0x72: {  	v4 =	vld [tilespmem:$0x18130]  }
0x73: {  	v5 =	vld [tilespmem:$0x18100];
	[tilespmem:$0x18420] =	vst v0  }
0x74: {  	v0 =	vld [tilespmem:$0x18320];
	[tilespmem:$0x18480] =	vst v1  }
0x75: {  	v1 =	vld [tilespmem:$0x18330];
	[tilespmem:$0x18410] =	vst v2  }
0x76: {  	[tilespmem:$0x18490] =	vst v3  }
0x77: {  	[tilespmem:$0x18430] =	vst v4  }
0x78: {  	[tilespmem:$0x18400] =	vst v5  }
0x79: {  	[tilespmem:$0x184A0] =	vst v0  }
0x7a: {  	[tilespmem:$0x184B0] =	vst v1  }
0x7b: {  	[tilespmem:s0], [sflag:$0x1] =	stream.indirect.gather @p1 [hbm4b:s7+s31], $0x80, s6, s31, $0xb8;
	[tilespmem:$0x1C500] =	vst v63  }
0x7c: {  	_ =	swait.ge @p1 [sflag:s30], $0x2000  }
0x7d: {  	[sflag:s30] =	ssyncset.done @p1 $0x0  }
0x7e: {  	[sflag:s30] =	ssyncadd.s32 @p1 $0xFFFFE000  }
0x7f: {  	[spmem:s2] =	stream.indirect.scatter.add.f32 @p1 [tilespmem:s0], [sflag:$0x3], $0x80, s12, s31, $0xb8;
	[tilespmem:$0x1C500] =	vst v63  }
0x80: {  	_ = 	snop  }
0x81: {  	[spmem:s2] =	stream.indirect.scatter.add.f32 @!p1 [tilespmem:s22], [sflag:$0x2], $0x80, s16, s15, $0xb8;
	[tilespmem:$0x1C500] =	vst v63  }
0x82: {  	_ =	swait.ge [sflag:s8], $0x2000  }
0x83: {  	[sflag:s8] =	ssyncset.done $0x0  }
0x84: {  	[sflag:s8] =	ssyncadd.s32 $0xFFFFE000  }
0x85: {  	v0 =	vld [tilespmem:$0x18180]  }
0x86: {  	v1 =	vld [tilespmem:$0x18380]  }
0x87: {  	v2 =	vld [tilespmem:$0x18190]  }
0x88: {  	v3 =	vld [tilespmem:$0x181B0]  }
0x89: {  	v60 =	vld [tilespmem:$0x183B0]  }
0x8a: {  	[tilespmem:$0x18400] =	vst v0;
	v0 =	vld [tilespmem:$0x181A0]  }
0x8b: {  	[tilespmem:$0x18480] =	vst v1;
	v1 =	vld [tilespmem:$0x183A0]  }
0x8c: {  	[tilespmem:$0x18410] =	vst v2;
	v2 =	vld [tilespmem:$0x18390]  }
0x8d: {  	[tilespmem:$0x18430] =	vst v3  }
0x8e: {  	[tilespmem:$0x184B0] =	vst v60  }
0x8f: {  	[tilespmem:$0x18420] =	vst v0  }
0x90: {  	[tilespmem:$0x184A0] =	vst v1  }
0x91: {  	[tilespmem:$0x18490] =	vst v2  }
0x92: {  	[tilespmem:s0], [sflag:$0x1] =	stream.indirect.gather @p1 [hbm4b:s7+s31], $0x80, s6, s31, $0xb8;
	[tilespmem:$0x1C500] =	vst v63  }
0x93: {  	_ =	swait.ge @p1 [sflag:s30], $0x2000  }
0x94: {  	[sflag:s30] =	ssyncset.done @p1 $0x0  }
0x95: {  	[sflag:s30] =	ssyncadd.s32 @p1 $0xFFFFE000  }
0x96: {  	[spmem:s2] =	stream.indirect.scatter.add.f32 @p1 [tilespmem:s0], [sflag:$0x3], $0x80, s12, s31, $0xb8;
	[tilespmem:$0x1C500] =	vst v63  }
0x97: {  	_ = 	snop  }
0x98: {  	[spmem:s2] =	stream.indirect.scatter.add.f32 @!p1 [tilespmem:s22], [sflag:$0x2], $0x80, s16, s15, $0xb8;
	[tilespmem:$0x1C500] =	vst v63  }
0x99: {  	s17 =	smov.u32 s25;
	_ =	swait.ge [sflag:s8], $0x2000  }
0x9a: {  	s19 =	sand.u32 $0xFC00, s17;
	s18 =	rddreg [dreg:$0x8]  }
0x9b: {  	s17 =	sand.u32 $0x200, s17;
	s18 =	sadd.s32 s18, s19  }
0x9c: {  	s17 =	sor.u32 s17, s18  }
0x9d: {  	[sflag:s8] =	ssyncset.done $0x0;
	s20 =	rddreg [dreg:$0x9];
	s17 =	sshrl.u32 s17, $0x3  }
0x9e: {  	[sflag:s8] =	ssyncadd.s32 $0xFFFFE000;
	s19 =	sadd.s32 s20, s17  }
0x9f: {  	[tilespmem:s23], [sflag:$0x2] =	stream.linear.gather [hbm4b:s19+s5], $0x200, $0x38;
	[tilespmem:$0x1C500] =	vst v63  }
0xa0: {  	_ =	swait.ge [sflag:s21], $0x200  }
0xa1: {  	s20 =	rddreg [dreg:$0xa];
	[sflag:s21] =	ssyncset.done $0x0  }
0xa2: {  	[sflag:s21] =	ssyncadd.s32 $0xFFFFFE00;
	s17 =	sadd.s32 s20, s17  }
0xa3: {  	[tilespmem:s24], [sflag:$0x2] =	stream.linear.gather [hbm4b:s17+s5], $0x200, $0x38;
	[tilespmem:$0x1C500] =	vst v63  }
0xa4: {  	_ =	swait.ge [sflag:s21], $0x200  }
0xa5: {  	[sflag:s21] =	ssyncset.done $0x0  }
0xa6: {  	[sflag:s21] =	ssyncadd.s32 $0xFFFFFE00  }
0xa7: {  	v0 =	vld [tilespmem:$0x18220]  }
0xa8: {  	v1 =	vld [tilespmem:$0x18230]  }
0xa9: {  	v2 =	vld [tilespmem:$0x18210]  }
0xaa: {  	v3 =	vld [tilespmem:$0x18020]  }
0xab: {  	v61 =	vld [tilespmem:$0x18010]  }
0xac: {  	v62 =	vld [tilespmem:$0x18000];
	[tilespmem:$0x184A0] =	vst v0  }
0xad: {  	v0 =	vld [tilespmem:$0x18200];
	[tilespmem:$0x184B0] =	vst v1  }
0xae: {  	[tilespmem:$0x18490] =	vst v2;
	v1 =	vld [tilespmem:$0x18030]  }
0xaf: {  	[tilespmem:$0x18420] =	vst v3  }
0xb0: {  	[tilespmem:$0x18410] =	vst v61  }
0xb1: {  	[tilespmem:$0x18400] =	vst v62  }
0xb2: {  	[tilespmem:$0x18480] =	vst v0  }
0xb3: {  	[tilespmem:$0x18430] =	vst v1  }
0xb4: {  	[spmem:s2] =	stream.indirect.scatter.add.f32 @p0 [tilespmem:s14], [sflag:$0x2], $0x80, s13, s11, $0xb8;
	[tilespmem:$0x1C500] =	vst v63  }
0xb5: {  	_ = 	snop  }
0xb6: {  	[tilespmem:s28], [sflag:$0x1] =	stream.indirect.gather @!p0 [hbm4b:s7+s1], $0x80, s26, s1, $0xb8;
	[tilespmem:$0x1C500] =	vst v63  }
0xb7: {  	_ =	swait.ge @!p0 [sflag:s9], $0x2000  }
0xb8: {  	[sflag:s9] =	ssyncset.done @!p0 $0x0  }
0xb9: {  	[sflag:s9] =	ssyncadd.s32 @!p0 $0xFFFFE000  }
0xba: {  	[spmem:s2] =	stream.indirect.scatter.add.f32 @!p0 [tilespmem:s28], [sflag:$0x3], $0x80, s10, s1, $0xb8;
	[tilespmem:$0x1C500] =	vst v63  }
0xbb: {  	_ =	swait.ge [sflag:s29], $0x2000  }
0xbc: {  	[sflag:s29] =	ssyncset.done $0x0  }
0xbd: {  	[sflag:s29] =	ssyncadd.s32 $0xFFFFE000  }
0xbe: {  	v0 =	vld [tilespmem:$0x182A0]  }
0xbf: {  	v1 =	vld [tilespmem:$0x18280]  }
0xc0: {  	v2 =	vld [tilespmem:$0x18080]  }
0xc1: {  	v3 =	vld [tilespmem:$0x18290]  }
0xc2: {  	v63 =	vld [tilespmem:$0x180A0]  }
0xc3: {  	[tilespmem:$0x184A0] =	vst v0;
	v0 =	vld [tilespmem:$0x180B0]  }
0xc4: {  	[tilespmem:$0x18480] =	vst v1;
	v1 =	vld [tilespmem:$0x182B0]  }
0xc5: {  	[tilespmem:$0x18400] =	vst v2;
	v2 =	vld [tilespmem:$0x18090]  }
0xc6: {  	[tilespmem:$0x18490] =	vst v3  }
0xc7: {  	[tilespmem:$0x18420] =	vst v63  }
0xc8: {  	[tilespmem:$0x18430] =	vst v0  }
0xc9: {  	[tilespmem:$0x184B0] =	vst v1  }
0xca: {  	[tilespmem:$0x18410] =	vst v2  }
0xcb: {  	[tilespmem:s0], [sflag:$0x1] =	stream.indirect.gather @p1 [hbm4b:s7+s31], $0x80, s6, s31, $0xb8;
	[tilespmem:$0x1C500] =	vst v63  }
0xcc: {  	_ =	swait.ge @p1 [sflag:s30], $0x2000  }
0xcd: {  	[sflag:s30] =	ssyncset.done @p1 $0x0  }
0xce: {  	s25 =	sadd.s32 $0x200, s25;
	[sflag:s30] =	ssyncadd.s32 @p1 $0xFFFFE000  }
0xcf: {  	[spmem:s2] =	stream.indirect.scatter.add.f32 @p1 [tilespmem:s0], [sflag:$0x3], $0x80, s12, s31, $0xb8;
	[tilespmem:$0x1C500] =	vst v63  }
0xd0: {  	p2 =	sne.s32 s25, $0xA000  }
0xd1: {  	[spmem:s2] =	stream.indirect.scatter.add.f32 @!p1 [tilespmem:s22], [sflag:$0x2], $0x80, s16, s15, $0xb8;
	[tilespmem:$0x1C500] =	vst v63  }
.Ltmp0:
0xd2: {  	_ = 	snop;
	(pc) =	sbr.rel @p2 .LBB2_2-.Ltmp0, $4  }
0xd3: {  	_ =	swait.ge [sflag:s8], $0x2000  }
0xd4: {  	[sflag:s8] =	ssyncset.done $0x0  }
0xd5: {  	[sflag:s8] =	ssyncadd.s32 $0xFFFFE000  }
0xd6: {  	v0 =	vld [tilespmem:$0x18120]  }
0xd7: {  	v1 =	vld [tilespmem:$0x18300]  }
0xd8: {  	v2 =	vld [tilespmem:$0x18110]  }
0xd9: {  	v3 =	vld [tilespmem:$0x18310]  }
0xda: {  	v4 =	vld [tilespmem:$0x18130]  }
0xdb: {  	v5 =	vld [tilespmem:$0x18100];
	[tilespmem:$0x18420] =	vst v0  }
0xdc: {  	v0 =	vld [tilespmem:$0x18320];
	[tilespmem:$0x18480] =	vst v1  }
0xdd: {  	v1 =	vld [tilespmem:$0x18330];
	[tilespmem:$0x18410] =	vst v2  }
0xde: {  	[tilespmem:$0x18490] =	vst v3  }
0xdf: {  	[tilespmem:$0x18430] =	vst v4  }
0xe0: {  	[tilespmem:$0x18400] =	vst v5  }
0xe1: {  	[tilespmem:$0x184A0] =	vst v0  }
0xe2: {  	[tilespmem:$0x184B0] =	vst v1  }
0xe3: {  	[tilespmem:s0], [sflag:$0x1] =	stream.indirect.gather @p1 [hbm4b:s7+s31], $0x80, s6, s31, $0xb8;
	[tilespmem:$0x1C500] =	vst v63  }
0xe4: {  	_ =	swait.ge @p1 [sflag:s30], $0x2000  }
0xe5: {  	[sflag:s30] =	ssyncset.done @p1 $0x0  }
0xe6: {  	[sflag:s30] =	ssyncadd.s32 @p1 $0xFFFFE000  }
0xe7: {  	[spmem:s2] =	stream.indirect.scatter.add.f32 @p1 [tilespmem:s0], [sflag:$0x3], $0x80, s12, s31, $0xb8;
	[tilespmem:$0x1C500] =	vst v63  }
0xe8: {  	_ = 	snop  }
0xe9: {  	[spmem:s2] =	stream.indirect.scatter.add.f32 @!p1 [tilespmem:s22], [sflag:$0x2], $0x80, s16, s15, $0xb8;
	[tilespmem:$0x1C500] =	vst v63  }
0xea: {  	_ =	swait.ge [sflag:s8], $0x2000  }
0xeb: {  	[sflag:s8] =	ssyncset.done $0x0  }
0xec: {  	[sflag:s8] =	ssyncadd.s32 $0xFFFFE000  }
0xed: {  	v0 =	vld [tilespmem:$0x18180]  }
0xee: {  	v1 =	vld [tilespmem:$0x18380]  }
0xef: {  	v2 =	vld [tilespmem:$0x18190]  }
0xf0: {  	v3 =	vld [tilespmem:$0x181B0]  }
0xf1: {  	v59 =	vld [tilespmem:$0x183B0]  }
0xf2: {  	[tilespmem:$0x18400] =	vst v0;
	v0 =	vld [tilespmem:$0x181A0]  }
0xf3: {  	[tilespmem:$0x18480] =	vst v1;
	v1 =	vld [tilespmem:$0x183A0]  }
0xf4: {  	[tilespmem:$0x18410] =	vst v2;
	v2 =	vld [tilespmem:$0x18390]  }
0xf5: {  	[tilespmem:$0x18430] =	vst v3  }
0xf6: {  	[tilespmem:$0x184B0] =	vst v59  }
0xf7: {  	[tilespmem:$0x18420] =	vst v0  }
0xf8: {  	[tilespmem:$0x184A0] =	vst v1  }
0xf9: {  	[tilespmem:$0x18490] =	vst v2  }
0xfa: {  	[tilespmem:s0], [sflag:$0x1] =	stream.indirect.gather @p1 [hbm4b:s7+s31], $0x80, s6, s31, $0xb8;
	[tilespmem:$0x1C500] =	vst v63  }
0xfb: {  	_ =	swait.ge @p1 [sflag:s30], $0x2000  }
0xfc: {  	[sflag:s30] =	ssyncset.done @p1 $0x0  }
0xfd: {  	[sflag:s30] =	ssyncadd.s32 @p1 $0xFFFFE000  }
0xfe: {  	[spmem:s2] =	stream.indirect.scatter.add.f32 @p1 [tilespmem:s0], [sflag:$0x3], $0x80, s12, s31, $0xb8;
	[tilespmem:$0x1C500] =	vst v63  }
0xff: {  	_ = 	snop  }
0x100: {  	[spmem:s2] =	stream.indirect.scatter.add.f32 @!p1 [tilespmem:s22], [sflag:$0x2], $0x80, s16, s15, $0xb8;
	[tilespmem:$0x1C500] =	vst v63  }
0x101: {  	_ =	swait.ge [sflag:s8], $0x2000  }
0x102: {  	[sflag:s8] =	ssyncset.done $0x0;
	s19 =	rddreg [dreg:$0x15]  }
0x103: {  	[sflag:s8] =	ssyncadd.s32 $0xFFFFE000;
	s17 =	sadd.s32 $0x0, s19  }
0x104: {  	[tilespmem:s23], [sflag:$0x2] =	stream.linear.gather [hbm4b:s17+s5], $0x200, $0x38;
	[tilespmem:$0x1C500] =	vst v63  }
0x105: {  	_ =	swait.ge [sflag:s21], $0x200  }
0x106: {  	[sflag:s21] =	ssyncset.done $0x0;
	s20 =	rddreg [dreg:$0x16]  }
0x107: {  	[sflag:s21] =	ssyncadd.s32 $0xFFFFFE00;
	s25 =	sadd.s32 $0x0, s20  }
0x108: {  	[tilespmem:s24], [sflag:$0x2] =	stream.linear.gather [hbm4b:s25+s5], $0x200, $0x38;
	[tilespmem:$0x1C500] =	vst v63  }
0x109: {  	_ =	swait.ge [sflag:s21], $0x200  }
0x10a: {  	[sflag:s21] =	ssyncset.done $0x0  }
0x10b: {  	[sflag:s21] =	ssyncadd.s32 $0xFFFFFE00  }
0x10c: {  	v0 =	vld [tilespmem:$0x18220]  }
0x10d: {  	v1 =	vld [tilespmem:$0x18230]  }
0x10e: {  	v2 =	vld [tilespmem:$0x18020]  }
0x10f: {  	v3 =	vld [tilespmem:$0x18210]  }
0x110: {  	v60 =	vld [tilespmem:$0x18000]  }
0x111: {  	v61 =	vld [tilespmem:$0x18010];
	[tilespmem:$0x184A0] =	vst v0  }
0x112: {  	v0 =	vld [tilespmem:$0x18030];
	[tilespmem:$0x184B0] =	vst v1  }
0x113: {  	v1 =	vld [tilespmem:$0x18200];
	[tilespmem:$0x18420] =	vst v2  }
0x114: {  	[tilespmem:$0x18490] =	vst v3  }
0x115: {  	[tilespmem:$0x18400] =	vst v60  }
0x116: {  	[tilespmem:$0x18410] =	vst v61  }
0x117: {  	[tilespmem:$0x18430] =	vst v0  }
0x118: {  	[tilespmem:$0x18480] =	vst v1  }
0x119: {  	[spmem:s3] =	stream.indirect.scatter.add.f32 @p0 [tilespmem:s14], [sflag:$0x2], $0x80, s13, s11, $0xb8;
	[tilespmem:$0x1C500] =	vst v63  }
0x11a: {  	_ = 	snop  }
0x11b: {  	[tilespmem:s28], [sflag:$0x1] =	stream.indirect.gather @!p0 [hbm4b:s7+s1], $0x80, s26, s1, $0xb8;
	[tilespmem:$0x1C500] =	vst v63  }
0x11c: {  	_ =	swait.ge @!p0 [sflag:s9], $0x2000  }
0x11d: {  	[sflag:s9] =	ssyncset.done @!p0 $0x0  }
0x11e: {  	[sflag:s9] =	ssyncadd.s32 @!p0 $0xFFFFE000  }
0x11f: {  	[spmem:s3] =	stream.indirect.scatter.add.f32 @!p0 [tilespmem:s28], [sflag:$0x3], $0x80, s10, s1, $0xb8;
	[tilespmem:$0x1C500] =	vst v63  }
0x120: {  	_ =	swait.ge [sflag:s29], $0x2000  }
0x121: {  	[sflag:s29] =	ssyncset.done $0x0  }
0x122: {  	[sflag:s29] =	ssyncadd.s32 $0xFFFFE000  }
0x123: {  	v0 =	vld [tilespmem:$0x182B0]  }
0x124: {  	v1 =	vld [tilespmem:$0x180B0]  }
0x125: {  	v2 =	vld [tilespmem:$0x18290]  }
0x126: {  	v3 =	vld [tilespmem:$0x182A0]  }
0x127: {  	v62 =	vld [tilespmem:$0x180A0]  }
0x128: {  	v63 =	vld [tilespmem:$0x18280];
	[tilespmem:$0x184B0] =	vst v0  }
0x129: {  	v0 =	vld [tilespmem:$0x18090];
	[tilespmem:$0x18430] =	vst v1  }
0x12a: {  	v1 =	vld [tilespmem:$0x18080];
	[tilespmem:$0x18490] =	vst v2  }
0x12b: {  	[tilespmem:$0x184A0] =	vst v3  }
0x12c: {  	[tilespmem:$0x18420] =	vst v62  }
0x12d: {  	[tilespmem:$0x18480] =	vst v63  }
0x12e: {  	[tilespmem:$0x18410] =	vst v0  }
0x12f: {  	[tilespmem:$0x18400] =	vst v1  }
0x130: {  	[tilespmem:s0], [sflag:$0x1] =	stream.indirect.gather @p1 [hbm4b:s7+s31], $0x80, s6, s31, $0xb8;
	[tilespmem:$0x1C500] =	vst v63  }
0x131: {  	_ =	swait.ge @p1 [sflag:s30], $0x2000  }
0x132: {  	[sflag:s30] =	ssyncset.done @p1 $0x0  }
0x133: {  	[sflag:s30] =	ssyncadd.s32 @p1 $0xFFFFE000  }
0x134: {  	[spmem:s3] =	stream.indirect.scatter.add.f32 @p1 [tilespmem:s0], [sflag:$0x3], $0x80, s12, s31, $0xb8;
	[tilespmem:$0x1C500] =	vst v63  }
0x135: {  	_ = 	snop  }
0x136: {  	[spmem:s3] =	stream.indirect.scatter.add.f32 @!p1 [tilespmem:s22], [sflag:$0x2], $0x80, s16, s15, $0xb8;
	[tilespmem:$0x1C500] =	vst v63  }
0x137: {  	_ =	swait.ge [sflag:s8], $0x2000  }
0x138: {  	[sflag:s8] =	ssyncset.done $0x0  }
0x139: {  	[sflag:s8] =	ssyncadd.s32 $0xFFFFE000  }
0x13a: {  	v2 =	vld [tilespmem:$0x18130]  }
0x13b: {  	v1 =	vld [tilespmem:$0x18320]  }
0x13c: {  	s25 =	simm.s32 $0x40;
	v0 =	vld [tilespmem:$0x18330]  }
.LBB2_4:
0x13d: {  	v3 =	vld [tilespmem:$0x18300];
	s17 =	smov.u32 s25;
	s25 =	sadd.s32 $0x40, s25  }
0x13e: {  	p2 =	sne.s32 s25, $0xC0;
	v4 =	vld [tilespmem:$0x18110]  }
0x13f: {  	v5 =	vld [tilespmem:$0x18310];
	[tilespmem:$0x18430] =	vst v2  }
0x140: {  	v2 =	vld [tilespmem:$0x18120];
	[tilespmem:$0x184A0] =	vst v1  }
0x141: {  	v1 =	vld [tilespmem:$0x18100];
	[tilespmem:$0x184B0] =	vst v0  }
0x142: {  	[tilespmem:$0x18480] =	vst v3  }
0x143: {  	[tilespmem:$0x18410] =	vst v4  }
0x144: {  	[tilespmem:$0x18490] =	vst v5  }
0x145: {  	[tilespmem:$0x18420] =	vst v2  }
0x146: {  	[tilespmem:$0x18400] =	vst v1  }
0x147: {  	[tilespmem:s0], [sflag:$0x1] =	stream.indirect.gather @p1 [hbm4b:s7+s31], $0x80, s6, s31, $0xb8;
	[tilespmem:$0x1C500] =	vst v63  }
0x148: {  	_ =	swait.ge @p1 [sflag:s30], $0x2000  }
0x149: {  	[sflag:s30] =	ssyncset.done @p1 $0x0  }
0x14a: {  	[sflag:s30] =	ssyncadd.s32 @p1 $0xFFFFE000  }
0x14b: {  	[spmem:s3] =	stream.indirect.scatter.add.f32 @p1 [tilespmem:s0], [sflag:$0x3], $0x80, s12, s31, $0xb8;
	[tilespmem:$0x1C500] =	vst v63  }
0x14c: {  	_ = 	snop  }
0x14d: {  	[spmem:s3] =	stream.indirect.scatter.add.f32 @!p1 [tilespmem:s22], [sflag:$0x2], $0x80, s16, s15, $0xb8;
	[tilespmem:$0x1C500] =	vst v63  }
0x14e: {  	_ =	swait.ge [sflag:s8], $0x2000  }
0x14f: {  	[sflag:s8] =	ssyncset.done $0x0  }
0x150: {  	[sflag:s8] =	ssyncadd.s32 $0xFFFFE000  }
0x151: {  	v0 =	vld [tilespmem:$0x18180]  }
0x152: {  	v1 =	vld [tilespmem:$0x18380]  }
0x153: {  	v2 =	vld [tilespmem:$0x18190]  }
0x154: {  	v3 =	vld [tilespmem:$0x18390]  }
0x155: {  	v4 =	vld [tilespmem:$0x183B0]  }
0x156: {  	[tilespmem:$0x18400] =	vst v0;
	v0 =	vld [tilespmem:$0x181B0]  }
0x157: {  	[tilespmem:$0x18480] =	vst v1;
	v1 =	vld [tilespmem:$0x183A0]  }
0x158: {  	[tilespmem:$0x18410] =	vst v2;
	v2 =	vld [tilespmem:$0x181A0]  }
0x159: {  	[tilespmem:$0x18490] =	vst v3  }
0x15a: {  	[tilespmem:$0x184B0] =	vst v4  }
0x15b: {  	[tilespmem:$0x18430] =	vst v0  }
0x15c: {  	[tilespmem:$0x184A0] =	vst v1  }
0x15d: {  	[tilespmem:$0x18420] =	vst v2  }
0x15e: {  	[tilespmem:s0], [sflag:$0x1] =	stream.indirect.gather @p1 [hbm4b:s7+s31], $0x80, s6, s31, $0xb8;
	[tilespmem:$0x1C500] =	vst v63  }
0x15f: {  	_ =	swait.ge @p1 [sflag:s30], $0x2000  }
0x160: {  	[sflag:s30] =	ssyncset.done @p1 $0x0  }
0x161: {  	[sflag:s30] =	ssyncadd.s32 @p1 $0xFFFFE000  }
0x162: {  	[spmem:s3] =	stream.indirect.scatter.add.f32 @p1 [tilespmem:s0], [sflag:$0x3], $0x80, s12, s31, $0xb8;
	[tilespmem:$0x1C500] =	vst v63  }
0x163: {  	_ = 	snop  }
0x164: {  	[spmem:s3] =	stream.indirect.scatter.add.f32 @!p1 [tilespmem:s22], [sflag:$0x2], $0x80, s16, s15, $0xb8;
	[tilespmem:$0x1C500] =	vst v63  }
0x165: {  	_ =	swait.ge [sflag:s8], $0x2000  }
0x166: {  	[sflag:s8] =	ssyncset.done $0x0  }
0x167: {  	s18 =	sadd.s32 s17, s19;
	[sflag:s8] =	ssyncadd.s32 $0xFFFFE000  }
0x168: {  	[tilespmem:s23], [sflag:$0x2] =	stream.linear.gather [hbm4b:s18+s5], $0x200, $0x38;
	[tilespmem:$0x1C500] =	vst v63  }
0x169: {  	_ =	swait.ge [sflag:s21], $0x200  }
0x16a: {  	[sflag:s21] =	ssyncset.done $0x0  }
0x16b: {  	s17 =	sadd.s32 s17, s20;
	[sflag:s21] =	ssyncadd.s32 $0xFFFFFE00  }
0x16c: {  	[tilespmem:s24], [sflag:$0x2] =	stream.linear.gather [hbm4b:s17+s5], $0x200, $0x38;
	[tilespmem:$0x1C500] =	vst v63  }
0x16d: {  	_ =	swait.ge [sflag:s21], $0x200  }
0x16e: {  	[sflag:s21] =	ssyncset.done $0x0  }
0x16f: {  	[sflag:s21] =	ssyncadd.s32 $0xFFFFFE00  }
0x170: {  	v0 =	vld [tilespmem:$0x18220]  }
0x171: {  	v1 =	vld [tilespmem:$0x18230]  }
0x172: {  	v2 =	vld [tilespmem:$0x18020]  }
0x173: {  	v3 =	vld [tilespmem:$0x18210]  }
0x174: {  	v4 =	vld [tilespmem:$0x18000]  }
0x175: {  	[tilespmem:$0x184A0] =	vst v0;
	v0 =	vld [tilespmem:$0x18030]  }
0x176: {  	v5 =	vld [tilespmem:$0x18010];
	[tilespmem:$0x184B0] =	vst v1  }
0x177: {  	v1 =	vld [tilespmem:$0x18200];
	[tilespmem:$0x18420] =	vst v2  }
0x178: {  	[tilespmem:$0x18490] =	vst v3  }
0x179: {  	[tilespmem:$0x18400] =	vst v4  }
0x17a: {  	[tilespmem:$0x18430] =	vst v0  }
0x17b: {  	[tilespmem:$0x18410] =	vst v5  }
0x17c: {  	[tilespmem:$0x18480] =	vst v1  }
0x17d: {  	[spmem:s3] =	stream.indirect.scatter.add.f32 @p0 [tilespmem:s14], [sflag:$0x2], $0x80, s13, s11, $0xb8;
	[tilespmem:$0x1C500] =	vst v63  }
0x17e: {  	_ = 	snop  }
0x17f: {  	[tilespmem:s28], [sflag:$0x1] =	stream.indirect.gather @!p0 [hbm4b:s7+s1], $0x80, s26, s1, $0xb8;
	[tilespmem:$0x1C500] =	vst v63  }
0x180: {  	_ =	swait.ge @!p0 [sflag:s9], $0x2000  }
0x181: {  	[sflag:s9] =	ssyncset.done @!p0 $0x0  }
0x182: {  	[sflag:s9] =	ssyncadd.s32 @!p0 $0xFFFFE000  }
0x183: {  	[spmem:s3] =	stream.indirect.scatter.add.f32 @!p0 [tilespmem:s28], [sflag:$0x3], $0x80, s10, s1, $0xb8;
	[tilespmem:$0x1C500] =	vst v63  }
0x184: {  	_ =	swait.ge [sflag:s29], $0x2000  }
0x185: {  	[sflag:s29] =	ssyncset.done $0x0  }
0x186: {  	[sflag:s29] =	ssyncadd.s32 $0xFFFFE000  }
0x187: {  	v0 =	vld [tilespmem:$0x182B0]  }
0x188: {  	v1 =	vld [tilespmem:$0x180B0]  }
0x189: {  	v2 =	vld [tilespmem:$0x18290]  }
0x18a: {  	v3 =	vld [tilespmem:$0x182A0]  }
0x18b: {  	v4 =	vld [tilespmem:$0x180A0]  }
0x18c: {  	v5 =	vld [tilespmem:$0x18280];
	[tilespmem:$0x184B0] =	vst v0  }
0x18d: {  	v0 =	vld [tilespmem:$0x18090];
	[tilespmem:$0x18430] =	vst v1  }
0x18e: {  	v1 =	vld [tilespmem:$0x18080];
	[tilespmem:$0x18490] =	vst v2  }
0x18f: {  	[tilespmem:$0x184A0] =	vst v3  }
0x190: {  	[tilespmem:$0x18420] =	vst v4  }
0x191: {  	[tilespmem:$0x18480] =	vst v5  }
0x192: {  	[tilespmem:$0x18410] =	vst v0  }
0x193: {  	[tilespmem:$0x18400] =	vst v1  }
0x194: {  	[tilespmem:s0], [sflag:$0x1] =	stream.indirect.gather @p1 [hbm4b:s7+s31], $0x80, s6, s31, $0xb8;
	[tilespmem:$0x1C500] =	vst v63  }
0x195: {  	_ =	swait.ge @p1 [sflag:s30], $0x2000  }
0x196: {  	[sflag:s30] =	ssyncset.done @p1 $0x0  }
0x197: {  	[sflag:s30] =	ssyncadd.s32 @p1 $0xFFFFE000  }
0x198: {  	[spmem:s3] =	stream.indirect.scatter.add.f32 @p1 [tilespmem:s0], [sflag:$0x3], $0x80, s12, s31, $0xb8;
	[tilespmem:$0x1C500] =	vst v63  }
0x199: {  	_ = 	snop  }
0x19a: {  	[spmem:s3] =	stream.indirect.scatter.add.f32 @!p1 [tilespmem:s22], [sflag:$0x2], $0x80, s16, s15, $0xb8;
	[tilespmem:$0x1C500] =	vst v63  }
0x19b: {  	_ =	swait.ge [sflag:s8], $0x2000  }
.Ltmp1:
0x19c: {  	[sflag:s8] =	ssyncset.done $0x0;
	(pc) =	sbr.rel @p2 .LBB2_4-.Ltmp1, $4  }
0x19d: {  	[sflag:s8] =	ssyncadd.s32 $0xFFFFE000  }
0x19e: {  	v2 =	vld [tilespmem:$0x18130]  }
0x19f: {  	v1 =	vld [tilespmem:$0x18320]  }
0x1a0: {  	v0 =	vld [tilespmem:$0x18330]  }
0x1a1: {  	v3 =	vld [tilespmem:$0x18300]  }
0x1a2: {  	v4 =	vld [tilespmem:$0x18110]  }
0x1a3: {  	v5 =	vld [tilespmem:$0x18310];
	[tilespmem:$0x18430] =	vst v2  }
0x1a4: {  	v2 =	vld [tilespmem:$0x18120];
	[tilespmem:$0x184A0] =	vst v1  }
0x1a5: {  	v1 =	vld [tilespmem:$0x18100];
	[tilespmem:$0x184B0] =	vst v0  }
0x1a6: {  	[tilespmem:$0x18480] =	vst v3  }
0x1a7: {  	[tilespmem:$0x18410] =	vst v4  }
0x1a8: {  	[tilespmem:$0x18490] =	vst v5  }
0x1a9: {  	[tilespmem:$0x18420] =	vst v2  }
0x1aa: {  	[tilespmem:$0x18400] =	vst v1  }
0x1ab: {  	[tilespmem:s0], [sflag:$0x1] =	stream.indirect.gather @p1 [hbm4b:s7+s31], $0x80, s6, s31, $0xb8;
	[tilespmem:$0x1C500] =	vst v63  }
0x1ac: {  	_ =	swait.ge @p1 [sflag:s30], $0x2000  }
0x1ad: {  	[sflag:s30] =	ssyncset.done @p1 $0x0  }
0x1ae: {  	[sflag:s30] =	ssyncadd.s32 @p1 $0xFFFFE000  }
0x1af: {  	[spmem:s3] =	stream.indirect.scatter.add.f32 @p1 [tilespmem:s0], [sflag:$0x3], $0x80, s12, s31, $0xb8;
	[tilespmem:$0x1C500] =	vst v63  }
0x1b0: {  	_ = 	snop  }
0x1b1: {  	[spmem:s3] =	stream.indirect.scatter.add.f32 @!p1 [tilespmem:s22], [sflag:$0x2], $0x80, s16, s15, $0xb8;
	[tilespmem:$0x1C500] =	vst v63  }
0x1b2: {  	_ =	swait.ge [sflag:s8], $0x2000  }
0x1b3: {  	[sflag:s8] =	ssyncset.done $0x0  }
0x1b4: {  	[sflag:s8] =	ssyncadd.s32 $0xFFFFE000  }
0x1b5: {  	v0 =	vld [tilespmem:$0x18180]  }
0x1b6: {  	v1 =	vld [tilespmem:$0x18380]  }
0x1b7: {  	v2 =	vld [tilespmem:$0x18190]  }
0x1b8: {  	v3 =	vld [tilespmem:$0x18390]  }
0x1b9: {  	v59 =	vld [tilespmem:$0x183B0]  }
0x1ba: {  	[tilespmem:$0x18400] =	vst v0;
	v0 =	vld [tilespmem:$0x181B0]  }
0x1bb: {  	[tilespmem:$0x18480] =	vst v1;
	v1 =	vld [tilespmem:$0x183A0]  }
0x1bc: {  	[tilespmem:$0x18410] =	vst v2;
	v2 =	vld [tilespmem:$0x181A0]  }
0x1bd: {  	[tilespmem:$0x18490] =	vst v3  }
0x1be: {  	[tilespmem:$0x184B0] =	vst v59  }
0x1bf: {  	[tilespmem:$0x18430] =	vst v0  }
0x1c0: {  	[tilespmem:$0x184A0] =	vst v1  }
0x1c1: {  	[tilespmem:$0x18420] =	vst v2  }
0x1c2: {  	[tilespmem:s0], [sflag:$0x1] =	stream.indirect.gather @p1 [hbm4b:s7+s31], $0x80, s6, s31, $0xb8;
	[tilespmem:$0x1C500] =	vst v63  }
0x1c3: {  	_ =	swait.ge @p1 [sflag:s30], $0x2000  }
0x1c4: {  	[sflag:s30] =	ssyncset.done @p1 $0x0  }
0x1c5: {  	[sflag:s30] =	ssyncadd.s32 @p1 $0xFFFFE000  }
0x1c6: {  	[spmem:s3] =	stream.indirect.scatter.add.f32 @p1 [tilespmem:s0], [sflag:$0x3], $0x80, s12, s31, $0xb8;
	[tilespmem:$0x1C500] =	vst v63  }
0x1c7: {  	_ = 	snop  }
0x1c8: {  	[spmem:s3] =	stream.indirect.scatter.add.f32 @!p1 [tilespmem:s22], [sflag:$0x2], $0x80, s16, s15, $0xb8;
	[tilespmem:$0x1C500] =	vst v63  }
0x1c9: {  	_ =	swait.ge [sflag:s8], $0x2000  }
0x1ca: {  	[sflag:s8] =	ssyncset.done $0x0;
	s20 =	rddreg [dreg:$0x17]  }
0x1cb: {  	[sflag:s8] =	ssyncadd.s32 $0xFFFFE000;
	s25 =	sadd.s32 $0x0, s20  }
0x1cc: {  	[tilespmem:s23], [sflag:$0x2] =	stream.linear.gather [hbm4b:s25+s5], $0x200, $0x38;
	[tilespmem:$0x1C500] =	vst v63  }
0x1cd: {  	_ =	swait.ge [sflag:s21], $0x200  }
0x1ce: {  	[sflag:s21] =	ssyncset.done $0x0;
	s26 =	rddreg [dreg:$0xb]  }
0x1cf: {  	s0 =	sadd.s32 $0x0, s26;
	[sflag:s21] =	ssyncadd.s32 $0xFFFFFE00  }
0x1d0: {  	[tilespmem:s24], [sflag:$0x2] =	stream.linear.gather [hbm4b:s0+s5], $0x200, $0x38;
	[tilespmem:$0x1C500] =	vst v63  }
0x1d1: {  	_ =	swait.ge [sflag:s21], $0x200  }
0x1d2: {  	[sflag:s21] =	ssyncset.done $0x0  }
0x1d3: {  	[sflag:s21] =	ssyncadd.s32 $0xFFFFFE00  }
0x1d4: {  	v0 =	vld [tilespmem:$0x18030]  }
0x1d5: {  	v1 =	vld [tilespmem:$0x18220]  }
0x1d6: {  	v2 =	vld [tilespmem:$0x18210]  }
0x1d7: {  	v3 =	vld [tilespmem:$0x18000]  }
0x1d8: {  	v60 =	vld [tilespmem:$0x18020]  }
0x1d9: {  	v61 =	vld [tilespmem:$0x18010];
	[tilespmem:$0x18430] =	vst v0  }
0x1da: {  	v0 =	vld [tilespmem:$0x18200];
	[tilespmem:$0x184A0] =	vst v1  }
0x1db: {  	[tilespmem:$0x18490] =	vst v2;
	v1 =	vld [tilespmem:$0x18230]  }
0x1dc: {  	[tilespmem:$0x18400] =	vst v3  }
0x1dd: {  	[tilespmem:$0x18420] =	vst v60  }
0x1de: {  	[tilespmem:$0x18410] =	vst v61  }
0x1df: {  	s11 =	simm.s32 @!p0 $0x1;
	[tilespmem:$0x18480] =	vst v0  }
0x1e0: {  	s14 =	simm.s32 @p0 $0x18480;
	s12 =	simm.s32 @p0 $0x40;
	s15 =	simm.s32 @p0 $0x1A500;
	[tilespmem:$0x184B0] =	vst v1  }
0x1e1: {  	[spmem:s4] =	stream.indirect.scatter.add.f32 @p0 [tilespmem:s15], [sflag:$0x2], $0x80, s14, s12, $0xb8;
	[tilespmem:$0x1C500] =	vst v63  }
0x1e2: {  	s28 =	simm.s32 @!p0 $0x18400;
	s29 =	simm.s32 @!p0 $0x18500;
	s26 =	simm.s32 @!p0 $0x40  }
0x1e3: {  	[tilespmem:s29], [sflag:$0x1] =	stream.indirect.gather @!p0 [hbm4b:s7+s26], $0x80, s28, s26, $0xb8;
	[tilespmem:$0x1C500] =	vst v63  }
0x1e4: {  	_ =	swait.ge @!p0 [sflag:s11], $0x2000  }
0x1e5: {  	s30 =	simm.s32 @!p0 $0x3;
	[sflag:s11] =	ssyncset.done @!p0 $0x0  }
0x1e6: {  	s31 =	simm.s32 @!p0 $0x18480;
	s30 =	simm.s32 @p0 $0x2;
	[sflag:s11] =	ssyncadd.s32 @!p0 $0xFFFFE000  }
0x1e7: {  	[spmem:s4] =	stream.indirect.scatter.add.f32 @!p0 [tilespmem:s29], [sflag:$0x3], $0x80, s31, s26, $0xb8;
	[tilespmem:$0x1C500] =	vst v63  }
0x1e8: {  	_ =	swait.ge [sflag:s30], $0x2000  }
0x1e9: {  	[sflag:s30] =	ssyncset.done $0x0  }
0x1ea: {  	[sflag:s30] =	ssyncadd.s32 $0xFFFFE000  }
0x1eb: {  	v0 =	vld [tilespmem:$0x180B0]  }
0x1ec: {  	v1 =	vld [tilespmem:$0x18280]  }
0x1ed: {  	v2 =	vld [tilespmem:$0x182B0]  }
0x1ee: {  	v3 =	vld [tilespmem:$0x18290]  }
0x1ef: {  	v62 =	vld [tilespmem:$0x180A0]  }
0x1f0: {  	v63 =	vld [tilespmem:$0x182A0];
	[tilespmem:$0x18430] =	vst v0  }
0x1f1: {  	v0 =	vld [tilespmem:$0x18080];
	[tilespmem:$0x18480] =	vst v1  }
0x1f2: {  	v1 =	vld [tilespmem:$0x18090];
	[tilespmem:$0x184B0] =	vst v2  }
0x1f3: {  	[tilespmem:$0x18490] =	vst v3  }
0x1f4: {  	[tilespmem:$0x18420] =	vst v62  }
0x1f5: {  	[tilespmem:$0x184A0] =	vst v63  }
0x1f6: {  	s1 =	simm.s32 @p1 $0x40;
	[tilespmem:$0x18400] =	vst v0  }
0x1f7: {  	s6 =	simm.s32 @p1 $0x18500;
	s8 =	simm.s32 @p1 $0x18400;
	s0 =	simm.s32 @p1 $0x1;
	[tilespmem:$0x18410] =	vst v1  }
0x1f8: {  	[tilespmem:s6], [sflag:$0x1] =	stream.indirect.gather @p1 [hbm4b:s7+s1], $0x80, s8, s1, $0xb8;
	[tilespmem:$0x1C500] =	vst v63  }
0x1f9: {  	_ =	swait.ge @p1 [sflag:s0], $0x2000  }
0x1fa: {  	s9 =	simm.s32 @!p1 $0x1A500;
	[sflag:s0] =	ssyncset.done @p1 $0x0  }
0x1fb: {  	s13 =	simm.s32 @p1 $0x18480;
	s10 =	simm.s32 @!p1 $0x2;
	[sflag:s0] =	ssyncadd.s32 @p1 $0xFFFFE000  }
0x1fc: {  	[spmem:s4] =	stream.indirect.scatter.add.f32 @p1 [tilespmem:s6], [sflag:$0x3], $0x80, s13, s1, $0xb8;
	[tilespmem:$0x1C500] =	vst v63  }
0x1fd: {  	s10 =	simm.s32 @p1 $0x3;
	s16 =	simm.s32 @!p1 $0x40;
	s22 =	simm.s32 @!p1 $0x18480  }
0x1fe: {  	[spmem:s4] =	stream.indirect.scatter.add.f32 @!p1 [tilespmem:s9], [sflag:$0x2], $0x80, s22, s16, $0xb8;
	[tilespmem:$0x1C500] =	vst v63  }
0x1ff: {  	_ =	swait.ge [sflag:s10], $0x2000  }
0x200: {  	[sflag:s10] =	ssyncset.done $0x0  }
0x201: {  	[sflag:s10] =	ssyncadd.s32 $0xFFFFE000  }
0x202: {  	v2 =	vld [tilespmem:$0x18130]  }
0x203: {  	v1 =	vld [tilespmem:$0x18300]  }
0x204: {  	s25 =	simm.s32 $0x40;
	v0 =	vld [tilespmem:$0x18110]  }
.LBB2_6:
0x205: {  	v3 =	vld [tilespmem:$0x18120]  }
0x206: {  	v4 =	vld [tilespmem:$0x18320]  }
0x207: {  	v5 =	vld [tilespmem:$0x18100];
	[tilespmem:$0x18430] =	vst v2  }
0x208: {  	v2 =	vld [tilespmem:$0x18330];
	[tilespmem:$0x18480] =	vst v1  }
0x209: {  	v1 =	vld [tilespmem:$0x18310];
	[tilespmem:$0x18410] =	vst v0  }
0x20a: {  	[tilespmem:$0x18420] =	vst v3  }
0x20b: {  	[tilespmem:$0x184A0] =	vst v4  }
0x20c: {  	[tilespmem:$0x18400] =	vst v5  }
0x20d: {  	[tilespmem:$0x184B0] =	vst v2  }
0x20e: {  	[tilespmem:$0x18490] =	vst v1  }
0x20f: {  	[tilespmem:s6], [sflag:$0x1] =	stream.indirect.gather @p1 [hbm4b:s7+s1], $0x80, s8, s1, $0xb8;
	[tilespmem:$0x1C500] =	vst v63  }
0x210: {  	_ =	swait.ge @p1 [sflag:s0], $0x2000  }
0x211: {  	[sflag:s0] =	ssyncset.done @p1 $0x0  }
0x212: {  	[sflag:s0] =	ssyncadd.s32 @p1 $0xFFFFE000  }
0x213: {  	[spmem:s4] =	stream.indirect.scatter.add.f32 @p1 [tilespmem:s6], [sflag:$0x3], $0x80, s13, s1, $0xb8;
	[tilespmem:$0x1C500] =	vst v63  }
0x214: {  	_ = 	snop  }
0x215: {  	[spmem:s4] =	stream.indirect.scatter.add.f32 @!p1 [tilespmem:s9], [sflag:$0x2], $0x80, s22, s16, $0xb8;
	[tilespmem:$0x1C500] =	vst v63  }
0x216: {  	_ =	swait.ge [sflag:s10], $0x2000  }
0x217: {  	[sflag:s10] =	ssyncset.done $0x0  }
0x218: {  	[sflag:s10] =	ssyncadd.s32 $0xFFFFE000  }
0x219: {  	v0 =	vld [tilespmem:$0x18180]  }
0x21a: {  	v1 =	vld [tilespmem:$0x18380]  }
0x21b: {  	v2 =	vld [tilespmem:$0x18190]  }
0x21c: {  	v3 =	vld [tilespmem:$0x18390]  }
0x21d: {  	v59 =	vld [tilespmem:$0x183A0]  }
0x21e: {  	[tilespmem:$0x18400] =	vst v0;
	v0 =	vld [tilespmem:$0x181A0]  }
0x21f: {  	[tilespmem:$0x18480] =	vst v1;
	v1 =	vld [tilespmem:$0x183B0]  }
0x220: {  	[tilespmem:$0x18410] =	vst v2;
	v2 =	vld [tilespmem:$0x181B0]  }
0x221: {  	[tilespmem:$0x18490] =	vst v3  }
0x222: {  	[tilespmem:$0x184A0] =	vst v59  }
0x223: {  	[tilespmem:$0x18420] =	vst v0  }
0x224: {  	[tilespmem:$0x184B0] =	vst v1  }
0x225: {  	[tilespmem:$0x18430] =	vst v2  }
0x226: {  	[tilespmem:s6], [sflag:$0x1] =	stream.indirect.gather @p1 [hbm4b:s7+s1], $0x80, s8, s1, $0xb8;
	[tilespmem:$0x1C500] =	vst v63  }
0x227: {  	_ =	swait.ge @p1 [sflag:s0], $0x2000  }
0x228: {  	[sflag:s0] =	ssyncset.done @p1 $0x0  }
0x229: {  	[sflag:s0] =	ssyncadd.s32 @p1 $0xFFFFE000  }
0x22a: {  	[spmem:s4] =	stream.indirect.scatter.add.f32 @p1 [tilespmem:s6], [sflag:$0x3], $0x80, s13, s1, $0xb8;
	[tilespmem:$0x1C500] =	vst v63  }
0x22b: {  	_ = 	snop  }
0x22c: {  	[spmem:s4] =	stream.indirect.scatter.add.f32 @!p1 [tilespmem:s9], [sflag:$0x2], $0x80, s22, s16, $0xb8;
	[tilespmem:$0x1C500] =	vst v63  }
0x22d: {  	_ =	swait.ge [sflag:s10], $0x2000  }
0x22e: {  	s17 =	smov.u32 s25;
	[sflag:s10] =	ssyncset.done $0x0  }
0x22f: {  	s18 =	sadd.s32 s17, s20;
	[sflag:s10] =	ssyncadd.s32 $0xFFFFE000  }
0x230: {  	[tilespmem:s23], [sflag:$0x2] =	stream.linear.gather [hbm4b:s18+s5], $0x200, $0x38;
	[tilespmem:$0x1C500] =	vst v63  }
0x231: {  	s19 =	rddreg [dreg:$0xb];
	_ =	swait.ge [sflag:s21], $0x200  }
0x232: {  	[sflag:s21] =	ssyncset.done $0x0  }
0x233: {  	s17 =	sadd.s32 s17, s19;
	[sflag:s21] =	ssyncadd.s32 $0xFFFFFE00  }
0x234: {  	[tilespmem:s24], [sflag:$0x2] =	stream.linear.gather [hbm4b:s17+s5], $0x200, $0x38;
	[tilespmem:$0x1C500] =	vst v63  }
0x235: {  	_ =	swait.ge [sflag:s21], $0x200  }
0x236: {  	[sflag:s21] =	ssyncset.done $0x0  }
0x237: {  	[sflag:s21] =	ssyncadd.s32 $0xFFFFFE00  }
0x238: {  	v0 =	vld [tilespmem:$0x18030]  }
0x239: {  	v1 =	vld [tilespmem:$0x18220]  }
0x23a: {  	v2 =	vld [tilespmem:$0x18210]  }
0x23b: {  	v3 =	vld [tilespmem:$0x18000]  }
0x23c: {  	v60 =	vld [tilespmem:$0x18020]  }
0x23d: {  	v61 =	vld [tilespmem:$0x18010];
	[tilespmem:$0x18430] =	vst v0  }
0x23e: {  	v0 =	vld [tilespmem:$0x18200];
	[tilespmem:$0x184A0] =	vst v1  }
0x23f: {  	[tilespmem:$0x18490] =	vst v2;
	v1 =	vld [tilespmem:$0x18230]  }
0x240: {  	[tilespmem:$0x18400] =	vst v3  }
0x241: {  	[tilespmem:$0x18420] =	vst v60  }
0x242: {  	[tilespmem:$0x18410] =	vst v61  }
0x243: {  	[tilespmem:$0x18480] =	vst v0  }
0x244: {  	[tilespmem:$0x184B0] =	vst v1  }
0x245: {  	[spmem:s4] =	stream.indirect.scatter.add.f32 @p0 [tilespmem:s15], [sflag:$0x2], $0x80, s14, s12, $0xb8;
	[tilespmem:$0x1C500] =	vst v63  }
0x246: {  	_ = 	snop  }
0x247: {  	[tilespmem:s29], [sflag:$0x1] =	stream.indirect.gather @!p0 [hbm4b:s7+s26], $0x80, s28, s26, $0xb8;
	[tilespmem:$0x1C500] =	vst v63  }
0x248: {  	_ =	swait.ge @!p0 [sflag:s11], $0x2000  }
0x249: {  	[sflag:s11] =	ssyncset.done @!p0 $0x0  }
0x24a: {  	[sflag:s11] =	ssyncadd.s32 @!p0 $0xFFFFE000  }
0x24b: {  	[spmem:s4] =	stream.indirect.scatter.add.f32 @!p0 [tilespmem:s29], [sflag:$0x3], $0x80, s31, s26, $0xb8;
	[tilespmem:$0x1C500] =	vst v63  }
0x24c: {  	_ =	swait.ge [sflag:s30], $0x2000  }
0x24d: {  	[sflag:s30] =	ssyncset.done $0x0  }
0x24e: {  	[sflag:s30] =	ssyncadd.s32 $0xFFFFE000  }
0x24f: {  	v0 =	vld [tilespmem:$0x180B0]  }
0x250: {  	v1 =	vld [tilespmem:$0x18280]  }
0x251: {  	v2 =	vld [tilespmem:$0x182B0]  }
0x252: {  	v3 =	vld [tilespmem:$0x18290]  }
0x253: {  	v62 =	vld [tilespmem:$0x180A0]  }
0x254: {  	v63 =	vld [tilespmem:$0x182A0];
	[tilespmem:$0x18430] =	vst v0  }
0x255: {  	v0 =	vld [tilespmem:$0x18080];
	[tilespmem:$0x18480] =	vst v1  }
0x256: {  	v1 =	vld [tilespmem:$0x18090];
	[tilespmem:$0x184B0] =	vst v2  }
0x257: {  	[tilespmem:$0x18490] =	vst v3  }
0x258: {  	[tilespmem:$0x18420] =	vst v62  }
0x259: {  	[tilespmem:$0x184A0] =	vst v63  }
0x25a: {  	[tilespmem:$0x18400] =	vst v0  }
0x25b: {  	[tilespmem:$0x18410] =	vst v1  }
0x25c: {  	[tilespmem:s6], [sflag:$0x1] =	stream.indirect.gather @p1 [hbm4b:s7+s1], $0x80, s8, s1, $0xb8;
	[tilespmem:$0x1C500] =	vst v63  }
0x25d: {  	_ =	swait.ge @p1 [sflag:s0], $0x2000  }
0x25e: {  	[sflag:s0] =	ssyncset.done @p1 $0x0  }
0x25f: {  	[sflag:s0] =	ssyncadd.s32 @p1 $0xFFFFE000  }
0x260: {  	[spmem:s4] =	stream.indirect.scatter.add.f32 @p1 [tilespmem:s6], [sflag:$0x3], $0x80, s13, s1, $0xb8;
	[tilespmem:$0x1C500] =	vst v63  }
0x261: {  	s25 =	sadd.s32 $0x40, s25  }
0x262: {  	[spmem:s4] =	stream.indirect.scatter.add.f32 @!p1 [tilespmem:s9], [sflag:$0x2], $0x80, s22, s16, $0xb8;
	[tilespmem:$0x1C500] =	vst v63  }
0x263: {  	p2 =	sne.s32 s25, $0xC0;
	_ =	swait.ge [sflag:s10], $0x2000  }
.Ltmp2:
0x264: {  	[sflag:s10] =	ssyncset.done $0x0;
	(pc) =	sbr.rel @p2 .LBB2_6-.Ltmp2, $4  }
0x265: {  	[sflag:s10] =	ssyncadd.s32 $0xFFFFE000  }
0x266: {  	v2 =	vld [tilespmem:$0x18130]  }
0x267: {  	v1 =	vld [tilespmem:$0x18300]  }
0x268: {  	v0 =	vld [tilespmem:$0x18110]  }
0x269: {  	v3 =	vld [tilespmem:$0x18120]  }
0x26a: {  	v4 =	vld [tilespmem:$0x18320]  }
0x26b: {  	v54 =	vld [tilespmem:$0x18330];
	[tilespmem:$0x18430] =	vst v2  }
0x26c: {  	v55 =	vld [tilespmem:$0x18310];
	[tilespmem:$0x18480] =	vst v1  }
0x26d: {  	v5 =	vld [tilespmem:$0x18100];
	[tilespmem:$0x18410] =	vst v0  }
0x26e: {  	[tilespmem:$0x18420] =	vst v3  }
0x26f: {  	[tilespmem:$0x184A0] =	vst v4  }
0x270: {  	[tilespmem:$0x184B0] =	vst v54  }
0x271: {  	[tilespmem:$0x18490] =	vst v55  }
0x272: {  	[tilespmem:$0x18400] =	vst v5  }
0x273: {  	[tilespmem:s6], [sflag:$0x1] =	stream.indirect.gather @p1 [hbm4b:s7+s1], $0x80, s8, s1, $0xb8;
	[tilespmem:$0x1C500] =	vst v63  }
0x274: {  	_ =	swait.ge @p1 [sflag:s0], $0x2000  }
0x275: {  	[sflag:s0] =	ssyncset.done @p1 $0x0  }
0x276: {  	[sflag:s0] =	ssyncadd.s32 @p1 $0xFFFFE000  }
0x277: {  	[spmem:s4] =	stream.indirect.scatter.add.f32 @p1 [tilespmem:s6], [sflag:$0x3], $0x80, s13, s1, $0xb8;
	[tilespmem:$0x1C500] =	vst v63  }
0x278: {  	_ = 	snop  }
0x279: {  	[spmem:s4] =	stream.indirect.scatter.add.f32 @!p1 [tilespmem:s9], [sflag:$0x2], $0x80, s22, s16, $0xb8;
	[tilespmem:$0x1C500] =	vst v63  }
0x27a: {  	_ =	swait.ge [sflag:s10], $0x2000  }
0x27b: {  	[sflag:s10] =	ssyncset.done $0x0  }
0x27c: {  	[sflag:s10] =	ssyncadd.s32 $0xFFFFE000  }
0x27d: {  	v56 =	vld [tilespmem:$0x18180]  }
0x27e: {  	v57 =	vld [tilespmem:$0x18380]  }
0x27f: {  	v58 =	vld [tilespmem:$0x18190]  }
0x280: {  	v59 =	vld [tilespmem:$0x18390]  }
0x281: {  	v60 =	vld [tilespmem:$0x183A0]  }
0x282: {  	v61 =	vld [tilespmem:$0x181A0];
	[tilespmem:$0x18400] =	vst v56  }
0x283: {  	v62 =	vld [tilespmem:$0x183B0];
	[tilespmem:$0x18480] =	vst v57  }
0x284: {  	v63 =	vld [tilespmem:$0x181B0];
	[tilespmem:$0x18410] =	vst v58  }
0x285: {  	[tilespmem:$0x18490] =	vst v59  }
0x286: {  	[tilespmem:$0x184A0] =	vst v60  }
0x287: {  	[tilespmem:$0x18420] =	vst v61  }
0x288: {  	[tilespmem:$0x184B0] =	vst v62  }
0x289: {  	[tilespmem:$0x18430] =	vst v63  }
0x28a: {  	[tilespmem:s6], [sflag:$0x1] =	stream.indirect.gather @p1 [hbm4b:s7+s1], $0x80, s8, s1, $0xb8;
	[tilespmem:$0x1C500] =	vst v63  }
0x28b: {  	_ =	swait.ge @p1 [sflag:s0], $0x2000  }
0x28c: {  	[sflag:s0] =	ssyncset.done @p1 $0x0  }
0x28d: {  	[sflag:s0] =	ssyncadd.s32 @p1 $0xFFFFE000  }
0x28e: {  	[spmem:s4] =	stream.indirect.scatter.add.f32 @p1 [tilespmem:s6], [sflag:$0x3], $0x80, s13, s1, $0xb8;
	[tilespmem:$0x1C500] =	vst v63  }
0x28f: {  	_ = 	snop  }
0x290: {  	[spmem:s4] =	stream.indirect.scatter.add.f32 @!p1 [tilespmem:s9], [sflag:$0x2], $0x80, s22, s16, $0xb8;
	[tilespmem:$0x1C500] =	vst v63  }
0x291: {  	_ =	swait.ge [sflag:s10], $0x2000  }
0x292: {  	[sflag:s10] =	ssyncset.done $0x0  }
0x293: {  	[sflag:s10] =	ssyncadd.s32 $0xFFFFE000  }
0x294: {  	[bflag:$0x0] =	sbarrier.arrive $0xFFFF  }
0x295: {  	s13 =	rddreg [dreg:$0xe]  }
0x296: {  	s20 =	rddreg [dreg:$0x11]  }
0x297: {  	s22 =	rddreg [dreg:$0x19]  }
0x298: {  	[hbm:s20], [sflag:s13] =	dma.local [spmem:s22], $0x2800  }
0x299: {  	_ =	swait.ge [sflag:s21], $0x2800  }
0x29a: {  	[sflag:s21] =	ssyncset.done $0x0;
	s25 =	rddreg [dreg:$0x12]  }
0x29b: {  	s26 =	rddreg [dreg:$0x1a];
	[sflag:s21] =	ssyncadd.s32 $0xFFFFD800  }
0x29c: {  	[hbm:s25], [sflag:s13] =	dma.local [spmem:s26], $0x400  }
0x29d: {  	_ =	swait.ge [sflag:s21], $0x400  }
0x29e: {  	[sflag:s21] =	ssyncset.done $0x0;
	s28 =	rddreg [dreg:$0x13]  }
0x29f: {  	s29 =	rddreg [dreg:$0x1b];
	[sflag:s21] =	ssyncadd.s32 $0xFFFFFC00  }
0x2a0: {  	[hbm:s28], [sflag:s13] =	dma.local [spmem:s29], $0x400  }
0x2a1: {  	_ =	swait.ge [sflag:s21], $0x400  }
0x2a2: {  	s30 =	rddreg [dreg:$0x18]  }
0x2a3: {  	s31 =	rddreg [dreg:$0x14];
	s1 =	sadd.s32 $0x1, s30  }
0x2a4: {  	p2 =	sne.s32 s1, s31  }
.Ltmp3:
0x2a5: {  	_ = 	snop;
	(pc) =	sbr.rel @p2 .LBB2_1-.Ltmp3, $3  }
0x2a6: {  	_ =	sdelay $0x1  }
0x2a7: {  	[sflag:s21] =	ssyncset.done $0x0  }
0x2a8: {  	[sflag:s21] =	ssyncadd.s32 $0xFFFFFC00  }
0x2a9: {  	_ =	sfence.sel $0x180000  }
0x2aa: {  	[bflag:$0x0] =	sbarrier.arrive $0xFFFF  }
0x2ab: {  	_ =	strace $0x90000047  }
0x2ac: {  	s0 =	stileid.u32;
	[bflag:$0x2] =	sbarrier.arrive $0xFFFF  }
0x2ad: {  	p0 =	sne.s32 s0, $0x0;
	s0 =	rddreg [dreg:$0x7]  }
0x2ae: {  	s0 =	sadd.s32 @!p0 $0x100000, s0  }
0x2af: {  	[sflag:s0] =	ssyncadd.tile.s32 @!p0 $0x1;
	_ =	shalt  }
.Lfunc_end2:
_tile_overlayer_lowered:
.L_overlay_start_2:
0x2b0: {  	(tag) =	ssettag $0x2  }
0x2b1: {  	s0 =	rddreg [dreg:$0x0];
	s2 =	stileid.u32  }
0x2b2: {  	s1 =	rddreg [dreg:$0x1];
	p0 =	sne.s32 s2, $0x0  }
0x2b3: {  	s3 =	rddreg [dreg:$0x2];
	[bflag:$0x3] =	sbarrier.arrive $0xFFFF;
	s2 =	simm.s32 @!p0 $0x1C02  }
0x2b4: {  	[timem:s3], [sflag:s2] =	dma.local @!p0 [hbm:s0], s1  }
0x2b5: {  	s0 =	simm.s32 @!p0 $0x2  }
0x2b6: {  	_ =	swait.ge @!p0 [sflag:s0], s1  }
0x2b7: {  	s1 =	ssub.s32 @!p0 $0x0, s1;
	[sflag:s0] =	ssyncset.done @!p0 $0x0  }
0x2b8: {  	[sflag:s0] =	ssyncadd.s32 @!p0 s1  }
0x2b9: {  	[bflag:$0x3] =	sbarrier.arrive $0xFFFF  }
0x2ba: {  	_ =	shalt  }

// kernel: kernel.9.cloned.1.call-start
scs
__scs_entry_jumppad:
0x0: {  	(pc) =	sbr.rel $0x88, $3  }
0x1: {  	(tag) =	ssettag $0x0;
	lr =	simm.s32 $0x1  }
0x2: {  	[smem:$0x3F83] =	sst lr;
	_ =	strace $0xD0000000  }
0x3: {  	_ = 	snop  }
0x4: {  	_ = 	snop  }
0x5: {  	_ = 	snop  }
0x6: {  	_ = 	snop  }
0x7: {  	_ = 	snop  }
__scs_overlays_trampoline_lowered:
0x8: {  	[smem:$0x3F92] =	sst s0  }
0x9: {  	[smem:$0x3F93] =	sst s1  }
0xa: {  	[smem:$0x3F94] =	sst s2  }
0xb: {  	[smem:$0x3F95] =	sst s3  }
0xc: {  	[smem:$0x3F96] =	sst s4  }
0xd: {  	[smem:$0x3F97] =	sst s5  }
0xe: {  	[smem:$0x3F98] =	sst s6  }
0xf: {  	[smem:$0x3F99] =	sst s7  }
0x10: {  	[smem:$0x3F9A] =	sst s8  }
0x11: {  	[smem:$0x3F9B] =	sst s9;
	s0 =	simm.s32 @!p0 $0x0  }
0x12: {  	s1 =	sld [smem:$0x3F81];
	s0 =	simm.s32 @p0 $0x1  }
0x13: {  	[smem:$0x3F9C] =	sst s0;
	s0 =	simm.s32 @!p1 $0x0  }
0x14: {  	s2 =	sld [smem:$0x3F80];
	s0 =	simm.s32 @p1 $0x1  }
0x15: {  	[smem:$0x3F9D] =	sst s0;
	s0 =	simm.s32 @!p2 $0x0  }
0x16: {  	s3 =	sld [smem:$0x3FDB];
	s0 =	simm.s32 @p2 $0x1  }
0x17: {  	s4 =	simm.s32 $0x1BF5;
	[smem:$0x3F9F] =	sst s0  }
0x18: {  	s0 =	sld [smem:$0x3F82];
	_ =	swait.ge [sflag:s4], $0x0  }
0x19: {  	s7 =	sld [smem:$0x3F83]  }
0x1a: {  	s8 =	sadd.s32 $0xFFFFE003, lr  }
0x1b: {  	s9 =	sadd.s32 $0xFFFFFEF7, lr;
	s5 =	simm.s32 $0xFFFFFFFF;
	p2 =	slt.u32 s8, $0xFFFFF086  }
0x1c: {  	p1 =	slt.u32 s9, $0xF7A;
	s5 =	simm.s32 @!p2 $0x0  }
0x1d: {  	s5 =	simm.s32 @p1 $0x1;
	p0 =	seq.s32 s7, s2  }
0x1e: {  	s7 =	smul.u32 @!p0 $0xF7A, s2;
	p2 =	seq.s32 @!p0 s5, $0x0  }
0x1f: {  	s9 =	smul.u32 $0xF7A, s1;
	s8 =	simm.s32 @!p0 $0x1BF5;
	p2 =	por !p2, p0  }
0x20: {  	[sflag:s8] =	ssyncset.s32 @!p0 $0xFFFFF086;
	s6 =	sadd.s32 @!p0 s3, s7;
	s7 =	simm.s32 @!p0 $0x108  }
0x21: {  	s3 =	sadd.s32 s3, s9;
	s6 =	sadd.s32 @!p0 $0x88, s6;
	s7 =	simm.s32 @p2 $0x1082  }
0x22: {  	[simem:s7], [sflag:s8] =	dma.local @!p0 [hbm:s6], $0xF7A  }
0x23: {  	s9 =	sor.u32 $0xD0000000, s2;
	s6 =	simm.s32 $0x108;
	_ =	swait.ge @!p0 [sflag:s8], $0x0  }
0x24: {  	s3 =	sadd.s32 $0x88, s3;
	s6 =	simm.s32 @!p1 $0x1082;
	[sflag:s4] =	ssyncset.s32 $0xFFFFF086  }
0x25: {  	[simem:s6], [sflag:s4] =	dma.local [hbm:s3], $0xF7A  }
0x26: {  	[smem:$0x3F83] =	sst s1;
	(tag) =	ssettag s2;
	_ =	strace s9  }
0x27: {  	s1 =	sld [smem:$0x3F93]  }
0x28: {  	s2 =	sld [smem:$0x3F94]  }
0x29: {  	s4 =	sld [smem:$0x3F96]  }
0x2a: {  	p0 =	seq.s32 s5, $0x0;
	s5 =	sld [smem:$0x3F97]  }
0x2b: {  	s6 =	sld [smem:$0x3F98]  }
0x2c: {  	s7 =	sld [smem:$0x3F99]  }
0x2d: {  	s3 =	simm.s32 $0x108;
	s8 =	sld [smem:$0x3F9A]  }
0x2e: {  	s3 =	simm.s32 @!p0 $0x1082;
	s9 =	sld [smem:$0x3F9B]  }
0x2f: {  	lr =	sadd.s32 s0, s3;
	s0 =	sld [smem:$0x3F92]  }
0x30: {  	s3 =	sld [smem:$0x3F95]  }
0x31: {  	[smem:$0x3F9E] =	sst s10  }
0x32: {  	s10 =	sld [smem:$0x3F9C];
	_ =	sdelay $0x3  }
0x33: {  	p0 =	seq.s32 s10, $0x1;
	s10 =	sld [smem:$0x3F9E];
	_ =	sdelay $0x3  }
0x34: {  	[smem:$0x3F9E] =	sst s10  }
0x35: {  	s10 =	sld [smem:$0x3F9D];
	_ =	sdelay $0x3  }
0x36: {  	p1 =	seq.s32 s10, $0x1;
	s10 =	sld [smem:$0x3F9E];
	_ =	sdelay $0x3  }
0x37: {  	[smem:$0x3F9E] =	sst s10  }
0x38: {  	s10 =	sld [smem:$0x3F9F]  }
0x39: {  	_ = 	snop;
	(pc) =	sbr.ind lr, $3  }
0x3a: {  	_ = 	snop  }
0x3b: {  	_ = 	snop  }
0x3c: {  	p2 =	seq.s32 s10, $0x1;
	s10 =	sld [smem:$0x3F9E]  }
0x3d: {  	_ =	shalt  }
0x3e: {  	_ =	shalt  }
0x3f: {  	_ =	shalt  }
0x40: {  	_ =	shalt  }
0x41: {  	_ =	shalt  }
0x42: {  	_ =	shalt  }
0x43: {  	_ =	shalt  }
0x44: {  	_ =	shalt  }
0x45: {  	_ =	shalt  }
0x46: {  	_ =	shalt  }
0x47: {  	_ =	shalt  }
0x48: {  	_ =	shalt  }
0x49: {  	_ =	shalt  }
0x4a: {  	_ =	shalt  }
0x4b: {  	_ =	shalt  }
0x4c: {  	_ =	shalt  }
0x4d: {  	_ =	shalt  }
0x4e: {  	_ =	shalt  }
0x4f: {  	_ =	shalt  }
0x50: {  	_ =	shalt  }
0x51: {  	_ =	shalt  }
0x52: {  	_ =	shalt  }
0x53: {  	_ =	shalt  }
0x54: {  	_ =	shalt  }
0x55: {  	_ =	shalt  }
0x56: {  	_ =	shalt  }
0x57: {  	_ =	shalt  }
0x58: {  	_ =	shalt  }
0x59: {  	_ =	shalt  }
0x5a: {  	_ =	shalt  }
0x5b: {  	_ =	shalt  }
0x5c: {  	_ =	shalt  }
0x5d: {  	_ =	shalt  }
0x5e: {  	_ =	shalt  }
0x5f: {  	_ =	shalt  }
0x60: {  	_ =	shalt  }
0x61: {  	_ =	shalt  }
0x62: {  	_ =	shalt  }
0x63: {  	_ =	shalt  }
0x64: {  	_ =	shalt  }
0x65: {  	_ =	shalt  }
0x66: {  	_ =	shalt  }
0x67: {  	_ =	shalt  }
0x68: {  	_ =	shalt  }
0x69: {  	_ =	shalt  }
0x6a: {  	_ =	shalt  }
0x6b: {  	_ =	shalt  }
0x6c: {  	_ =	shalt  }
0x6d: {  	_ =	shalt  }
0x6e: {  	_ =	shalt  }
0x6f: {  	_ =	shalt  }
0x70: {  	_ =	shalt  }
0x71: {  	_ =	shalt  }
0x72: {  	_ =	shalt  }
0x73: {  	_ =	shalt  }
0x74: {  	_ =	shalt  }
0x75: {  	_ =	shalt  }
0x76: {  	_ =	shalt  }
0x77: {  	_ =	shalt  }
0x78: {  	_ =	shalt  }
0x79: {  	_ =	shalt  }
0x7a: {  	_ =	shalt  }
0x7b: {  	_ =	shalt  }
0x7c: {  	_ =	shalt  }
0x7d: {  	_ =	shalt  }
0x7e: {  	_ =	shalt  }
0x7f: {  	_ =	shalt  }
0x80: {  	_ =	shalt  }
0x81: {  	_ =	shalt  }
0x82: {  	_ =	shalt  }
0x83: {  	_ =	shalt  }
0x84: {  	_ =	shalt  }
0x85: {  	_ =	shalt  }
0x86: {  	_ =	shalt  }
0x87: {  	_ =	shalt  }
.Lfunc_end0:
.L_simem_size_0:
called_computation.1_lowered:
.L_overlay_start_0:
0x88: {  	s2 =	sld [smem:$0x3FD9]  }
0x89: {  	s3 =	sld [smem:$0x3FFE];
	_ =	sdelay $0x1  }
0x8a: {  	s1 =	srdreg.scid  }
0x8b: {  	s0 =	sand.u32 $0x1, s1  }
0x8c: {  	s14 =	sshll.u32 s0, $0xA;
	s2 =	sadd.s32 s3, s2  }
0x8d: {  	s2 =	sadd.s32 s2, s14  }
0x8e: {  	[smem:$0x3FAA] =	sst s2  }
0x8f: {  	_ = 	snop  }
0x90: {  	s2 =	sld [smem:$0x3FD0];
	_ =	sdelay $0x2  }
0x91: {  	s15 =	simm.s32 $0xA;
	s4 =	simm.s32 $0x10  }
0x92: {  	[smem:s4], [sflag:s15] =	dma.local [hbm:s2], $0x1  }
0x93: {  	_ =	swait.eq [sflag:s15], $0x1  }
0x94: {  	s16 =	sld [smem:$0x10];
	[sflag:s15] =	ssyncset.done $0x0  }
0x95: {  	s17 =	sld [smem:$0x11];
	[sflag:s15] =	ssyncadd.s32 $0xFFFFFFFF  }
0x96: {  	s18 =	sld [smem:$0x12];
	(tm) =	ssettm $0x1  }
0x97: {  	s5 =	sld [smem:$0x3FFB];
	_ =	sdelay $0x3  }
0x98: {  	_ =	strace s5  }
0x99: {  	s5 =	sld [smem:$0x3FFC];
	_ =	sdelay $0x3  }
0x9a: {  	_ =	strace s5  }
0x9b: {  	s5 =	sld [smem:$0x3FFD];
	_ =	sdelay $0x3  }
0x9c: {  	_ =	strace s5  }
0x9d: {  	_ =	strace $0x8FFFFFFF  }
0x9e: {  	s19 =	sld [smem:$0x3FDB];
	_ =	sdelay $0x1  }
0x9f: {  	s6 =	simm.s32 $_scs_section_size  }
0xa0: {  	s7 =	simm.s32 $_size__tile_overlayer_lowered;
	s8 =	simm.s32 $_tile_overlayer_lowered  }
0xa1: {  	s22 =	simm.s32 $0x1BFF;
	s21 =	sshll.u32 s8, $0x1;
	s5 =	sadd.s32 s6, s19  }
0xa2: {  	s9 =	simm.s32 $0x0;
	s20 =	sshll.u32 s7, $0x1;
	s7 =	sadd.s32 s21, s5  }
0xa3: {  	[timem:s9], [sflag:s22] =	dma.local [hbm:s7], s20  }
0xa4: {  	_ =	swait.ge [sflag:s22], s20  }
0xa5: {  	s6 =	ssub.s32 $0x0, s20;
	[sflag:s22] =	ssyncset.done $0x0  }
0xa6: {  	[sflag:s22] =	ssyncadd.s32 s6;
	_ =	sdelay $0x1  }
0xa7: {  	s23 =	simm.s32 $0x1B8B  }
0xa8: {  	_ =	swait.ge [sflag:s23], $0x1  }
0xa9: {  	[sflag:s23] =	ssyncset.done $0x0  }
0xaa: {  	s25 =	simm.s32 $0x1B8E;
	s24 =	sld [smem:$0x3FFE];
	[sflag:s23] =	ssyncadd.s32 $0xFFFFFFFF  }
0xab: {  	s26 =	simm.s32 $execute0_lowered;
	[smem:$0x3FD2] =	sst s25  }
0xac: {  	s7 =	sshll.u32 s26, $0x1;
	_ =	strace $0x80000049;
	[dreg:$0x1] =	wrdreg $0xFFFFFFFF  }
0xad: {  	s28 =	simm.s32 $_size_execute0_lowered;
	s5 =	sadd.s32 s5, s7;
	[dreg:$0x0] =	wrdreg $0x0  }
0xae: {  	s7 =	sshll.u32 s28, $0x1;
	[dreg:$0x2] =	wrdreg s5  }
0xaf: {  	[dreg:$0x3] =	wrdreg s7  }
0xb0: {  	[dreg:$0x4] =	wrdreg $0xC0  }
0xb1: {  	_ =	task [dreg:s9], $0x5FFFF  }
0xb2: {  	[dreg:$0x1] =	wrdreg $0xFFFFFFFF  }
0xb3: {  	[dreg:$0x0] =	wrdreg $0x60  }
0xb4: {  	[dreg:$0x2] =	wrdreg s24  }
0xb5: {  	[dreg:$0x3] =	wrdreg s17  }
0xb6: {  	[dreg:$0x4] =	wrdreg s18  }
0xb7: {  	[dreg:$0x5] =	wrdreg s16  }
0xb8: {  	[dreg:$0x6] =	wrdreg $0x0  }
0xb9: {  	[dreg:$0x7] =	wrdreg $0x140000  }
0xba: {  	[dreg:$0x8] =	wrdreg $0x160000  }
0xbb: {  	[dreg:$0x9] =	wrdreg $0x9  }
0xbc: {  	_ =	task.clear_ibuf [dreg:s9], $0xAFFFF;
	_ =	strace $0x90000049  }
0xbd: {  	s29 =	simm.s32 $0x9;
	_ =	strace $0x8000004B  }
0xbe: {  	_ =	swait.ge [sflag:s29], $0x1  }
0xbf: {  	[sflag:s29] =	ssyncadd.s32 $0xFFFFFFFF  }
0xc0: {  	_ =	strace $0x9000004B  }
0xc1: {  	_ =	sfence  }
0xc2: {  	s30 =	sld [smem:$0x0];
	_ =	sdelay $0x2  }
0xc3: {  	s31 =	sshll.u32 s1, $0xD;
	s1 =	sshrl.u32 s1, $0x2  }
0xc4: {  	s3 =	sand.u32 $0x4000, s31;
	s1 =	sadd.s32 s1, s30  }
0xc5: {  	s0 =	sor.u32 s3, s0;
	s1 =	sshll.u32 s1, $0x11  }
0xc6: {  	s0 =	sor.u32 s1, s0  }
0xc7: {  	s0 =	sadd.s32 $0x8F2B, s0  }
0xc8: {  	[sflag:s0] =	ssyncadd.remote.s32 $0x1  }
0xc9: {  	_ =	sfence.sel $0xFFFF  }
0xca: {  	[dreg:$0x0] =	wrdreg $0xFFFFFFFF;
	(pc) =	sbr.abs _section_cstart, $3  }
0xcb: {  	[dreg:$0x1] =	wrdreg $0xFFFFFFFF  }
0xcc: {  	_ =	task.clear_ibuf [dreg:s9], $0x2FFFF;
	_ =	strace $0x9FFFFFFF  }
0xcd: {  	(tm) =	ssettm $0x7FFFFFFF  }
tec
execute0_lowered:
.L_overlay_start_1:
0x0: {  	(tag) =	ssettag $0x1  }
0x1: {  	s0 =	rddreg [dreg:$0x0]  }
0x2: {  	s1 =	rddreg [dreg:$0x1]  }
0x3: {  	s6 =	rddreg [dreg:$0x3]  }
0x4: {  	s2 =	rddreg [dreg:$0x4]  }
0x5: {  	s3 =	rddreg [dreg:$0x5]  }
0x6: {  	s4 =	rddreg [dreg:$0x6]  }
0x7: {  	s5 =	simm.s32 $0x0;
	s8 =	srdreg.scid;
	s18 =	stileid.u32  }
0x8: {  	s21 =	simm.s32 $0x2;
	s23 =	simm.s32 $0x18000;
	[smem:$0x7FF] =	sst s5  }
0x9: {  	s7 =	sadd.s32 $0xA4A00, s0;
	s8 =	sand.u32 $0x1, s8;
	s10 =	sadd.s32 $0xB8A00, s0  }
0xa: {  	s11 =	sshll.u32 s18, $0x8;
	s12 =	smul.u32 $0x14000, s18;
	s25 =	sshll.u32 s18, $0xD  }
0xb: {  	s14 =	sadd.s32 $0x44600, s0;
	s15 =	smul.u32 $0x50000, s18;
	s17 =	sshll.u32 s18, $0x6  }
0xc: {  	s18 =	smul.u32 $0xA000, s18;
	_ =	strace $0x8000004A;
	[dreg:$0x9] =	wrdreg s7  }
0xd: {  	s9 =	smul.u32 $0x140000, s8;
	s7 =	sadd.s32 $0x1C600, s0;
	[dreg:$0xa] =	wrdreg s10  }
0xe: {  	s24 =	sadd.s32 s11, s0;
	[dreg:$0xc] =	wrdreg s14;
	s28 =	sadd.s32 s25, s3  }
0xf: {  	s13 =	sshll.u32 s8, $0x11;
	s26 =	ssub.s32 $0x2, s8;
	[dreg:$0xf] =	wrdreg s28  }
0x10: {  	s19 =	sadd.s32 s11, s1;
	p0 =	sne.s32 s8, $0x0;
	[dreg:$0x8] =	wrdreg s18  }
0x11: {  	s13 =	sor.u32 s25, s13;
	s30 =	sadd.s32 $0x19600, s24;
	[dreg:$0x15] =	wrdreg s19  }
0x12: {  	s16 =	sshrl.u32 s26, $0x1;
	s20 =	sadd.s32 $0x1A600, s24;
	[dreg:$0x16] =	wrdreg s30  }
0x13: {  	s15 =	sshrl.u32 s15, $0x2;
	s31 =	sadd.s32 $0x1B600, s24;
	[dreg:$0x17] =	wrdreg s20  }
0x14: {  	s9 =	sadd.s32 s12, s9;
	s15 =	sadd.s32 s15, s2;
	[dreg:$0xb] =	wrdreg s31  }
0x15: {  	s13 =	sshrl.u32 s13, $0x3;
	s12 =	sadd.s32 s25, s4;
	[dreg:$0xd] =	wrdreg s15  }
0x16: {  	s14 =	ssub.s32 s26, s16;
	[dreg:$0x10] =	wrdreg s12;
	s6 =	sadd.s32 s6, s13  }
0x17: {  	s9 =	sshrl.u32 s9, $0x3;
	s29 =	smax.u32 s14, $0x1;
	[dreg:$0x12] =	wrdreg s6  }
0x18: {  	s15 =	sor.u32 $0x1C02, s17;
	s9 =	sadd.s32 s9, s0;
	[dreg:$0x14] =	wrdreg s29  }
0x19: {  	s0 =	sadd.s32 s13, s0;
	[dreg:$0xe] =	wrdreg s15;
	s9 =	sadd.s32 $0x44A00, s9  }
0x1a: {  	p1 =	seq.s32 s8, $0x0;
	s0 =	sadd.s32 $0x5600, s0;
	[dreg:$0x11] =	wrdreg s9  }
0x1b: {  	s1 =	simm.s32 $0x0;
	s24 =	simm.s32 $0x18200;
	[dreg:$0x13] =	wrdreg s0  }
.LBB2_1:
0x1c: {  	[dreg:$0x18] =	wrdreg s1  }
0x1d: {  	s0 =	rddreg [dreg:$0xd]  }
0x1e: {  	s13 =	rddreg [dreg:$0x2];
	s12 =	sshrl.u32 s0, $0x3  }
0x1f: {  	[dreg:$0x19] =	wrdreg s12  }
0x20: {  	[spmem:s12], [sflag:s15] =	dma.local [hbm:s13], $0x2800  }
0x21: {  	_ =	swait.ge [sflag:s21], $0x2800  }
0x22: {  	s14 =	rddreg [dreg:$0xf]  }
0x23: {  	[sflag:s21] =	ssyncset.done $0x0;
	s1 =	sshrl.u32 s14, $0x3  }
0x24: {  	[sflag:s21] =	ssyncadd.s32 $0xFFFFD800;
	[dreg:$0x1a] =	wrdreg s1  }
0x25: {  	[spmem:s1], [sflag:s15] =	dma.local [hbm:s13], $0x400  }
0x26: {  	_ =	swait.ge [sflag:s21], $0x400  }
0x27: {  	s16 =	rddreg [dreg:$0x10]  }
0x28: {  	[sflag:s21] =	ssyncset.done $0x0;
	s1 =	sshrl.u32 s16, $0x3  }
0x29: {  	[sflag:s21] =	ssyncadd.s32 $0xFFFFFC00;
	[dreg:$0x1b] =	wrdreg s1  }
0x2a: {  	[spmem:s1], [sflag:s15] =	dma.local [hbm:s13], $0x400  }
0x2b: {  	_ =	swait.ge [sflag:s21], $0x400  }
0x2c: {  	[sflag:s21] =	ssyncset.done $0x0  }
0x2d: {  	s18 =	simm.s32 $0x1A500;
	s17 =	rddreg [dreg:$0xc];
	[sflag:s21] =	ssyncadd.s32 $0xFFFFFC00  }
0x2e: {  	[tilespmem:s18], [sflag:$0x2] =	stream.linear.gather [hbm4b:s17+s5], $0x2000, $0x38;
	[tilespmem:$0x1C500] =	vst v63  }
0x2f: {  	_ =	swait.ge [sflag:s21], $0x2000  }
0x30: {  	[sflag:s21] =	ssyncset.done $0x0  }
0x31: {  	[sflag:s21] =	ssyncadd.s32 $0xFFFFE000  }
0x32: {  	[bflag:$0x0] =	sbarrier.arrive $0xFFFF  }
0x33: {  	s20 =	sand.u32 $0xFC00, s5;
	s19 =	rddreg [dreg:$0x8]  }
0x34: {  	s22 =	sand.u32 $0x200, s5;
	s0 =	sadd.s32 s19, s20  }
0x35: {  	s0 =	sor.u32 s22, s0  }
0x36: {  	s6 =	rddreg [dreg:$0x9];
	s0 =	sshrl.u32 s0, $0x3  }
0x37: {  	s25 =	sadd.s32 s6, s0  }
0x38: {  	[tilespmem:s23], [sflag:$0x2] =	stream.linear.gather [hbm4b:s25+s5], $0x200, $0x38;
	[tilespmem:$0x1C500] =	vst v63  }
0x39: {  	_ =	swait.ge [sflag:s21], $0x200  }
0x3a: {  	s26 =	rddreg [dreg:$0xa];
	[sflag:s21] =	ssyncset.done $0x0  }
0x3b: {  	[sflag:s21] =	ssyncadd.s32 $0xFFFFFE00;
	s0 =	sadd.s32 s26, s0  }
0x3c: {  	[tilespmem:s24], [sflag:$0x2] =	stream.linear.gather [hbm4b:s0+s5], $0x200, $0x38;
	[tilespmem:$0x1C500] =	vst v63  }
0x3d: {  	_ =	swait.ge [sflag:s21], $0x200  }
0x3e: {  	[sflag:s21] =	ssyncset.done $0x0  }
0x3f: {  	[sflag:s21] =	ssyncadd.s32 $0xFFFFFE00  }
0x40: {  	v0 =	vld [tilespmem:$0x18220]  }
0x41: {  	v1 =	vld [tilespmem:$0x18230]  }
0x42: {  	v2 =	vld [tilespmem:$0x18210]  }
0x43: {  	v3 =	vld [tilespmem:$0x18020]  }
0x44: {  	v4 =	vld [tilespmem:$0x18010]  }
0x45: {  	v5 =	vld [tilespmem:$0x18000];
	[tilespmem:$0x184A0] =	vst v0  }
0x46: {  	v0 =	vld [tilespmem:$0x18200];
	[tilespmem:$0x184B0] =	vst v1  }
0x47: {  	[tilespmem:$0x18490] =	vst v2;
	v1 =	vld [tilespmem:$0x18030]  }
0x48: {  	[tilespmem:$0x18420] =	vst v3  }
0x49: {  	[tilespmem:$0x18410] =	vst v4  }
0x4a: {  	[tilespmem:$0x18400] =	vst v5  }
0x4b: {  	s9 =	simm.s32 @!p0 $0x1;
	[tilespmem:$0x18480] =	vst v0  }
0x4c: {  	s11 =	simm.s32 @p0 $0x40;
	s14 =	simm.s32 @p0 $0x1A500;
	s13 =	simm.s32 @p0 $0x18480;
	[tilespmem:$0x18430] =	vst v1  }
0x4d: {  	[spmem:s2] =	stream.indirect.scatter.add.f32 @p0 [tilespmem:s14], [sflag:$0x2], $0x80, s13, s11, $0xb8;
	[tilespmem:$0x1C500] =	vst v63  }
0x4e: {  	s28 =	simm.s32 @!p0 $0x18500;
	s1 =	simm.s32 @!p0 $0x40;
	s26 =	simm.s32 @!p0 $0x18400  }
0x4f: {  	[tilespmem:s28], [sflag:$0x1] =	stream.indirect.gather @!p0 [hbm4b:s7+s1], $0x80, s26, s1, $0xb8;
	[tilespmem:$0x1C500] =	vst v63  }
0x50: {  	_ =	swait.ge @!p0 [sflag:s9], $0x2000  }
0x51: {  	s29 =	simm.s32 @!p0 $0x3;
	[sflag:s9] =	ssyncset.done @!p0 $0x0  }
0x52: {  	s10 =	simm.s32 @!p0 $0x18480;
	s29 =	simm.s32 @p0 $0x2;
	[sflag:s9] =	ssyncadd.s32 @!p0 $0xFFFFE000  }
0x53: {  	[spmem:s2] =	stream.indirect.scatter.add.f32 @!p0 [tilespmem:s28], [sflag:$0x3], $0x80, s10, s1, $0xb8;
	[tilespmem:$0x1C500] =	vst v63  }
0x54: {  	_ =	swait.ge [sflag:s29], $0x2000  }
0x55: {  	[sflag:s29] =	ssyncset.done $0x0  }
0x56: {  	[sflag:s29] =	ssyncadd.s32 $0xFFFFE000  }
0x57: {  	v0 =	vld [tilespmem:$0x182A0]  }
0x58: {  	v1 =	vld [tilespmem:$0x18280]  }
0x59: {  	v2 =	vld [tilespmem:$0x18080]  }
0x5a: {  	v3 =	vld [tilespmem:$0x18290]  }
0x5b: {  	v63 =	vld [tilespmem:$0x180A0]  }
0x5c: {  	[tilespmem:$0x184A0] =	vst v0;
	v0 =	vld [tilespmem:$0x180B0]  }
0x5d: {  	[tilespmem:$0x18480] =	vst v1;
	v1 =	vld [tilespmem:$0x182B0]  }
0x5e: {  	[tilespmem:$0x18400] =	vst v2;
	v2 =	vld [tilespmem:$0x18090]  }
0x5f: {  	[tilespmem:$0x18490] =	vst v3  }
0x60: {  	[tilespmem:$0x18420] =	vst v63  }
0x61: {  	[tilespmem:$0x18430] =	vst v0  }
0x62: {  	s30 =	simm.s32 @p1 $0x1;
	[tilespmem:$0x184B0] =	vst v1  }
0x63: {  	s31 =	simm.s32 @p1 $0x40;
	s6 =	simm.s32 @p1 $0x18400;
	s0 =	simm.s32 @p1 $0x18500;
	[tilespmem:$0x18410] =	vst v2  }
0x64: {  	[tilespmem:s0], [sflag:$0x1] =	stream.indirect.gather @p1 [hbm4b:s7+s31], $0x80, s6, s31, $0xb8;
	[tilespmem:$0x1C500] =	vst v63  }
0x65: {  	_ =	swait.ge @p1 [sflag:s30], $0x2000  }
0x66: {  	s8 =	simm.s32 @!p1 $0x2;
	[sflag:s30] =	ssyncset.done @p1 $0x0  }
0x67: {  	s8 =	simm.s32 @p1 $0x3;
	s12 =	simm.s32 @p1 $0x18480;
	[sflag:s30] =	ssyncadd.s32 @p1 $0xFFFFE000  }
0x68: {  	[spmem:s2] =	stream.indirect.scatter.add.f32 @p1 [tilespmem:s0], [sflag:$0x3], $0x80, s12, s31, $0xb8;
	[tilespmem:$0x1C500] =	vst v63  }
0x69: {  	s16 =	simm.s32 @!p1 $0x18480;
	s15 =	simm.s32 @!p1 $0x40;
	s22 =	simm.s32 @!p1 $0x1A500  }
0x6a: {  	[spmem:s2] =	stream.indirect.scatter.add.f32 @!p1 [tilespmem:s22], [sflag:$0x2], $0x80, s16, s15, $0xb8;
	[tilespmem:$0x1C500] =	vst v63  }
0x6b: {  	_ =	swait.ge [sflag:s8], $0x2000  }
0x6c: {  	[sflag:s8] =	ssyncset.done $0x0  }
0x6d: {  	[sflag:s8] =	ssyncadd.s32 $0xFFFFE000  }
0x6e: {  	s25 =	simm.s32 $0x200;
	v0 =	vld [tilespmem:$0x18120]  }
.LBB2_2:
0x6f: {  	v1 =	vld [tilespmem:$0x18300]  }
0x70: {  	v2 =	vld [tilespmem:$0x18110]  }
0x71: {  	v3 =	vld [tilespmem:$0x18310]  }
0x72: {  	v4 =	vld [tilespmem:$0x18130]  }
0x73: {  	v5 =	vld [tilespmem:$0x18100];
	[tilespmem:$0x18420] =	vst v0  }
0x74: {  	v0 =	vld [tilespmem:$0x18320];
	[tilespmem:$0x18480] =	vst v1  }
0x75: {  	v1 =	vld [tilespmem:$0x18330];
	[tilespmem:$0x18410] =	vst v2  }
0x76: {  	[tilespmem:$0x18490] =	vst v3  }
0x77: {  	[tilespmem:$0x18430] =	vst v4  }
0x78: {  	[tilespmem:$0x18400] =	vst v5  }
0x79: {  	[tilespmem:$0x184A0] =	vst v0  }
0x7a: {  	[tilespmem:$0x184B0] =	vst v1  }
0x7b: {  	[tilespmem:s0], [sflag:$0x1] =	stream.indirect.gather @p1 [hbm4b:s7+s31], $0x80, s6, s31, $0xb8;
	[tilespmem:$0x1C500] =	vst v63  }
0x7c: {  	_ =	swait.ge @p1 [sflag:s30], $0x2000  }
0x7d: {  	[sflag:s30] =	ssyncset.done @p1 $0x0  }
0x7e: {  	[sflag:s30] =	ssyncadd.s32 @p1 $0xFFFFE000  }
0x7f: {  	[spmem:s2] =	stream.indirect.scatter.add.f32 @p1 [tilespmem:s0], [sflag:$0x3], $0x80, s12, s31, $0xb8;
	[tilespmem:$0x1C500] =	vst v63  }
0x80: {  	_ = 	snop  }
0x81: {  	[spmem:s2] =	stream.indirect.scatter.add.f32 @!p1 [tilespmem:s22], [sflag:$0x2], $0x80, s16, s15, $0xb8;
	[tilespmem:$0x1C500] =	vst v63  }
0x82: {  	_ =	swait.ge [sflag:s8], $0x2000  }
0x83: {  	[sflag:s8] =	ssyncset.done $0x0  }
0x84: {  	[sflag:s8] =	ssyncadd.s32 $0xFFFFE000  }
0x85: {  	v0 =	vld [tilespmem:$0x18180]  }
0x86: {  	v1 =	vld [tilespmem:$0x18380]  }
0x87: {  	v2 =	vld [tilespmem:$0x18190]  }
0x88: {  	v3 =	vld [tilespmem:$0x181B0]  }
0x89: {  	v60 =	vld [tilespmem:$0x183B0]  }
0x8a: {  	[tilespmem:$0x18400] =	vst v0;
	v0 =	vld [tilespmem:$0x181A0]  }
0x8b: {  	[tilespmem:$0x18480] =	vst v1;
	v1 =	vld [tilespmem:$0x183A0]  }
0x8c: {  	[tilespmem:$0x18410] =	vst v2;
	v2 =	vld [tilespmem:$0x18390]  }
0x8d: {  	[tilespmem:$0x18430] =	vst v3  }
0x8e: {  	[tilespmem:$0x184B0] =	vst v60  }
0x8f: {  	[tilespmem:$0x18420] =	vst v0  }
0x90: {  	[tilespmem:$0x184A0] =	vst v1  }
0x91: {  	[tilespmem:$0x18490] =	vst v2  }
0x92: {  	[tilespmem:s0], [sflag:$0x1] =	stream.indirect.gather @p1 [hbm4b:s7+s31], $0x80, s6, s31, $0xb8;
	[tilespmem:$0x1C500] =	vst v63  }
0x93: {  	_ =	swait.ge @p1 [sflag:s30], $0x2000  }
0x94: {  	[sflag:s30] =	ssyncset.done @p1 $0x0  }
0x95: {  	[sflag:s30] =	ssyncadd.s32 @p1 $0xFFFFE000  }
0x96: {  	[spmem:s2] =	stream.indirect.scatter.add.f32 @p1 [tilespmem:s0], [sflag:$0x3], $0x80, s12, s31, $0xb8;
	[tilespmem:$0x1C500] =	vst v63  }
0x97: {  	_ = 	snop  }
0x98: {  	[spmem:s2] =	stream.indirect.scatter.add.f32 @!p1 [tilespmem:s22], [sflag:$0x2], $0x80, s16, s15, $0xb8;
	[tilespmem:$0x1C500] =	vst v63  }
0x99: {  	s17 =	smov.u32 s25;
	_ =	swait.ge [sflag:s8], $0x2000  }
0x9a: {  	s19 =	sand.u32 $0xFC00, s17;
	s18 =	rddreg [dreg:$0x8]  }
0x9b: {  	s17 =	sand.u32 $0x200, s17;
	s18 =	sadd.s32 s18, s19  }
0x9c: {  	s17 =	sor.u32 s17, s18  }
0x9d: {  	[sflag:s8] =	ssyncset.done $0x0;
	s20 =	rddreg [dreg:$0x9];
	s17 =	sshrl.u32 s17, $0x3  }
0x9e: {  	[sflag:s8] =	ssyncadd.s32 $0xFFFFE000;
	s19 =	sadd.s32 s20, s17  }
0x9f: {  	[tilespmem:s23], [sflag:$0x2] =	stream.linear.gather [hbm4b:s19+s5], $0x200, $0x38;
	[tilespmem:$0x1C500] =	vst v63  }
0xa0: {  	_ =	swait.ge [sflag:s21], $0x200  }
0xa1: {  	s20 =	rddreg [dreg:$0xa];
	[sflag:s21] =	ssyncset.done $0x0  }
0xa2: {  	[sflag:s21] =	ssyncadd.s32 $0xFFFFFE00;
	s17 =	sadd.s32 s20, s17  }
0xa3: {  	[tilespmem:s24], [sflag:$0x2] =	stream.linear.gather [hbm4b:s17+s5], $0x200, $0x38;
	[tilespmem:$0x1C500] =	vst v63  }
0xa4: {  	_ =	swait.ge [sflag:s21], $0x200  }
0xa5: {  	[sflag:s21] =	ssyncset.done $0x0  }
0xa6: {  	[sflag:s21] =	ssyncadd.s32 $0xFFFFFE00  }
0xa7: {  	v0 =	vld [tilespmem:$0x18220]  }
0xa8: {  	v1 =	vld [tilespmem:$0x18230]  }
0xa9: {  	v2 =	vld [tilespmem:$0x18210]  }
0xaa: {  	v3 =	vld [tilespmem:$0x18020]  }
0xab: {  	v61 =	vld [tilespmem:$0x18010]  }
0xac: {  	v62 =	vld [tilespmem:$0x18000];
	[tilespmem:$0x184A0] =	vst v0  }
0xad: {  	v0 =	vld [tilespmem:$0x18200];
	[tilespmem:$0x184B0] =	vst v1  }
0xae: {  	[tilespmem:$0x18490] =	vst v2;
	v1 =	vld [tilespmem:$0x18030]  }
0xaf: {  	[tilespmem:$0x18420] =	vst v3  }
0xb0: {  	[tilespmem:$0x18410] =	vst v61  }
0xb1: {  	[tilespmem:$0x18400] =	vst v62  }
0xb2: {  	[tilespmem:$0x18480] =	vst v0  }
0xb3: {  	[tilespmem:$0x18430] =	vst v1  }
0xb4: {  	[spmem:s2] =	stream.indirect.scatter.add.f32 @p0 [tilespmem:s14], [sflag:$0x2], $0x80, s13, s11, $0xb8;
	[tilespmem:$0x1C500] =	vst v63  }
0xb5: {  	_ = 	snop  }
0xb6: {  	[tilespmem:s28], [sflag:$0x1] =	stream.indirect.gather @!p0 [hbm4b:s7+s1], $0x80, s26, s1, $0xb8;
	[tilespmem:$0x1C500] =	vst v63  }
0xb7: {  	_ =	swait.ge @!p0 [sflag:s9], $0x2000  }
0xb8: {  	[sflag:s9] =	ssyncset.done @!p0 $0x0  }
0xb9: {  	[sflag:s9] =	ssyncadd.s32 @!p0 $0xFFFFE000  }
0xba: {  	[spmem:s2] =	stream.indirect.scatter.add.f32 @!p0 [tilespmem:s28], [sflag:$0x3], $0x80, s10, s1, $0xb8;
	[tilespmem:$0x1C500] =	vst v63  }
0xbb: {  	_ =	swait.ge [sflag:s29], $0x2000  }
0xbc: {  	[sflag:s29] =	ssyncset.done $0x0  }
0xbd: {  	[sflag:s29] =	ssyncadd.s32 $0xFFFFE000  }
0xbe: {  	v0 =	vld [tilespmem:$0x182A0]  }
0xbf: {  	v1 =	vld [tilespmem:$0x18280]  }
0xc0: {  	v2 =	vld [tilespmem:$0x18080]  }
0xc1: {  	v3 =	vld [tilespmem:$0x18290]  }
0xc2: {  	v63 =	vld [tilespmem:$0x180A0]  }
0xc3: {  	[tilespmem:$0x184A0] =	vst v0;
	v0 =	vld [tilespmem:$0x180B0]  }
0xc4: {  	[tilespmem:$0x18480] =	vst v1;
	v1 =	vld [tilespmem:$0x182B0]  }
0xc5: {  	[tilespmem:$0x18400] =	vst v2;
	v2 =	vld [tilespmem:$0x18090]  }
0xc6: {  	[tilespmem:$0x18490] =	vst v3  }
0xc7: {  	[tilespmem:$0x18420] =	vst v63  }
0xc8: {  	[tilespmem:$0x18430] =	vst v0  }
0xc9: {  	[tilespmem:$0x184B0] =	vst v1  }
0xca: {  	[tilespmem:$0x18410] =	vst v2  }
0xcb: {  	[tilespmem:s0], [sflag:$0x1] =	stream.indirect.gather @p1 [hbm4b:s7+s31], $0x80, s6, s31, $0xb8;
	[tilespmem:$0x1C500] =	vst v63  }
0xcc: {  	_ =	swait.ge @p1 [sflag:s30], $0x2000  }
0xcd: {  	[sflag:s30] =	ssyncset.done @p1 $0x0  }
0xce: {  	s25 =	sadd.s32 $0x200, s25;
	[sflag:s30] =	ssyncadd.s32 @p1 $0xFFFFE000  }
0xcf: {  	[spmem:s2] =	stream.indirect.scatter.add.f32 @p1 [tilespmem:s0], [sflag:$0x3], $0x80, s12, s31, $0xb8;
	[tilespmem:$0x1C500] =	vst v63  }
0xd0: {  	p2 =	sne.s32 s25, $0xA000  }
0xd1: {  	[spmem:s2] =	stream.indirect.scatter.add.f32 @!p1 [tilespmem:s22], [sflag:$0x2], $0x80, s16, s15, $0xb8;
	[tilespmem:$0x1C500] =	vst v63  }
.Ltmp0:
0xd2: {  	_ = 	snop;
	(pc) =	sbr.rel @p2 .LBB2_2-.Ltmp0, $4  }
0xd3: {  	_ =	swait.ge [sflag:s8], $0x2000  }
0xd4: {  	[sflag:s8] =	ssyncset.done $0x0  }
0xd5: {  	[sflag:s8] =	ssyncadd.s32 $0xFFFFE000  }
0xd6: {  	v0 =	vld [tilespmem:$0x18120]  }
0xd7: {  	v1 =	vld [tilespmem:$0x18300]  }
0xd8: {  	v2 =	vld [tilespmem:$0x18110]  }
0xd9: {  	v3 =	vld [tilespmem:$0x18310]  }
0xda: {  	v4 =	vld [tilespmem:$0x18130]  }
0xdb: {  	v5 =	vld [tilespmem:$0x18100];
	[tilespmem:$0x18420] =	vst v0  }
0xdc: {  	v0 =	vld [tilespmem:$0x18320];
	[tilespmem:$0x18480] =	vst v1  }
0xdd: {  	v1 =	vld [tilespmem:$0x18330];
	[tilespmem:$0x18410] =	vst v2  }
0xde: {  	[tilespmem:$0x18490] =	vst v3  }
0xdf: {  	[tilespmem:$0x18430] =	vst v4  }
0xe0: {  	[tilespmem:$0x18400] =	vst v5  }
0xe1: {  	[tilespmem:$0x184A0] =	vst v0  }
0xe2: {  	[tilespmem:$0x184B0] =	vst v1  }
0xe3: {  	[tilespmem:s0], [sflag:$0x1] =	stream.indirect.gather @p1 [hbm4b:s7+s31], $0x80, s6, s31, $0xb8;
	[tilespmem:$0x1C500] =	vst v63  }
0xe4: {  	_ =	swait.ge @p1 [sflag:s30], $0x2000  }
0xe5: {  	[sflag:s30] =	ssyncset.done @p1 $0x0  }
0xe6: {  	[sflag:s30] =	ssyncadd.s32 @p1 $0xFFFFE000  }
0xe7: {  	[spmem:s2] =	stream.indirect.scatter.add.f32 @p1 [tilespmem:s0], [sflag:$0x3], $0x80, s12, s31, $0xb8;
	[tilespmem:$0x1C500] =	vst v63  }
0xe8: {  	_ = 	snop  }
0xe9: {  	[spmem:s2] =	stream.indirect.scatter.add.f32 @!p1 [tilespmem:s22], [sflag:$0x2], $0x80, s16, s15, $0xb8;
	[tilespmem:$0x1C500] =	vst v63  }
0xea: {  	_ =	swait.ge [sflag:s8], $0x2000  }
0xeb: {  	[sflag:s8] =	ssyncset.done $0x0  }
0xec: {  	[sflag:s8] =	ssyncadd.s32 $0xFFFFE000  }
0xed: {  	v0 =	vld [tilespmem:$0x18180]  }
0xee: {  	v1 =	vld [tilespmem:$0x18380]  }
0xef: {  	v2 =	vld [tilespmem:$0x18190]  }
0xf0: {  	v3 =	vld [tilespmem:$0x181B0]  }
0xf1: {  	v59 =	vld [tilespmem:$0x183B0]  }
0xf2: {  	[tilespmem:$0x18400] =	vst v0;
	v0 =	vld [tilespmem:$0x181A0]  }
0xf3: {  	[tilespmem:$0x18480] =	vst v1;
	v1 =	vld [tilespmem:$0x183A0]  }
0xf4: {  	[tilespmem:$0x18410] =	vst v2;
	v2 =	vld [tilespmem:$0x18390]  }
0xf5: {  	[tilespmem:$0x18430] =	vst v3  }
0xf6: {  	[tilespmem:$0x184B0] =	vst v59  }
0xf7: {  	[tilespmem:$0x18420] =	vst v0  }
0xf8: {  	[tilespmem:$0x184A0] =	vst v1  }
0xf9: {  	[tilespmem:$0x18490] =	vst v2  }
0xfa: {  	[tilespmem:s0], [sflag:$0x1] =	stream.indirect.gather @p1 [hbm4b:s7+s31], $0x80, s6, s31, $0xb8;
	[tilespmem:$0x1C500] =	vst v63  }
0xfb: {  	_ =	swait.ge @p1 [sflag:s30], $0x2000  }
0xfc: {  	[sflag:s30] =	ssyncset.done @p1 $0x0  }
0xfd: {  	[sflag:s30] =	ssyncadd.s32 @p1 $0xFFFFE000  }
0xfe: {  	[spmem:s2] =	stream.indirect.scatter.add.f32 @p1 [tilespmem:s0], [sflag:$0x3], $0x80, s12, s31, $0xb8;
	[tilespmem:$0x1C500] =	vst v63  }
0xff: {  	_ = 	snop  }
0x100: {  	[spmem:s2] =	stream.indirect.scatter.add.f32 @!p1 [tilespmem:s22], [sflag:$0x2], $0x80, s16, s15, $0xb8;
	[tilespmem:$0x1C500] =	vst v63  }
0x101: {  	_ =	swait.ge [sflag:s8], $0x2000  }
0x102: {  	[sflag:s8] =	ssyncset.done $0x0;
	s19 =	rddreg [dreg:$0x15]  }
0x103: {  	[sflag:s8] =	ssyncadd.s32 $0xFFFFE000;
	s17 =	sadd.s32 $0x0, s19  }
0x104: {  	[tilespmem:s23], [sflag:$0x2] =	stream.linear.gather [hbm4b:s17+s5], $0x200, $0x38;
	[tilespmem:$0x1C500] =	vst v63  }
0x105: {  	_ =	swait.ge [sflag:s21], $0x200  }
0x106: {  	[sflag:s21] =	ssyncset.done $0x0;
	s20 =	rddreg [dreg:$0x16]  }
0x107: {  	[sflag:s21] =	ssyncadd.s32 $0xFFFFFE00;
	s25 =	sadd.s32 $0x0, s20  }
0x108: {  	[tilespmem:s24], [sflag:$0x2] =	stream.linear.gather [hbm4b:s25+s5], $0x200, $0x38;
	[tilespmem:$0x1C500] =	vst v63  }
0x109: {  	_ =	swait.ge [sflag:s21], $0x200  }
0x10a: {  	[sflag:s21] =	ssyncset.done $0x0  }
0x10b: {  	[sflag:s21] =	ssyncadd.s32 $0xFFFFFE00  }
0x10c: {  	v0 =	vld [tilespmem:$0x18220]  }
0x10d: {  	v1 =	vld [tilespmem:$0x18230]  }
0x10e: {  	v2 =	vld [tilespmem:$0x18020]  }
0x10f: {  	v3 =	vld [tilespmem:$0x18210]  }
0x110: {  	v60 =	vld [tilespmem:$0x18000]  }
0x111: {  	v61 =	vld [tilespmem:$0x18010];
	[tilespmem:$0x184A0] =	vst v0  }
0x112: {  	v0 =	vld [tilespmem:$0x18030];
	[tilespmem:$0x184B0] =	vst v1  }
0x113: {  	v1 =	vld [tilespmem:$0x18200];
	[tilespmem:$0x18420] =	vst v2  }
0x114: {  	[tilespmem:$0x18490] =	vst v3  }
0x115: {  	[tilespmem:$0x18400] =	vst v60  }
0x116: {  	[tilespmem:$0x18410] =	vst v61  }
0x117: {  	[tilespmem:$0x18430] =	vst v0  }
0x118: {  	[tilespmem:$0x18480] =	vst v1  }
0x119: {  	[spmem:s3] =	stream.indirect.scatter.add.f32 @p0 [tilespmem:s14], [sflag:$0x2], $0x80, s13, s11, $0xb8;
	[tilespmem:$0x1C500] =	vst v63  }
0x11a: {  	_ = 	snop  }
0x11b: {  	[tilespmem:s28], [sflag:$0x1] =	stream.indirect.gather @!p0 [hbm4b:s7+s1], $0x80, s26, s1, $0xb8;
	[tilespmem:$0x1C500] =	vst v63  }
0x11c: {  	_ =	swait.ge @!p0 [sflag:s9], $0x2000  }
0x11d: {  	[sflag:s9] =	ssyncset.done @!p0 $0x0  }
0x11e: {  	[sflag:s9] =	ssyncadd.s32 @!p0 $0xFFFFE000  }
0x11f: {  	[spmem:s3] =	stream.indirect.scatter.add.f32 @!p0 [tilespmem:s28], [sflag:$0x3], $0x80, s10, s1, $0xb8;
	[tilespmem:$0x1C500] =	vst v63  }
0x120: {  	_ =	swait.ge [sflag:s29], $0x2000  }
0x121: {  	[sflag:s29] =	ssyncset.done $0x0  }
0x122: {  	[sflag:s29] =	ssyncadd.s32 $0xFFFFE000  }
0x123: {  	v0 =	vld [tilespmem:$0x182B0]  }
0x124: {  	v1 =	vld [tilespmem:$0x180B0]  }
0x125: {  	v2 =	vld [tilespmem:$0x18290]  }
0x126: {  	v3 =	vld [tilespmem:$0x182A0]  }
0x127: {  	v62 =	vld [tilespmem:$0x180A0]  }
0x128: {  	v63 =	vld [tilespmem:$0x18280];
	[tilespmem:$0x184B0] =	vst v0  }
0x129: {  	v0 =	vld [tilespmem:$0x18090];
	[tilespmem:$0x18430] =	vst v1  }
0x12a: {  	v1 =	vld [tilespmem:$0x18080];
	[tilespmem:$0x18490] =	vst v2  }
0x12b: {  	[tilespmem:$0x184A0] =	vst v3  }
0x12c: {  	[tilespmem:$0x18420] =	vst v62  }
0x12d: {  	[tilespmem:$0x18480] =	vst v63  }
0x12e: {  	[tilespmem:$0x18410] =	vst v0  }
0x12f: {  	[tilespmem:$0x18400] =	vst v1  }
0x130: {  	[tilespmem:s0], [sflag:$0x1] =	stream.indirect.gather @p1 [hbm4b:s7+s31], $0x80, s6, s31, $0xb8;
	[tilespmem:$0x1C500] =	vst v63  }
0x131: {  	_ =	swait.ge @p1 [sflag:s30], $0x2000  }
0x132: {  	[sflag:s30] =	ssyncset.done @p1 $0x0  }
0x133: {  	[sflag:s30] =	ssyncadd.s32 @p1 $0xFFFFE000  }
0x134: {  	[spmem:s3] =	stream.indirect.scatter.add.f32 @p1 [tilespmem:s0], [sflag:$0x3], $0x80, s12, s31, $0xb8;
	[tilespmem:$0x1C500] =	vst v63  }
0x135: {  	_ = 	snop  }
0x136: {  	[spmem:s3] =	stream.indirect.scatter.add.f32 @!p1 [tilespmem:s22], [sflag:$0x2], $0x80, s16, s15, $0xb8;
	[tilespmem:$0x1C500] =	vst v63  }
0x137: {  	_ =	swait.ge [sflag:s8], $0x2000  }
0x138: {  	[sflag:s8] =	ssyncset.done $0x0  }
0x139: {  	[sflag:s8] =	ssyncadd.s32 $0xFFFFE000  }
0x13a: {  	v2 =	vld [tilespmem:$0x18130]  }
0x13b: {  	v1 =	vld [tilespmem:$0x18320]  }
0x13c: {  	s25 =	simm.s32 $0x40;
	v0 =	vld [tilespmem:$0x18330]  }
.LBB2_4:
0x13d: {  	v3 =	vld [tilespmem:$0x18300];
	s17 =	smov.u32 s25;
	s25 =	sadd.s32 $0x40, s25  }
0x13e: {  	p2 =	sne.s32 s25, $0xC0;
	v4 =	vld [tilespmem:$0x18110]  }
0x13f: {  	v5 =	vld [tilespmem:$0x18310];
	[tilespmem:$0x18430] =	vst v2  }
0x140: {  	v2 =	vld [tilespmem:$0x18120];
	[tilespmem:$0x184A0] =	vst v1  }
0x141: {  	v1 =	vld [tilespmem:$0x18100];
	[tilespmem:$0x184B0] =	vst v0  }
0x142: {  	[tilespmem:$0x18480] =	vst v3  }
0x143: {  	[tilespmem:$0x18410] =	vst v4  }
0x144: {  	[tilespmem:$0x18490] =	vst v5  }
0x145: {  	[tilespmem:$0x18420] =	vst v2  }
0x146: {  	[tilespmem:$0x18400] =	vst v1  }
0x147: {  	[tilespmem:s0], [sflag:$0x1] =	stream.indirect.gather @p1 [hbm4b:s7+s31], $0x80, s6, s31, $0xb8;
	[tilespmem:$0x1C500] =	vst v63  }
0x148: {  	_ =	swait.ge @p1 [sflag:s30], $0x2000  }
0x149: {  	[sflag:s30] =	ssyncset.done @p1 $0x0  }
0x14a: {  	[sflag:s30] =	ssyncadd.s32 @p1 $0xFFFFE000  }
0x14b: {  	[spmem:s3] =	stream.indirect.scatter.add.f32 @p1 [tilespmem:s0], [sflag:$0x3], $0x80, s12, s31, $0xb8;
	[tilespmem:$0x1C500] =	vst v63  }
0x14c: {  	_ = 	snop  }
0x14d: {  	[spmem:s3] =	stream.indirect.scatter.add.f32 @!p1 [tilespmem:s22], [sflag:$0x2], $0x80, s16, s15, $0xb8;
	[tilespmem:$0x1C500] =	vst v63  }
0x14e: {  	_ =	swait.ge [sflag:s8], $0x2000  }
0x14f: {  	[sflag:s8] =	ssyncset.done $0x0  }
0x150: {  	[sflag:s8] =	ssyncadd.s32 $0xFFFFE000  }
0x151: {  	v0 =	vld [tilespmem:$0x18180]  }
0x152: {  	v1 =	vld [tilespmem:$0x18380]  }
0x153: {  	v2 =	vld [tilespmem:$0x18190]  }
0x154: {  	v3 =	vld [tilespmem:$0x18390]  }
0x155: {  	v4 =	vld [tilespmem:$0x183B0]  }
0x156: {  	[tilespmem:$0x18400] =	vst v0;
	v0 =	vld [tilespmem:$0x181B0]  }
0x157: {  	[tilespmem:$0x18480] =	vst v1;
	v1 =	vld [tilespmem:$0x183A0]  }
0x158: {  	[tilespmem:$0x18410] =	vst v2;
	v2 =	vld [tilespmem:$0x181A0]  }
0x159: {  	[tilespmem:$0x18490] =	vst v3  }
0x15a: {  	[tilespmem:$0x184B0] =	vst v4  }
0x15b: {  	[tilespmem:$0x18430] =	vst v0  }
0x15c: {  	[tilespmem:$0x184A0] =	vst v1  }
0x15d: {  	[tilespmem:$0x18420] =	vst v2  }
0x15e: {  	[tilespmem:s0], [sflag:$0x1] =	stream.indirect.gather @p1 [hbm4b:s7+s31], $0x80, s6, s31, $0xb8;
	[tilespmem:$0x1C500] =	vst v63  }
0x15f: {  	_ =	swait.ge @p1 [sflag:s30], $0x2000  }
0x160: {  	[sflag:s30] =	ssyncset.done @p1 $0x0  }
0x161: {  	[sflag:s30] =	ssyncadd.s32 @p1 $0xFFFFE000  }
0x162: {  	[spmem:s3] =	stream.indirect.scatter.add.f32 @p1 [tilespmem:s0], [sflag:$0x3], $0x80, s12, s31, $0xb8;
	[tilespmem:$0x1C500] =	vst v63  }
0x163: {  	_ = 	snop  }
0x164: {  	[spmem:s3] =	stream.indirect.scatter.add.f32 @!p1 [tilespmem:s22], [sflag:$0x2], $0x80, s16, s15, $0xb8;
	[tilespmem:$0x1C500] =	vst v63  }
0x165: {  	_ =	swait.ge [sflag:s8], $0x2000  }
0x166: {  	[sflag:s8] =	ssyncset.done $0x0  }
0x167: {  	s18 =	sadd.s32 s17, s19;
	[sflag:s8] =	ssyncadd.s32 $0xFFFFE000  }
0x168: {  	[tilespmem:s23], [sflag:$0x2] =	stream.linear.gather [hbm4b:s18+s5], $0x200, $0x38;
	[tilespmem:$0x1C500] =	vst v63  }
0x169: {  	_ =	swait.ge [sflag:s21], $0x200  }
0x16a: {  	[sflag:s21] =	ssyncset.done $0x0  }
0x16b: {  	s17 =	sadd.s32 s17, s20;
	[sflag:s21] =	ssyncadd.s32 $0xFFFFFE00  }
0x16c: {  	[tilespmem:s24], [sflag:$0x2] =	stream.linear.gather [hbm4b:s17+s5], $0x200, $0x38;
	[tilespmem:$0x1C500] =	vst v63  }
0x16d: {  	_ =	swait.ge [sflag:s21], $0x200  }
0x16e: {  	[sflag:s21] =	ssyncset.done $0x0  }
0x16f: {  	[sflag:s21] =	ssyncadd.s32 $0xFFFFFE00  }
0x170: {  	v0 =	vld [tilespmem:$0x18220]  }
0x171: {  	v1 =	vld [tilespmem:$0x18230]  }
0x172: {  	v2 =	vld [tilespmem:$0x18020]  }
0x173: {  	v3 =	vld [tilespmem:$0x18210]  }
0x174: {  	v4 =	vld [tilespmem:$0x18000]  }
0x175: {  	[tilespmem:$0x184A0] =	vst v0;
	v0 =	vld [tilespmem:$0x18030]  }
0x176: {  	v5 =	vld [tilespmem:$0x18010];
	[tilespmem:$0x184B0] =	vst v1  }
0x177: {  	v1 =	vld [tilespmem:$0x18200];
	[tilespmem:$0x18420] =	vst v2  }
0x178: {  	[tilespmem:$0x18490] =	vst v3  }
0x179: {  	[tilespmem:$0x18400] =	vst v4  }
0x17a: {  	[tilespmem:$0x18430] =	vst v0  }
0x17b: {  	[tilespmem:$0x18410] =	vst v5  }
0x17c: {  	[tilespmem:$0x18480] =	vst v1  }
0x17d: {  	[spmem:s3] =	stream.indirect.scatter.add.f32 @p0 [tilespmem:s14], [sflag:$0x2], $0x80, s13, s11, $0xb8;
	[tilespmem:$0x1C500] =	vst v63  }
0x17e: {  	_ = 	snop  }
0x17f: {  	[tilespmem:s28], [sflag:$0x1] =	stream.indirect.gather @!p0 [hbm4b:s7+s1], $0x80, s26, s1, $0xb8;
	[tilespmem:$0x1C500] =	vst v63  }
0x180: {  	_ =	swait.ge @!p0 [sflag:s9], $0x2000  }
0x181: {  	[sflag:s9] =	ssyncset.done @!p0 $0x0  }
0x182: {  	[sflag:s9] =	ssyncadd.s32 @!p0 $0xFFFFE000  }
0x183: {  	[spmem:s3] =	stream.indirect.scatter.add.f32 @!p0 [tilespmem:s28], [sflag:$0x3], $0x80, s10, s1, $0xb8;
	[tilespmem:$0x1C500] =	vst v63  }
0x184: {  	_ =	swait.ge [sflag:s29], $0x2000  }
0x185: {  	[sflag:s29] =	ssyncset.done $0x0  }
0x186: {  	[sflag:s29] =	ssyncadd.s32 $0xFFFFE000  }
0x187: {  	v0 =	vld [tilespmem:$0x182B0]  }
0x188: {  	v1 =	vld [tilespmem:$0x180B0]  }
0x189: {  	v2 =	vld [tilespmem:$0x18290]  }
0x18a: {  	v3 =	vld [tilespmem:$0x182A0]  }
0x18b: {  	v4 =	vld [tilespmem:$0x180A0]  }
0x18c: {  	v5 =	vld [tilespmem:$0x18280];
	[tilespmem:$0x184B0] =	vst v0  }
0x18d: {  	v0 =	vld [tilespmem:$0x18090];
	[tilespmem:$0x18430] =	vst v1  }
0x18e: {  	v1 =	vld [tilespmem:$0x18080];
	[tilespmem:$0x18490] =	vst v2  }
0x18f: {  	[tilespmem:$0x184A0] =	vst v3  }
0x190: {  	[tilespmem:$0x18420] =	vst v4  }
0x191: {  	[tilespmem:$0x18480] =	vst v5  }
0x192: {  	[tilespmem:$0x18410] =	vst v0  }
0x193: {  	[tilespmem:$0x18400] =	vst v1  }
0x194: {  	[tilespmem:s0], [sflag:$0x1] =	stream.indirect.gather @p1 [hbm4b:s7+s31], $0x80, s6, s31, $0xb8;
	[tilespmem:$0x1C500] =	vst v63  }
0x195: {  	_ =	swait.ge @p1 [sflag:s30], $0x2000  }
0x196: {  	[sflag:s30] =	ssyncset.done @p1 $0x0  }
0x197: {  	[sflag:s30] =	ssyncadd.s32 @p1 $0xFFFFE000  }
0x198: {  	[spmem:s3] =	stream.indirect.scatter.add.f32 @p1 [tilespmem:s0], [sflag:$0x3], $0x80, s12, s31, $0xb8;
	[tilespmem:$0x1C500] =	vst v63  }
0x199: {  	_ = 	snop  }
0x19a: {  	[spmem:s3] =	stream.indirect.scatter.add.f32 @!p1 [tilespmem:s22], [sflag:$0x2], $0x80, s16, s15, $0xb8;
	[tilespmem:$0x1C500] =	vst v63  }
0x19b: {  	_ =	swait.ge [sflag:s8], $0x2000  }
.Ltmp1:
0x19c: {  	[sflag:s8] =	ssyncset.done $0x0;
	(pc) =	sbr.rel @p2 .LBB2_4-.Ltmp1, $4  }
0x19d: {  	[sflag:s8] =	ssyncadd.s32 $0xFFFFE000  }
0x19e: {  	v2 =	vld [tilespmem:$0x18130]  }
0x19f: {  	v1 =	vld [tilespmem:$0x18320]  }
0x1a0: {  	v0 =	vld [tilespmem:$0x18330]  }
0x1a1: {  	v3 =	vld [tilespmem:$0x18300]  }
0x1a2: {  	v4 =	vld [tilespmem:$0x18110]  }
0x1a3: {  	v5 =	vld [tilespmem:$0x18310];
	[tilespmem:$0x18430] =	vst v2  }
0x1a4: {  	v2 =	vld [tilespmem:$0x18120];
	[tilespmem:$0x184A0] =	vst v1  }
0x1a5: {  	v1 =	vld [tilespmem:$0x18100];
	[tilespmem:$0x184B0] =	vst v0  }
0x1a6: {  	[tilespmem:$0x18480] =	vst v3  }
0x1a7: {  	[tilespmem:$0x18410] =	vst v4  }
0x1a8: {  	[tilespmem:$0x18490] =	vst v5  }
0x1a9: {  	[tilespmem:$0x18420] =	vst v2  }
0x1aa: {  	[tilespmem:$0x18400] =	vst v1  }
0x1ab: {  	[tilespmem:s0], [sflag:$0x1] =	stream.indirect.gather @p1 [hbm4b:s7+s31], $0x80, s6, s31, $0xb8;
	[tilespmem:$0x1C500] =	vst v63  }
0x1ac: {  	_ =	swait.ge @p1 [sflag:s30], $0x2000  }
0x1ad: {  	[sflag:s30] =	ssyncset.done @p1 $0x0  }
0x1ae: {  	[sflag:s30] =	ssyncadd.s32 @p1 $0xFFFFE000  }
0x1af: {  	[spmem:s3] =	stream.indirect.scatter.add.f32 @p1 [tilespmem:s0], [sflag:$0x3], $0x80, s12, s31, $0xb8;
	[tilespmem:$0x1C500] =	vst v63  }
0x1b0: {  	_ = 	snop  }
0x1b1: {  	[spmem:s3] =	stream.indirect.scatter.add.f32 @!p1 [tilespmem:s22], [sflag:$0x2], $0x80, s16, s15, $0xb8;
	[tilespmem:$0x1C500] =	vst v63  }
0x1b2: {  	_ =	swait.ge [sflag:s8], $0x2000  }
0x1b3: {  	[sflag:s8] =	ssyncset.done $0x0  }
0x1b4: {  	[sflag:s8] =	ssyncadd.s32 $0xFFFFE000  }
0x1b5: {  	v0 =	vld [tilespmem:$0x18180]  }
0x1b6: {  	v1 =	vld [tilespmem:$0x18380]  }
0x1b7: {  	v2 =	vld [tilespmem:$0x18190]  }
0x1b8: {  	v3 =	vld [tilespmem:$0x18390]  }
0x1b9: {  	v59 =	vld [tilespmem:$0x183B0]  }
0x1ba: {  	[tilespmem:$0x18400] =	vst v0;
	v0 =	vld [tilespmem:$0x181B0]  }
0x1bb: {  	[tilespmem:$0x18480] =	vst v1;
	v1 =	vld [tilespmem:$0x183A0]  }
0x1bc: {  	[tilespmem:$0x18410] =	vst v2;
	v2 =	vld [tilespmem:$0x181A0]  }
0x1bd: {  	[tilespmem:$0x18490] =	vst v3  }
0x1be: {  	[tilespmem:$0x184B0] =	vst v59  }
0x1bf: {  	[tilespmem:$0x18430] =	vst v0  }
0x1c0: {  	[tilespmem:$0x184A0] =	vst v1  }
0x1c1: {  	[tilespmem:$0x18420] =	vst v2  }
0x1c2: {  	[tilespmem:s0], [sflag:$0x1] =	stream.indirect.gather @p1 [hbm4b:s7+s31], $0x80, s6, s31, $0xb8;
	[tilespmem:$0x1C500] =	vst v63  }
0x1c3: {  	_ =	swait.ge @p1 [sflag:s30], $0x2000  }
0x1c4: {  	[sflag:s30] =	ssyncset.done @p1 $0x0  }
0x1c5: {  	[sflag:s30] =	ssyncadd.s32 @p1 $0xFFFFE000  }
0x1c6: {  	[spmem:s3] =	stream.indirect.scatter.add.f32 @p1 [tilespmem:s0], [sflag:$0x3], $0x80, s12, s31, $0xb8;
	[tilespmem:$0x1C500] =	vst v63  }
0x1c7: {  	_ = 	snop  }
0x1c8: {  	[spmem:s3] =	stream.indirect.scatter.add.f32 @!p1 [tilespmem:s22], [sflag:$0x2], $0x80, s16, s15, $0xb8;
	[tilespmem:$0x1C500] =	vst v63  }
0x1c9: {  	_ =	swait.ge [sflag:s8], $0x2000  }
0x1ca: {  	[sflag:s8] =	ssyncset.done $0x0;
	s20 =	rddreg [dreg:$0x17]  }
0x1cb: {  	[sflag:s8] =	ssyncadd.s32 $0xFFFFE000;
	s25 =	sadd.s32 $0x0, s20  }
0x1cc: {  	[tilespmem:s23], [sflag:$0x2] =	stream.linear.gather [hbm4b:s25+s5], $0x200, $0x38;
	[tilespmem:$0x1C500] =	vst v63  }
0x1cd: {  	_ =	swait.ge [sflag:s21], $0x200  }
0x1ce: {  	[sflag:s21] =	ssyncset.done $0x0;
	s26 =	rddreg [dreg:$0xb]  }
0x1cf: {  	s0 =	sadd.s32 $0x0, s26;
	[sflag:s21] =	ssyncadd.s32 $0xFFFFFE00  }
0x1d0: {  	[tilespmem:s24], [sflag:$0x2] =	stream.linear.gather [hbm4b:s0+s5], $0x200, $0x38;
	[tilespmem:$0x1C500] =	vst v63  }
0x1d1: {  	_ =	swait.ge [sflag:s21], $0x200  }
0x1d2: {  	[sflag:s21] =	ssyncset.done $0x0  }
0x1d3: {  	[sflag:s21] =	ssyncadd.s32 $0xFFFFFE00  }
0x1d4: {  	v0 =	vld [tilespmem:$0x18030]  }
0x1d5: {  	v1 =	vld [tilespmem:$0x18220]  }
0x1d6: {  	v2 =	vld [tilespmem:$0x18210]  }
0x1d7: {  	v3 =	vld [tilespmem:$0x18000]  }
0x1d8: {  	v60 =	vld [tilespmem:$0x18020]  }
0x1d9: {  	v61 =	vld [tilespmem:$0x18010];
	[tilespmem:$0x18430] =	vst v0  }
0x1da: {  	v0 =	vld [tilespmem:$0x18200];
	[tilespmem:$0x184A0] =	vst v1  }
0x1db: {  	[tilespmem:$0x18490] =	vst v2;
	v1 =	vld [tilespmem:$0x18230]  }
0x1dc: {  	[tilespmem:$0x18400] =	vst v3  }
0x1dd: {  	[tilespmem:$0x18420] =	vst v60  }
0x1de: {  	[tilespmem:$0x18410] =	vst v61  }
0x1df: {  	s11 =	simm.s32 @!p0 $0x1;
	[tilespmem:$0x18480] =	vst v0  }
0x1e0: {  	s14 =	simm.s32 @p0 $0x18480;
	s12 =	simm.s32 @p0 $0x40;
	s15 =	simm.s32 @p0 $0x1A500;
	[tilespmem:$0x184B0] =	vst v1  }
0x1e1: {  	[spmem:s4] =	stream.indirect.scatter.add.f32 @p0 [tilespmem:s15], [sflag:$0x2], $0x80, s14, s12, $0xb8;
	[tilespmem:$0x1C500] =	vst v63  }
0x1e2: {  	s28 =	simm.s32 @!p0 $0x18400;
	s29 =	simm.s32 @!p0 $0x18500;
	s26 =	simm.s32 @!p0 $0x40  }
0x1e3: {  	[tilespmem:s29], [sflag:$0x1] =	stream.indirect.gather @!p0 [hbm4b:s7+s26], $0x80, s28, s26, $0xb8;
	[tilespmem:$0x1C500] =	vst v63  }
0x1e4: {  	_ =	swait.ge @!p0 [sflag:s11], $0x2000  }
0x1e5: {  	s30 =	simm.s32 @!p0 $0x3;
	[sflag:s11] =	ssyncset.done @!p0 $0x0  }
0x1e6: {  	s31 =	simm.s32 @!p0 $0x18480;
	s30 =	simm.s32 @p0 $0x2;
	[sflag:s11] =	ssyncadd.s32 @!p0 $0xFFFFE000  }
0x1e7: {  	[spmem:s4] =	stream.indirect.scatter.add.f32 @!p0 [tilespmem:s29], [sflag:$0x3], $0x80, s31, s26, $0xb8;
	[tilespmem:$0x1C500] =	vst v63  }
0x1e8: {  	_ =	swait.ge [sflag:s30], $0x2000  }
0x1e9: {  	[sflag:s30] =	ssyncset.done $0x0  }
0x1ea: {  	[sflag:s30] =	ssyncadd.s32 $0xFFFFE000  }
0x1eb: {  	v0 =	vld [tilespmem:$0x180B0]  }
0x1ec: {  	v1 =	vld [tilespmem:$0x18280]  }
0x1ed: {  	v2 =	vld [tilespmem:$0x182B0]  }
0x1ee: {  	v3 =	vld [tilespmem:$0x18290]  }
0x1ef: {  	v62 =	vld [tilespmem:$0x180A0]  }
0x1f0: {  	v63 =	vld [tilespmem:$0x182A0];
	[tilespmem:$0x18430] =	vst v0  }
0x1f1: {  	v0 =	vld [tilespmem:$0x18080];
	[tilespmem:$0x18480] =	vst v1  }
0x1f2: {  	v1 =	vld [tilespmem:$0x18090];
	[tilespmem:$0x184B0] =	vst v2  }
0x1f3: {  	[tilespmem:$0x18490] =	vst v3  }
0x1f4: {  	[tilespmem:$0x18420] =	vst v62  }
0x1f5: {  	[tilespmem:$0x184A0] =	vst v63  }
0x1f6: {  	s1 =	simm.s32 @p1 $0x40;
	[tilespmem:$0x18400] =	vst v0  }
0x1f7: {  	s6 =	simm.s32 @p1 $0x18500;
	s8 =	simm.s32 @p1 $0x18400;
	s0 =	simm.s32 @p1 $0x1;
	[tilespmem:$0x18410] =	vst v1  }
0x1f8: {  	[tilespmem:s6], [sflag:$0x1] =	stream.indirect.gather @p1 [hbm4b:s7+s1], $0x80, s8, s1, $0xb8;
	[tilespmem:$0x1C500] =	vst v63  }
0x1f9: {  	_ =	swait.ge @p1 [sflag:s0], $0x2000  }
0x1fa: {  	s9 =	simm.s32 @!p1 $0x1A500;
	[sflag:s0] =	ssyncset.done @p1 $0x0  }
0x1fb: {  	s13 =	simm.s32 @p1 $0x18480;
	s10 =	simm.s32 @!p1 $0x2;
	[sflag:s0] =	ssyncadd.s32 @p1 $0xFFFFE000  }
0x1fc: {  	[spmem:s4] =	stream.indirect.scatter.add.f32 @p1 [tilespmem:s6], [sflag:$0x3], $0x80, s13, s1, $0xb8;
	[tilespmem:$0x1C500] =	vst v63  }
0x1fd: {  	s10 =	simm.s32 @p1 $0x3;
	s16 =	simm.s32 @!p1 $0x40;
	s22 =	simm.s32 @!p1 $0x18480  }
0x1fe: {  	[spmem:s4] =	stream.indirect.scatter.add.f32 @!p1 [tilespmem:s9], [sflag:$0x2], $0x80, s22, s16, $0xb8;
	[tilespmem:$0x1C500] =	vst v63  }
0x1ff: {  	_ =	swait.ge [sflag:s10], $0x2000  }
0x200: {  	[sflag:s10] =	ssyncset.done $0x0  }
0x201: {  	[sflag:s10] =	ssyncadd.s32 $0xFFFFE000  }
0x202: {  	v2 =	vld [tilespmem:$0x18130]  }
0x203: {  	v1 =	vld [tilespmem:$0x18300]  }
0x204: {  	s25 =	simm.s32 $0x40;
	v0 =	vld [tilespmem:$0x18110]  }
.LBB2_6:
0x205: {  	v3 =	vld [tilespmem:$0x18120]  }
0x206: {  	v4 =	vld [tilespmem:$0x18320]  }
0x207: {  	v5 =	vld [tilespmem:$0x18100];
	[tilespmem:$0x18430] =	vst v2  }
0x208: {  	v2 =	vld [tilespmem:$0x18330];
	[tilespmem:$0x18480] =	vst v1  }
0x209: {  	v1 =	vld [tilespmem:$0x18310];
	[tilespmem:$0x18410] =	vst v0  }
0x20a: {  	[tilespmem:$0x18420] =	vst v3  }
0x20b: {  	[tilespmem:$0x184A0] =	vst v4  }
0x20c: {  	[tilespmem:$0x18400] =	vst v5  }
0x20d: {  	[tilespmem:$0x184B0] =	vst v2  }
0x20e: {  	[tilespmem:$0x18490] =	vst v1  }
0x20f: {  	[tilespmem:s6], [sflag:$0x1] =	stream.indirect.gather @p1 [hbm4b:s7+s1], $0x80, s8, s1, $0xb8;
	[tilespmem:$0x1C500] =	vst v63  }
0x210: {  	_ =	swait.ge @p1 [sflag:s0], $0x2000  }
0x211: {  	[sflag:s0] =	ssyncset.done @p1 $0x0  }
0x212: {  	[sflag:s0] =	ssyncadd.s32 @p1 $0xFFFFE000  }
0x213: {  	[spmem:s4] =	stream.indirect.scatter.add.f32 @p1 [tilespmem:s6], [sflag:$0x3], $0x80, s13, s1, $0xb8;
	[tilespmem:$0x1C500] =	vst v63  }
0x214: {  	_ = 	snop  }
0x215: {  	[spmem:s4] =	stream.indirect.scatter.add.f32 @!p1 [tilespmem:s9], [sflag:$0x2], $0x80, s22, s16, $0xb8;
	[tilespmem:$0x1C500] =	vst v63  }
0x216: {  	_ =	swait.ge [sflag:s10], $0x2000  }
0x217: {  	[sflag:s10] =	ssyncset.done $0x0  }
0x218: {  	[sflag:s10] =	ssyncadd.s32 $0xFFFFE000  }
0x219: {  	v0 =	vld [tilespmem:$0x18180]  }
0x21a: {  	v1 =	vld [tilespmem:$0x18380]  }
0x21b: {  	v2 =	vld [tilespmem:$0x18190]  }
0x21c: {  	v3 =	vld [tilespmem:$0x18390]  }
0x21d: {  	v59 =	vld [tilespmem:$0x183A0]  }
0x21e: {  	[tilespmem:$0x18400] =	vst v0;
	v0 =	vld [tilespmem:$0x181A0]  }
0x21f: {  	[tilespmem:$0x18480] =	vst v1;
	v1 =	vld [tilespmem:$0x183B0]  }
0x220: {  	[tilespmem:$0x18410] =	vst v2;
	v2 =	vld [tilespmem:$0x181B0]  }
0x221: {  	[tilespmem:$0x18490] =	vst v3  }
0x222: {  	[tilespmem:$0x184A0] =	vst v59  }
0x223: {  	[tilespmem:$0x18420] =	vst v0  }
0x224: {  	[tilespmem:$0x184B0] =	vst v1  }
0x225: {  	[tilespmem:$0x18430] =	vst v2  }
0x226: {  	[tilespmem:s6], [sflag:$0x1] =	stream.indirect.gather @p1 [hbm4b:s7+s1], $0x80, s8, s1, $0xb8;
	[tilespmem:$0x1C500] =	vst v63  }
0x227: {  	_ =	swait.ge @p1 [sflag:s0], $0x2000  }
0x228: {  	[sflag:s0] =	ssyncset.done @p1 $0x0  }
0x229: {  	[sflag:s0] =	ssyncadd.s32 @p1 $0xFFFFE000  }
0x22a: {  	[spmem:s4] =	stream.indirect.scatter.add.f32 @p1 [tilespmem:s6], [sflag:$0x3], $0x80, s13, s1, $0xb8;
	[tilespmem:$0x1C500] =	vst v63  }
0x22b: {  	_ = 	snop  }
0x22c: {  	[spmem:s4] =	stream.indirect.scatter.add.f32 @!p1 [tilespmem:s9], [sflag:$0x2], $0x80, s22, s16, $0xb8;
	[tilespmem:$0x1C500] =	vst v63  }
0x22d: {  	_ =	swait.ge [sflag:s10], $0x2000  }
0x22e: {  	s17 =	smov.u32 s25;
	[sflag:s10] =	ssyncset.done $0x0  }
0x22f: {  	s18 =	sadd.s32 s17, s20;
	[sflag:s10] =	ssyncadd.s32 $0xFFFFE000  }
0x230: {  	[tilespmem:s23], [sflag:$0x2] =	stream.linear.gather [hbm4b:s18+s5], $0x200, $0x38;
	[tilespmem:$0x1C500] =	vst v63  }
0x231: {  	s19 =	rddreg [dreg:$0xb];
	_ =	swait.ge [sflag:s21], $0x200  }
0x232: {  	[sflag:s21] =	ssyncset.done $0x0  }
0x233: {  	s17 =	sadd.s32 s17, s19;
	[sflag:s21] =	ssyncadd.s32 $0xFFFFFE00  }
0x234: {  	[tilespmem:s24], [sflag:$0x2] =	stream.linear.gather [hbm4b:s17+s5], $0x200, $0x38;
	[tilespmem:$0x1C500] =	vst v63  }
0x235: {  	_ =	swait.ge [sflag:s21], $0x200  }
0x236: {  	[sflag:s21] =	ssyncset.done $0x0  }
0x237: {  	[sflag:s21] =	ssyncadd.s32 $0xFFFFFE00  }
0x238: {  	v0 =	vld [tilespmem:$0x18030]  }
0x239: {  	v1 =	vld [tilespmem:$0x18220]  }
0x23a: {  	v2 =	vld [tilespmem:$0x18210]  }
0x23b: {  	v3 =	vld [tilespmem:$0x18000]  }
0x23c: {  	v60 =	vld [tilespmem:$0x18020]  }
0x23d: {  	v61 =	vld [tilespmem:$0x18010];
	[tilespmem:$0x18430] =	vst v0  }
0x23e: {  	v0 =	vld [tilespmem:$0x18200];
	[tilespmem:$0x184A0] =	vst v1  }
0x23f: {  	[tilespmem:$0x18490] =	vst v2;
	v1 =	vld [tilespmem:$0x18230]  }
0x240: {  	[tilespmem:$0x18400] =	vst v3  }
0x241: {  	[tilespmem:$0x18420] =	vst v60  }
0x242: {  	[tilespmem:$0x18410] =	vst v61  }
0x243: {  	[tilespmem:$0x18480] =	vst v0  }
0x244: {  	[tilespmem:$0x184B0] =	vst v1  }
0x245: {  	[spmem:s4] =	stream.indirect.scatter.add.f32 @p0 [tilespmem:s15], [sflag:$0x2], $0x80, s14, s12, $0xb8;
	[tilespmem:$0x1C500] =	vst v63  }
0x246: {  	_ = 	snop  }
0x247: {  	[tilespmem:s29], [sflag:$0x1] =	stream.indirect.gather @!p0 [hbm4b:s7+s26], $0x80, s28, s26, $0xb8;
	[tilespmem:$0x1C500] =	vst v63  }
0x248: {  	_ =	swait.ge @!p0 [sflag:s11], $0x2000  }
0x249: {  	[sflag:s11] =	ssyncset.done @!p0 $0x0  }
0x24a: {  	[sflag:s11] =	ssyncadd.s32 @!p0 $0xFFFFE000  }
0x24b: {  	[spmem:s4] =	stream.indirect.scatter.add.f32 @!p0 [tilespmem:s29], [sflag:$0x3], $0x80, s31, s26, $0xb8;
	[tilespmem:$0x1C500] =	vst v63  }
0x24c: {  	_ =	swait.ge [sflag:s30], $0x2000  }
0x24d: {  	[sflag:s30] =	ssyncset.done $0x0  }
0x24e: {  	[sflag:s30] =	ssyncadd.s32 $0xFFFFE000  }
0x24f: {  	v0 =	vld [tilespmem:$0x180B0]  }
0x250: {  	v1 =	vld [tilespmem:$0x18280]  }
0x251: {  	v2 =	vld [tilespmem:$0x182B0]  }
0x252: {  	v3 =	vld [tilespmem:$0x18290]  }
0x253: {  	v62 =	vld [tilespmem:$0x180A0]  }
0x254: {  	v63 =	vld [tilespmem:$0x182A0];
	[tilespmem:$0x18430] =	vst v0  }
0x255: {  	v0 =	vld [tilespmem:$0x18080];
	[tilespmem:$0x18480] =	vst v1  }
0x256: {  	v1 =	vld [tilespmem:$0x18090];
	[tilespmem:$0x184B0] =	vst v2  }
0x257: {  	[tilespmem:$0x18490] =	vst v3  }
0x258: {  	[tilespmem:$0x18420] =	vst v62  }
0x259: {  	[tilespmem:$0x184A0] =	vst v63  }
0x25a: {  	[tilespmem:$0x18400] =	vst v0  }
0x25b: {  	[tilespmem:$0x18410] =	vst v1  }
0x25c: {  	[tilespmem:s6], [sflag:$0x1] =	stream.indirect.gather @p1 [hbm4b:s7+s1], $0x80, s8, s1, $0xb8;
	[tilespmem:$0x1C500] =	vst v63  }
0x25d: {  	_ =	swait.ge @p1 [sflag:s0], $0x2000  }
0x25e: {  	[sflag:s0] =	ssyncset.done @p1 $0x0  }
0x25f: {  	[sflag:s0] =	ssyncadd.s32 @p1 $0xFFFFE000  }
0x260: {  	[spmem:s4] =	stream.indirect.scatter.add.f32 @p1 [tilespmem:s6], [sflag:$0x3], $0x80, s13, s1, $0xb8;
	[tilespmem:$0x1C500] =	vst v63  }
0x261: {  	s25 =	sadd.s32 $0x40, s25  }
0x262: {  	[spmem:s4] =	stream.indirect.scatter.add.f32 @!p1 [tilespmem:s9], [sflag:$0x2], $0x80, s22, s16, $0xb8;
	[tilespmem:$0x1C500] =	vst v63  }
0x263: {  	p2 =	sne.s32 s25, $0xC0;
	_ =	swait.ge [sflag:s10], $0x2000  }
.Ltmp2:
0x264: {  	[sflag:s10] =	ssyncset.done $0x0;
	(pc) =	sbr.rel @p2 .LBB2_6-.Ltmp2, $4  }
0x265: {  	[sflag:s10] =	ssyncadd.s32 $0xFFFFE000  }
0x266: {  	v2 =	vld [tilespmem:$0x18130]  }
0x267: {  	v1 =	vld [tilespmem:$0x18300]  }
0x268: {  	v0 =	vld [tilespmem:$0x18110]  }
0x269: {  	v3 =	vld [tilespmem:$0x18120]  }
0x26a: {  	v4 =	vld [tilespmem:$0x18320]  }
0x26b: {  	v54 =	vld [tilespmem:$0x18330];
	[tilespmem:$0x18430] =	vst v2  }
0x26c: {  	v55 =	vld [tilespmem:$0x18310];
	[tilespmem:$0x18480] =	vst v1  }
0x26d: {  	v5 =	vld [tilespmem:$0x18100];
	[tilespmem:$0x18410] =	vst v0  }
0x26e: {  	[tilespmem:$0x18420] =	vst v3  }
0x26f: {  	[tilespmem:$0x184A0] =	vst v4  }
0x270: {  	[tilespmem:$0x184B0] =	vst v54  }
0x271: {  	[tilespmem:$0x18490] =	vst v55  }
0x272: {  	[tilespmem:$0x18400] =	vst v5  }
0x273: {  	[tilespmem:s6], [sflag:$0x1] =	stream.indirect.gather @p1 [hbm4b:s7+s1], $0x80, s8, s1, $0xb8;
	[tilespmem:$0x1C500] =	vst v63  }
0x274: {  	_ =	swait.ge @p1 [sflag:s0], $0x2000  }
0x275: {  	[sflag:s0] =	ssyncset.done @p1 $0x0  }
0x276: {  	[sflag:s0] =	ssyncadd.s32 @p1 $0xFFFFE000  }
0x277: {  	[spmem:s4] =	stream.indirect.scatter.add.f32 @p1 [tilespmem:s6], [sflag:$0x3], $0x80, s13, s1, $0xb8;
	[tilespmem:$0x1C500] =	vst v63  }
0x278: {  	_ = 	snop  }
0x279: {  	[spmem:s4] =	stream.indirect.scatter.add.f32 @!p1 [tilespmem:s9], [sflag:$0x2], $0x80, s22, s16, $0xb8;
	[tilespmem:$0x1C500] =	vst v63  }
0x27a: {  	_ =	swait.ge [sflag:s10], $0x2000  }
0x27b: {  	[sflag:s10] =	ssyncset.done $0x0  }
0x27c: {  	[sflag:s10] =	ssyncadd.s32 $0xFFFFE000  }
0x27d: {  	v56 =	vld [tilespmem:$0x18180]  }
0x27e: {  	v57 =	vld [tilespmem:$0x18380]  }
0x27f: {  	v58 =	vld [tilespmem:$0x18190]  }
0x280: {  	v59 =	vld [tilespmem:$0x18390]  }
0x281: {  	v60 =	vld [tilespmem:$0x183A0]  }
0x282: {  	v61 =	vld [tilespmem:$0x181A0];
	[tilespmem:$0x18400] =	vst v56  }
0x283: {  	v62 =	vld [tilespmem:$0x183B0];
	[tilespmem:$0x18480] =	vst v57  }
0x284: {  	v63 =	vld [tilespmem:$0x181B0];
	[tilespmem:$0x18410] =	vst v58  }
0x285: {  	[tilespmem:$0x18490] =	vst v59  }
0x286: {  	[tilespmem:$0x184A0] =	vst v60  }
0x287: {  	[tilespmem:$0x18420] =	vst v61  }
0x288: {  	[tilespmem:$0x184B0] =	vst v62  }
0x289: {  	[tilespmem:$0x18430] =	vst v63  }
0x28a: {  	[tilespmem:s6], [sflag:$0x1] =	stream.indirect.gather @p1 [hbm4b:s7+s1], $0x80, s8, s1, $0xb8;
	[tilespmem:$0x1C500] =	vst v63  }
0x28b: {  	_ =	swait.ge @p1 [sflag:s0], $0x2000  }
0x28c: {  	[sflag:s0] =	ssyncset.done @p1 $0x0  }
0x28d: {  	[sflag:s0] =	ssyncadd.s32 @p1 $0xFFFFE000  }
0x28e: {  	[spmem:s4] =	stream.indirect.scatter.add.f32 @p1 [tilespmem:s6], [sflag:$0x3], $0x80, s13, s1, $0xb8;
	[tilespmem:$0x1C500] =	vst v63  }
0x28f: {  	_ = 	snop  }
0x290: {  	[spmem:s4] =	stream.indirect.scatter.add.f32 @!p1 [tilespmem:s9], [sflag:$0x2], $0x80, s22, s16, $0xb8;
	[tilespmem:$0x1C500] =	vst v63  }
0x291: {  	_ =	swait.ge [sflag:s10], $0x2000  }
0x292: {  	[sflag:s10] =	ssyncset.done $0x0  }
0x293: {  	[sflag:s10] =	ssyncadd.s32 $0xFFFFE000  }
0x294: {  	[bflag:$0x0] =	sbarrier.arrive $0xFFFF  }
0x295: {  	s15 =	rddreg [dreg:$0xe]  }
0x296: {  	s20 =	rddreg [dreg:$0x11]  }
0x297: {  	s22 =	rddreg [dreg:$0x19]  }
0x298: {  	[hbm:s20], [sflag:s15] =	dma.local [spmem:s22], $0x2800  }
0x299: {  	_ =	swait.ge [sflag:s21], $0x2800  }
0x29a: {  	[sflag:s21] =	ssyncset.done $0x0;
	s25 =	rddreg [dreg:$0x12]  }
0x29b: {  	s26 =	rddreg [dreg:$0x1a];
	[sflag:s21] =	ssyncadd.s32 $0xFFFFD800  }
0x29c: {  	[hbm:s25], [sflag:s15] =	dma.local [spmem:s26], $0x400  }
0x29d: {  	_ =	swait.ge [sflag:s21], $0x400  }
0x29e: {  	[sflag:s21] =	ssyncset.done $0x0;
	s28 =	rddreg [dreg:$0x13]  }
0x29f: {  	s29 =	rddreg [dreg:$0x1b];
	[sflag:s21] =	ssyncadd.s32 $0xFFFFFC00  }
0x2a0: {  	[hbm:s28], [sflag:s15] =	dma.local [spmem:s29], $0x400  }
0x2a1: {  	_ =	swait.ge [sflag:s21], $0x400  }
0x2a2: {  	s30 =	rddreg [dreg:$0x18]  }
0x2a3: {  	s31 =	rddreg [dreg:$0x14];
	s1 =	sadd.s32 $0x1, s30  }
0x2a4: {  	p2 =	sne.s32 s1, s31  }
.Ltmp3:
0x2a5: {  	_ = 	snop;
	(pc) =	sbr.rel @p2 .LBB2_1-.Ltmp3, $3  }
0x2a6: {  	_ =	sdelay $0x1  }
0x2a7: {  	[sflag:s21] =	ssyncset.done $0x0  }
0x2a8: {  	[sflag:s21] =	ssyncadd.s32 $0xFFFFFC00  }
0x2a9: {  	_ =	sfence.sel $0x180000  }
0x2aa: {  	[bflag:$0x0] =	sbarrier.arrive $0xFFFF  }
0x2ab: {  	_ =	strace $0x9000004A  }
0x2ac: {  	s0 =	stileid.u32;
	[bflag:$0x2] =	sbarrier.arrive $0xFFFF  }
0x2ad: {  	p0 =	sne.s32 s0, $0x0;
	s0 =	rddreg [dreg:$0x7]  }
0x2ae: {  	s0 =	sadd.s32 @!p0 $0x100000, s0  }
0x2af: {  	[sflag:s0] =	ssyncadd.tile.s32 @!p0 $0x1;
	_ =	shalt  }
.Lfunc_end2:
_tile_overlayer_lowered:
.L_overlay_start_2:
0x2b0: {  	(tag) =	ssettag $0x2  }
0x2b1: {  	s0 =	rddreg [dreg:$0x0];
	s2 =	stileid.u32  }
0x2b2: {  	s1 =	rddreg [dreg:$0x1];
	p0 =	sne.s32 s2, $0x0  }
0x2b3: {  	s3 =	rddreg [dreg:$0x2];
	[bflag:$0x3] =	sbarrier.arrive $0xFFFF;
	s2 =	simm.s32 @!p0 $0x1C02  }
0x2b4: {  	[timem:s3], [sflag:s2] =	dma.local @!p0 [hbm:s0], s1  }
0x2b5: {  	s0 =	simm.s32 @!p0 $0x2  }
0x2b6: {  	_ =	swait.ge @!p0 [sflag:s0], s1  }
0x2b7: {  	s1 =	ssub.s32 @!p0 $0x0, s1;
	[sflag:s0] =	ssyncset.done @!p0 $0x0  }
0x2b8: {  	[sflag:s0] =	ssyncadd.s32 @!p0 s1  }
0x2b9: {  	[bflag:$0x3] =	sbarrier.arrive $0xFFFF  }
0x2ba: {  	_ =	shalt  }

</sc_bundles>
